<compile_context>
chip_gen: v7x
topology: tpu7x:2x2x1
jax: 0.10.2.dev20260603
libtpu: 0.0.44.dev20260713+nightly
codegen_flags: <defaults>
</compile_context>

<pallas_src>
import functools

import jax
import jax.numpy as jnp
from jax import lax
from jax.experimental import pallas as pl
from jax.experimental.pallas import tpu as pltpu
from jax.experimental.pallas import tpu_sc as plsc

N = 50000
E = 800000
H = 64
IN = 6
HP = 128

NC = 2
NS = 16
NW = NC * NS

G = 4
GR = 12800
NP = G * GR
RPS = GR // NS
ACC_ROWS = GR + 16

C = 128
CA = 64
EP = 802816
EPA = EP + C
ES = EP // NS
NCH = ES // CA
DS = EP // NW
DNCH = DS // C

NPH = NP + 512
BR = 512

_mesh = plsc.VectorSubcoreMesh(
    core_axis_name="c", subcore_axis_name="s", num_cores=NC, num_subcores=NS
)
_sc_params = pltpu.CompilerParams(needs_layout_passes=False)



def _deg_body(dst_hbm, zeros_hbm, parts_hbm, hist, dst_c):
    c = lax.axis_index("c")
    s = lax.axis_index("s")
    w = c * NS + s
    base = w * DS
    pltpu.sync_copy(zeros_hbm, hist)
    ones16 = jnp.ones((16,), jnp.float32)

    def chunk(j, carry):
        pltpu.sync_copy(dst_hbm.at[pl.ds(base + j * C, C)], dst_c)
        for k in range(C // 16):
            d16 = dst_c[pl.ds(k * 16, 16)]
            plsc.addupdate_scatter(hist, [d16], ones16)
        return carry

    lax.fori_loop(0, DNCH, chunk, 0)
    pltpu.sync_copy(hist, parts_hbm.at[w])


_deg_kernel = functools.partial(
    pl.kernel,
    out_type=jax.ShapeDtypeStruct((NW, NPH), jnp.float32),
    mesh=_mesh,
    compiler_params=_sc_params,
    scratch_types=[
        pltpu.VMEM((NPH,), jnp.float32),
        pltpu.VMEM((C,), jnp.int32),
    ],
)(_deg_body)



def _agg_body(y_hbm, src_hbm, dst_hbm, out_hbm, acc,
              src_a, src_b, dst_a, dst_b, rows_a, rows_b, sem_a, sem_b):
    c = lax.axis_index("c")
    s = lax.axis_index("s")
    base = s * ES
    trash16 = jnp.full((16,), GR, jnp.int32) + lax.iota(jnp.int32, 16)

    def load_remap(off, src_buf, dst_buf, gbase):
        pltpu.sync_copy(src_hbm.at[pl.ds(off, CA)], src_buf)
        pltpu.sync_copy(dst_hbm.at[pl.ds(off, CA)], dst_buf)
        for k in range(CA // 16):
            d16 = dst_buf[pl.ds(k * 16, 16)]
            lo = d16 - gbase
            m = (lo >= 0) & (lo < GR)
            dst_buf[pl.ds(k * 16, 16)] = jnp.where(m, lo, trash16)

    for q in range(2):
        g = c * 2 + q
        gbase = g * GR
        pltpu.sync_copy(y_hbm.at[pl.ds(gbase + s * RPS, RPS)],
                        acc.at[pl.ds(s * RPS, RPS)])
        plsc.subcore_barrier()

        load_remap(base, src_a, dst_a, gbase)
        pltpu.async_copy(y_hbm.at[src_a], rows_a, sem_a)

        def pair(i, carry):
            load_remap(base + (2 * i + 1) * CA, src_b, dst_b, gbase)
            pltpu.async_copy(y_hbm.at[src_b], rows_b, sem_b)
            pltpu.make_async_copy(y_hbm.at[src_a], rows_a, sem_a).wait()
            pltpu.sync_copy(rows_a, acc.at[dst_a], add=True)
            load_remap(base + (2 * i + 2) * CA, src_a, dst_a, gbase)
            pltpu.async_copy(y_hbm.at[src_a], rows_a, sem_a)
            pltpu.make_async_copy(y_hbm.at[src_b], rows_b, sem_b).wait()
            pltpu.sync_copy(rows_b, acc.at[dst_b], add=True)
            return carry

        lax.fori_loop(0, NCH // 2, pair, 0)
        pltpu.make_async_copy(y_hbm.at[src_a], rows_a, sem_a).wait()

        plsc.subcore_barrier()
        pltpu.sync_copy(acc.at[pl.ds(s * RPS, RPS)],
                        out_hbm.at[pl.ds(gbase + s * RPS, RPS)])
        plsc.subcore_barrier()


_agg_kernel = functools.partial(
    pl.kernel,
    out_type=jax.ShapeDtypeStruct((NP, HP), jnp.float32),
    mesh=_mesh,
    compiler_params=_sc_params,
    scratch_types=[
        pltpu.VMEM_SHARED((ACC_ROWS, HP), jnp.float32),
        pltpu.VMEM((CA,), jnp.int32),
        pltpu.VMEM((CA,), jnp.int32),
        pltpu.VMEM((CA,), jnp.int32),
        pltpu.VMEM((CA,), jnp.int32),
        pltpu.VMEM((CA, HP), jnp.float32),
        pltpu.VMEM((CA, HP), jnp.float32),
        pltpu.SemaphoreType.DMA,
        pltpu.SemaphoreType.DMA,
    ],
)(_agg_body)



def _degsum_body(parts_ref, out_ref):
    out_ref[...] = jnp.sum(parts_ref[...], axis=0, keepdims=True)


def _k_degsum(parts):
    return pl.pallas_call(
        _degsum_body,
        grid=(NPH // BR,),
        in_specs=[pl.BlockSpec((NW, BR), lambda i: (0, i))],
        out_specs=pl.BlockSpec((1, BR), lambda i: (0, i)),
        out_shape=jax.ShapeDtypeStruct((1, NPH), jnp.float32),
    )(parts)


def _pre_body(x_ref, w_ref, deg_ref, y_ref, dinv_ref):
    deg = deg_ref[...] + 1.0
    dinv = lax.rsqrt(deg)
    h = jnp.dot(x_ref[...], w_ref[...], preferred_element_type=jnp.float32)
    y_ref[:, :H] = h * dinv
    y_ref[:, H:] = jnp.zeros((BR, HP - H), jnp.float32)
    dinv_ref[...] = dinv


def _k_pre(x_p, w1_p, deg_col):
    return pl.pallas_call(
        _pre_body,
        grid=(NP // BR,),
        in_specs=[
            pl.BlockSpec((BR, 8), lambda i: (i, 0)),
            pl.BlockSpec((8, H), lambda i: (0, 0)),
            pl.BlockSpec((BR, 1), lambda i: (i, 0)),
        ],
        out_specs=[
            pl.BlockSpec((BR, HP), lambda i: (i, 0)),
            pl.BlockSpec((BR, 1), lambda i: (i, 0)),
        ],
        out_shape=[
            jax.ShapeDtypeStruct((NP, HP), jnp.float32),
            jax.ShapeDtypeStruct((NP, 1), jnp.float32),
        ],
    )(x_p, w1_p, deg_col)


def _layernorm_rows(t, g, be):
    m = jnp.mean(t, axis=-1, keepdims=True)
    v = jnp.mean((t - m) ** 2, axis=-1, keepdims=True)
    return (t - m) * lax.rsqrt(v + 1e-5) * g + be


def _mid_body(agg_ref, dinv_ref, b_ref, g_ref, be_ref, w_ref, y_ref):
    dinv = dinv_ref[...]
    t = agg_ref[:, :H] * dinv + b_ref[...]
    t = _layernorm_rows(t, g_ref[...], be_ref[...])
    t = jnp.maximum(t, 0.0)
    y_ref[:, :H] = jnp.dot(t, w_ref[...],
                           preferred_element_type=jnp.float32) * dinv
    y_ref[:, H:] = jnp.zeros((BR, HP - H), jnp.float32)


def _k_mid(agg, dinv, b, g, be, w_next):
    return pl.pallas_call(
        _mid_body,
        grid=(NP // BR,),
        in_specs=[
            pl.BlockSpec((BR, HP), lambda i: (i, 0)),
            pl.BlockSpec((BR, 1), lambda i: (i, 0)),
            pl.BlockSpec((1, H), lambda i: (0, 0)),
            pl.BlockSpec((1, H), lambda i: (0, 0)),
            pl.BlockSpec((1, H), lambda i: (0, 0)),
            pl.BlockSpec((H, H), lambda i: (0, 0)),
        ],
        out_specs=pl.BlockSpec((BR, HP), lambda i: (i, 0)),
        out_shape=jax.ShapeDtypeStruct((NP, HP), jnp.float32),
    )(agg, dinv, b.reshape(1, H), g.reshape(1, H), be.reshape(1, H), w_next)


def _head_body(agg_ref, dinv_ref, b_ref, g_ref, be_ref, w4_ref, b4_ref,
               w5_ref, b5_ref, out_ref):
    t = agg_ref[:, :H] * dinv_ref[...] + b_ref[...]
    t = _layernorm_rows(t, g_ref[...], be_ref[...])
    r = jnp.dot(t, w4_ref[...], preferred_element_type=jnp.float32)
    r = jnp.maximum(r + b4_ref[...], 0.0)
    o = jnp.dot(r, w5_ref[...], preferred_element_type=jnp.float32)
    out_ref[...] = jax.nn.sigmoid(o + b5_ref[...])


def _k_head(agg, dinv, b3, g3, be3, w4, b4, w5, b5):
    return pl.pallas_call(
        _head_body,
        grid=(NP // BR,),
        in_specs=[
            pl.BlockSpec((BR, HP), lambda i: (i, 0)),
            pl.BlockSpec((BR, 1), lambda i: (i, 0)),
            pl.BlockSpec((1, H), lambda i: (0, 0)),
            pl.BlockSpec((1, H), lambda i: (0, 0)),
            pl.BlockSpec((1, H), lambda i: (0, 0)),
            pl.BlockSpec((H, H // 2), lambda i: (0, 0)),
            pl.BlockSpec((1, H // 2), lambda i: (0, 0)),
            pl.BlockSpec((H // 2, 1), lambda i: (0, 0)),
            pl.BlockSpec((1, 1), lambda i: (0, 0)),
        ],
        out_specs=pl.BlockSpec((BR, 1), lambda i: (i, 0)),
        out_shape=jax.ShapeDtypeStruct((NP, 1), jnp.float32),
    )(agg, dinv, b3.reshape(1, H), g3.reshape(1, H), be3.reshape(1, H),
      w4, b4.reshape(1, H // 2), w5, b5.reshape(1, 1))



def kernel(x, edge_index, W1, b1, W2, b2, W3, b3, g1, be1, g2, be2, g3, be3,
           W4, b4, W5, b5):
    src = edge_index[0]
    dst = edge_index[1]
    src_p = jnp.concatenate([src, jnp.zeros((EPA - E,), jnp.int32)])
    dst_p = jnp.concatenate([dst, jnp.full((EPA - E,), NP, jnp.int32)])
    x_p = jnp.pad(x, ((0, NP - N), (0, 8 - IN)))
    w1_p = jnp.pad(W1, ((0, 8 - IN), (0, 0)))
    zeros_nph = jnp.zeros((NPH,), jnp.float32)

    parts = _deg_kernel(dst_p, zeros_nph)
    deg_col = _k_degsum(parts)[0, :NP].reshape(NP, 1)
    y1, dinv = _k_pre(x_p, w1_p, deg_col)
    agg1 = _agg_kernel(y1, src_p, dst_p)
    y2 = _k_mid(agg1, dinv, b1, g1, be1, W2)
    agg2 = _agg_kernel(y2, src_p, dst_p)
    y3 = _k_mid(agg2, dinv, b2, g2, be2, W3)
    agg3 = _agg_kernel(y3, src_p, dst_p)
    out = _k_head(agg3, dinv, b3, g3, be3, W4, b4, W5, b5)
    return out[:N]

# --- scband reference (transcript-rebuilt; emitter-appended) ---
"""Pipeline reference for scband-uni-gcnregression-89412629168657 (READ-ONLY COPY).

The authoritative reference and input builder live on the scoring server;
editing this copy changes nothing except your own understanding.
"""

import jax, jax.numpy as jnp
import numpy as np

N = 50000
E = 800000
H = 64
IN = 6


def setup_inputs(seed: int = 0) -> dict:
    key = jax.random.key(seed)
    ks = jax.random.split(key, 20)
    inp = {}
    inp["x"] = jax.random.normal(ks[0], (N, IN), dtype=jnp.float32)
    inp["edge_index"] = jax.random.randint(ks[1], (2, E), 0, N, dtype=jnp.int32)
    # GCN layer params
    inp["W1"] = jax.random.normal(ks[2], (IN, H), dtype=jnp.float32) * (1.0 / np.sqrt(IN))
    inp["b1"] = jnp.zeros((H,), dtype=jnp.float32)
    inp["W2"] = jax.random.normal(ks[3], (H, H), dtype=jnp.float32) * (1.0 / np.sqrt(H))
    inp["b2"] = jnp.zeros((H,), dtype=jnp.float32)
    inp["W3"] = jax.random.normal(ks[4], (H, H), dtype=jnp.float32) * (1.0 / np.sqrt(H))
    inp["b3"] = jnp.zeros((H,), dtype=jnp.float32)
    # LayerNorm params
    inp["g1"] = jnp.ones((H,), dtype=jnp.float32)
    inp["be1"] = jnp.zeros((H,), dtype=jnp.float32)
    inp["g2"] = jnp.ones((H,), dtype=jnp.float32)
    inp["be2"] = jnp.zeros((H,), dtype=jnp.float32)
    inp["g3"] = jnp.ones((H,), dtype=jnp.float32)
    inp["be3"] = jnp.zeros((H,), dtype=jnp.float32)
    # Regressor params: Linear(H, H//2) -> ReLU -> Linear(H//2, 1) -> Sigmoid
    inp["W4"] = jax.random.normal(ks[5], (H, H // 2), dtype=jnp.float32) * (1.0 / np.sqrt(H))
    inp["b4"] = jnp.zeros((H // 2,), dtype=jnp.float32)
    inp["W5"] = jax.random.normal(ks[6], (H // 2, 1), dtype=jnp.float32) * (1.0 / np.sqrt(H // 2))
    inp["b5"] = jnp.zeros((1,), dtype=jnp.float32)
    return inp


def _gcn_conv(x, edge_index, W, b):
    # PyG-style GCNConv: add self-loops, symmetric normalization, scatter-add
    loop = jnp.arange(N, dtype=edge_index.dtype)
    src = jnp.concatenate([edge_index[0], loop])
    dst = jnp.concatenate([edge_index[1], loop])
    ones = jnp.ones(src.shape[0], dtype=x.dtype)
    deg = jax.ops.segment_sum(ones, dst, num_segments=N)
    dinv = jnp.where(deg > 0, 1.0 / jnp.sqrt(deg), 0.0)
    norm = dinv[src] * dinv[dst]
    h = x @ W
    msg = h[src] * norm[:, None]
    out = jax.ops.segment_sum(msg, dst, num_segments=N)
    return out + b


def _layernorm(x, g, b):
    m = jnp.mean(x, axis=-1, keepdims=True)
    v = jnp.var(x, axis=-1, keepdims=True)
    return (x - m) / jnp.sqrt(v + 1e-5) * g + b


def reference(x, edge_index, W1, b1, W2, b2, W3, b3, g1, be1, g2, be2, g3, be3, W4, b4, W5, b5):
    # layer 1
    h = _gcn_conv(x, edge_index, W1, b1)
    h = _layernorm(h, g1, be1)
    h = jax.nn.relu(h)  # dropout is identity in eval
    # layer 2
    h = _gcn_conv(h, edge_index, W2, b2)
    h = _layernorm(h, g2, be2)
    h = jax.nn.relu(h)
    # layer 3 (no relu after last)
    h = _gcn_conv(h, edge_index, W3, b3)
    h = _layernorm(h, g3, be3)
    # regressor
    h = jax.nn.relu(h @ W4 + b4)
    out = jax.nn.sigmoid(h @ W5 + b5)
    return out

if __name__ == "__main__":
    import jax
    _d = setup_inputs()
    print(jax.jit(kernel)(*tuple(_d.values())))

</pallas_src>

<mosaic_0001>
#map = affine_map<(d0, d1) -> (0)>
#map1 = affine_map<(d0, d1) -> (0, 0)>
module attributes {stable_mosaic.version = 14 : i64} {
  func.func @_deg_body(%arg0: i32, %arg1: i32, %arg2: memref<802944xi32, #tpu.memory_space<hbm>>, %arg3: memref<51712xf32, #tpu.memory_space<hbm>>, %arg4: memref<32x51712xf32, #tpu.memory_space<hbm>>, %arg5: memref<51712xf32, #tpu.memory_space<vmem>>, %arg6: memref<128xi32, #tpu.memory_space<vmem>>) attributes {dimension_semantics = [#tpu.dimension_semantics<core_parallel>, #tpu.dimension_semantics<subcore_parallel>], iteration_bounds = array<i64: 2, 16>, scalar_prefetch = 0 : i64, scratch_operands = 2 : i64, tpu.core_type = #tpu.core_type<sc_vector_subcore>, window_params = [{transform_indices = #map}, {transform_indices = #map}, {transform_indices = #map1}]} {
    %mul3A = arith.constant 16 : i32
    %mul3A_0 = arith.muli %arg0, %mul3A : i32
    %add3A = arith.addi %mul3A_0, %arg1 : i32
    %mul3A_1 = arith.constant 25088 : i32
    %mul3A_2 = arith.muli %add3A, %mul3A_1 : i32
    "tpu.region"() ({
      %run_scoped3A = tpu.sem_alloc : memref<!tpu.dma_semaphore, #tpu.memory_space<semaphore_mem>>
      tpu.enqueue_dma source(%arg3 : memref<51712xf32, #tpu.memory_space<hbm>>) target(%arg5 : memref<51712xf32, #tpu.memory_space<vmem>>) target_semaphore(%run_scoped3A : memref<!tpu.dma_semaphore, #tpu.memory_space<semaphore_mem>>)
      tpu.wait_dma2 semaphore(%run_scoped3A : memref<!tpu.dma_semaphore, #tpu.memory_space<semaphore_mem>>) src(%arg3 : memref<51712xf32, #tpu.memory_space<hbm>>) dst(%arg5 : memref<51712xf32, #tpu.memory_space<vmem>>)
      tpu.yield
    }) : () -> ()
    %broadcast_in_dim3A = arith.constant 1.000000e+00 : f32
    %broadcast_in_dim3A_3 = vector.broadcast %broadcast_in_dim3A : f32 to vector<16xf32>
    %scan3A = arith.constant 0 : i32
    %scan3A_4 = arith.constant 0 : i32
    %scan3A_5 = arith.constant 196 : i32
    %scan3A_6 = arith.addi %scan3A_4, %scan3A_5 : i32
    %scan3A_7 = arith.constant 1 : i32
    scf.for %scan3A_9 = %scan3A_4 to %scan3A_6 step %scan3A_7  : i32 {
      %mul3A_10 = arith.constant 128 : i32
      %mul3A_11 = arith.muli %scan3A_9, %mul3A_10 : i32
      %add3A_12 = arith.addi %mul3A_2, %mul3A_11 : i32
      "tpu.region"() ({
        %run_scoped3A = tpu.sem_alloc : memref<!tpu.dma_semaphore, #tpu.memory_space<semaphore_mem>>
        %dma_start3A = tpu.memref_slice %arg2[%add3A_12] : memref<802944xi32, #tpu.memory_space<hbm>> -> memref<128xi32, #tpu.memory_space<hbm>>
        %dma_start3A_28 = tpu.memref_slice %arg2[%add3A_12] : memref<802944xi32, #tpu.memory_space<hbm>> -> memref<128xi32, #tpu.memory_space<hbm>>
        tpu.enqueue_dma source(%dma_start3A_28 : memref<128xi32, #tpu.memory_space<hbm>>) target(%arg6 : memref<128xi32, #tpu.memory_space<vmem>>) target_semaphore(%run_scoped3A : memref<!tpu.dma_semaphore, #tpu.memory_space<semaphore_mem>>)
        %dma_wait3A = tpu.memref_slice %arg2[%add3A_12] : memref<802944xi32, #tpu.memory_space<hbm>> -> memref<128xi32, #tpu.memory_space<hbm>>
        %dma_wait3A_29 = tpu.memref_slice %arg2[%add3A_12] : memref<802944xi32, #tpu.memory_space<hbm>> -> memref<128xi32, #tpu.memory_space<hbm>>
        tpu.wait_dma2 semaphore(%run_scoped3A : memref<!tpu.dma_semaphore, #tpu.memory_space<semaphore_mem>>) src(%dma_wait3A_29 : memref<128xi32, #tpu.memory_space<hbm>>) dst(%arg6 : memref<128xi32, #tpu.memory_space<vmem>>)
        tpu.yield
      }) : () -> ()
      %get3A = arith.constant 0 : index
      %get3A_13 = tpu.vector_load %arg6[%get3A] {strides = array<i32>} : memref<128xi32, #tpu.memory_space<vmem>>, vector<16xi32>,
      tpu.vector_store_idx %arg5[%get3A_13], %broadcast_in_dim3A_3 {add = true} : memref<51712xf32, #tpu.memory_space<vmem>>[vector<16xi32>], vector<16xf32>,
      %get3A_14 = arith.constant 16 : index
      %get3A_15 = tpu.vector_load %arg6[%get3A_14] {strides = array<i32>} : memref<128xi32, #tpu.memory_space<vmem>>, vector<16xi32>,
      tpu.vector_store_idx %arg5[%get3A_15], %broadcast_in_dim3A_3 {add = true} : memref<51712xf32, #tpu.memory_space<vmem>>[vector<16xi32>], vector<16xf32>,
      %get3A_16 = arith.constant 32 : index
      %get3A_17 = tpu.vector_load %arg6[%get3A_16] {strides = array<i32>} : memref<128xi32, #tpu.memory_space<vmem>>, vector<16xi32>,
      tpu.vector_store_idx %arg5[%get3A_17], %broadcast_in_dim3A_3 {add = true} : memref<51712xf32, #tpu.memory_space<vmem>>[vector<16xi32>], vector<16xf32>,
      %get3A_18 = arith.constant 48 : index
      %get3A_19 = tpu.vector_load %arg6[%get3A_18] {strides = array<i32>} : memref<128xi32, #tpu.memory_space<vmem>>, vector<16xi32>,
      tpu.vector_store_idx %arg5[%get3A_19], %broadcast_in_dim3A_3 {add = true} : memref<51712xf32, #tpu.memory_space<vmem>>[vector<16xi32>], vector<16xf32>,
      %get3A_20 = arith.constant 64 : index
      %get3A_21 = tpu.vector_load %arg6[%get3A_20] {strides = array<i32>} : memref<128xi32, #tpu.memory_space<vmem>>, vector<16xi32>,
      tpu.vector_store_idx %arg5[%get3A_21], %broadcast_in_dim3A_3 {add = true} : memref<51712xf32, #tpu.memory_space<vmem>>[vector<16xi32>], vector<16xf32>,
      %get3A_22 = arith.constant 80 : index
      %get3A_23 = tpu.vector_load %arg6[%get3A_22] {strides = array<i32>} : memref<128xi32, #tpu.memory_space<vmem>>, vector<16xi32>,
      tpu.vector_store_idx %arg5[%get3A_23], %broadcast_in_dim3A_3 {add = true} : memref<51712xf32, #tpu.memory_space<vmem>>[vector<16xi32>], vector<16xf32>,
      %get3A_24 = arith.constant 96 : index
      %get3A_25 = tpu.vector_load %arg6[%get3A_24] {strides = array<i32>} : memref<128xi32, #tpu.memory_space<vmem>>, vector<16xi32>,
      tpu.vector_store_idx %arg5[%get3A_25], %broadcast_in_dim3A_3 {add = true} : memref<51712xf32, #tpu.memory_space<vmem>>[vector<16xi32>], vector<16xf32>,
      %get3A_26 = arith.constant 112 : index
      %get3A_27 = tpu.vector_load %arg6[%get3A_26] {strides = array<i32>} : memref<128xi32, #tpu.memory_space<vmem>>, vector<16xi32>,
      tpu.vector_store_idx %arg5[%get3A_27], %broadcast_in_dim3A_3 {add = true} : memref<51712xf32, #tpu.memory_space<vmem>>[vector<16xi32>], vector<16xf32>,
    }
    %scan3A_8 = arith.constant 196 : i32
    "tpu.region"() ({
      %run_scoped3A = tpu.sem_alloc : memref<!tpu.dma_semaphore, #tpu.memory_space<semaphore_mem>>
      %dma_start3A = arith.constant 0 : i32
      %dma_start3A_9 = tpu.memref_slice %arg4[%add3A, %dma_start3A] : memref<32x51712xf32, #tpu.memory_space<hbm>> -> memref<1x51712xf32, #tpu.memory_space<hbm>>
      %dma_start3A_10 = tpu.memref_squeeze %dma_start3A_9 : memref<1x51712xf32, #tpu.memory_space<hbm>> -> memref<51712xf32, #tpu.memory_space<hbm>>
      %dma_start3A_11 = arith.constant 0 : i32
      %dma_start3A_12 = tpu.memref_slice %arg4[%add3A, %dma_start3A_11] : memref<32x51712xf32, #tpu.memory_space<hbm>> -> memref<1x51712xf32, #tpu.memory_space<hbm>>
      %dma_start3A_13 = tpu.memref_squeeze %dma_start3A_12 : memref<1x51712xf32, #tpu.memory_space<hbm>> -> memref<51712xf32, #tpu.memory_space<hbm>>
      tpu.enqueue_dma source(%arg5 : memref<51712xf32, #tpu.memory_space<vmem>>) target(%dma_start3A_13 : memref<51712xf32, #tpu.memory_space<hbm>>) target_semaphore(%run_scoped3A : memref<!tpu.dma_semaphore, #tpu.memory_space<semaphore_mem>>)
      %dma_wait3A = arith.constant 0 : i32
      %dma_wait3A_14 = tpu.memref_slice %arg4[%add3A, %dma_wait3A] : memref<32x51712xf32, #tpu.memory_space<hbm>> -> memref<1x51712xf32, #tpu.memory_space<hbm>>
      %dma_wait3A_15 = tpu.memref_squeeze %dma_wait3A_14 : memref<1x51712xf32, #tpu.memory_space<hbm>> -> memref<51712xf32, #tpu.memory_space<hbm>>
      %dma_wait3A_16 = arith.constant 0 : i32
      %dma_wait3A_17 = tpu.memref_slice %arg4[%add3A, %dma_wait3A_16] : memref<32x51712xf32, #tpu.memory_space<hbm>> -> memref<1x51712xf32, #tpu.memory_space<hbm>>
      %dma_wait3A_18 = tpu.memref_squeeze %dma_wait3A_17 : memref<1x51712xf32, #tpu.memory_space<hbm>> -> memref<51712xf32, #tpu.memory_space<hbm>>
      tpu.wait_dma2 semaphore(%run_scoped3A : memref<!tpu.dma_semaphore, #tpu.memory_space<semaphore_mem>>) src(%arg5 : memref<51712xf32, #tpu.memory_space<vmem>>) dst(%dma_wait3A_18 : memref<51712xf32, #tpu.memory_space<hbm>>)
      tpu.yield
    }) : () -> ()
    return
  }
}

#map = affine_map<(d0, d1) -> (0, 0)>
#map1 = affine_map<(d0, d1) -> (0)>
module attributes {stable_mosaic.version = 14 : i64} {
  func.func @_agg_body(%arg0: i32, %arg1: i32, %arg2: memref<51200x128xf32, #tpu.memory_space<hbm>>, %arg3: memref<802944xi32, #tpu.memory_space<hbm>>, %arg4: memref<802944xi32, #tpu.memory_space<hbm>>, %arg5: memref<51200x128xf32, #tpu.memory_space<hbm>>, %arg6: memref<12816x128xf32, #tpu.memory_space<vmem_shared>>, %arg7: memref<64xi32, #tpu.memory_space<vmem>>, %arg8: memref<64xi32, #tpu.memory_space<vmem>>, %arg9: memref<64xi32, #tpu.memory_space<vmem>>, %arg10: memref<64xi32, #tpu.memory_space<vmem>>, %arg11: memref<64x128xf32, #tpu.memory_space<vmem>>, %arg12: memref<64x128xf32, #tpu.memory_space<vmem>>, %arg13: memref<!tpu.dma_semaphore, #tpu.memory_space<semaphore_mem>>, %arg14: memref<!tpu.dma_semaphore, #tpu.memory_space<semaphore_mem>>) attributes {dimension_semantics = [#tpu.dimension_semantics<core_parallel>, #tpu.dimension_semantics<subcore_parallel>], iteration_bounds = array<i64: 2, 16>, scalar_prefetch = 0 : i64, scratch_operands = 9 : i64, tpu.core_type = #tpu.core_type<sc_vector_subcore>, window_params = [{transform_indices = #map}, {transform_indices = #map1}, {transform_indices = #map1}, {transform_indices = #map}]} {
    %mul3A = arith.constant 50176 : i32
    %mul3A_0 = arith.muli %arg1, %mul3A : i32
    %broadcast_in_dim3A = arith.constant 12800 : i32
    %broadcast_in_dim3A_1 = vector.broadcast %broadcast_in_dim3A : i32 to vector<16xi32>
    %iota3A = tpu.iota {dimensions = array<i32: 0>} : vector<16xi32>
    %add3A = arith.addi %broadcast_in_dim3A_1, %iota3A : vector<16xi32>
    %mul3A_2 = arith.constant 2 : i32
    %mul3A_3 = arith.muli %arg0, %mul3A_2 : i32
    %add3A_4 = arith.constant 0 : i32
    %add3A_5 = arith.addi %mul3A_3, %add3A_4 : i32
    %mul3A_6 = arith.constant 12800 : i32
    %mul3A_7 = arith.muli %add3A_5, %mul3A_6 : i32
    %mul3A_8 = arith.constant 800 : i32
    %mul3A_9 = arith.muli %arg1, %mul3A_8 : i32
    %add3A_10 = arith.addi %mul3A_7, %mul3A_9 : i32
    %mul3A_11 = arith.constant 800 : i32
    %mul3A_12 = arith.muli %arg1, %mul3A_11 : i32
    "tpu.region"() ({
      %run_scoped3A = tpu.sem_alloc : memref<!tpu.dma_semaphore, #tpu.memory_space<semaphore_mem>>
      %dma_start3A_165 = arith.constant 0 : i32
      %dma_start3A_166 = tpu.memref_slice %arg6[%mul3A_12, %dma_start3A_165] : memref<12816x128xf32, #tpu.memory_space<vmem_shared>> -> memref<800x128xf32, #tpu.memory_space<vmem_shared>>
      %dma_start3A_167 = arith.constant 0 : i32
      %dma_start3A_168 = tpu.memref_slice %arg2[%add3A_10, %dma_start3A_167] : memref<51200x128xf32, #tpu.memory_space<hbm>> -> memref<800x128xf32, #tpu.memory_space<hbm>>
      tpu.enqueue_dma source(%dma_start3A_168 : memref<800x128xf32, #tpu.memory_space<hbm>>) target(%dma_start3A_166 : memref<800x128xf32, #tpu.memory_space<vmem_shared>>) target_semaphore(%run_scoped3A : memref<!tpu.dma_semaphore, #tpu.memory_space<semaphore_mem>>)
      %dma_wait3A_169 = arith.constant 0 : i32
      %dma_wait3A_170 = tpu.memref_slice %arg6[%mul3A_12, %dma_wait3A_169] : memref<12816x128xf32, #tpu.memory_space<vmem_shared>> -> memref<800x128xf32, #tpu.memory_space<vmem_shared>>
      %dma_wait3A_171 = arith.constant 0 : i32
      %dma_wait3A_172 = tpu.memref_slice %arg2[%add3A_10, %dma_wait3A_171] : memref<51200x128xf32, #tpu.memory_space<hbm>> -> memref<800x128xf32, #tpu.memory_space<hbm>>
      tpu.wait_dma2 semaphore(%run_scoped3A : memref<!tpu.dma_semaphore, #tpu.memory_space<semaphore_mem>>) src(%dma_wait3A_172 : memref<800x128xf32, #tpu.memory_space<hbm>>) dst(%dma_wait3A_170 : memref<800x128xf32, #tpu.memory_space<vmem_shared>>)
      tpu.yield
    }) : () -> ()
    %barrier3A = arith.constant 0 : index
    tpu.barrier barrier_id(%barrier3A)
    "tpu.region"() ({
      %run_scoped3A = tpu.sem_alloc : memref<!tpu.dma_semaphore, #tpu.memory_space<semaphore_mem>>
      %dma_start3A_165 = tpu.memref_slice %arg3[%mul3A_0] : memref<802944xi32, #tpu.memory_space<hbm>> -> memref<64xi32, #tpu.memory_space<hbm>>
      %dma_start3A_166 = tpu.memref_slice %arg3[%mul3A_0] : memref<802944xi32, #tpu.memory_space<hbm>> -> memref<64xi32, #tpu.memory_space<hbm>>
      tpu.enqueue_dma source(%dma_start3A_166 : memref<64xi32, #tpu.memory_space<hbm>>) target(%arg7 : memref<64xi32, #tpu.memory_space<vmem>>) target_semaphore(%run_scoped3A : memref<!tpu.dma_semaphore, #tpu.memory_space<semaphore_mem>>)
      %dma_wait3A_167 = tpu.memref_slice %arg3[%mul3A_0] : memref<802944xi32, #tpu.memory_space<hbm>> -> memref<64xi32, #tpu.memory_space<hbm>>
      %dma_wait3A_168 = tpu.memref_slice %arg3[%mul3A_0] : memref<802944xi32, #tpu.memory_space<hbm>> -> memref<64xi32, #tpu.memory_space<hbm>>
      tpu.wait_dma2 semaphore(%run_scoped3A : memref<!tpu.dma_semaphore, #tpu.memory_space<semaphore_mem>>) src(%dma_wait3A_168 : memref<64xi32, #tpu.memory_space<hbm>>) dst(%arg7 : memref<64xi32, #tpu.memory_space<vmem>>)
      tpu.yield
    }) : () -> ()
    "tpu.region"() ({
      %run_scoped3A = tpu.sem_alloc : memref<!tpu.dma_semaphore, #tpu.memory_space<semaphore_mem>>
      %dma_start3A_165 = tpu.memref_slice %arg4[%mul3A_0] : memref<802944xi32, #tpu.memory_space<hbm>> -> memref<64xi32, #tpu.memory_space<hbm>>
      %dma_start3A_166 = tpu.memref_slice %arg4[%mul3A_0] : memref<802944xi32, #tpu.memory_space<hbm>> -> memref<64xi32, #tpu.memory_space<hbm>>
      tpu.enqueue_dma source(%dma_start3A_166 : memref<64xi32, #tpu.memory_space<hbm>>) target(%arg9 : memref<64xi32, #tpu.memory_space<vmem>>) target_semaphore(%run_scoped3A : memref<!tpu.dma_semaphore, #tpu.memory_space<semaphore_mem>>)
      %dma_wait3A_167 = tpu.memref_slice %arg4[%mul3A_0] : memref<802944xi32, #tpu.memory_space<hbm>> -> memref<64xi32, #tpu.memory_space<hbm>>
      %dma_wait3A_168 = tpu.memref_slice %arg4[%mul3A_0] : memref<802944xi32, #tpu.memory_space<hbm>> -> memref<64xi32, #tpu.memory_space<hbm>>
      tpu.wait_dma2 semaphore(%run_scoped3A : memref<!tpu.dma_semaphore, #tpu.memory_space<semaphore_mem>>) src(%dma_wait3A_168 : memref<64xi32, #tpu.memory_space<hbm>>) dst(%arg9 : memref<64xi32, #tpu.memory_space<vmem>>)
      tpu.yield
    }) : () -> ()
    %get3A = arith.constant 0 : index
    %get3A_13 = tpu.vector_load %arg9[%get3A] {strides = array<i32>} : memref<64xi32, #tpu.memory_space<vmem>>, vector<16xi32>,
    %sub3A = vector.broadcast %mul3A_7 : i32 to vector<16xi32>
    %sub3A_14 = arith.subi %get3A_13, %sub3A : vector<16xi32>
    %ge3A = arith.constant 0 : i32
    %ge3A_15 = vector.broadcast %ge3A : i32 to vector<16xi32>
    %ge3A_16 = arith.cmpi sge, %sub3A_14, %ge3A_15 : vector<16xi32>
    %lt3A = arith.constant 12800 : i32
    %lt3A_17 = vector.broadcast %lt3A : i32 to vector<16xi32>
    %lt3A_18 = arith.cmpi slt, %sub3A_14, %lt3A_17 : vector<16xi32>
    %and3A = arith.andi %ge3A_16, %lt3A_18 : vector<16xi1>
    %select_n3A = arith.select %and3A, %sub3A_14, %add3A : vector<16xi1>, vector<16xi32>
    %swap3A = arith.constant 0 : index
    %swap3A_19 = tpu.vector_load %arg9[%swap3A] {strides = array<i32>} : memref<64xi32, #tpu.memory_space<vmem>>, vector<16xi32>,
    tpu.vector_store %arg9[%swap3A], %select_n3A {strides = array<i32>} : memref<64xi32, #tpu.memory_space<vmem>>, vector<16xi32>,
    %get3A_20 = arith.constant 16 : index
    %get3A_21 = tpu.vector_load %arg9[%get3A_20] {strides = array<i32>} : memref<64xi32, #tpu.memory_space<vmem>>, vector<16xi32>,
    %sub3A_22 = vector.broadcast %mul3A_7 : i32 to vector<16xi32>
    %sub3A_23 = arith.subi %get3A_21, %sub3A_22 : vector<16xi32>
    %ge3A_24 = arith.constant 0 : i32
    %ge3A_25 = vector.broadcast %ge3A_24 : i32 to vector<16xi32>
    %ge3A_26 = arith.cmpi sge, %sub3A_23, %ge3A_25 : vector<16xi32>
    %lt3A_27 = arith.constant 12800 : i32
    %lt3A_28 = vector.broadcast %lt3A_27 : i32 to vector<16xi32>
    %lt3A_29 = arith.cmpi slt, %sub3A_23, %lt3A_28 : vector<16xi32>
    %and3A_30 = arith.andi %ge3A_26, %lt3A_29 : vector<16xi1>
    %select_n3A_31 = arith.select %and3A_30, %sub3A_23, %add3A : vector<16xi1>, vector<16xi32>
    %swap3A_32 = arith.constant 16 : index
    %swap3A_33 = tpu.vector_load %arg9[%swap3A_32] {strides = array<i32>} : memref<64xi32, #tpu.memory_space<vmem>>, vector<16xi32>,
    tpu.vector_store %arg9[%swap3A_32], %select_n3A_31 {strides = array<i32>} : memref<64xi32, #tpu.memory_space<vmem>>, vector<16xi32>,
    %get3A_34 = arith.constant 32 : index
    %get3A_35 = tpu.vector_load %arg9[%get3A_34] {strides = array<i32>} : memref<64xi32, #tpu.memory_space<vmem>>, vector<16xi32>,
    %sub3A_36 = vector.broadcast %mul3A_7 : i32 to vector<16xi32>
    %sub3A_37 = arith.subi %get3A_35, %sub3A_36 : vector<16xi32>
    %ge3A_38 = arith.constant 0 : i32
    %ge3A_39 = vector.broadcast %ge3A_38 : i32 to vector<16xi32>
    %ge3A_40 = arith.cmpi sge, %sub3A_37, %ge3A_39 : vector<16xi32>
    %lt3A_41 = arith.constant 12800 : i32
    %lt3A_42 = vector.broadcast %lt3A_41 : i32 to vector<16xi32>
    %lt3A_43 = arith.cmpi slt, %sub3A_37, %lt3A_42 : vector<16xi32>
    %and3A_44 = arith.andi %ge3A_40, %lt3A_43 : vector<16xi1>
    %select_n3A_45 = arith.select %and3A_44, %sub3A_37, %add3A : vector<16xi1>, vector<16xi32>
    %swap3A_46 = arith.constant 32 : index
    %swap3A_47 = tpu.vector_load %arg9[%swap3A_46] {strides = array<i32>} : memref<64xi32, #tpu.memory_space<vmem>>, vector<16xi32>,
    tpu.vector_store %arg9[%swap3A_46], %select_n3A_45 {strides = array<i32>} : memref<64xi32, #tpu.memory_space<vmem>>, vector<16xi32>,
    %get3A_48 = arith.constant 48 : index
    %get3A_49 = tpu.vector_load %arg9[%get3A_48] {strides = array<i32>} : memref<64xi32, #tpu.memory_space<vmem>>, vector<16xi32>,
    %sub3A_50 = vector.broadcast %mul3A_7 : i32 to vector<16xi32>
    %sub3A_51 = arith.subi %get3A_49, %sub3A_50 : vector<16xi32>
    %ge3A_52 = arith.constant 0 : i32
    %ge3A_53 = vector.broadcast %ge3A_52 : i32 to vector<16xi32>
    %ge3A_54 = arith.cmpi sge, %sub3A_51, %ge3A_53 : vector<16xi32>
    %lt3A_55 = arith.constant 12800 : i32
    %lt3A_56 = vector.broadcast %lt3A_55 : i32 to vector<16xi32>
    %lt3A_57 = arith.cmpi slt, %sub3A_51, %lt3A_56 : vector<16xi32>
    %and3A_58 = arith.andi %ge3A_54, %lt3A_57 : vector<16xi1>
    %select_n3A_59 = arith.select %and3A_58, %sub3A_51, %add3A : vector<16xi1>, vector<16xi32>
    %swap3A_60 = arith.constant 48 : index
    %swap3A_61 = tpu.vector_load %arg9[%swap3A_60] {strides = array<i32>} : memref<64xi32, #tpu.memory_space<vmem>>, vector<16xi32>,
    tpu.vector_store %arg9[%swap3A_60], %select_n3A_59 {strides = array<i32>} : memref<64xi32, #tpu.memory_space<vmem>>, vector<16xi32>,
    %dma_start3A = arith.constant 0 : i32
    %dma_start3A_62 = arith.constant 0 : i32
    %dma_start3A_63 = tpu.memref_slice %arg2[%dma_start3A, %dma_start3A_62] : memref<51200x128xf32, #tpu.memory_space<hbm>> -> memref<51200x128xf32, #tpu.memory_space<hbm>>
    tpu.enqueue_indirect_dma source(%dma_start3A_63 : memref<51200x128xf32, #tpu.memory_space<hbm>>) target(%arg11 : memref<64x128xf32, #tpu.memory_space<vmem>>) offsets(%arg7 : memref<64xi32, #tpu.memory_space<vmem>>) semaphore(%arg13 : memref<!tpu.dma_semaphore, #tpu.memory_space<semaphore_mem>>)
    %scan3A = arith.constant 0 : i32
    %scan3A_64 = arith.constant 0 : i32
    %scan3A_65 = arith.constant 392 : i32
    %scan3A_66 = arith.addi %scan3A_64, %scan3A_65 : i32
    %scan3A_67 = arith.constant 1 : i32
    scf.for %scan3A_165 = %scan3A_64 to %scan3A_66 step %scan3A_67  : i32 {
      %mul3A_166 = arith.constant 2 : i32
      %mul3A_167 = arith.muli %mul3A_166, %scan3A_165 : i32
      %add3A_168 = arith.constant 1 : i32
      %add3A_169 = arith.addi %mul3A_167, %add3A_168 : i32
      %mul3A_170 = arith.constant 64 : i32
      %mul3A_171 = arith.muli %add3A_169, %mul3A_170 : i32
      %add3A_172 = arith.addi %mul3A_0, %mul3A_171 : i32
      "tpu.region"() ({
        %run_scoped3A = tpu.sem_alloc : memref<!tpu.dma_semaphore, #tpu.memory_space<semaphore_mem>>
        %dma_start3A_304 = tpu.memref_slice %arg3[%add3A_172] : memref<802944xi32, #tpu.memory_space<hbm>> -> memref<64xi32, #tpu.memory_space<hbm>>
        %dma_start3A_305 = tpu.memref_slice %arg3[%add3A_172] : memref<802944xi32, #tpu.memory_space<hbm>> -> memref<64xi32, #tpu.memory_space<hbm>>
        tpu.enqueue_dma source(%dma_start3A_305 : memref<64xi32, #tpu.memory_space<hbm>>) target(%arg8 : memref<64xi32, #tpu.memory_space<vmem>>) target_semaphore(%run_scoped3A : memref<!tpu.dma_semaphore, #tpu.memory_space<semaphore_mem>>)
        %dma_wait3A_306 = tpu.memref_slice %arg3[%add3A_172] : memref<802944xi32, #tpu.memory_space<hbm>> -> memref<64xi32, #tpu.memory_space<hbm>>
        %dma_wait3A_307 = tpu.memref_slice %arg3[%add3A_172] : memref<802944xi32, #tpu.memory_space<hbm>> -> memref<64xi32, #tpu.memory_space<hbm>>
        tpu.wait_dma2 semaphore(%run_scoped3A : memref<!tpu.dma_semaphore, #tpu.memory_space<semaphore_mem>>) src(%dma_wait3A_307 : memref<64xi32, #tpu.memory_space<hbm>>) dst(%arg8 : memref<64xi32, #tpu.memory_space<vmem>>)
        tpu.yield
      }) : () -> ()
      "tpu.region"() ({
        %run_scoped3A = tpu.sem_alloc : memref<!tpu.dma_semaphore, #tpu.memory_space<semaphore_mem>>
        %dma_start3A_304 = tpu.memref_slice %arg4[%add3A_172] : memref<802944xi32, #tpu.memory_space<hbm>> -> memref<64xi32, #tpu.memory_space<hbm>>
        %dma_start3A_305 = tpu.memref_slice %arg4[%add3A_172] : memref<802944xi32, #tpu.memory_space<hbm>> -> memref<64xi32, #tpu.memory_space<hbm>>
        tpu.enqueue_dma source(%dma_start3A_305 : memref<64xi32, #tpu.memory_space<hbm>>) target(%arg10 : memref<64xi32, #tpu.memory_space<vmem>>) target_semaphore(%run_scoped3A : memref<!tpu.dma_semaphore, #tpu.memory_space<semaphore_mem>>)
        %dma_wait3A_306 = tpu.memref_slice %arg4[%add3A_172] : memref<802944xi32, #tpu.memory_space<hbm>> -> memref<64xi32, #tpu.memory_space<hbm>>
        %dma_wait3A_307 = tpu.memref_slice %arg4[%add3A_172] : memref<802944xi32, #tpu.memory_space<hbm>> -> memref<64xi32, #tpu.memory_space<hbm>>
        tpu.wait_dma2 semaphore(%run_scoped3A : memref<!tpu.dma_semaphore, #tpu.memory_space<semaphore_mem>>) src(%dma_wait3A_307 : memref<64xi32, #tpu.memory_space<hbm>>) dst(%arg10 : memref<64xi32, #tpu.memory_space<vmem>>)
        tpu.yield
      }) : () -> ()
      %get3A_173 = arith.constant 0 : index
      %get3A_174 = tpu.vector_load %arg10[%get3A_173] {strides = array<i32>} : memref<64xi32, #tpu.memory_space<vmem>>, vector<16xi32>,
      %sub3A_175 = vector.broadcast %mul3A_7 : i32 to vector<16xi32>
      %sub3A_176 = arith.subi %get3A_174, %sub3A_175 : vector<16xi32>
      %ge3A_177 = arith.constant 0 : i32
      %ge3A_178 = vector.broadcast %ge3A_177 : i32 to vector<16xi32>
      %ge3A_179 = arith.cmpi sge, %sub3A_176, %ge3A_178 : vector<16xi32>
      %lt3A_180 = arith.constant 12800 : i32
      %lt3A_181 = vector.broadcast %lt3A_180 : i32 to vector<16xi32>
      %lt3A_182 = arith.cmpi slt, %sub3A_176, %lt3A_181 : vector<16xi32>
      %and3A_183 = arith.andi %ge3A_179, %lt3A_182 : vector<16xi1>
      %select_n3A_184 = arith.select %and3A_183, %sub3A_176, %add3A : vector<16xi1>, vector<16xi32>
      %swap3A_185 = arith.constant 0 : index
      %swap3A_186 = tpu.vector_load %arg10[%swap3A_185] {strides = array<i32>} : memref<64xi32, #tpu.memory_space<vmem>>, vector<16xi32>,
      tpu.vector_store %arg10[%swap3A_185], %select_n3A_184 {strides = array<i32>} : memref<64xi32, #tpu.memory_space<vmem>>, vector<16xi32>,
      %get3A_187 = arith.constant 16 : index
      %get3A_188 = tpu.vector_load %arg10[%get3A_187] {strides = array<i32>} : memref<64xi32, #tpu.memory_space<vmem>>, vector<16xi32>,
      %sub3A_189 = vector.broadcast %mul3A_7 : i32 to vector<16xi32>
      %sub3A_190 = arith.subi %get3A_188, %sub3A_189 : vector<16xi32>
      %ge3A_191 = arith.constant 0 : i32
      %ge3A_192 = vector.broadcast %ge3A_191 : i32 to vector<16xi32>
      %ge3A_193 = arith.cmpi sge, %sub3A_190, %ge3A_192 : vector<16xi32>
      %lt3A_194 = arith.constant 12800 : i32
      %lt3A_195 = vector.broadcast %lt3A_194 : i32 to vector<16xi32>
      %lt3A_196 = arith.cmpi slt, %sub3A_190, %lt3A_195 : vector<16xi32>
      %and3A_197 = arith.andi %ge3A_193, %lt3A_196 : vector<16xi1>
      %select_n3A_198 = arith.select %and3A_197, %sub3A_190, %add3A : vector<16xi1>, vector<16xi32>
      %swap3A_199 = arith.constant 16 : index
      %swap3A_200 = tpu.vector_load %arg10[%swap3A_199] {strides = array<i32>} : memref<64xi32, #tpu.memory_space<vmem>>, vector<16xi32>,
      tpu.vector_store %arg10[%swap3A_199], %select_n3A_198 {strides = array<i32>} : memref<64xi32, #tpu.memory_space<vmem>>, vector<16xi32>,
      %get3A_201 = arith.constant 32 : index
      %get3A_202 = tpu.vector_load %arg10[%get3A_201] {strides = array<i32>} : memref<64xi32, #tpu.memory_space<vmem>>, vector<16xi32>,
      %sub3A_203 = vector.broadcast %mul3A_7 : i32 to vector<16xi32>
      %sub3A_204 = arith.subi %get3A_202, %sub3A_203 : vector<16xi32>
      %ge3A_205 = arith.constant 0 : i32
      %ge3A_206 = vector.broadcast %ge3A_205 : i32 to vector<16xi32>
      %ge3A_207 = arith.cmpi sge, %sub3A_204, %ge3A_206 : vector<16xi32>
      %lt3A_208 = arith.constant 12800 : i32
      %lt3A_209 = vector.broadcast %lt3A_208 : i32 to vector<16xi32>
      %lt3A_210 = arith.cmpi slt, %sub3A_204, %lt3A_209 : vector<16xi32>
      %and3A_211 = arith.andi %ge3A_207, %lt3A_210 : vector<16xi1>
      %select_n3A_212 = arith.select %and3A_211, %sub3A_204, %add3A : vector<16xi1>, vector<16xi32>
      %swap3A_213 = arith.constant 32 : index
      %swap3A_214 = tpu.vector_load %arg10[%swap3A_213] {strides = array<i32>} : memref<64xi32, #tpu.memory_space<vmem>>, vector<16xi32>,
      tpu.vector_store %arg10[%swap3A_213], %select_n3A_212 {strides = array<i32>} : memref<64xi32, #tpu.memory_space<vmem>>, vector<16xi32>,
      %get3A_215 = arith.constant 48 : index
      %get3A_216 = tpu.vector_load %arg10[%get3A_215] {strides = array<i32>} : memref<64xi32, #tpu.memory_space<vmem>>, vector<16xi32>,
      %sub3A_217 = vector.broadcast %mul3A_7 : i32 to vector<16xi32>
      %sub3A_218 = arith.subi %get3A_216, %sub3A_217 : vector<16xi32>
      %ge3A_219 = arith.constant 0 : i32
      %ge3A_220 = vector.broadcast %ge3A_219 : i32 to vector<16xi32>
      %ge3A_221 = arith.cmpi sge, %sub3A_218, %ge3A_220 : vector<16xi32>
      %lt3A_222 = arith.constant 12800 : i32
      %lt3A_223 = vector.broadcast %lt3A_222 : i32 to vector<16xi32>
      %lt3A_224 = arith.cmpi slt, %sub3A_218, %lt3A_223 : vector<16xi32>
      %and3A_225 = arith.andi %ge3A_221, %lt3A_224 : vector<16xi1>
      %select_n3A_226 = arith.select %and3A_225, %sub3A_218, %add3A : vector<16xi1>, vector<16xi32>
      %swap3A_227 = arith.constant 48 : index
      %swap3A_228 = tpu.vector_load %arg10[%swap3A_227] {strides = array<i32>} : memref<64xi32, #tpu.memory_space<vmem>>, vector<16xi32>,
      tpu.vector_store %arg10[%swap3A_227], %select_n3A_226 {strides = array<i32>} : memref<64xi32, #tpu.memory_space<vmem>>, vector<16xi32>,
      %dma_start3A_229 = arith.constant 0 : i32
      %dma_start3A_230 = arith.constant 0 : i32
      %dma_start3A_231 = tpu.memref_slice %arg2[%dma_start3A_229, %dma_start3A_230] : memref<51200x128xf32, #tpu.memory_space<hbm>> -> memref<51200x128xf32, #tpu.memory_space<hbm>>
      tpu.enqueue_indirect_dma source(%dma_start3A_231 : memref<51200x128xf32, #tpu.memory_space<hbm>>) target(%arg12 : memref<64x128xf32, #tpu.memory_space<vmem>>) offsets(%arg8 : memref<64xi32, #tpu.memory_space<vmem>>) semaphore(%arg14 : memref<!tpu.dma_semaphore, #tpu.memory_space<semaphore_mem>>)
      %dma_wait3A_232 = arith.constant 0 : i32
      %dma_wait3A_233 = arith.constant 0 : i32
      %dma_wait3A_234 = tpu.memref_slice %arg2[%dma_wait3A_232, %dma_wait3A_233] : memref<51200x128xf32, #tpu.memory_space<hbm>> -> memref<51200x128xf32, #tpu.memory_space<hbm>>
      tpu.wait_indirect_dma semaphore(%arg13 : memref<!tpu.dma_semaphore, #tpu.memory_space<semaphore_mem>>) src(%dma_wait3A_234 : memref<51200x128xf32, #tpu.memory_space<hbm>>) dst(%arg11 : memref<64x128xf32, #tpu.memory_space<vmem>>)
      "tpu.region"() ({
        %run_scoped3A = tpu.sem_alloc : memref<!tpu.dma_semaphore, #tpu.memory_space<semaphore_mem>>
        %dma_start3A_304 = arith.constant 0 : i32
        %dma_start3A_305 = arith.constant 0 : i32
        %dma_start3A_306 = tpu.memref_slice %arg6[%dma_start3A_304, %dma_start3A_305] : memref<12816x128xf32, #tpu.memory_space<vmem_shared>> -> memref<12816x128xf32, #tpu.memory_space<vmem_shared>>
        tpu.enqueue_indirect_dma source(%arg11 : memref<64x128xf32, #tpu.memory_space<vmem>>) target(%dma_start3A_306 : memref<12816x128xf32, #tpu.memory_space<vmem_shared>>) offsets(%arg9 : memref<64xi32, #tpu.memory_space<vmem>>) semaphore(%run_scoped3A : memref<!tpu.dma_semaphore, #tpu.memory_space<semaphore_mem>>) {add = true}
        %dma_wait3A_307 = arith.constant 0 : i32
        %dma_wait3A_308 = arith.constant 0 : i32
        %dma_wait3A_309 = tpu.memref_slice %arg6[%dma_wait3A_307, %dma_wait3A_308] : memref<12816x128xf32, #tpu.memory_space<vmem_shared>> -> memref<12816x128xf32, #tpu.memory_space<vmem_shared>>
        tpu.wait_indirect_dma semaphore(%run_scoped3A : memref<!tpu.dma_semaphore, #tpu.memory_space<semaphore_mem>>) src(%arg11 : memref<64x128xf32, #tpu.memory_space<vmem>>) dst(%dma_wait3A_309 : memref<12816x128xf32, #tpu.memory_space<vmem_shared>>)
        tpu.yield
      }) : () -> ()
      %mul3A_235 = arith.constant 2 : i32
      %mul3A_236 = arith.muli %mul3A_235, %scan3A_165 : i32
      %add3A_237 = arith.constant 2 : i32
      %add3A_238 = arith.addi %mul3A_236, %add3A_237 : i32
      %mul3A_239 = arith.constant 64 : i32
      %mul3A_240 = arith.muli %add3A_238, %mul3A_239 : i32
      %add3A_241 = arith.addi %mul3A_0, %mul3A_240 : i32
      "tpu.region"() ({
        %run_scoped3A = tpu.sem_alloc : memref<!tpu.dma_semaphore, #tpu.memory_space<semaphore_mem>>
        %dma_start3A_304 = tpu.memref_slice %arg3[%add3A_241] : memref<802944xi32, #tpu.memory_space<hbm>> -> memref<64xi32, #tpu.memory_space<hbm>>
        %dma_start3A_305 = tpu.memref_slice %arg3[%add3A_241] : memref<802944xi32, #tpu.memory_space<hbm>> -> memref<64xi32, #tpu.memory_space<hbm>>
        tpu.enqueue_dma source(%dma_start3A_305 : memref<64xi32, #tpu.memory_space<hbm>>) target(%arg7 : memref<64xi32, #tpu.memory_space<vmem>>) target_semaphore(%run_scoped3A : memref<!tpu.dma_semaphore, #tpu.memory_space<semaphore_mem>>)
        %dma_wait3A_306 = tpu.memref_slice %arg3[%add3A_241] : memref<802944xi32, #tpu.memory_space<hbm>> -> memref<64xi32, #tpu.memory_space<hbm>>
        %dma_wait3A_307 = tpu.memref_slice %arg3[%add3A_241] : memref<802944xi32, #tpu.memory_space<hbm>> -> memref<64xi32, #tpu.memory_space<hbm>>
        tpu.wait_dma2 semaphore(%run_scoped3A : memref<!tpu.dma_semaphore, #tpu.memory_space<semaphore_mem>>) src(%dma_wait3A_307 : memref<64xi32, #tpu.memory_space<hbm>>) dst(%arg7 : memref<64xi32, #tpu.memory_space<vmem>>)
        tpu.yield
      }) : () -> ()
      "tpu.region"() ({
        %run_scoped3A = tpu.sem_alloc : memref<!tpu.dma_semaphore, #tpu.memory_space<semaphore_mem>>
        %dma_start3A_304 = tpu.memref_slice %arg4[%add3A_241] : memref<802944xi32, #tpu.memory_space<hbm>> -> memref<64xi32, #tpu.memory_space<hbm>>
        %dma_start3A_305 = tpu.memref_slice %arg4[%add3A_241] : memref<802944xi32, #tpu.memory_space<hbm>> -> memref<64xi32, #tpu.memory_space<hbm>>
        tpu.enqueue_dma source(%dma_start3A_305 : memref<64xi32, #tpu.memory_space<hbm>>) target(%arg9 : memref<64xi32, #tpu.memory_space<vmem>>) target_semaphore(%run_scoped3A : memref<!tpu.dma_semaphore, #tpu.memory_space<semaphore_mem>>)
        %dma_wait3A_306 = tpu.memref_slice %arg4[%add3A_241] : memref<802944xi32, #tpu.memory_space<hbm>> -> memref<64xi32, #tpu.memory_space<hbm>>
        %dma_wait3A_307 = tpu.memref_slice %arg4[%add3A_241] : memref<802944xi32, #tpu.memory_space<hbm>> -> memref<64xi32, #tpu.memory_space<hbm>>
        tpu.wait_dma2 semaphore(%run_scoped3A : memref<!tpu.dma_semaphore, #tpu.memory_space<semaphore_mem>>) src(%dma_wait3A_307 : memref<64xi32, #tpu.memory_space<hbm>>) dst(%arg9 : memref<64xi32, #tpu.memory_space<vmem>>)
        tpu.yield
      }) : () -> ()
      %get3A_242 = arith.constant 0 : index
      %get3A_243 = tpu.vector_load %arg9[%get3A_242] {strides = array<i32>} : memref<64xi32, #tpu.memory_space<vmem>>, vector<16xi32>,
      %sub3A_244 = vector.broadcast %mul3A_7 : i32 to vector<16xi32>
      %sub3A_245 = arith.subi %get3A_243, %sub3A_244 : vector<16xi32>
      %ge3A_246 = arith.constant 0 : i32
      %ge3A_247 = vector.broadcast %ge3A_246 : i32 to vector<16xi32>
      %ge3A_248 = arith.cmpi sge, %sub3A_245, %ge3A_247 : vector<16xi32>
      %lt3A_249 = arith.constant 12800 : i32
      %lt3A_250 = vector.broadcast %lt3A_249 : i32 to vector<16xi32>
      %lt3A_251 = arith.cmpi slt, %sub3A_245, %lt3A_250 : vector<16xi32>
      %and3A_252 = arith.andi %ge3A_248, %lt3A_251 : vector<16xi1>
      %select_n3A_253 = arith.select %and3A_252, %sub3A_245, %add3A : vector<16xi1>, vector<16xi32>
      %swap3A_254 = arith.constant 0 : index
      %swap3A_255 = tpu.vector_load %arg9[%swap3A_254] {strides = array<i32>} : memref<64xi32, #tpu.memory_space<vmem>>, vector<16xi32>,
      tpu.vector_store %arg9[%swap3A_254], %select_n3A_253 {strides = array<i32>} : memref<64xi32, #tpu.memory_space<vmem>>, vector<16xi32>,
      %get3A_256 = arith.constant 16 : index
      %get3A_257 = tpu.vector_load %arg9[%get3A_256] {strides = array<i32>} : memref<64xi32, #tpu.memory_space<vmem>>, vector<16xi32>,
      %sub3A_258 = vector.broadcast %mul3A_7 : i32 to vector<16xi32>
      %sub3A_259 = arith.subi %get3A_257, %sub3A_258 : vector<16xi32>
      %ge3A_260 = arith.constant 0 : i32
      %ge3A_261 = vector.broadcast %ge3A_260 : i32 to vector<16xi32>
      %ge3A_262 = arith.cmpi sge, %sub3A_259, %ge3A_261 : vector<16xi32>
      %lt3A_263 = arith.constant 12800 : i32
      %lt3A_264 = vector.broadcast %lt3A_263 : i32 to vector<16xi32>
      %lt3A_265 = arith.cmpi slt, %sub3A_259, %lt3A_264 : vector<16xi32>
      %and3A_266 = arith.andi %ge3A_262, %lt3A_265 : vector<16xi1>
      %select_n3A_267 = arith.select %and3A_266, %sub3A_259, %add3A : vector<16xi1>, vector<16xi32>
      %swap3A_268 = arith.constant 16 : index
      %swap3A_269 = tpu.vector_load %arg9[%swap3A_268] {strides = array<i32>} : memref<64xi32, #tpu.memory_space<vmem>>, vector<16xi32>,
      tpu.vector_store %arg9[%swap3A_268], %select_n3A_267 {strides = array<i32>} : memref<64xi32, #tpu.memory_space<vmem>>, vector<16xi32>,
      %get3A_270 = arith.constant 32 : index
      %get3A_271 = tpu.vector_load %arg9[%get3A_270] {strides = array<i32>} : memref<64xi32, #tpu.memory_space<vmem>>, vector<16xi32>,
      %sub3A_272 = vector.broadcast %mul3A_7 : i32 to vector<16xi32>
      %sub3A_273 = arith.subi %get3A_271, %sub3A_272 : vector<16xi32>
      %ge3A_274 = arith.constant 0 : i32
      %ge3A_275 = vector.broadcast %ge3A_274 : i32 to vector<16xi32>
      %ge3A_276 = arith.cmpi sge, %sub3A_273, %ge3A_275 : vector<16xi32>
      %lt3A_277 = arith.constant 12800 : i32
      %lt3A_278 = vector.broadcast %lt3A_277 : i32 to vector<16xi32>
      %lt3A_279 = arith.cmpi slt, %sub3A_273, %lt3A_278 : vector<16xi32>
      %and3A_280 = arith.andi %ge3A_276, %lt3A_279 : vector<16xi1>
      %select_n3A_281 = arith.select %and3A_280, %sub3A_273, %add3A : vector<16xi1>, vector<16xi32>
      %swap3A_282 = arith.constant 32 : index
      %swap3A_283 = tpu.vector_load %arg9[%swap3A_282] {strides = array<i32>} : memref<64xi32, #tpu.memory_space<vmem>>, vector<16xi32>,
      tpu.vector_store %arg9[%swap3A_282], %select_n3A_281 {strides = array<i32>} : memref<64xi32, #tpu.memory_space<vmem>>, vector<16xi32>,
      %get3A_284 = arith.constant 48 : index
      %get3A_285 = tpu.vector_load %arg9[%get3A_284] {strides = array<i32>} : memref<64xi32, #tpu.memory_space<vmem>>, vector<16xi32>,
      %sub3A_286 = vector.broadcast %mul3A_7 : i32 to vector<16xi32>
      %sub3A_287 = arith.subi %get3A_285, %sub3A_286 : vector<16xi32>
      %ge3A_288 = arith.constant 0 : i32
      %ge3A_289 = vector.broadcast %ge3A_288 : i32 to vector<16xi32>
      %ge3A_290 = arith.cmpi sge, %sub3A_287, %ge3A_289 : vector<16xi32>
      %lt3A_291 = arith.constant 12800 : i32
      %lt3A_292 = vector.broadcast %lt3A_291 : i32 to vector<16xi32>
      %lt3A_293 = arith.cmpi slt, %sub3A_287, %lt3A_292 : vector<16xi32>
      %and3A_294 = arith.andi %ge3A_290, %lt3A_293 : vector<16xi1>
      %select_n3A_295 = arith.select %and3A_294, %sub3A_287, %add3A : vector<16xi1>, vector<16xi32>
      %swap3A_296 = arith.constant 48 : index
      %swap3A_297 = tpu.vector_load %arg9[%swap3A_296] {strides = array<i32>} : memref<64xi32, #tpu.memory_space<vmem>>, vector<16xi32>,
      tpu.vector_store %arg9[%swap3A_296], %select_n3A_295 {strides = array<i32>} : memref<64xi32, #tpu.memory_space<vmem>>, vector<16xi32>,
      %dma_start3A_298 = arith.constant 0 : i32
      %dma_start3A_299 = arith.constant 0 : i32
      %dma_start3A_300 = tpu.memref_slice %arg2[%dma_start3A_298, %dma_start3A_299] : memref<51200x128xf32, #tpu.memory_space<hbm>> -> memref<51200x128xf32, #tpu.memory_space<hbm>>
      tpu.enqueue_indirect_dma source(%dma_start3A_300 : memref<51200x128xf32, #tpu.memory_space<hbm>>) target(%arg11 : memref<64x128xf32, #tpu.memory_space<vmem>>) offsets(%arg7 : memref<64xi32, #tpu.memory_space<vmem>>) semaphore(%arg13 : memref<!tpu.dma_semaphore, #tpu.memory_space<semaphore_mem>>)
      %dma_wait3A_301 = arith.constant 0 : i32
      %dma_wait3A_302 = arith.constant 0 : i32
      %dma_wait3A_303 = tpu.memref_slice %arg2[%dma_wait3A_301, %dma_wait3A_302] : memref<51200x128xf32, #tpu.memory_space<hbm>> -> memref<51200x128xf32, #tpu.memory_space<hbm>>
      tpu.wait_indirect_dma semaphore(%arg14 : memref<!tpu.dma_semaphore, #tpu.memory_space<semaphore_mem>>) src(%dma_wait3A_303 : memref<51200x128xf32, #tpu.memory_space<hbm>>) dst(%arg12 : memref<64x128xf32, #tpu.memory_space<vmem>>)
      "tpu.region"() ({
        %run_scoped3A = tpu.sem_alloc : memref<!tpu.dma_semaphore, #tpu.memory_space<semaphore_mem>>
        %dma_start3A_304 = arith.constant 0 : i32
        %dma_start3A_305 = arith.constant 0 : i32
        %dma_start3A_306 = tpu.memref_slice %arg6[%dma_start3A_304, %dma_start3A_305] : memref<12816x128xf32, #tpu.memory_space<vmem_shared>> -> memref<12816x128xf32, #tpu.memory_space<vmem_shared>>
        tpu.enqueue_indirect_dma source(%arg12 : memref<64x128xf32, #tpu.memory_space<vmem>>) target(%dma_start3A_306 : memref<12816x128xf32, #tpu.memory_space<vmem_shared>>) offsets(%arg10 : memref<64xi32, #tpu.memory_space<vmem>>) semaphore(%run_scoped3A : memref<!tpu.dma_semaphore, #tpu.memory_space<semaphore_mem>>) {add = true}
        %dma_wait3A_307 = arith.constant 0 : i32
        %dma_wait3A_308 = arith.constant 0 : i32
        %dma_wait3A_309 = tpu.memref_slice %arg6[%dma_wait3A_307, %dma_wait3A_308] : memref<12816x128xf32, #tpu.memory_space<vmem_shared>> -> memref<12816x128xf32, #tpu.memory_space<vmem_shared>>
        tpu.wait_indirect_dma semaphore(%run_scoped3A : memref<!tpu.dma_semaphore, #tpu.memory_space<semaphore_mem>>) src(%arg12 : memref<64x128xf32, #tpu.memory_space<vmem>>) dst(%dma_wait3A_309 : memref<12816x128xf32, #tpu.memory_space<vmem_shared>>)
        tpu.yield
      }) : () -> ()
    }
    %scan3A_68 = arith.constant 392 : i32
    %dma_wait3A = arith.constant 0 : i32
    %dma_wait3A_69 = arith.constant 0 : i32
    %dma_wait3A_70 = tpu.memref_slice %arg2[%dma_wait3A, %dma_wait3A_69] : memref<51200x128xf32, #tpu.memory_space<hbm>> -> memref<51200x128xf32, #tpu.memory_space<hbm>>
    tpu.wait_indirect_dma semaphore(%arg13 : memref<!tpu.dma_semaphore, #tpu.memory_space<semaphore_mem>>) src(%dma_wait3A_70 : memref<51200x128xf32, #tpu.memory_space<hbm>>) dst(%arg11 : memref<64x128xf32, #tpu.memory_space<vmem>>)
    %barrier3A_71 = arith.constant 0 : index
    tpu.barrier barrier_id(%barrier3A_71)
    %mul3A_72 = arith.constant 800 : i32
    %mul3A_73 = arith.muli %arg1, %mul3A_72 : i32
    %mul3A_74 = arith.constant 800 : i32
    %mul3A_75 = arith.muli %arg1, %mul3A_74 : i32
    %add3A_76 = arith.addi %mul3A_7, %mul3A_75 : i32
    "tpu.region"() ({
      %run_scoped3A = tpu.sem_alloc : memref<!tpu.dma_semaphore, #tpu.memory_space<semaphore_mem>>
      %dma_start3A_165 = arith.constant 0 : i32
      %dma_start3A_166 = tpu.memref_slice %arg5[%add3A_76, %dma_start3A_165] : memref<51200x128xf32, #tpu.memory_space<hbm>> -> memref<800x128xf32, #tpu.memory_space<hbm>>
      %dma_start3A_167 = arith.constant 0 : i32
      %dma_start3A_168 = tpu.memref_slice %arg6[%mul3A_73, %dma_start3A_167] : memref<12816x128xf32, #tpu.memory_space<vmem_shared>> -> memref<800x128xf32, #tpu.memory_space<vmem_shared>>
      tpu.enqueue_dma source(%dma_start3A_168 : memref<800x128xf32, #tpu.memory_space<vmem_shared>>) target(%dma_start3A_166 : memref<800x128xf32, #tpu.memory_space<hbm>>) target_semaphore(%run_scoped3A : memref<!tpu.dma_semaphore, #tpu.memory_space<semaphore_mem>>)
      %dma_wait3A_169 = arith.constant 0 : i32
      %dma_wait3A_170 = tpu.memref_slice %arg5[%add3A_76, %dma_wait3A_169] : memref<51200x128xf32, #tpu.memory_space<hbm>> -> memref<800x128xf32, #tpu.memory_space<hbm>>
      %dma_wait3A_171 = arith.constant 0 : i32
      %dma_wait3A_172 = tpu.memref_slice %arg6[%mul3A_73, %dma_wait3A_171] : memref<12816x128xf32, #tpu.memory_space<vmem_shared>> -> memref<800x128xf32, #tpu.memory_space<vmem_shared>>
      tpu.wait_dma2 semaphore(%run_scoped3A : memref<!tpu.dma_semaphore, #tpu.memory_space<semaphore_mem>>) src(%dma_wait3A_172 : memref<800x128xf32, #tpu.memory_space<vmem_shared>>) dst(%dma_wait3A_170 : memref<800x128xf32, #tpu.memory_space<hbm>>)
      tpu.yield
    }) : () -> ()
    %barrier3A_77 = arith.constant 0 : index
    tpu.barrier barrier_id(%barrier3A_77)
    %mul3A_78 = arith.constant 2 : i32
    %mul3A_79 = arith.muli %arg0, %mul3A_78 : i32
    %add3A_80 = arith.constant 1 : i32
    %add3A_81 = arith.addi %mul3A_79, %add3A_80 : i32
    %mul3A_82 = arith.constant 12800 : i32
    %mul3A_83 = arith.muli %add3A_81, %mul3A_82 : i32
    %mul3A_84 = arith.constant 800 : i32
    %mul3A_85 = arith.muli %arg1, %mul3A_84 : i32
    %add3A_86 = arith.addi %mul3A_83, %mul3A_85 : i32
    %mul3A_87 = arith.constant 800 : i32
    %mul3A_88 = arith.muli %arg1, %mul3A_87 : i32
    "tpu.region"() ({
      %run_scoped3A = tpu.sem_alloc : memref<!tpu.dma_semaphore, #tpu.memory_space<semaphore_mem>>
      %dma_start3A_165 = arith.constant 0 : i32
      %dma_start3A_166 = tpu.memref_slice %arg6[%mul3A_88, %dma_start3A_165] : memref<12816x128xf32, #tpu.memory_space<vmem_shared>> -> memref<800x128xf32, #tpu.memory_space<vmem_shared>>
      %dma_start3A_167 = arith.constant 0 : i32
      %dma_start3A_168 = tpu.memref_slice %arg2[%add3A_86, %dma_start3A_167] : memref<51200x128xf32, #tpu.memory_space<hbm>> -> memref<800x128xf32, #tpu.memory_space<hbm>>
      tpu.enqueue_dma source(%dma_start3A_168 : memref<800x128xf32, #tpu.memory_space<hbm>>) target(%dma_start3A_166 : memref<800x128xf32, #tpu.memory_space<vmem_shared>>) target_semaphore(%run_scoped3A : memref<!tpu.dma_semaphore, #tpu.memory_space<semaphore_mem>>)
      %dma_wait3A_169 = arith.constant 0 : i32
      %dma_wait3A_170 = tpu.memref_slice %arg6[%mul3A_88, %dma_wait3A_169] : memref<12816x128xf32, #tpu.memory_space<vmem_shared>> -> memref<800x128xf32, #tpu.memory_space<vmem_shared>>
      %dma_wait3A_171 = arith.constant 0 : i32
      %dma_wait3A_172 = tpu.memref_slice %arg2[%add3A_86, %dma_wait3A_171] : memref<51200x128xf32, #tpu.memory_space<hbm>> -> memref<800x128xf32, #tpu.memory_space<hbm>>
      tpu.wait_dma2 semaphore(%run_scoped3A : memref<!tpu.dma_semaphore, #tpu.memory_space<semaphore_mem>>) src(%dma_wait3A_172 : memref<800x128xf32, #tpu.memory_space<hbm>>) dst(%dma_wait3A_170 : memref<800x128xf32, #tpu.memory_space<vmem_shared>>)
      tpu.yield
    }) : () -> ()
    %barrier3A_89 = arith.constant 0 : index
    tpu.barrier barrier_id(%barrier3A_89)
    "tpu.region"() ({
      %run_scoped3A = tpu.sem_alloc : memref<!tpu.dma_semaphore, #tpu.memory_space<semaphore_mem>>
      %dma_start3A_165 = tpu.memref_slice %arg3[%mul3A_0] : memref<802944xi32, #tpu.memory_space<hbm>> -> memref<64xi32, #tpu.memory_space<hbm>>
      %dma_start3A_166 = tpu.memref_slice %arg3[%mul3A_0] : memref<802944xi32, #tpu.memory_space<hbm>> -> memref<64xi32, #tpu.memory_space<hbm>>
      tpu.enqueue_dma source(%dma_start3A_166 : memref<64xi32, #tpu.memory_space<hbm>>) target(%arg7 : memref<64xi32, #tpu.memory_space<vmem>>) target_semaphore(%run_scoped3A : memref<!tpu.dma_semaphore, #tpu.memory_space<semaphore_mem>>)
      %dma_wait3A_167 = tpu.memref_slice %arg3[%mul3A_0] : memref<802944xi32, #tpu.memory_space<hbm>> -> memref<64xi32, #tpu.memory_space<hbm>>
      %dma_wait3A_168 = tpu.memref_slice %arg3[%mul3A_0] : memref<802944xi32, #tpu.memory_space<hbm>> -> memref<64xi32, #tpu.memory_space<hbm>>
      tpu.wait_dma2 semaphore(%run_scoped3A : memref<!tpu.dma_semaphore, #tpu.memory_space<semaphore_mem>>) src(%dma_wait3A_168 : memref<64xi32, #tpu.memory_space<hbm>>) dst(%arg7 : memref<64xi32, #tpu.memory_space<vmem>>)
      tpu.yield
    }) : () -> ()
    "tpu.region"() ({
      %run_scoped3A = tpu.sem_alloc : memref<!tpu.dma_semaphore, #tpu.memory_space<semaphore_mem>>
      %dma_start3A_165 = tpu.memref_slice %arg4[%mul3A_0] : memref<802944xi32, #tpu.memory_space<hbm>> -> memref<64xi32, #tpu.memory_space<hbm>>
      %dma_start3A_166 = tpu.memref_slice %arg4[%mul3A_0] : memref<802944xi32, #tpu.memory_space<hbm>> -> memref<64xi32, #tpu.memory_space<hbm>>
      tpu.enqueue_dma source(%dma_start3A_166 : memref<64xi32, #tpu.memory_space<hbm>>) target(%arg9 : memref<64xi32, #tpu.memory_space<vmem>>) target_semaphore(%run_scoped3A : memref<!tpu.dma_semaphore, #tpu.memory_space<semaphore_mem>>)
      %dma_wait3A_167 = tpu.memref_slice %arg4[%mul3A_0] : memref<802944xi32, #tpu.memory_space<hbm>> -> memref<64xi32, #tpu.memory_space<hbm>>
      %dma_wait3A_168 = tpu.memref_slice %arg4[%mul3A_0] : memref<802944xi32, #tpu.memory_space<hbm>> -> memref<64xi32, #tpu.memory_space<hbm>>
      tpu.wait_dma2 semaphore(%run_scoped3A : memref<!tpu.dma_semaphore, #tpu.memory_space<semaphore_mem>>) src(%dma_wait3A_168 : memref<64xi32, #tpu.memory_space<hbm>>) dst(%arg9 : memref<64xi32, #tpu.memory_space<vmem>>)
      tpu.yield
    }) : () -> ()
    %get3A_90 = arith.constant 0 : index
    %get3A_91 = tpu.vector_load %arg9[%get3A_90] {strides = array<i32>} : memref<64xi32, #tpu.memory_space<vmem>>, vector<16xi32>,
    %sub3A_92 = vector.broadcast %mul3A_83 : i32 to vector<16xi32>
    %sub3A_93 = arith.subi %get3A_91, %sub3A_92 : vector<16xi32>
    %ge3A_94 = arith.constant 0 : i32
    %ge3A_95 = vector.broadcast %ge3A_94 : i32 to vector<16xi32>
    %ge3A_96 = arith.cmpi sge, %sub3A_93, %ge3A_95 : vector<16xi32>
    %lt3A_97 = arith.constant 12800 : i32
    %lt3A_98 = vector.broadcast %lt3A_97 : i32 to vector<16xi32>
    %lt3A_99 = arith.cmpi slt, %sub3A_93, %lt3A_98 : vector<16xi32>
    %and3A_100 = arith.andi %ge3A_96, %lt3A_99 : vector<16xi1>
    %select_n3A_101 = arith.select %and3A_100, %sub3A_93, %add3A : vector<16xi1>, vector<16xi32>
    %swap3A_102 = arith.constant 0 : index
    %swap3A_103 = tpu.vector_load %arg9[%swap3A_102] {strides = array<i32>} : memref<64xi32, #tpu.memory_space<vmem>>, vector<16xi32>,
    tpu.vector_store %arg9[%swap3A_102], %select_n3A_101 {strides = array<i32>} : memref<64xi32, #tpu.memory_space<vmem>>, vector<16xi32>,
    %get3A_104 = arith.constant 16 : index
    %get3A_105 = tpu.vector_load %arg9[%get3A_104] {strides = array<i32>} : memref<64xi32, #tpu.memory_space<vmem>>, vector<16xi32>,
    %sub3A_106 = vector.broadcast %mul3A_83 : i32 to vector<16xi32>
    %sub3A_107 = arith.subi %get3A_105, %sub3A_106 : vector<16xi32>
    %ge3A_108 = arith.constant 0 : i32
    %ge3A_109 = vector.broadcast %ge3A_108 : i32 to vector<16xi32>
    %ge3A_110 = arith.cmpi sge, %sub3A_107, %ge3A_109 : vector<16xi32>
    %lt3A_111 = arith.constant 12800 : i32
    %lt3A_112 = vector.broadcast %lt3A_111 : i32 to vector<16xi32>
    %lt3A_113 = arith.cmpi slt, %sub3A_107, %lt3A_112 : vector<16xi32>
    %and3A_114 = arith.andi %ge3A_110, %lt3A_113 : vector<16xi1>
    %select_n3A_115 = arith.select %and3A_114, %sub3A_107, %add3A : vector<16xi1>, vector<16xi32>
    %swap3A_116 = arith.constant 16 : index
    %swap3A_117 = tpu.vector_load %arg9[%swap3A_116] {strides = array<i32>} : memref<64xi32, #tpu.memory_space<vmem>>, vector<16xi32>,
    tpu.vector_store %arg9[%swap3A_116], %select_n3A_115 {strides = array<i32>} : memref<64xi32, #tpu.memory_space<vmem>>, vector<16xi32>,
    %get3A_118 = arith.constant 32 : index
    %get3A_119 = tpu.vector_load %arg9[%get3A_118] {strides = array<i32>} : memref<64xi32, #tpu.memory_space<vmem>>, vector<16xi32>,
    %sub3A_120 = vector.broadcast %mul3A_83 : i32 to vector<16xi32>
    %sub3A_121 = arith.subi %get3A_119, %sub3A_120 : vector<16xi32>
    %ge3A_122 = arith.constant 0 : i32
    %ge3A_123 = vector.broadcast %ge3A_122 : i32 to vector<16xi32>
    %ge3A_124 = arith.cmpi sge, %sub3A_121, %ge3A_123 : vector<16xi32>
    %lt3A_125 = arith.constant 12800 : i32
    %lt3A_126 = vector.broadcast %lt3A_125 : i32 to vector<16xi32>
    %lt3A_127 = arith.cmpi slt, %sub3A_121, %lt3A_126 : vector<16xi32>
    %and3A_128 = arith.andi %ge3A_124, %lt3A_127 : vector<16xi1>
    %select_n3A_129 = arith.select %and3A_128, %sub3A_121, %add3A : vector<16xi1>, vector<16xi32>
    %swap3A_130 = arith.constant 32 : index
    %swap3A_131 = tpu.vector_load %arg9[%swap3A_130] {strides = array<i32>} : memref<64xi32, #tpu.memory_space<vmem>>, vector<16xi32>,
    tpu.vector_store %arg9[%swap3A_130], %select_n3A_129 {strides = array<i32>} : memref<64xi32, #tpu.memory_space<vmem>>, vector<16xi32>,
    %get3A_132 = arith.constant 48 : index
    %get3A_133 = tpu.vector_load %arg9[%get3A_132] {strides = array<i32>} : memref<64xi32, #tpu.memory_space<vmem>>, vector<16xi32>,
    %sub3A_134 = vector.broadcast %mul3A_83 : i32 to vector<16xi32>
    %sub3A_135 = arith.subi %get3A_133, %sub3A_134 : vector<16xi32>
    %ge3A_136 = arith.constant 0 : i32
    %ge3A_137 = vector.broadcast %ge3A_136 : i32 to vector<16xi32>
    %ge3A_138 = arith.cmpi sge, %sub3A_135, %ge3A_137 : vector<16xi32>
    %lt3A_139 = arith.constant 12800 : i32
    %lt3A_140 = vector.broadcast %lt3A_139 : i32 to vector<16xi32>
    %lt3A_141 = arith.cmpi slt, %sub3A_135, %lt3A_140 : vector<16xi32>
    %and3A_142 = arith.andi %ge3A_138, %lt3A_141 : vector<16xi1>
    %select_n3A_143 = arith.select %and3A_142, %sub3A_135, %add3A : vector<16xi1>, vector<16xi32>
    %swap3A_144 = arith.constant 48 : index
    %swap3A_145 = tpu.vector_load %arg9[%swap3A_144] {strides = array<i32>} : memref<64xi32, #tpu.memory_space<vmem>>, vector<16xi32>,
    tpu.vector_store %arg9[%swap3A_144], %select_n3A_143 {strides = array<i32>} : memref<64xi32, #tpu.memory_space<vmem>>, vector<16xi32>,
    %dma_start3A_146 = arith.constant 0 : i32
    %dma_start3A_147 = arith.constant 0 : i32
    %dma_start3A_148 = tpu.memref_slice %arg2[%dma_start3A_146, %dma_start3A_147] : memref<51200x128xf32, #tpu.memory_space<hbm>> -> memref<51200x128xf32, #tpu.memory_space<hbm>>
    tpu.enqueue_indirect_dma source(%dma_start3A_148 : memref<51200x128xf32, #tpu.memory_space<hbm>>) target(%arg11 : memref<64x128xf32, #tpu.memory_space<vmem>>) offsets(%arg7 : memref<64xi32, #tpu.memory_space<vmem>>) semaphore(%arg13 : memref<!tpu.dma_semaphore, #tpu.memory_space<semaphore_mem>>)
    %scan3A_149 = arith.constant 0 : i32
    %scan3A_150 = arith.constant 0 : i32
    %scan3A_151 = arith.constant 392 : i32
    %scan3A_152 = arith.addi %scan3A_150, %scan3A_151 : i32
    %scan3A_153 = arith.constant 1 : i32
    scf.for %scan3A_165 = %scan3A_150 to %scan3A_152 step %scan3A_153  : i32 {
      %mul3A_166 = arith.constant 2 : i32
      %mul3A_167 = arith.muli %mul3A_166, %scan3A_165 : i32
      %add3A_168 = arith.constant 1 : i32
      %add3A_169 = arith.addi %mul3A_167, %add3A_168 : i32
      %mul3A_170 = arith.constant 64 : i32
      %mul3A_171 = arith.muli %add3A_169, %mul3A_170 : i32
      %add3A_172 = arith.addi %mul3A_0, %mul3A_171 : i32
      "tpu.region"() ({
        %run_scoped3A = tpu.sem_alloc : memref<!tpu.dma_semaphore, #tpu.memory_space<semaphore_mem>>
        %dma_start3A_304 = tpu.memref_slice %arg3[%add3A_172] : memref<802944xi32, #tpu.memory_space<hbm>> -> memref<64xi32, #tpu.memory_space<hbm>>
        %dma_start3A_305 = tpu.memref_slice %arg3[%add3A_172] : memref<802944xi32, #tpu.memory_space<hbm>> -> memref<64xi32, #tpu.memory_space<hbm>>
        tpu.enqueue_dma source(%dma_start3A_305 : memref<64xi32, #tpu.memory_space<hbm>>) target(%arg8 : memref<64xi32, #tpu.memory_space<vmem>>) target_semaphore(%run_scoped3A : memref<!tpu.dma_semaphore, #tpu.memory_space<semaphore_mem>>)
        %dma_wait3A_306 = tpu.memref_slice %arg3[%add3A_172] : memref<802944xi32, #tpu.memory_space<hbm>> -> memref<64xi32, #tpu.memory_space<hbm>>
        %dma_wait3A_307 = tpu.memref_slice %arg3[%add3A_172] : memref<802944xi32, #tpu.memory_space<hbm>> -> memref<64xi32, #tpu.memory_space<hbm>>
        tpu.wait_dma2 semaphore(%run_scoped3A : memref<!tpu.dma_semaphore, #tpu.memory_space<semaphore_mem>>) src(%dma_wait3A_307 : memref<64xi32, #tpu.memory_space<hbm>>) dst(%arg8 : memref<64xi32, #tpu.memory_space<vmem>>)
        tpu.yield
      }) : () -> ()
      "tpu.region"() ({
        %run_scoped3A = tpu.sem_alloc : memref<!tpu.dma_semaphore, #tpu.memory_space<semaphore_mem>>
        %dma_start3A_304 = tpu.memref_slice %arg4[%add3A_172] : memref<802944xi32, #tpu.memory_space<hbm>> -> memref<64xi32, #tpu.memory_space<hbm>>
        %dma_start3A_305 = tpu.memref_slice %arg4[%add3A_172] : memref<802944xi32, #tpu.memory_space<hbm>> -> memref<64xi32, #tpu.memory_space<hbm>>
        tpu.enqueue_dma source(%dma_start3A_305 : memref<64xi32, #tpu.memory_space<hbm>>) target(%arg10 : memref<64xi32, #tpu.memory_space<vmem>>) target_semaphore(%run_scoped3A : memref<!tpu.dma_semaphore, #tpu.memory_space<semaphore_mem>>)
        %dma_wait3A_306 = tpu.memref_slice %arg4[%add3A_172] : memref<802944xi32, #tpu.memory_space<hbm>> -> memref<64xi32, #tpu.memory_space<hbm>>
        %dma_wait3A_307 = tpu.memref_slice %arg4[%add3A_172] : memref<802944xi32, #tpu.memory_space<hbm>> -> memref<64xi32, #tpu.memory_space<hbm>>
        tpu.wait_dma2 semaphore(%run_scoped3A : memref<!tpu.dma_semaphore, #tpu.memory_space<semaphore_mem>>) src(%dma_wait3A_307 : memref<64xi32, #tpu.memory_space<hbm>>) dst(%arg10 : memref<64xi32, #tpu.memory_space<vmem>>)
        tpu.yield
      }) : () -> ()
      %get3A_173 = arith.constant 0 : index
      %get3A_174 = tpu.vector_load %arg10[%get3A_173] {strides = array<i32>} : memref<64xi32, #tpu.memory_space<vmem>>, vector<16xi32>,
      %sub3A_175 = vector.broadcast %mul3A_83 : i32 to vector<16xi32>
      %sub3A_176 = arith.subi %get3A_174, %sub3A_175 : vector<16xi32>
      %ge3A_177 = arith.constant 0 : i32
      %ge3A_178 = vector.broadcast %ge3A_177 : i32 to vector<16xi32>
      %ge3A_179 = arith.cmpi sge, %sub3A_176, %ge3A_178 : vector<16xi32>
      %lt3A_180 = arith.constant 12800 : i32
      %lt3A_181 = vector.broadcast %lt3A_180 : i32 to vector<16xi32>
      %lt3A_182 = arith.cmpi slt, %sub3A_176, %lt3A_181 : vector<16xi32>
      %and3A_183 = arith.andi %ge3A_179, %lt3A_182 : vector<16xi1>
      %select_n3A_184 = arith.select %and3A_183, %sub3A_176, %add3A : vector<16xi1>, vector<16xi32>
      %swap3A_185 = arith.constant 0 : index
      %swap3A_186 = tpu.vector_load %arg10[%swap3A_185] {strides = array<i32>} : memref<64xi32, #tpu.memory_space<vmem>>, vector<16xi32>,
      tpu.vector_store %arg10[%swap3A_185], %select_n3A_184 {strides = array<i32>} : memref<64xi32, #tpu.memory_space<vmem>>, vector<16xi32>,
      %get3A_187 = arith.constant 16 : index
      %get3A_188 = tpu.vector_load %arg10[%get3A_187] {strides = array<i32>} : memref<64xi32, #tpu.memory_space<vmem>>, vector<16xi32>,
      %sub3A_189 = vector.broadcast %mul3A_83 : i32 to vector<16xi32>
      %sub3A_190 = arith.subi %get3A_188, %sub3A_189 : vector<16xi32>
      %ge3A_191 = arith.constant 0 : i32
      %ge3A_192 = vector.broadcast %ge3A_191 : i32 to vector<16xi32>
      %ge3A_193 = arith.cmpi sge, %sub3A_190, %ge3A_192 : vector<16xi32>
      %lt3A_194 = arith.constant 12800 : i32
      %lt3A_195 = vector.broadcast %lt3A_194 : i32 to vector<16xi32>
      %lt3A_196 = arith.cmpi slt, %sub3A_190, %lt3A_195 : vector<16xi32>
      %and3A_197 = arith.andi %ge3A_193, %lt3A_196 : vector<16xi1>
      %select_n3A_198 = arith.select %and3A_197, %sub3A_190, %add3A : vector<16xi1>, vector<16xi32>
      %swap3A_199 = arith.constant 16 : index
      %swap3A_200 = tpu.vector_load %arg10[%swap3A_199] {strides = array<i32>} : memref<64xi32, #tpu.memory_space<vmem>>, vector<16xi32>,
      tpu.vector_store %arg10[%swap3A_199], %select_n3A_198 {strides = array<i32>} : memref<64xi32, #tpu.memory_space<vmem>>, vector<16xi32>,
      %get3A_201 = arith.constant 32 : index
      %get3A_202 = tpu.vector_load %arg10[%get3A_201] {strides = array<i32>} : memref<64xi32, #tpu.memory_space<vmem>>, vector<16xi32>,
      %sub3A_203 = vector.broadcast %mul3A_83 : i32 to vector<16xi32>
      %sub3A_204 = arith.subi %get3A_202, %sub3A_203 : vector<16xi32>
      %ge3A_205 = arith.constant 0 : i32
      %ge3A_206 = vector.broadcast %ge3A_205 : i32 to vector<16xi32>
      %ge3A_207 = arith.cmpi sge, %sub3A_204, %ge3A_206 : vector<16xi32>
      %lt3A_208 = arith.constant 12800 : i32
      %lt3A_209 = vector.broadcast %lt3A_208 : i32 to vector<16xi32>
      %lt3A_210 = arith.cmpi slt, %sub3A_204, %lt3A_209 : vector<16xi32>
      %and3A_211 = arith.andi %ge3A_207, %lt3A_210 : vector<16xi1>
      %select_n3A_212 = arith.select %and3A_211, %sub3A_204, %add3A : vector<16xi1>, vector<16xi32>
      %swap3A_213 = arith.constant 32 : index
      %swap3A_214 = tpu.vector_load %arg10[%swap3A_213] {strides = array<i32>} : memref<64xi32, #tpu.memory_space<vmem>>, vector<16xi32>,
      tpu.vector_store %arg10[%swap3A_213], %select_n3A_212 {strides = array<i32>} : memref<64xi32, #tpu.memory_space<vmem>>, vector<16xi32>,
      %get3A_215 = arith.constant 48 : index
      %get3A_216 = tpu.vector_load %arg10[%get3A_215] {strides = array<i32>} : memref<64xi32, #tpu.memory_space<vmem>>, vector<16xi32>,
      %sub3A_217 = vector.broadcast %mul3A_83 : i32 to vector<16xi32>
      %sub3A_218 = arith.subi %get3A_216, %sub3A_217 : vector<16xi32>
      %ge3A_219 = arith.constant 0 : i32
      %ge3A_220 = vector.broadcast %ge3A_219 : i32 to vector<16xi32>
      %ge3A_221 = arith.cmpi sge, %sub3A_218, %ge3A_220 : vector<16xi32>
      %lt3A_222 = arith.constant 12800 : i32
      %lt3A_223 = vector.broadcast %lt3A_222 : i32 to vector<16xi32>
      %lt3A_224 = arith.cmpi slt, %sub3A_218, %lt3A_223 : vector<16xi32>
      %and3A_225 = arith.andi %ge3A_221, %lt3A_224 : vector<16xi1>
      %select_n3A_226 = arith.select %and3A_225, %sub3A_218, %add3A : vector<16xi1>, vector<16xi32>
      %swap3A_227 = arith.constant 48 : index
      %swap3A_228 = tpu.vector_load %arg10[%swap3A_227] {strides = array<i32>} : memref<64xi32, #tpu.memory_space<vmem>>, vector<16xi32>,
      tpu.vector_store %arg10[%swap3A_227], %select_n3A_226 {strides = array<i32>} : memref<64xi32, #tpu.memory_space<vmem>>, vector<16xi32>,
      %dma_start3A_229 = arith.constant 0 : i32
      %dma_start3A_230 = arith.constant 0 : i32
      %dma_start3A_231 = tpu.memref_slice %arg2[%dma_start3A_229, %dma_start3A_230] : memref<51200x128xf32, #tpu.memory_space<hbm>> -> memref<51200x128xf32, #tpu.memory_space<hbm>>
      tpu.enqueue_indirect_dma source(%dma_start3A_231 : memref<51200x128xf32, #tpu.memory_space<hbm>>) target(%arg12 : memref<64x128xf32, #tpu.memory_space<vmem>>) offsets(%arg8 : memref<64xi32, #tpu.memory_space<vmem>>) semaphore(%arg14 : memref<!tpu.dma_semaphore, #tpu.memory_space<semaphore_mem>>)
      %dma_wait3A_232 = arith.constant 0 : i32
      %dma_wait3A_233 = arith.constant 0 : i32
      %dma_wait3A_234 = tpu.memref_slice %arg2[%dma_wait3A_232, %dma_wait3A_233] : memref<51200x128xf32, #tpu.memory_space<hbm>> -> memref<51200x128xf32, #tpu.memory_space<hbm>>
      tpu.wait_indirect_dma semaphore(%arg13 : memref<!tpu.dma_semaphore, #tpu.memory_space<semaphore_mem>>) src(%dma_wait3A_234 : memref<51200x128xf32, #tpu.memory_space<hbm>>) dst(%arg11 : memref<64x128xf32, #tpu.memory_space<vmem>>)
      "tpu.region"() ({
        %run_scoped3A = tpu.sem_alloc : memref<!tpu.dma_semaphore, #tpu.memory_space<semaphore_mem>>
        %dma_start3A_304 = arith.constant 0 : i32
        %dma_start3A_305 = arith.constant 0 : i32
        %dma_start3A_306 = tpu.memref_slice %arg6[%dma_start3A_304, %dma_start3A_305] : memref<12816x128xf32, #tpu.memory_space<vmem_shared>> -> memref<12816x128xf32, #tpu.memory_space<vmem_shared>>
        tpu.enqueue_indirect_dma source(%arg11 : memref<64x128xf32, #tpu.memory_space<vmem>>) target(%dma_start3A_306 : memref<12816x128xf32, #tpu.memory_space<vmem_shared>>) offsets(%arg9 : memref<64xi32, #tpu.memory_space<vmem>>) semaphore(%run_scoped3A : memref<!tpu.dma_semaphore, #tpu.memory_space<semaphore_mem>>) {add = true}
        %dma_wait3A_307 = arith.constant 0 : i32
        %dma_wait3A_308 = arith.constant 0 : i32
        %dma_wait3A_309 = tpu.memref_slice %arg6[%dma_wait3A_307, %dma_wait3A_308] : memref<12816x128xf32, #tpu.memory_space<vmem_shared>> -> memref<12816x128xf32, #tpu.memory_space<vmem_shared>>
        tpu.wait_indirect_dma semaphore(%run_scoped3A : memref<!tpu.dma_semaphore, #tpu.memory_space<semaphore_mem>>) src(%arg11 : memref<64x128xf32, #tpu.memory_space<vmem>>) dst(%dma_wait3A_309 : memref<12816x128xf32, #tpu.memory_space<vmem_shared>>)
        tpu.yield
      }) : () -> ()
      %mul3A_235 = arith.constant 2 : i32
      %mul3A_236 = arith.muli %mul3A_235, %scan3A_165 : i32
      %add3A_237 = arith.constant 2 : i32
      %add3A_238 = arith.addi %mul3A_236, %add3A_237 : i32
      %mul3A_239 = arith.constant 64 : i32
      %mul3A_240 = arith.muli %add3A_238, %mul3A_239 : i32
      %add3A_241 = arith.addi %mul3A_0, %mul3A_240 : i32
      "tpu.region"() ({
        %run_scoped3A = tpu.sem_alloc : memref<!tpu.dma_semaphore, #tpu.memory_space<semaphore_mem>>
        %dma_start3A_304 = tpu.memref_slice %arg3[%add3A_241] : memref<802944xi32, #tpu.memory_space<hbm>> -> memref<64xi32, #tpu.memory_space<hbm>>
        %dma_start3A_305 = tpu.memref_slice %arg3[%add3A_241] : memref<802944xi32, #tpu.memory_space<hbm>> -> memref<64xi32, #tpu.memory_space<hbm>>
        tpu.enqueue_dma source(%dma_start3A_305 : memref<64xi32, #tpu.memory_space<hbm>>) target(%arg7 : memref<64xi32, #tpu.memory_space<vmem>>) target_semaphore(%run_scoped3A : memref<!tpu.dma_semaphore, #tpu.memory_space<semaphore_mem>>)
        %dma_wait3A_306 = tpu.memref_slice %arg3[%add3A_241] : memref<802944xi32, #tpu.memory_space<hbm>> -> memref<64xi32, #tpu.memory_space<hbm>>
        %dma_wait3A_307 = tpu.memref_slice %arg3[%add3A_241] : memref<802944xi32, #tpu.memory_space<hbm>> -> memref<64xi32, #tpu.memory_space<hbm>>
        tpu.wait_dma2 semaphore(%run_scoped3A : memref<!tpu.dma_semaphore, #tpu.memory_space<semaphore_mem>>) src(%dma_wait3A_307 : memref<64xi32, #tpu.memory_space<hbm>>) dst(%arg7 : memref<64xi32, #tpu.memory_space<vmem>>)
        tpu.yield
      }) : () -> ()
      "tpu.region"() ({
        %run_scoped3A = tpu.sem_alloc : memref<!tpu.dma_semaphore, #tpu.memory_space<semaphore_mem>>
        %dma_start3A_304 = tpu.memref_slice %arg4[%add3A_241] : memref<802944xi32, #tpu.memory_space<hbm>> -> memref<64xi32, #tpu.memory_space<hbm>>
        %dma_start3A_305 = tpu.memref_slice %arg4[%add3A_241] : memref<802944xi32, #tpu.memory_space<hbm>> -> memref<64xi32, #tpu.memory_space<hbm>>
        tpu.enqueue_dma source(%dma_start3A_305 : memref<64xi32, #tpu.memory_space<hbm>>) target(%arg9 : memref<64xi32, #tpu.memory_space<vmem>>) target_semaphore(%run_scoped3A : memref<!tpu.dma_semaphore, #tpu.memory_space<semaphore_mem>>)
        %dma_wait3A_306 = tpu.memref_slice %arg4[%add3A_241] : memref<802944xi32, #tpu.memory_space<hbm>> -> memref<64xi32, #tpu.memory_space<hbm>>
        %dma_wait3A_307 = tpu.memref_slice %arg4[%add3A_241] : memref<802944xi32, #tpu.memory_space<hbm>> -> memref<64xi32, #tpu.memory_space<hbm>>
        tpu.wait_dma2 semaphore(%run_scoped3A : memref<!tpu.dma_semaphore, #tpu.memory_space<semaphore_mem>>) src(%dma_wait3A_307 : memref<64xi32, #tpu.memory_space<hbm>>) dst(%arg9 : memref<64xi32, #tpu.memory_space<vmem>>)
        tpu.yield
      }) : () -> ()
      %get3A_242 = arith.constant 0 : index
      %get3A_243 = tpu.vector_load %arg9[%get3A_242] {strides = array<i32>} : memref<64xi32, #tpu.memory_space<vmem>>, vector<16xi32>,
      %sub3A_244 = vector.broadcast %mul3A_83 : i32 to vector<16xi32>
      %sub3A_245 = arith.subi %get3A_243, %sub3A_244 : vector<16xi32>
      %ge3A_246 = arith.constant 0 : i32
      %ge3A_247 = vector.broadcast %ge3A_246 : i32 to vector<16xi32>
      %ge3A_248 = arith.cmpi sge, %sub3A_245, %ge3A_247 : vector<16xi32>
      %lt3A_249 = arith.constant 12800 : i32
      %lt3A_250 = vector.broadcast %lt3A_249 : i32 to vector<16xi32>
      %lt3A_251 = arith.cmpi slt, %sub3A_245, %lt3A_250 : vector<16xi32>
      %and3A_252 = arith.andi %ge3A_248, %lt3A_251 : vector<16xi1>
      %select_n3A_253 = arith.select %and3A_252, %sub3A_245, %add3A : vector<16xi1>, vector<16xi32>
      %swap3A_254 = arith.constant 0 : index
      %swap3A_255 = tpu.vector_load %arg9[%swap3A_254] {strides = array<i32>} : memref<64xi32, #tpu.memory_space<vmem>>, vector<16xi32>,
      tpu.vector_store %arg9[%swap3A_254], %select_n3A_253 {strides = array<i32>} : memref<64xi32, #tpu.memory_space<vmem>>, vector<16xi32>,
      %get3A_256 = arith.constant 16 : index
      %get3A_257 = tpu.vector_load %arg9[%get3A_256] {strides = array<i32>} : memref<64xi32, #tpu.memory_space<vmem>>, vector<16xi32>,
      %sub3A_258 = vector.broadcast %mul3A_83 : i32 to vector<16xi32>
      %sub3A_259 = arith.subi %get3A_257, %sub3A_258 : vector<16xi32>
      %ge3A_260 = arith.constant 0 : i32
      %ge3A_261 = vector.broadcast %ge3A_260 : i32 to vector<16xi32>
      %ge3A_262 = arith.cmpi sge, %sub3A_259, %ge3A_261 : vector<16xi32>
      %lt3A_263 = arith.constant 12800 : i32
      %lt3A_264 = vector.broadcast %lt3A_263 : i32 to vector<16xi32>
      %lt3A_265 = arith.cmpi slt, %sub3A_259, %lt3A_264 : vector<16xi32>
      %and3A_266 = arith.andi %ge3A_262, %lt3A_265 : vector<16xi1>
      %select_n3A_267 = arith.select %and3A_266, %sub3A_259, %add3A : vector<16xi1>, vector<16xi32>
      %swap3A_268 = arith.constant 16 : index
      %swap3A_269 = tpu.vector_load %arg9[%swap3A_268] {strides = array<i32>} : memref<64xi32, #tpu.memory_space<vmem>>, vector<16xi32>,
      tpu.vector_store %arg9[%swap3A_268], %select_n3A_267 {strides = array<i32>} : memref<64xi32, #tpu.memory_space<vmem>>, vector<16xi32>,
      %get3A_270 = arith.constant 32 : index
      %get3A_271 = tpu.vector_load %arg9[%get3A_270] {strides = array<i32>} : memref<64xi32, #tpu.memory_space<vmem>>, vector<16xi32>,
      %sub3A_272 = vector.broadcast %mul3A_83 : i32 to vector<16xi32>
      %sub3A_273 = arith.subi %get3A_271, %sub3A_272 : vector<16xi32>
      %ge3A_274 = arith.constant 0 : i32
      %ge3A_275 = vector.broadcast %ge3A_274 : i32 to vector<16xi32>
      %ge3A_276 = arith.cmpi sge, %sub3A_273, %ge3A_275 : vector<16xi32>
      %lt3A_277 = arith.constant 12800 : i32
      %lt3A_278 = vector.broadcast %lt3A_277 : i32 to vector<16xi32>
      %lt3A_279 = arith.cmpi slt, %sub3A_273, %lt3A_278 : vector<16xi32>
      %and3A_280 = arith.andi %ge3A_276, %lt3A_279 : vector<16xi1>
      %select_n3A_281 = arith.select %and3A_280, %sub3A_273, %add3A : vector<16xi1>, vector<16xi32>
      %swap3A_282 = arith.constant 32 : index
      %swap3A_283 = tpu.vector_load %arg9[%swap3A_282] {strides = array<i32>} : memref<64xi32, #tpu.memory_space<vmem>>, vector<16xi32>,
      tpu.vector_store %arg9[%swap3A_282], %select_n3A_281 {strides = array<i32>} : memref<64xi32, #tpu.memory_space<vmem>>, vector<16xi32>,
      %get3A_284 = arith.constant 48 : index
      %get3A_285 = tpu.vector_load %arg9[%get3A_284] {strides = array<i32>} : memref<64xi32, #tpu.memory_space<vmem>>, vector<16xi32>,
      %sub3A_286 = vector.broadcast %mul3A_83 : i32 to vector<16xi32>
      %sub3A_287 = arith.subi %get3A_285, %sub3A_286 : vector<16xi32>
      %ge3A_288 = arith.constant 0 : i32
      %ge3A_289 = vector.broadcast %ge3A_288 : i32 to vector<16xi32>
      %ge3A_290 = arith.cmpi sge, %sub3A_287, %ge3A_289 : vector<16xi32>
      %lt3A_291 = arith.constant 12800 : i32
      %lt3A_292 = vector.broadcast %lt3A_291 : i32 to vector<16xi32>
      %lt3A_293 = arith.cmpi slt, %sub3A_287, %lt3A_292 : vector<16xi32>
      %and3A_294 = arith.andi %ge3A_290, %lt3A_293 : vector<16xi1>
      %select_n3A_295 = arith.select %and3A_294, %sub3A_287, %add3A : vector<16xi1>, vector<16xi32>
      %swap3A_296 = arith.constant 48 : index
      %swap3A_297 = tpu.vector_load %arg9[%swap3A_296] {strides = array<i32>} : memref<64xi32, #tpu.memory_space<vmem>>, vector<16xi32>,
      tpu.vector_store %arg9[%swap3A_296], %select_n3A_295 {strides = array<i32>} : memref<64xi32, #tpu.memory_space<vmem>>, vector<16xi32>,
      %dma_start3A_298 = arith.constant 0 : i32
      %dma_start3A_299 = arith.constant 0 : i32
      %dma_start3A_300 = tpu.memref_slice %arg2[%dma_start3A_298, %dma_start3A_299] : memref<51200x128xf32, #tpu.memory_space<hbm>> -> memref<51200x128xf32, #tpu.memory_space<hbm>>
      tpu.enqueue_indirect_dma source(%dma_start3A_300 : memref<51200x128xf32, #tpu.memory_space<hbm>>) target(%arg11 : memref<64x128xf32, #tpu.memory_space<vmem>>) offsets(%arg7 : memref<64xi32, #tpu.memory_space<vmem>>) semaphore(%arg13 : memref<!tpu.dma_semaphore, #tpu.memory_space<semaphore_mem>>)
      %dma_wait3A_301 = arith.constant 0 : i32
      %dma_wait3A_302 = arith.constant 0 : i32
      %dma_wait3A_303 = tpu.memref_slice %arg2[%dma_wait3A_301, %dma_wait3A_302] : memref<51200x128xf32, #tpu.memory_space<hbm>> -> memref<51200x128xf32, #tpu.memory_space<hbm>>
      tpu.wait_indirect_dma semaphore(%arg14 : memref<!tpu.dma_semaphore, #tpu.memory_space<semaphore_mem>>) src(%dma_wait3A_303 : memref<51200x128xf32, #tpu.memory_space<hbm>>) dst(%arg12 : memref<64x128xf32, #tpu.memory_space<vmem>>)
      "tpu.region"() ({
        %run_scoped3A = tpu.sem_alloc : memref<!tpu.dma_semaphore, #tpu.memory_space<semaphore_mem>>
        %dma_start3A_304 = arith.constant 0 : i32
        %dma_start3A_305 = arith.constant 0 : i32
        %dma_start3A_306 = tpu.memref_slice %arg6[%dma_start3A_304, %dma_start3A_305] : memref<12816x128xf32, #tpu.memory_space<vmem_shared>> -> memref<12816x128xf32, #tpu.memory_space<vmem_shared>>
        tpu.enqueue_indirect_dma source(%arg12 : memref<64x128xf32, #tpu.memory_space<vmem>>) target(%dma_start3A_306 : memref<12816x128xf32, #tpu.memory_space<vmem_shared>>) offsets(%arg10 : memref<64xi32, #tpu.memory_space<vmem>>) semaphore(%run_scoped3A : memref<!tpu.dma_semaphore, #tpu.memory_space<semaphore_mem>>) {add = true}
        %dma_wait3A_307 = arith.constant 0 : i32
        %dma_wait3A_308 = arith.constant 0 : i32
        %dma_wait3A_309 = tpu.memref_slice %arg6[%dma_wait3A_307, %dma_wait3A_308] : memref<12816x128xf32, #tpu.memory_space<vmem_shared>> -> memref<12816x128xf32, #tpu.memory_space<vmem_shared>>
        tpu.wait_indirect_dma semaphore(%run_scoped3A : memref<!tpu.dma_semaphore, #tpu.memory_space<semaphore_mem>>) src(%arg12 : memref<64x128xf32, #tpu.memory_space<vmem>>) dst(%dma_wait3A_309 : memref<12816x128xf32, #tpu.memory_space<vmem_shared>>)
        tpu.yield
      }) : () -> ()
    }
    %scan3A_154 = arith.constant 392 : i32
    %dma_wait3A_155 = arith.constant 0 : i32
    %dma_wait3A_156 = arith.constant 0 : i32
    %dma_wait3A_157 = tpu.memref_slice %arg2[%dma_wait3A_155, %dma_wait3A_156] : memref<51200x128xf32, #tpu.memory_space<hbm>> -> memref<51200x128xf32, #tpu.memory_space<hbm>>
    tpu.wait_indirect_dma semaphore(%arg13 : memref<!tpu.dma_semaphore, #tpu.memory_space<semaphore_mem>>) src(%dma_wait3A_157 : memref<51200x128xf32, #tpu.memory_space<hbm>>) dst(%arg11 : memref<64x128xf32, #tpu.memory_space<vmem>>)
    %barrier3A_158 = arith.constant 0 : index
    tpu.barrier barrier_id(%barrier3A_158)
    %mul3A_159 = arith.constant 800 : i32
    %mul3A_160 = arith.muli %arg1, %mul3A_159 : i32
    %mul3A_161 = arith.constant 800 : i32
    %mul3A_162 = arith.muli %arg1, %mul3A_161 : i32
    %add3A_163 = arith.addi %mul3A_83, %mul3A_162 : i32
    "tpu.region"() ({
      %run_scoped3A = tpu.sem_alloc : memref<!tpu.dma_semaphore, #tpu.memory_space<semaphore_mem>>
      %dma_start3A_165 = arith.constant 0 : i32
      %dma_start3A_166 = tpu.memref_slice %arg5[%add3A_163, %dma_start3A_165] : memref<51200x128xf32, #tpu.memory_space<hbm>> -> memref<800x128xf32, #tpu.memory_space<hbm>>
      %dma_start3A_167 = arith.constant 0 : i32
      %dma_start3A_168 = tpu.memref_slice %arg6[%mul3A_160, %dma_start3A_167] : memref<12816x128xf32, #tpu.memory_space<vmem_shared>> -> memref<800x128xf32, #tpu.memory_space<vmem_shared>>
      tpu.enqueue_dma source(%dma_start3A_168 : memref<800x128xf32, #tpu.memory_space<vmem_shared>>) target(%dma_start3A_166 : memref<800x128xf32, #tpu.memory_space<hbm>>) target_semaphore(%run_scoped3A : memref<!tpu.dma_semaphore, #tpu.memory_space<semaphore_mem>>)
      %dma_wait3A_169 = arith.constant 0 : i32
      %dma_wait3A_170 = tpu.memref_slice %arg5[%add3A_163, %dma_wait3A_169] : memref<51200x128xf32, #tpu.memory_space<hbm>> -> memref<800x128xf32, #tpu.memory_space<hbm>>
      %dma_wait3A_171 = arith.constant 0 : i32
      %dma_wait3A_172 = tpu.memref_slice %arg6[%mul3A_160, %dma_wait3A_171] : memref<12816x128xf32, #tpu.memory_space<vmem_shared>> -> memref<800x128xf32, #tpu.memory_space<vmem_shared>>
      tpu.wait_dma2 semaphore(%run_scoped3A : memref<!tpu.dma_semaphore, #tpu.memory_space<semaphore_mem>>) src(%dma_wait3A_172 : memref<800x128xf32, #tpu.memory_space<vmem_shared>>) dst(%dma_wait3A_170 : memref<800x128xf32, #tpu.memory_space<hbm>>)
      tpu.yield
    }) : () -> ()
    %barrier3A_164 = arith.constant 0 : index
    tpu.barrier barrier_id(%barrier3A_164)
    return
  }
}

#map = affine_map<(d0, d1) -> (0, 0)>
#map1 = affine_map<(d0, d1) -> (0)>
module attributes {stable_mosaic.version = 14 : i64} {
  func.func @_agg_body(%arg0: i32, %arg1: i32, %arg2: memref<51200x128xf32, #tpu.memory_space<hbm>>, %arg3: memref<802944xi32, #tpu.memory_space<hbm>>, %arg4: memref<802944xi32, #tpu.memory_space<hbm>>, %arg5: memref<51200x128xf32, #tpu.memory_space<hbm>>, %arg6: memref<12816x128xf32, #tpu.memory_space<vmem_shared>>, %arg7: memref<64xi32, #tpu.memory_space<vmem>>, %arg8: memref<64xi32, #tpu.memory_space<vmem>>, %arg9: memref<64xi32, #tpu.memory_space<vmem>>, %arg10: memref<64xi32, #tpu.memory_space<vmem>>, %arg11: memref<64x128xf32, #tpu.memory_space<vmem>>, %arg12: memref<64x128xf32, #tpu.memory_space<vmem>>, %arg13: memref<!tpu.dma_semaphore, #tpu.memory_space<semaphore_mem>>, %arg14: memref<!tpu.dma_semaphore, #tpu.memory_space<semaphore_mem>>) attributes {dimension_semantics = [#tpu.dimension_semantics<core_parallel>, #tpu.dimension_semantics<subcore_parallel>], iteration_bounds = array<i64: 2, 16>, scalar_prefetch = 0 : i64, scratch_operands = 9 : i64, tpu.core_type = #tpu.core_type<sc_vector_subcore>, window_params = [{transform_indices = #map}, {transform_indices = #map1}, {transform_indices = #map1}, {transform_indices = #map}]} {
    %mul3A = arith.constant 50176 : i32
    %mul3A_0 = arith.muli %arg1, %mul3A : i32
    %broadcast_in_dim3A = arith.constant 12800 : i32
    %broadcast_in_dim3A_1 = vector.broadcast %broadcast_in_dim3A : i32 to vector<16xi32>
    %iota3A = tpu.iota {dimensions = array<i32: 0>} : vector<16xi32>
    %add3A = arith.addi %broadcast_in_dim3A_1, %iota3A : vector<16xi32>
    %mul3A_2 = arith.constant 2 : i32
    %mul3A_3 = arith.muli %arg0, %mul3A_2 : i32
    %add3A_4 = arith.constant 0 : i32
    %add3A_5 = arith.addi %mul3A_3, %add3A_4 : i32
    %mul3A_6 = arith.constant 12800 : i32
    %mul3A_7 = arith.muli %add3A_5, %mul3A_6 : i32
    %mul3A_8 = arith.constant 800 : i32
    %mul3A_9 = arith.muli %arg1, %mul3A_8 : i32
    %add3A_10 = arith.addi %mul3A_7, %mul3A_9 : i32
    %mul3A_11 = arith.constant 800 : i32
    %mul3A_12 = arith.muli %arg1, %mul3A_11 : i32
    "tpu.region"() ({
      %run_scoped3A = tpu.sem_alloc : memref<!tpu.dma_semaphore, #tpu.memory_space<semaphore_mem>>
      %dma_start3A_165 = arith.constant 0 : i32
      %dma_start3A_166 = tpu.memref_slice %arg6[%mul3A_12, %dma_start3A_165] : memref<12816x128xf32, #tpu.memory_space<vmem_shared>> -> memref<800x128xf32, #tpu.memory_space<vmem_shared>>
      %dma_start3A_167 = arith.constant 0 : i32
      %dma_start3A_168 = tpu.memref_slice %arg2[%add3A_10, %dma_start3A_167] : memref<51200x128xf32, #tpu.memory_space<hbm>> -> memref<800x128xf32, #tpu.memory_space<hbm>>
      tpu.enqueue_dma source(%dma_start3A_168 : memref<800x128xf32, #tpu.memory_space<hbm>>) target(%dma_start3A_166 : memref<800x128xf32, #tpu.memory_space<vmem_shared>>) target_semaphore(%run_scoped3A : memref<!tpu.dma_semaphore, #tpu.memory_space<semaphore_mem>>)
      %dma_wait3A_169 = arith.constant 0 : i32
      %dma_wait3A_170 = tpu.memref_slice %arg6[%mul3A_12, %dma_wait3A_169] : memref<12816x128xf32, #tpu.memory_space<vmem_shared>> -> memref<800x128xf32, #tpu.memory_space<vmem_shared>>
      %dma_wait3A_171 = arith.constant 0 : i32
      %dma_wait3A_172 = tpu.memref_slice %arg2[%add3A_10, %dma_wait3A_171] : memref<51200x128xf32, #tpu.memory_space<hbm>> -> memref<800x128xf32, #tpu.memory_space<hbm>>
      tpu.wait_dma2 semaphore(%run_scoped3A : memref<!tpu.dma_semaphore, #tpu.memory_space<semaphore_mem>>) src(%dma_wait3A_172 : memref<800x128xf32, #tpu.memory_space<hbm>>) dst(%dma_wait3A_170 : memref<800x128xf32, #tpu.memory_space<vmem_shared>>)
      tpu.yield
    }) : () -> ()
    %barrier3A = arith.constant 0 : index
    tpu.barrier barrier_id(%barrier3A)
    "tpu.region"() ({
      %run_scoped3A = tpu.sem_alloc : memref<!tpu.dma_semaphore, #tpu.memory_space<semaphore_mem>>
      %dma_start3A_165 = tpu.memref_slice %arg3[%mul3A_0] : memref<802944xi32, #tpu.memory_space<hbm>> -> memref<64xi32, #tpu.memory_space<hbm>>
      %dma_start3A_166 = tpu.memref_slice %arg3[%mul3A_0] : memref<802944xi32, #tpu.memory_space<hbm>> -> memref<64xi32, #tpu.memory_space<hbm>>
      tpu.enqueue_dma source(%dma_start3A_166 : memref<64xi32, #tpu.memory_space<hbm>>) target(%arg7 : memref<64xi32, #tpu.memory_space<vmem>>) target_semaphore(%run_scoped3A : memref<!tpu.dma_semaphore, #tpu.memory_space<semaphore_mem>>)
      %dma_wait3A_167 = tpu.memref_slice %arg3[%mul3A_0] : memref<802944xi32, #tpu.memory_space<hbm>> -> memref<64xi32, #tpu.memory_space<hbm>>
      %dma_wait3A_168 = tpu.memref_slice %arg3[%mul3A_0] : memref<802944xi32, #tpu.memory_space<hbm>> -> memref<64xi32, #tpu.memory_space<hbm>>
      tpu.wait_dma2 semaphore(%run_scoped3A : memref<!tpu.dma_semaphore, #tpu.memory_space<semaphore_mem>>) src(%dma_wait3A_168 : memref<64xi32, #tpu.memory_space<hbm>>) dst(%arg7 : memref<64xi32, #tpu.memory_space<vmem>>)
      tpu.yield
    }) : () -> ()
    "tpu.region"() ({
      %run_scoped3A = tpu.sem_alloc : memref<!tpu.dma_semaphore, #tpu.memory_space<semaphore_mem>>
      %dma_start3A_165 = tpu.memref_slice %arg4[%mul3A_0] : memref<802944xi32, #tpu.memory_space<hbm>> -> memref<64xi32, #tpu.memory_space<hbm>>
      %dma_start3A_166 = tpu.memref_slice %arg4[%mul3A_0] : memref<802944xi32, #tpu.memory_space<hbm>> -> memref<64xi32, #tpu.memory_space<hbm>>
      tpu.enqueue_dma source(%dma_start3A_166 : memref<64xi32, #tpu.memory_space<hbm>>) target(%arg9 : memref<64xi32, #tpu.memory_space<vmem>>) target_semaphore(%run_scoped3A : memref<!tpu.dma_semaphore, #tpu.memory_space<semaphore_mem>>)
      %dma_wait3A_167 = tpu.memref_slice %arg4[%mul3A_0] : memref<802944xi32, #tpu.memory_space<hbm>> -> memref<64xi32, #tpu.memory_space<hbm>>
      %dma_wait3A_168 = tpu.memref_slice %arg4[%mul3A_0] : memref<802944xi32, #tpu.memory_space<hbm>> -> memref<64xi32, #tpu.memory_space<hbm>>
      tpu.wait_dma2 semaphore(%run_scoped3A : memref<!tpu.dma_semaphore, #tpu.memory_space<semaphore_mem>>) src(%dma_wait3A_168 : memref<64xi32, #tpu.memory_space<hbm>>) dst(%arg9 : memref<64xi32, #tpu.memory_space<vmem>>)
      tpu.yield
    }) : () -> ()
    %get3A = arith.constant 0 : index
    %get3A_13 = tpu.vector_load %arg9[%get3A] {strides = array<i32>} : memref<64xi32, #tpu.memory_space<vmem>>, vector<16xi32>,
    %sub3A = vector.broadcast %mul3A_7 : i32 to vector<16xi32>
    %sub3A_14 = arith.subi %get3A_13, %sub3A : vector<16xi32>
    %ge3A = arith.constant 0 : i32
    %ge3A_15 = vector.broadcast %ge3A : i32 to vector<16xi32>
    %ge3A_16 = arith.cmpi sge, %sub3A_14, %ge3A_15 : vector<16xi32>
    %lt3A = arith.constant 12800 : i32
    %lt3A_17 = vector.broadcast %lt3A : i32 to vector<16xi32>
    %lt3A_18 = arith.cmpi slt, %sub3A_14, %lt3A_17 : vector<16xi32>
    %and3A = arith.andi %ge3A_16, %lt3A_18 : vector<16xi1>
    %select_n3A = arith.select %and3A, %sub3A_14, %add3A : vector<16xi1>, vector<16xi32>
    %swap3A = arith.constant 0 : index
    %swap3A_19 = tpu.vector_load %arg9[%swap3A] {strides = array<i32>} : memref<64xi32, #tpu.memory_space<vmem>>, vector<16xi32>,
    tpu.vector_store %arg9[%swap3A], %select_n3A {strides = array<i32>} : memref<64xi32, #tpu.memory_space<vmem>>, vector<16xi32>,
    %get3A_20 = arith.constant 16 : index
    %get3A_21 = tpu.vector_load %arg9[%get3A_20] {strides = array<i32>} : memref<64xi32, #tpu.memory_space<vmem>>, vector<16xi32>,
    %sub3A_22 = vector.broadcast %mul3A_7 : i32 to vector<16xi32>
    %sub3A_23 = arith.subi %get3A_21, %sub3A_22 : vector<16xi32>
    %ge3A_24 = arith.constant 0 : i32
    %ge3A_25 = vector.broadcast %ge3A_24 : i32 to vector<16xi32>
    %ge3A_26 = arith.cmpi sge, %sub3A_23, %ge3A_25 : vector<16xi32>
    %lt3A_27 = arith.constant 12800 : i32
    %lt3A_28 = vector.broadcast %lt3A_27 : i32 to vector<16xi32>
    %lt3A_29 = arith.cmpi slt, %sub3A_23, %lt3A_28 : vector<16xi32>
    %and3A_30 = arith.andi %ge3A_26, %lt3A_29 : vector<16xi1>
    %select_n3A_31 = arith.select %and3A_30, %sub3A_23, %add3A : vector<16xi1>, vector<16xi32>
    %swap3A_32 = arith.constant 16 : index
    %swap3A_33 = tpu.vector_load %arg9[%swap3A_32] {strides = array<i32>} : memref<64xi32, #tpu.memory_space<vmem>>, vector<16xi32>,
    tpu.vector_store %arg9[%swap3A_32], %select_n3A_31 {strides = array<i32>} : memref<64xi32, #tpu.memory_space<vmem>>, vector<16xi32>,
    %get3A_34 = arith.constant 32 : index
    %get3A_35 = tpu.vector_load %arg9[%get3A_34] {strides = array<i32>} : memref<64xi32, #tpu.memory_space<vmem>>, vector<16xi32>,
    %sub3A_36 = vector.broadcast %mul3A_7 : i32 to vector<16xi32>
    %sub3A_37 = arith.subi %get3A_35, %sub3A_36 : vector<16xi32>
    %ge3A_38 = arith.constant 0 : i32
    %ge3A_39 = vector.broadcast %ge3A_38 : i32 to vector<16xi32>
    %ge3A_40 = arith.cmpi sge, %sub3A_37, %ge3A_39 : vector<16xi32>
    %lt3A_41 = arith.constant 12800 : i32
    %lt3A_42 = vector.broadcast %lt3A_41 : i32 to vector<16xi32>
    %lt3A_43 = arith.cmpi slt, %sub3A_37, %lt3A_42 : vector<16xi32>
    %and3A_44 = arith.andi %ge3A_40, %lt3A_43 : vector<16xi1>
    %select_n3A_45 = arith.select %and3A_44, %sub3A_37, %add3A : vector<16xi1>, vector<16xi32>
    %swap3A_46 = arith.constant 32 : index
    %swap3A_47 = tpu.vector_load %arg9[%swap3A_46] {strides = array<i32>} : memref<64xi32, #tpu.memory_space<vmem>>, vector<16xi32>,
    tpu.vector_store %arg9[%swap3A_46], %select_n3A_45 {strides = array<i32>} : memref<64xi32, #tpu.memory_space<vmem>>, vector<16xi32>,
    %get3A_48 = arith.constant 48 : index
    %get3A_49 = tpu.vector_load %arg9[%get3A_48] {strides = array<i32>} : memref<64xi32, #tpu.memory_space<vmem>>, vector<16xi32>,
    %sub3A_50 = vector.broadcast %mul3A_7 : i32 to vector<16xi32>
    %sub3A_51 = arith.subi %get3A_49, %sub3A_50 : vector<16xi32>
    %ge3A_52 = arith.constant 0 : i32
    %ge3A_53 = vector.broadcast %ge3A_52 : i32 to vector<16xi32>
    %ge3A_54 = arith.cmpi sge, %sub3A_51, %ge3A_53 : vector<16xi32>
    %lt3A_55 = arith.constant 12800 : i32
    %lt3A_56 = vector.broadcast %lt3A_55 : i32 to vector<16xi32>
    %lt3A_57 = arith.cmpi slt, %sub3A_51, %lt3A_56 : vector<16xi32>
    %and3A_58 = arith.andi %ge3A_54, %lt3A_57 : vector<16xi1>
    %select_n3A_59 = arith.select %and3A_58, %sub3A_51, %add3A : vector<16xi1>, vector<16xi32>
    %swap3A_60 = arith.constant 48 : index
    %swap3A_61 = tpu.vector_load %arg9[%swap3A_60] {strides = array<i32>} : memref<64xi32, #tpu.memory_space<vmem>>, vector<16xi32>,
    tpu.vector_store %arg9[%swap3A_60], %select_n3A_59 {strides = array<i32>} : memref<64xi32, #tpu.memory_space<vmem>>, vector<16xi32>,
    %dma_start3A = arith.constant 0 : i32
    %dma_start3A_62 = arith.constant 0 : i32
    %dma_start3A_63 = tpu.memref_slice %arg2[%dma_start3A, %dma_start3A_62] : memref<51200x128xf32, #tpu.memory_space<hbm>> -> memref<51200x128xf32, #tpu.memory_space<hbm>>
    tpu.enqueue_indirect_dma source(%dma_start3A_63 : memref<51200x128xf32, #tpu.memory_space<hbm>>) target(%arg11 : memref<64x128xf32, #tpu.memory_space<vmem>>) offsets(%arg7 : memref<64xi32, #tpu.memory_space<vmem>>) semaphore(%arg13 : memref<!tpu.dma_semaphore, #tpu.memory_space<semaphore_mem>>)
    %scan3A = arith.constant 0 : i32
    %scan3A_64 = arith.constant 0 : i32
    %scan3A_65 = arith.constant 392 : i32
    %scan3A_66 = arith.addi %scan3A_64, %scan3A_65 : i32
    %scan3A_67 = arith.constant 1 : i32
    scf.for %scan3A_165 = %scan3A_64 to %scan3A_66 step %scan3A_67  : i32 {
      %mul3A_166 = arith.constant 2 : i32
      %mul3A_167 = arith.muli %mul3A_166, %scan3A_165 : i32
      %add3A_168 = arith.constant 1 : i32
      %add3A_169 = arith.addi %mul3A_167, %add3A_168 : i32
      %mul3A_170 = arith.constant 64 : i32
      %mul3A_171 = arith.muli %add3A_169, %mul3A_170 : i32
      %add3A_172 = arith.addi %mul3A_0, %mul3A_171 : i32
      "tpu.region"() ({
        %run_scoped3A = tpu.sem_alloc : memref<!tpu.dma_semaphore, #tpu.memory_space<semaphore_mem>>
        %dma_start3A_304 = tpu.memref_slice %arg3[%add3A_172] : memref<802944xi32, #tpu.memory_space<hbm>> -> memref<64xi32, #tpu.memory_space<hbm>>
        %dma_start3A_305 = tpu.memref_slice %arg3[%add3A_172] : memref<802944xi32, #tpu.memory_space<hbm>> -> memref<64xi32, #tpu.memory_space<hbm>>
        tpu.enqueue_dma source(%dma_start3A_305 : memref<64xi32, #tpu.memory_space<hbm>>) target(%arg8 : memref<64xi32, #tpu.memory_space<vmem>>) target_semaphore(%run_scoped3A : memref<!tpu.dma_semaphore, #tpu.memory_space<semaphore_mem>>)
        %dma_wait3A_306 = tpu.memref_slice %arg3[%add3A_172] : memref<802944xi32, #tpu.memory_space<hbm>> -> memref<64xi32, #tpu.memory_space<hbm>>
        %dma_wait3A_307 = tpu.memref_slice %arg3[%add3A_172] : memref<802944xi32, #tpu.memory_space<hbm>> -> memref<64xi32, #tpu.memory_space<hbm>>
        tpu.wait_dma2 semaphore(%run_scoped3A : memref<!tpu.dma_semaphore, #tpu.memory_space<semaphore_mem>>) src(%dma_wait3A_307 : memref<64xi32, #tpu.memory_space<hbm>>) dst(%arg8 : memref<64xi32, #tpu.memory_space<vmem>>)
        tpu.yield
      }) : () -> ()
      "tpu.region"() ({
        %run_scoped3A = tpu.sem_alloc : memref<!tpu.dma_semaphore, #tpu.memory_space<semaphore_mem>>
        %dma_start3A_304 = tpu.memref_slice %arg4[%add3A_172] : memref<802944xi32, #tpu.memory_space<hbm>> -> memref<64xi32, #tpu.memory_space<hbm>>
        %dma_start3A_305 = tpu.memref_slice %arg4[%add3A_172] : memref<802944xi32, #tpu.memory_space<hbm>> -> memref<64xi32, #tpu.memory_space<hbm>>
        tpu.enqueue_dma source(%dma_start3A_305 : memref<64xi32, #tpu.memory_space<hbm>>) target(%arg10 : memref<64xi32, #tpu.memory_space<vmem>>) target_semaphore(%run_scoped3A : memref<!tpu.dma_semaphore, #tpu.memory_space<semaphore_mem>>)
        %dma_wait3A_306 = tpu.memref_slice %arg4[%add3A_172] : memref<802944xi32, #tpu.memory_space<hbm>> -> memref<64xi32, #tpu.memory_space<hbm>>
        %dma_wait3A_307 = tpu.memref_slice %arg4[%add3A_172] : memref<802944xi32, #tpu.memory_space<hbm>> -> memref<64xi32, #tpu.memory_space<hbm>>
        tpu.wait_dma2 semaphore(%run_scoped3A : memref<!tpu.dma_semaphore, #tpu.memory_space<semaphore_mem>>) src(%dma_wait3A_307 : memref<64xi32, #tpu.memory_space<hbm>>) dst(%arg10 : memref<64xi32, #tpu.memory_space<vmem>>)
        tpu.yield
      }) : () -> ()
      %get3A_173 = arith.constant 0 : index
      %get3A_174 = tpu.vector_load %arg10[%get3A_173] {strides = array<i32>} : memref<64xi32, #tpu.memory_space<vmem>>, vector<16xi32>,
      %sub3A_175 = vector.broadcast %mul3A_7 : i32 to vector<16xi32>
      %sub3A_176 = arith.subi %get3A_174, %sub3A_175 : vector<16xi32>
      %ge3A_177 = arith.constant 0 : i32
      %ge3A_178 = vector.broadcast %ge3A_177 : i32 to vector<16xi32>
      %ge3A_179 = arith.cmpi sge, %sub3A_176, %ge3A_178 : vector<16xi32>
      %lt3A_180 = arith.constant 12800 : i32
      %lt3A_181 = vector.broadcast %lt3A_180 : i32 to vector<16xi32>
      %lt3A_182 = arith.cmpi slt, %sub3A_176, %lt3A_181 : vector<16xi32>
      %and3A_183 = arith.andi %ge3A_179, %lt3A_182 : vector<16xi1>
      %select_n3A_184 = arith.select %and3A_183, %sub3A_176, %add3A : vector<16xi1>, vector<16xi32>
      %swap3A_185 = arith.constant 0 : index
      %swap3A_186 = tpu.vector_load %arg10[%swap3A_185] {strides = array<i32>} : memref<64xi32, #tpu.memory_space<vmem>>, vector<16xi32>,
      tpu.vector_store %arg10[%swap3A_185], %select_n3A_184 {strides = array<i32>} : memref<64xi32, #tpu.memory_space<vmem>>, vector<16xi32>,
      %get3A_187 = arith.constant 16 : index
      %get3A_188 = tpu.vector_load %arg10[%get3A_187] {strides = array<i32>} : memref<64xi32, #tpu.memory_space<vmem>>, vector<16xi32>,
      %sub3A_189 = vector.broadcast %mul3A_7 : i32 to vector<16xi32>
      %sub3A_190 = arith.subi %get3A_188, %sub3A_189 : vector<16xi32>
      %ge3A_191 = arith.constant 0 : i32
      %ge3A_192 = vector.broadcast %ge3A_191 : i32 to vector<16xi32>
      %ge3A_193 = arith.cmpi sge, %sub3A_190, %ge3A_192 : vector<16xi32>
      %lt3A_194 = arith.constant 12800 : i32
      %lt3A_195 = vector.broadcast %lt3A_194 : i32 to vector<16xi32>
      %lt3A_196 = arith.cmpi slt, %sub3A_190, %lt3A_195 : vector<16xi32>
      %and3A_197 = arith.andi %ge3A_193, %lt3A_196 : vector<16xi1>
      %select_n3A_198 = arith.select %and3A_197, %sub3A_190, %add3A : vector<16xi1>, vector<16xi32>
      %swap3A_199 = arith.constant 16 : index
      %swap3A_200 = tpu.vector_load %arg10[%swap3A_199] {strides = array<i32>} : memref<64xi32, #tpu.memory_space<vmem>>, vector<16xi32>,
      tpu.vector_store %arg10[%swap3A_199], %select_n3A_198 {strides = array<i32>} : memref<64xi32, #tpu.memory_space<vmem>>, vector<16xi32>,
      %get3A_201 = arith.constant 32 : index
      %get3A_202 = tpu.vector_load %arg10[%get3A_201] {strides = array<i32>} : memref<64xi32, #tpu.memory_space<vmem>>, vector<16xi32>,
      %sub3A_203 = vector.broadcast %mul3A_7 : i32 to vector<16xi32>
      %sub3A_204 = arith.subi %get3A_202, %sub3A_203 : vector<16xi32>
      %ge3A_205 = arith.constant 0 : i32
      %ge3A_206 = vector.broadcast %ge3A_205 : i32 to vector<16xi32>
      %ge3A_207 = arith.cmpi sge, %sub3A_204, %ge3A_206 : vector<16xi32>
      %lt3A_208 = arith.constant 12800 : i32
      %lt3A_209 = vector.broadcast %lt3A_208 : i32 to vector<16xi32>
      %lt3A_210 = arith.cmpi slt, %sub3A_204, %lt3A_209 : vector<16xi32>
      %and3A_211 = arith.andi %ge3A_207, %lt3A_210 : vector<16xi1>
      %select_n3A_212 = arith.select %and3A_211, %sub3A_204, %add3A : vector<16xi1>, vector<16xi32>
      %swap3A_213 = arith.constant 32 : index
      %swap3A_214 = tpu.vector_load %arg10[%swap3A_213] {strides = array<i32>} : memref<64xi32, #tpu.memory_space<vmem>>, vector<16xi32>,
      tpu.vector_store %arg10[%swap3A_213], %select_n3A_212 {strides = array<i32>} : memref<64xi32, #tpu.memory_space<vmem>>, vector<16xi32>,
      %get3A_215 = arith.constant 48 : index
      %get3A_216 = tpu.vector_load %arg10[%get3A_215] {strides = array<i32>} : memref<64xi32, #tpu.memory_space<vmem>>, vector<16xi32>,
      %sub3A_217 = vector.broadcast %mul3A_7 : i32 to vector<16xi32>
      %sub3A_218 = arith.subi %get3A_216, %sub3A_217 : vector<16xi32>
      %ge3A_219 = arith.constant 0 : i32
      %ge3A_220 = vector.broadcast %ge3A_219 : i32 to vector<16xi32>
      %ge3A_221 = arith.cmpi sge, %sub3A_218, %ge3A_220 : vector<16xi32>
      %lt3A_222 = arith.constant 12800 : i32
      %lt3A_223 = vector.broadcast %lt3A_222 : i32 to vector<16xi32>
      %lt3A_224 = arith.cmpi slt, %sub3A_218, %lt3A_223 : vector<16xi32>
      %and3A_225 = arith.andi %ge3A_221, %lt3A_224 : vector<16xi1>
      %select_n3A_226 = arith.select %and3A_225, %sub3A_218, %add3A : vector<16xi1>, vector<16xi32>
      %swap3A_227 = arith.constant 48 : index
      %swap3A_228 = tpu.vector_load %arg10[%swap3A_227] {strides = array<i32>} : memref<64xi32, #tpu.memory_space<vmem>>, vector<16xi32>,
      tpu.vector_store %arg10[%swap3A_227], %select_n3A_226 {strides = array<i32>} : memref<64xi32, #tpu.memory_space<vmem>>, vector<16xi32>,
      %dma_start3A_229 = arith.constant 0 : i32
      %dma_start3A_230 = arith.constant 0 : i32
      %dma_start3A_231 = tpu.memref_slice %arg2[%dma_start3A_229, %dma_start3A_230] : memref<51200x128xf32, #tpu.memory_space<hbm>> -> memref<51200x128xf32, #tpu.memory_space<hbm>>
      tpu.enqueue_indirect_dma source(%dma_start3A_231 : memref<51200x128xf32, #tpu.memory_space<hbm>>) target(%arg12 : memref<64x128xf32, #tpu.memory_space<vmem>>) offsets(%arg8 : memref<64xi32, #tpu.memory_space<vmem>>) semaphore(%arg14 : memref<!tpu.dma_semaphore, #tpu.memory_space<semaphore_mem>>)
      %dma_wait3A_232 = arith.constant 0 : i32
      %dma_wait3A_233 = arith.constant 0 : i32
      %dma_wait3A_234 = tpu.memref_slice %arg2[%dma_wait3A_232, %dma_wait3A_233] : memref<51200x128xf32, #tpu.memory_space<hbm>> -> memref<51200x128xf32, #tpu.memory_space<hbm>>
      tpu.wait_indirect_dma semaphore(%arg13 : memref<!tpu.dma_semaphore, #tpu.memory_space<semaphore_mem>>) src(%dma_wait3A_234 : memref<51200x128xf32, #tpu.memory_space<hbm>>) dst(%arg11 : memref<64x128xf32, #tpu.memory_space<vmem>>)
      "tpu.region"() ({
        %run_scoped3A = tpu.sem_alloc : memref<!tpu.dma_semaphore, #tpu.memory_space<semaphore_mem>>
        %dma_start3A_304 = arith.constant 0 : i32
        %dma_start3A_305 = arith.constant 0 : i32
        %dma_start3A_306 = tpu.memref_slice %arg6[%dma_start3A_304, %dma_start3A_305] : memref<12816x128xf32, #tpu.memory_space<vmem_shared>> -> memref<12816x128xf32, #tpu.memory_space<vmem_shared>>
        tpu.enqueue_indirect_dma source(%arg11 : memref<64x128xf32, #tpu.memory_space<vmem>>) target(%dma_start3A_306 : memref<12816x128xf32, #tpu.memory_space<vmem_shared>>) offsets(%arg9 : memref<64xi32, #tpu.memory_space<vmem>>) semaphore(%run_scoped3A : memref<!tpu.dma_semaphore, #tpu.memory_space<semaphore_mem>>) {add = true}
        %dma_wait3A_307 = arith.constant 0 : i32
        %dma_wait3A_308 = arith.constant 0 : i32
        %dma_wait3A_309 = tpu.memref_slice %arg6[%dma_wait3A_307, %dma_wait3A_308] : memref<12816x128xf32, #tpu.memory_space<vmem_shared>> -> memref<12816x128xf32, #tpu.memory_space<vmem_shared>>
        tpu.wait_indirect_dma semaphore(%run_scoped3A : memref<!tpu.dma_semaphore, #tpu.memory_space<semaphore_mem>>) src(%arg11 : memref<64x128xf32, #tpu.memory_space<vmem>>) dst(%dma_wait3A_309 : memref<12816x128xf32, #tpu.memory_space<vmem_shared>>)
        tpu.yield
      }) : () -> ()
      %mul3A_235 = arith.constant 2 : i32
      %mul3A_236 = arith.muli %mul3A_235, %scan3A_165 : i32
      %add3A_237 = arith.constant 2 : i32
      %add3A_238 = arith.addi %mul3A_236, %add3A_237 : i32
      %mul3A_239 = arith.constant 64 : i32
      %mul3A_240 = arith.muli %add3A_238, %mul3A_239 : i32
      %add3A_241 = arith.addi %mul3A_0, %mul3A_240 : i32
      "tpu.region"() ({
        %run_scoped3A = tpu.sem_alloc : memref<!tpu.dma_semaphore, #tpu.memory_space<semaphore_mem>>
        %dma_start3A_304 = tpu.memref_slice %arg3[%add3A_241] : memref<802944xi32, #tpu.memory_space<hbm>> -> memref<64xi32, #tpu.memory_space<hbm>>
        %dma_start3A_305 = tpu.memref_slice %arg3[%add3A_241] : memref<802944xi32, #tpu.memory_space<hbm>> -> memref<64xi32, #tpu.memory_space<hbm>>
        tpu.enqueue_dma source(%dma_start3A_305 : memref<64xi32, #tpu.memory_space<hbm>>) target(%arg7 : memref<64xi32, #tpu.memory_space<vmem>>) target_semaphore(%run_scoped3A : memref<!tpu.dma_semaphore, #tpu.memory_space<semaphore_mem>>)
        %dma_wait3A_306 = tpu.memref_slice %arg3[%add3A_241] : memref<802944xi32, #tpu.memory_space<hbm>> -> memref<64xi32, #tpu.memory_space<hbm>>
        %dma_wait3A_307 = tpu.memref_slice %arg3[%add3A_241] : memref<802944xi32, #tpu.memory_space<hbm>> -> memref<64xi32, #tpu.memory_space<hbm>>
        tpu.wait_dma2 semaphore(%run_scoped3A : memref<!tpu.dma_semaphore, #tpu.memory_space<semaphore_mem>>) src(%dma_wait3A_307 : memref<64xi32, #tpu.memory_space<hbm>>) dst(%arg7 : memref<64xi32, #tpu.memory_space<vmem>>)
        tpu.yield
      }) : () -> ()
      "tpu.region"() ({
        %run_scoped3A = tpu.sem_alloc : memref<!tpu.dma_semaphore, #tpu.memory_space<semaphore_mem>>
        %dma_start3A_304 = tpu.memref_slice %arg4[%add3A_241] : memref<802944xi32, #tpu.memory_space<hbm>> -> memref<64xi32, #tpu.memory_space<hbm>>
        %dma_start3A_305 = tpu.memref_slice %arg4[%add3A_241] : memref<802944xi32, #tpu.memory_space<hbm>> -> memref<64xi32, #tpu.memory_space<hbm>>
        tpu.enqueue_dma source(%dma_start3A_305 : memref<64xi32, #tpu.memory_space<hbm>>) target(%arg9 : memref<64xi32, #tpu.memory_space<vmem>>) target_semaphore(%run_scoped3A : memref<!tpu.dma_semaphore, #tpu.memory_space<semaphore_mem>>)
        %dma_wait3A_306 = tpu.memref_slice %arg4[%add3A_241] : memref<802944xi32, #tpu.memory_space<hbm>> -> memref<64xi32, #tpu.memory_space<hbm>>
        %dma_wait3A_307 = tpu.memref_slice %arg4[%add3A_241] : memref<802944xi32, #tpu.memory_space<hbm>> -> memref<64xi32, #tpu.memory_space<hbm>>
        tpu.wait_dma2 semaphore(%run_scoped3A : memref<!tpu.dma_semaphore, #tpu.memory_space<semaphore_mem>>) src(%dma_wait3A_307 : memref<64xi32, #tpu.memory_space<hbm>>) dst(%arg9 : memref<64xi32, #tpu.memory_space<vmem>>)
        tpu.yield
      }) : () -> ()
      %get3A_242 = arith.constant 0 : index
      %get3A_243 = tpu.vector_load %arg9[%get3A_242] {strides = array<i32>} : memref<64xi32, #tpu.memory_space<vmem>>, vector<16xi32>,
      %sub3A_244 = vector.broadcast %mul3A_7 : i32 to vector<16xi32>
      %sub3A_245 = arith.subi %get3A_243, %sub3A_244 : vector<16xi32>
      %ge3A_246 = arith.constant 0 : i32
      %ge3A_247 = vector.broadcast %ge3A_246 : i32 to vector<16xi32>
      %ge3A_248 = arith.cmpi sge, %sub3A_245, %ge3A_247 : vector<16xi32>
      %lt3A_249 = arith.constant 12800 : i32
      %lt3A_250 = vector.broadcast %lt3A_249 : i32 to vector<16xi32>
      %lt3A_251 = arith.cmpi slt, %sub3A_245, %lt3A_250 : vector<16xi32>
      %and3A_252 = arith.andi %ge3A_248, %lt3A_251 : vector<16xi1>
      %select_n3A_253 = arith.select %and3A_252, %sub3A_245, %add3A : vector<16xi1>, vector<16xi32>
      %swap3A_254 = arith.constant 0 : index
      %swap3A_255 = tpu.vector_load %arg9[%swap3A_254] {strides = array<i32>} : memref<64xi32, #tpu.memory_space<vmem>>, vector<16xi32>,
      tpu.vector_store %arg9[%swap3A_254], %select_n3A_253 {strides = array<i32>} : memref<64xi32, #tpu.memory_space<vmem>>, vector<16xi32>,
      %get3A_256 = arith.constant 16 : index
      %get3A_257 = tpu.vector_load %arg9[%get3A_256] {strides = array<i32>} : memref<64xi32, #tpu.memory_space<vmem>>, vector<16xi32>,
      %sub3A_258 = vector.broadcast %mul3A_7 : i32 to vector<16xi32>
      %sub3A_259 = arith.subi %get3A_257, %sub3A_258 : vector<16xi32>
      %ge3A_260 = arith.constant 0 : i32
      %ge3A_261 = vector.broadcast %ge3A_260 : i32 to vector<16xi32>
      %ge3A_262 = arith.cmpi sge, %sub3A_259, %ge3A_261 : vector<16xi32>
      %lt3A_263 = arith.constant 12800 : i32
      %lt3A_264 = vector.broadcast %lt3A_263 : i32 to vector<16xi32>
      %lt3A_265 = arith.cmpi slt, %sub3A_259, %lt3A_264 : vector<16xi32>
      %and3A_266 = arith.andi %ge3A_262, %lt3A_265 : vector<16xi1>
      %select_n3A_267 = arith.select %and3A_266, %sub3A_259, %add3A : vector<16xi1>, vector<16xi32>
      %swap3A_268 = arith.constant 16 : index
      %swap3A_269 = tpu.vector_load %arg9[%swap3A_268] {strides = array<i32>} : memref<64xi32, #tpu.memory_space<vmem>>, vector<16xi32>,
      tpu.vector_store %arg9[%swap3A_268], %select_n3A_267 {strides = array<i32>} : memref<64xi32, #tpu.memory_space<vmem>>, vector<16xi32>,
      %get3A_270 = arith.constant 32 : index
      %get3A_271 = tpu.vector_load %arg9[%get3A_270] {strides = array<i32>} : memref<64xi32, #tpu.memory_space<vmem>>, vector<16xi32>,
      %sub3A_272 = vector.broadcast %mul3A_7 : i32 to vector<16xi32>
      %sub3A_273 = arith.subi %get3A_271, %sub3A_272 : vector<16xi32>
      %ge3A_274 = arith.constant 0 : i32
      %ge3A_275 = vector.broadcast %ge3A_274 : i32 to vector<16xi32>
      %ge3A_276 = arith.cmpi sge, %sub3A_273, %ge3A_275 : vector<16xi32>
      %lt3A_277 = arith.constant 12800 : i32
      %lt3A_278 = vector.broadcast %lt3A_277 : i32 to vector<16xi32>
      %lt3A_279 = arith.cmpi slt, %sub3A_273, %lt3A_278 : vector<16xi32>
      %and3A_280 = arith.andi %ge3A_276, %lt3A_279 : vector<16xi1>
      %select_n3A_281 = arith.select %and3A_280, %sub3A_273, %add3A : vector<16xi1>, vector<16xi32>
      %swap3A_282 = arith.constant 32 : index
      %swap3A_283 = tpu.vector_load %arg9[%swap3A_282] {strides = array<i32>} : memref<64xi32, #tpu.memory_space<vmem>>, vector<16xi32>,
      tpu.vector_store %arg9[%swap3A_282], %select_n3A_281 {strides = array<i32>} : memref<64xi32, #tpu.memory_space<vmem>>, vector<16xi32>,
      %get3A_284 = arith.constant 48 : index
      %get3A_285 = tpu.vector_load %arg9[%get3A_284] {strides = array<i32>} : memref<64xi32, #tpu.memory_space<vmem>>, vector<16xi32>,
      %sub3A_286 = vector.broadcast %mul3A_7 : i32 to vector<16xi32>
      %sub3A_287 = arith.subi %get3A_285, %sub3A_286 : vector<16xi32>
      %ge3A_288 = arith.constant 0 : i32
      %ge3A_289 = vector.broadcast %ge3A_288 : i32 to vector<16xi32>
      %ge3A_290 = arith.cmpi sge, %sub3A_287, %ge3A_289 : vector<16xi32>
      %lt3A_291 = arith.constant 12800 : i32
      %lt3A_292 = vector.broadcast %lt3A_291 : i32 to vector<16xi32>
      %lt3A_293 = arith.cmpi slt, %sub3A_287, %lt3A_292 : vector<16xi32>
      %and3A_294 = arith.andi %ge3A_290, %lt3A_293 : vector<16xi1>
      %select_n3A_295 = arith.select %and3A_294, %sub3A_287, %add3A : vector<16xi1>, vector<16xi32>
      %swap3A_296 = arith.constant 48 : index
      %swap3A_297 = tpu.vector_load %arg9[%swap3A_296] {strides = array<i32>} : memref<64xi32, #tpu.memory_space<vmem>>, vector<16xi32>,
      tpu.vector_store %arg9[%swap3A_296], %select_n3A_295 {strides = array<i32>} : memref<64xi32, #tpu.memory_space<vmem>>, vector<16xi32>,
      %dma_start3A_298 = arith.constant 0 : i32
      %dma_start3A_299 = arith.constant 0 : i32
      %dma_start3A_300 = tpu.memref_slice %arg2[%dma_start3A_298, %dma_start3A_299] : memref<51200x128xf32, #tpu.memory_space<hbm>> -> memref<51200x128xf32, #tpu.memory_space<hbm>>
      tpu.enqueue_indirect_dma source(%dma_start3A_300 : memref<51200x128xf32, #tpu.memory_space<hbm>>) target(%arg11 : memref<64x128xf32, #tpu.memory_space<vmem>>) offsets(%arg7 : memref<64xi32, #tpu.memory_space<vmem>>) semaphore(%arg13 : memref<!tpu.dma_semaphore, #tpu.memory_space<semaphore_mem>>)
      %dma_wait3A_301 = arith.constant 0 : i32
      %dma_wait3A_302 = arith.constant 0 : i32
      %dma_wait3A_303 = tpu.memref_slice %arg2[%dma_wait3A_301, %dma_wait3A_302] : memref<51200x128xf32, #tpu.memory_space<hbm>> -> memref<51200x128xf32, #tpu.memory_space<hbm>>
      tpu.wait_indirect_dma semaphore(%arg14 : memref<!tpu.dma_semaphore, #tpu.memory_space<semaphore_mem>>) src(%dma_wait3A_303 : memref<51200x128xf32, #tpu.memory_space<hbm>>) dst(%arg12 : memref<64x128xf32, #tpu.memory_space<vmem>>)
      "tpu.region"() ({
        %run_scoped3A = tpu.sem_alloc : memref<!tpu.dma_semaphore, #tpu.memory_space<semaphore_mem>>
        %dma_start3A_304 = arith.constant 0 : i32
        %dma_start3A_305 = arith.constant 0 : i32
        %dma_start3A_306 = tpu.memref_slice %arg6[%dma_start3A_304, %dma_start3A_305] : memref<12816x128xf32, #tpu.memory_space<vmem_shared>> -> memref<12816x128xf32, #tpu.memory_space<vmem_shared>>
        tpu.enqueue_indirect_dma source(%arg12 : memref<64x128xf32, #tpu.memory_space<vmem>>) target(%dma_start3A_306 : memref<12816x128xf32, #tpu.memory_space<vmem_shared>>) offsets(%arg10 : memref<64xi32, #tpu.memory_space<vmem>>) semaphore(%run_scoped3A : memref<!tpu.dma_semaphore, #tpu.memory_space<semaphore_mem>>) {add = true}
        %dma_wait3A_307 = arith.constant 0 : i32
        %dma_wait3A_308 = arith.constant 0 : i32
        %dma_wait3A_309 = tpu.memref_slice %arg6[%dma_wait3A_307, %dma_wait3A_308] : memref<12816x128xf32, #tpu.memory_space<vmem_shared>> -> memref<12816x128xf32, #tpu.memory_space<vmem_shared>>
        tpu.wait_indirect_dma semaphore(%run_scoped3A : memref<!tpu.dma_semaphore, #tpu.memory_space<semaphore_mem>>) src(%arg12 : memref<64x128xf32, #tpu.memory_space<vmem>>) dst(%dma_wait3A_309 : memref<12816x128xf32, #tpu.memory_space<vmem_shared>>)
        tpu.yield
      }) : () -> ()
    }
    %scan3A_68 = arith.constant 392 : i32
    %dma_wait3A = arith.constant 0 : i32
    %dma_wait3A_69 = arith.constant 0 : i32
    %dma_wait3A_70 = tpu.memref_slice %arg2[%dma_wait3A, %dma_wait3A_69] : memref<51200x128xf32, #tpu.memory_space<hbm>> -> memref<51200x128xf32, #tpu.memory_space<hbm>>
    tpu.wait_indirect_dma semaphore(%arg13 : memref<!tpu.dma_semaphore, #tpu.memory_space<semaphore_mem>>) src(%dma_wait3A_70 : memref<51200x128xf32, #tpu.memory_space<hbm>>) dst(%arg11 : memref<64x128xf32, #tpu.memory_space<vmem>>)
    %barrier3A_71 = arith.constant 0 : index
    tpu.barrier barrier_id(%barrier3A_71)
    %mul3A_72 = arith.constant 800 : i32
    %mul3A_73 = arith.muli %arg1, %mul3A_72 : i32
    %mul3A_74 = arith.constant 800 : i32
    %mul3A_75 = arith.muli %arg1, %mul3A_74 : i32
    %add3A_76 = arith.addi %mul3A_7, %mul3A_75 : i32
    "tpu.region"() ({
      %run_scoped3A = tpu.sem_alloc : memref<!tpu.dma_semaphore, #tpu.memory_space<semaphore_mem>>
      %dma_start3A_165 = arith.constant 0 : i32
      %dma_start3A_166 = tpu.memref_slice %arg5[%add3A_76, %dma_start3A_165] : memref<51200x128xf32, #tpu.memory_space<hbm>> -> memref<800x128xf32, #tpu.memory_space<hbm>>
      %dma_start3A_167 = arith.constant 0 : i32
      %dma_start3A_168 = tpu.memref_slice %arg6[%mul3A_73, %dma_start3A_167] : memref<12816x128xf32, #tpu.memory_space<vmem_shared>> -> memref<800x128xf32, #tpu.memory_space<vmem_shared>>
      tpu.enqueue_dma source(%dma_start3A_168 : memref<800x128xf32, #tpu.memory_space<vmem_shared>>) target(%dma_start3A_166 : memref<800x128xf32, #tpu.memory_space<hbm>>) target_semaphore(%run_scoped3A : memref<!tpu.dma_semaphore, #tpu.memory_space<semaphore_mem>>)
      %dma_wait3A_169 = arith.constant 0 : i32
      %dma_wait3A_170 = tpu.memref_slice %arg5[%add3A_76, %dma_wait3A_169] : memref<51200x128xf32, #tpu.memory_space<hbm>> -> memref<800x128xf32, #tpu.memory_space<hbm>>
      %dma_wait3A_171 = arith.constant 0 : i32
      %dma_wait3A_172 = tpu.memref_slice %arg6[%mul3A_73, %dma_wait3A_171] : memref<12816x128xf32, #tpu.memory_space<vmem_shared>> -> memref<800x128xf32, #tpu.memory_space<vmem_shared>>
      tpu.wait_dma2 semaphore(%run_scoped3A : memref<!tpu.dma_semaphore, #tpu.memory_space<semaphore_mem>>) src(%dma_wait3A_172 : memref<800x128xf32, #tpu.memory_space<vmem_shared>>) dst(%dma_wait3A_170 : memref<800x128xf32, #tpu.memory_space<hbm>>)
      tpu.yield
    }) : () -> ()
    %barrier3A_77 = arith.constant 0 : index
    tpu.barrier barrier_id(%barrier3A_77)
    %mul3A_78 = arith.constant 2 : i32
    %mul3A_79 = arith.muli %arg0, %mul3A_78 : i32
    %add3A_80 = arith.constant 1 : i32
    %add3A_81 = arith.addi %mul3A_79, %add3A_80 : i32
    %mul3A_82 = arith.constant 12800 : i32
    %mul3A_83 = arith.muli %add3A_81, %mul3A_82 : i32
    %mul3A_84 = arith.constant 800 : i32
    %mul3A_85 = arith.muli %arg1, %mul3A_84 : i32
    %add3A_86 = arith.addi %mul3A_83, %mul3A_85 : i32
    %mul3A_87 = arith.constant 800 : i32
    %mul3A_88 = arith.muli %arg1, %mul3A_87 : i32
    "tpu.region"() ({
      %run_scoped3A = tpu.sem_alloc : memref<!tpu.dma_semaphore, #tpu.memory_space<semaphore_mem>>
      %dma_start3A_165 = arith.constant 0 : i32
      %dma_start3A_166 = tpu.memref_slice %arg6[%mul3A_88, %dma_start3A_165] : memref<12816x128xf32, #tpu.memory_space<vmem_shared>> -> memref<800x128xf32, #tpu.memory_space<vmem_shared>>
      %dma_start3A_167 = arith.constant 0 : i32
      %dma_start3A_168 = tpu.memref_slice %arg2[%add3A_86, %dma_start3A_167] : memref<51200x128xf32, #tpu.memory_space<hbm>> -> memref<800x128xf32, #tpu.memory_space<hbm>>
      tpu.enqueue_dma source(%dma_start3A_168 : memref<800x128xf32, #tpu.memory_space<hbm>>) target(%dma_start3A_166 : memref<800x128xf32, #tpu.memory_space<vmem_shared>>) target_semaphore(%run_scoped3A : memref<!tpu.dma_semaphore, #tpu.memory_space<semaphore_mem>>)
      %dma_wait3A_169 = arith.constant 0 : i32
      %dma_wait3A_170 = tpu.memref_slice %arg6[%mul3A_88, %dma_wait3A_169] : memref<12816x128xf32, #tpu.memory_space<vmem_shared>> -> memref<800x128xf32, #tpu.memory_space<vmem_shared>>
      %dma_wait3A_171 = arith.constant 0 : i32
      %dma_wait3A_172 = tpu.memref_slice %arg2[%add3A_86, %dma_wait3A_171] : memref<51200x128xf32, #tpu.memory_space<hbm>> -> memref<800x128xf32, #tpu.memory_space<hbm>>
      tpu.wait_dma2 semaphore(%run_scoped3A : memref<!tpu.dma_semaphore, #tpu.memory_space<semaphore_mem>>) src(%dma_wait3A_172 : memref<800x128xf32, #tpu.memory_space<hbm>>) dst(%dma_wait3A_170 : memref<800x128xf32, #tpu.memory_space<vmem_shared>>)
      tpu.yield
    }) : () -> ()
    %barrier3A_89 = arith.constant 0 : index
    tpu.barrier barrier_id(%barrier3A_89)
    "tpu.region"() ({
      %run_scoped3A = tpu.sem_alloc : memref<!tpu.dma_semaphore, #tpu.memory_space<semaphore_mem>>
      %dma_start3A_165 = tpu.memref_slice %arg3[%mul3A_0] : memref<802944xi32, #tpu.memory_space<hbm>> -> memref<64xi32, #tpu.memory_space<hbm>>
      %dma_start3A_166 = tpu.memref_slice %arg3[%mul3A_0] : memref<802944xi32, #tpu.memory_space<hbm>> -> memref<64xi32, #tpu.memory_space<hbm>>
      tpu.enqueue_dma source(%dma_start3A_166 : memref<64xi32, #tpu.memory_space<hbm>>) target(%arg7 : memref<64xi32, #tpu.memory_space<vmem>>) target_semaphore(%run_scoped3A : memref<!tpu.dma_semaphore, #tpu.memory_space<semaphore_mem>>)
      %dma_wait3A_167 = tpu.memref_slice %arg3[%mul3A_0] : memref<802944xi32, #tpu.memory_space<hbm>> -> memref<64xi32, #tpu.memory_space<hbm>>
      %dma_wait3A_168 = tpu.memref_slice %arg3[%mul3A_0] : memref<802944xi32, #tpu.memory_space<hbm>> -> memref<64xi32, #tpu.memory_space<hbm>>
      tpu.wait_dma2 semaphore(%run_scoped3A : memref<!tpu.dma_semaphore, #tpu.memory_space<semaphore_mem>>) src(%dma_wait3A_168 : memref<64xi32, #tpu.memory_space<hbm>>) dst(%arg7 : memref<64xi32, #tpu.memory_space<vmem>>)
      tpu.yield
    }) : () -> ()
    "tpu.region"() ({
      %run_scoped3A = tpu.sem_alloc : memref<!tpu.dma_semaphore, #tpu.memory_space<semaphore_mem>>
      %dma_start3A_165 = tpu.memref_slice %arg4[%mul3A_0] : memref<802944xi32, #tpu.memory_space<hbm>> -> memref<64xi32, #tpu.memory_space<hbm>>
      %dma_start3A_166 = tpu.memref_slice %arg4[%mul3A_0] : memref<802944xi32, #tpu.memory_space<hbm>> -> memref<64xi32, #tpu.memory_space<hbm>>
      tpu.enqueue_dma source(%dma_start3A_166 : memref<64xi32, #tpu.memory_space<hbm>>) target(%arg9 : memref<64xi32, #tpu.memory_space<vmem>>) target_semaphore(%run_scoped3A : memref<!tpu.dma_semaphore, #tpu.memory_space<semaphore_mem>>)
      %dma_wait3A_167 = tpu.memref_slice %arg4[%mul3A_0] : memref<802944xi32, #tpu.memory_space<hbm>> -> memref<64xi32, #tpu.memory_space<hbm>>
      %dma_wait3A_168 = tpu.memref_slice %arg4[%mul3A_0] : memref<802944xi32, #tpu.memory_space<hbm>> -> memref<64xi32, #tpu.memory_space<hbm>>
      tpu.wait_dma2 semaphore(%run_scoped3A : memref<!tpu.dma_semaphore, #tpu.memory_space<semaphore_mem>>) src(%dma_wait3A_168 : memref<64xi32, #tpu.memory_space<hbm>>) dst(%arg9 : memref<64xi32, #tpu.memory_space<vmem>>)
      tpu.yield
    }) : () -> ()
    %get3A_90 = arith.constant 0 : index
    %get3A_91 = tpu.vector_load %arg9[%get3A_90] {strides = array<i32>} : memref<64xi32, #tpu.memory_space<vmem>>, vector<16xi32>,
    %sub3A_92 = vector.broadcast %mul3A_83 : i32 to vector<16xi32>
    %sub3A_93 = arith.subi %get3A_91, %sub3A_92 : vector<16xi32>
    %ge3A_94 = arith.constant 0 : i32
    %ge3A_95 = vector.broadcast %ge3A_94 : i32 to vector<16xi32>
    %ge3A_96 = arith.cmpi sge, %sub3A_93, %ge3A_95 : vector<16xi32>
    %lt3A_97 = arith.constant 12800 : i32
    %lt3A_98 = vector.broadcast %lt3A_97 : i32 to vector<16xi32>
    %lt3A_99 = arith.cmpi slt, %sub3A_93, %lt3A_98 : vector<16xi32>
    %and3A_100 = arith.andi %ge3A_96, %lt3A_99 : vector<16xi1>
    %select_n3A_101 = arith.select %and3A_100, %sub3A_93, %add3A : vector<16xi1>, vector<16xi32>
    %swap3A_102 = arith.constant 0 : index
    %swap3A_103 = tpu.vector_load %arg9[%swap3A_102] {strides = array<i32>} : memref<64xi32, #tpu.memory_space<vmem>>, vector<16xi32>,
    tpu.vector_store %arg9[%swap3A_102], %select_n3A_101 {strides = array<i32>} : memref<64xi32, #tpu.memory_space<vmem>>, vector<16xi32>,
    %get3A_104 = arith.constant 16 : index
    %get3A_105 = tpu.vector_load %arg9[%get3A_104] {strides = array<i32>} : memref<64xi32, #tpu.memory_space<vmem>>, vector<16xi32>,
    %sub3A_106 = vector.broadcast %mul3A_83 : i32 to vector<16xi32>
    %sub3A_107 = arith.subi %get3A_105, %sub3A_106 : vector<16xi32>
    %ge3A_108 = arith.constant 0 : i32
    %ge3A_109 = vector.broadcast %ge3A_108 : i32 to vector<16xi32>
    %ge3A_110 = arith.cmpi sge, %sub3A_107, %ge3A_109 : vector<16xi32>
    %lt3A_111 = arith.constant 12800 : i32
    %lt3A_112 = vector.broadcast %lt3A_111 : i32 to vector<16xi32>
    %lt3A_113 = arith.cmpi slt, %sub3A_107, %lt3A_112 : vector<16xi32>
    %and3A_114 = arith.andi %ge3A_110, %lt3A_113 : vector<16xi1>
    %select_n3A_115 = arith.select %and3A_114, %sub3A_107, %add3A : vector<16xi1>, vector<16xi32>
    %swap3A_116 = arith.constant 16 : index
    %swap3A_117 = tpu.vector_load %arg9[%swap3A_116] {strides = array<i32>} : memref<64xi32, #tpu.memory_space<vmem>>, vector<16xi32>,
    tpu.vector_store %arg9[%swap3A_116], %select_n3A_115 {strides = array<i32>} : memref<64xi32, #tpu.memory_space<vmem>>, vector<16xi32>,
    %get3A_118 = arith.constant 32 : index
    %get3A_119 = tpu.vector_load %arg9[%get3A_118] {strides = array<i32>} : memref<64xi32, #tpu.memory_space<vmem>>, vector<16xi32>,
    %sub3A_120 = vector.broadcast %mul3A_83 : i32 to vector<16xi32>
    %sub3A_121 = arith.subi %get3A_119, %sub3A_120 : vector<16xi32>
    %ge3A_122 = arith.constant 0 : i32
    %ge3A_123 = vector.broadcast %ge3A_122 : i32 to vector<16xi32>
    %ge3A_124 = arith.cmpi sge, %sub3A_121, %ge3A_123 : vector<16xi32>
    %lt3A_125 = arith.constant 12800 : i32
    %lt3A_126 = vector.broadcast %lt3A_125 : i32 to vector<16xi32>
    %lt3A_127 = arith.cmpi slt, %sub3A_121, %lt3A_126 : vector<16xi32>
    %and3A_128 = arith.andi %ge3A_124, %lt3A_127 : vector<16xi1>
    %select_n3A_129 = arith.select %and3A_128, %sub3A_121, %add3A : vector<16xi1>, vector<16xi32>
    %swap3A_130 = arith.constant 32 : index
    %swap3A_131 = tpu.vector_load %arg9[%swap3A_130] {strides = array<i32>} : memref<64xi32, #tpu.memory_space<vmem>>, vector<16xi32>,
    tpu.vector_store %arg9[%swap3A_130], %select_n3A_129 {strides = array<i32>} : memref<64xi32, #tpu.memory_space<vmem>>, vector<16xi32>,
    %get3A_132 = arith.constant 48 : index
    %get3A_133 = tpu.vector_load %arg9[%get3A_132] {strides = array<i32>} : memref<64xi32, #tpu.memory_space<vmem>>, vector<16xi32>,
    %sub3A_134 = vector.broadcast %mul3A_83 : i32 to vector<16xi32>
    %sub3A_135 = arith.subi %get3A_133, %sub3A_134 : vector<16xi32>
    %ge3A_136 = arith.constant 0 : i32
    %ge3A_137 = vector.broadcast %ge3A_136 : i32 to vector<16xi32>
    %ge3A_138 = arith.cmpi sge, %sub3A_135, %ge3A_137 : vector<16xi32>
    %lt3A_139 = arith.constant 12800 : i32
    %lt3A_140 = vector.broadcast %lt3A_139 : i32 to vector<16xi32>
    %lt3A_141 = arith.cmpi slt, %sub3A_135, %lt3A_140 : vector<16xi32>
    %and3A_142 = arith.andi %ge3A_138, %lt3A_141 : vector<16xi1>
    %select_n3A_143 = arith.select %and3A_142, %sub3A_135, %add3A : vector<16xi1>, vector<16xi32>
    %swap3A_144 = arith.constant 48 : index
    %swap3A_145 = tpu.vector_load %arg9[%swap3A_144] {strides = array<i32>} : memref<64xi32, #tpu.memory_space<vmem>>, vector<16xi32>,
    tpu.vector_store %arg9[%swap3A_144], %select_n3A_143 {strides = array<i32>} : memref<64xi32, #tpu.memory_space<vmem>>, vector<16xi32>,
    %dma_start3A_146 = arith.constant 0 : i32
    %dma_start3A_147 = arith.constant 0 : i32
    %dma_start3A_148 = tpu.memref_slice %arg2[%dma_start3A_146, %dma_start3A_147] : memref<51200x128xf32, #tpu.memory_space<hbm>> -> memref<51200x128xf32, #tpu.memory_space<hbm>>
    tpu.enqueue_indirect_dma source(%dma_start3A_148 : memref<51200x128xf32, #tpu.memory_space<hbm>>) target(%arg11 : memref<64x128xf32, #tpu.memory_space<vmem>>) offsets(%arg7 : memref<64xi32, #tpu.memory_space<vmem>>) semaphore(%arg13 : memref<!tpu.dma_semaphore, #tpu.memory_space<semaphore_mem>>)
    %scan3A_149 = arith.constant 0 : i32
    %scan3A_150 = arith.constant 0 : i32
    %scan3A_151 = arith.constant 392 : i32
    %scan3A_152 = arith.addi %scan3A_150, %scan3A_151 : i32
    %scan3A_153 = arith.constant 1 : i32
    scf.for %scan3A_165 = %scan3A_150 to %scan3A_152 step %scan3A_153  : i32 {
      %mul3A_166 = arith.constant 2 : i32
      %mul3A_167 = arith.muli %mul3A_166, %scan3A_165 : i32
      %add3A_168 = arith.constant 1 : i32
      %add3A_169 = arith.addi %mul3A_167, %add3A_168 : i32
      %mul3A_170 = arith.constant 64 : i32
      %mul3A_171 = arith.muli %add3A_169, %mul3A_170 : i32
      %add3A_172 = arith.addi %mul3A_0, %mul3A_171 : i32
      "tpu.region"() ({
        %run_scoped3A = tpu.sem_alloc : memref<!tpu.dma_semaphore, #tpu.memory_space<semaphore_mem>>
        %dma_start3A_304 = tpu.memref_slice %arg3[%add3A_172] : memref<802944xi32, #tpu.memory_space<hbm>> -> memref<64xi32, #tpu.memory_space<hbm>>
        %dma_start3A_305 = tpu.memref_slice %arg3[%add3A_172] : memref<802944xi32, #tpu.memory_space<hbm>> -> memref<64xi32, #tpu.memory_space<hbm>>
        tpu.enqueue_dma source(%dma_start3A_305 : memref<64xi32, #tpu.memory_space<hbm>>) target(%arg8 : memref<64xi32, #tpu.memory_space<vmem>>) target_semaphore(%run_scoped3A : memref<!tpu.dma_semaphore, #tpu.memory_space<semaphore_mem>>)
        %dma_wait3A_306 = tpu.memref_slice %arg3[%add3A_172] : memref<802944xi32, #tpu.memory_space<hbm>> -> memref<64xi32, #tpu.memory_space<hbm>>
        %dma_wait3A_307 = tpu.memref_slice %arg3[%add3A_172] : memref<802944xi32, #tpu.memory_space<hbm>> -> memref<64xi32, #tpu.memory_space<hbm>>
        tpu.wait_dma2 semaphore(%run_scoped3A : memref<!tpu.dma_semaphore, #tpu.memory_space<semaphore_mem>>) src(%dma_wait3A_307 : memref<64xi32, #tpu.memory_space<hbm>>) dst(%arg8 : memref<64xi32, #tpu.memory_space<vmem>>)
        tpu.yield
      }) : () -> ()
      "tpu.region"() ({
        %run_scoped3A = tpu.sem_alloc : memref<!tpu.dma_semaphore, #tpu.memory_space<semaphore_mem>>
        %dma_start3A_304 = tpu.memref_slice %arg4[%add3A_172] : memref<802944xi32, #tpu.memory_space<hbm>> -> memref<64xi32, #tpu.memory_space<hbm>>
        %dma_start3A_305 = tpu.memref_slice %arg4[%add3A_172] : memref<802944xi32, #tpu.memory_space<hbm>> -> memref<64xi32, #tpu.memory_space<hbm>>
        tpu.enqueue_dma source(%dma_start3A_305 : memref<64xi32, #tpu.memory_space<hbm>>) target(%arg10 : memref<64xi32, #tpu.memory_space<vmem>>) target_semaphore(%run_scoped3A : memref<!tpu.dma_semaphore, #tpu.memory_space<semaphore_mem>>)
        %dma_wait3A_306 = tpu.memref_slice %arg4[%add3A_172] : memref<802944xi32, #tpu.memory_space<hbm>> -> memref<64xi32, #tpu.memory_space<hbm>>
        %dma_wait3A_307 = tpu.memref_slice %arg4[%add3A_172] : memref<802944xi32, #tpu.memory_space<hbm>> -> memref<64xi32, #tpu.memory_space<hbm>>
        tpu.wait_dma2 semaphore(%run_scoped3A : memref<!tpu.dma_semaphore, #tpu.memory_space<semaphore_mem>>) src(%dma_wait3A_307 : memref<64xi32, #tpu.memory_space<hbm>>) dst(%arg10 : memref<64xi32, #tpu.memory_space<vmem>>)
        tpu.yield
      }) : () -> ()
      %get3A_173 = arith.constant 0 : index
      %get3A_174 = tpu.vector_load %arg10[%get3A_173] {strides = array<i32>} : memref<64xi32, #tpu.memory_space<vmem>>, vector<16xi32>,
      %sub3A_175 = vector.broadcast %mul3A_83 : i32 to vector<16xi32>
      %sub3A_176 = arith.subi %get3A_174, %sub3A_175 : vector<16xi32>
      %ge3A_177 = arith.constant 0 : i32
      %ge3A_178 = vector.broadcast %ge3A_177 : i32 to vector<16xi32>
      %ge3A_179 = arith.cmpi sge, %sub3A_176, %ge3A_178 : vector<16xi32>
      %lt3A_180 = arith.constant 12800 : i32
      %lt3A_181 = vector.broadcast %lt3A_180 : i32 to vector<16xi32>
      %lt3A_182 = arith.cmpi slt, %sub3A_176, %lt3A_181 : vector<16xi32>
      %and3A_183 = arith.andi %ge3A_179, %lt3A_182 : vector<16xi1>
      %select_n3A_184 = arith.select %and3A_183, %sub3A_176, %add3A : vector<16xi1>, vector<16xi32>
      %swap3A_185 = arith.constant 0 : index
      %swap3A_186 = tpu.vector_load %arg10[%swap3A_185] {strides = array<i32>} : memref<64xi32, #tpu.memory_space<vmem>>, vector<16xi32>,
      tpu.vector_store %arg10[%swap3A_185], %select_n3A_184 {strides = array<i32>} : memref<64xi32, #tpu.memory_space<vmem>>, vector<16xi32>,
      %get3A_187 = arith.constant 16 : index
      %get3A_188 = tpu.vector_load %arg10[%get3A_187] {strides = array<i32>} : memref<64xi32, #tpu.memory_space<vmem>>, vector<16xi32>,
      %sub3A_189 = vector.broadcast %mul3A_83 : i32 to vector<16xi32>
      %sub3A_190 = arith.subi %get3A_188, %sub3A_189 : vector<16xi32>
      %ge3A_191 = arith.constant 0 : i32
      %ge3A_192 = vector.broadcast %ge3A_191 : i32 to vector<16xi32>
      %ge3A_193 = arith.cmpi sge, %sub3A_190, %ge3A_192 : vector<16xi32>
      %lt3A_194 = arith.constant 12800 : i32
      %lt3A_195 = vector.broadcast %lt3A_194 : i32 to vector<16xi32>
      %lt3A_196 = arith.cmpi slt, %sub3A_190, %lt3A_195 : vector<16xi32>
      %and3A_197 = arith.andi %ge3A_193, %lt3A_196 : vector<16xi1>
      %select_n3A_198 = arith.select %and3A_197, %sub3A_190, %add3A : vector<16xi1>, vector<16xi32>
      %swap3A_199 = arith.constant 16 : index
      %swap3A_200 = tpu.vector_load %arg10[%swap3A_199] {strides = array<i32>} : memref<64xi32, #tpu.memory_space<vmem>>, vector<16xi32>,
      tpu.vector_store %arg10[%swap3A_199], %select_n3A_198 {strides = array<i32>} : memref<64xi32, #tpu.memory_space<vmem>>, vector<16xi32>,
      %get3A_201 = arith.constant 32 : index
      %get3A_202 = tpu.vector_load %arg10[%get3A_201] {strides = array<i32>} : memref<64xi32, #tpu.memory_space<vmem>>, vector<16xi32>,
      %sub3A_203 = vector.broadcast %mul3A_83 : i32 to vector<16xi32>
      %sub3A_204 = arith.subi %get3A_202, %sub3A_203 : vector<16xi32>
      %ge3A_205 = arith.constant 0 : i32
      %ge3A_206 = vector.broadcast %ge3A_205 : i32 to vector<16xi32>
      %ge3A_207 = arith.cmpi sge, %sub3A_204, %ge3A_206 : vector<16xi32>
      %lt3A_208 = arith.constant 12800 : i32
      %lt3A_209 = vector.broadcast %lt3A_208 : i32 to vector<16xi32>
      %lt3A_210 = arith.cmpi slt, %sub3A_204, %lt3A_209 : vector<16xi32>
      %and3A_211 = arith.andi %ge3A_207, %lt3A_210 : vector<16xi1>
      %select_n3A_212 = arith.select %and3A_211, %sub3A_204, %add3A : vector<16xi1>, vector<16xi32>
      %swap3A_213 = arith.constant 32 : index
      %swap3A_214 = tpu.vector_load %arg10[%swap3A_213] {strides = array<i32>} : memref<64xi32, #tpu.memory_space<vmem>>, vector<16xi32>,
      tpu.vector_store %arg10[%swap3A_213], %select_n3A_212 {strides = array<i32>} : memref<64xi32, #tpu.memory_space<vmem>>, vector<16xi32>,
      %get3A_215 = arith.constant 48 : index
      %get3A_216 = tpu.vector_load %arg10[%get3A_215] {strides = array<i32>} : memref<64xi32, #tpu.memory_space<vmem>>, vector<16xi32>,
      %sub3A_217 = vector.broadcast %mul3A_83 : i32 to vector<16xi32>
      %sub3A_218 = arith.subi %get3A_216, %sub3A_217 : vector<16xi32>
      %ge3A_219 = arith.constant 0 : i32
      %ge3A_220 = vector.broadcast %ge3A_219 : i32 to vector<16xi32>
      %ge3A_221 = arith.cmpi sge, %sub3A_218, %ge3A_220 : vector<16xi32>
      %lt3A_222 = arith.constant 12800 : i32
      %lt3A_223 = vector.broadcast %lt3A_222 : i32 to vector<16xi32>
      %lt3A_224 = arith.cmpi slt, %sub3A_218, %lt3A_223 : vector<16xi32>
      %and3A_225 = arith.andi %ge3A_221, %lt3A_224 : vector<16xi1>
      %select_n3A_226 = arith.select %and3A_225, %sub3A_218, %add3A : vector<16xi1>, vector<16xi32>
      %swap3A_227 = arith.constant 48 : index
      %swap3A_228 = tpu.vector_load %arg10[%swap3A_227] {strides = array<i32>} : memref<64xi32, #tpu.memory_space<vmem>>, vector<16xi32>,
      tpu.vector_store %arg10[%swap3A_227], %select_n3A_226 {strides = array<i32>} : memref<64xi32, #tpu.memory_space<vmem>>, vector<16xi32>,
      %dma_start3A_229 = arith.constant 0 : i32
      %dma_start3A_230 = arith.constant 0 : i32
      %dma_start3A_231 = tpu.memref_slice %arg2[%dma_start3A_229, %dma_start3A_230] : memref<51200x128xf32, #tpu.memory_space<hbm>> -> memref<51200x128xf32, #tpu.memory_space<hbm>>
      tpu.enqueue_indirect_dma source(%dma_start3A_231 : memref<51200x128xf32, #tpu.memory_space<hbm>>) target(%arg12 : memref<64x128xf32, #tpu.memory_space<vmem>>) offsets(%arg8 : memref<64xi32, #tpu.memory_space<vmem>>) semaphore(%arg14 : memref<!tpu.dma_semaphore, #tpu.memory_space<semaphore_mem>>)
      %dma_wait3A_232 = arith.constant 0 : i32
      %dma_wait3A_233 = arith.constant 0 : i32
      %dma_wait3A_234 = tpu.memref_slice %arg2[%dma_wait3A_232, %dma_wait3A_233] : memref<51200x128xf32, #tpu.memory_space<hbm>> -> memref<51200x128xf32, #tpu.memory_space<hbm>>
      tpu.wait_indirect_dma semaphore(%arg13 : memref<!tpu.dma_semaphore, #tpu.memory_space<semaphore_mem>>) src(%dma_wait3A_234 : memref<51200x128xf32, #tpu.memory_space<hbm>>) dst(%arg11 : memref<64x128xf32, #tpu.memory_space<vmem>>)
      "tpu.region"() ({
        %run_scoped3A = tpu.sem_alloc : memref<!tpu.dma_semaphore, #tpu.memory_space<semaphore_mem>>
        %dma_start3A_304 = arith.constant 0 : i32
        %dma_start3A_305 = arith.constant 0 : i32
        %dma_start3A_306 = tpu.memref_slice %arg6[%dma_start3A_304, %dma_start3A_305] : memref<12816x128xf32, #tpu.memory_space<vmem_shared>> -> memref<12816x128xf32, #tpu.memory_space<vmem_shared>>
        tpu.enqueue_indirect_dma source(%arg11 : memref<64x128xf32, #tpu.memory_space<vmem>>) target(%dma_start3A_306 : memref<12816x128xf32, #tpu.memory_space<vmem_shared>>) offsets(%arg9 : memref<64xi32, #tpu.memory_space<vmem>>) semaphore(%run_scoped3A : memref<!tpu.dma_semaphore, #tpu.memory_space<semaphore_mem>>) {add = true}
        %dma_wait3A_307 = arith.constant 0 : i32
        %dma_wait3A_308 = arith.constant 0 : i32
        %dma_wait3A_309 = tpu.memref_slice %arg6[%dma_wait3A_307, %dma_wait3A_308] : memref<12816x128xf32, #tpu.memory_space<vmem_shared>> -> memref<12816x128xf32, #tpu.memory_space<vmem_shared>>
        tpu.wait_indirect_dma semaphore(%run_scoped3A : memref<!tpu.dma_semaphore, #tpu.memory_space<semaphore_mem>>) src(%arg11 : memref<64x128xf32, #tpu.memory_space<vmem>>) dst(%dma_wait3A_309 : memref<12816x128xf32, #tpu.memory_space<vmem_shared>>)
        tpu.yield
      }) : () -> ()
      %mul3A_235 = arith.constant 2 : i32
      %mul3A_236 = arith.muli %mul3A_235, %scan3A_165 : i32
      %add3A_237 = arith.constant 2 : i32
      %add3A_238 = arith.addi %mul3A_236, %add3A_237 : i32
      %mul3A_239 = arith.constant 64 : i32
      %mul3A_240 = arith.muli %add3A_238, %mul3A_239 : i32
      %add3A_241 = arith.addi %mul3A_0, %mul3A_240 : i32
      "tpu.region"() ({
        %run_scoped3A = tpu.sem_alloc : memref<!tpu.dma_semaphore, #tpu.memory_space<semaphore_mem>>
        %dma_start3A_304 = tpu.memref_slice %arg3[%add3A_241] : memref<802944xi32, #tpu.memory_space<hbm>> -> memref<64xi32, #tpu.memory_space<hbm>>
        %dma_start3A_305 = tpu.memref_slice %arg3[%add3A_241] : memref<802944xi32, #tpu.memory_space<hbm>> -> memref<64xi32, #tpu.memory_space<hbm>>
        tpu.enqueue_dma source(%dma_start3A_305 : memref<64xi32, #tpu.memory_space<hbm>>) target(%arg7 : memref<64xi32, #tpu.memory_space<vmem>>) target_semaphore(%run_scoped3A : memref<!tpu.dma_semaphore, #tpu.memory_space<semaphore_mem>>)
        %dma_wait3A_306 = tpu.memref_slice %arg3[%add3A_241] : memref<802944xi32, #tpu.memory_space<hbm>> -> memref<64xi32, #tpu.memory_space<hbm>>
        %dma_wait3A_307 = tpu.memref_slice %arg3[%add3A_241] : memref<802944xi32, #tpu.memory_space<hbm>> -> memref<64xi32, #tpu.memory_space<hbm>>
        tpu.wait_dma2 semaphore(%run_scoped3A : memref<!tpu.dma_semaphore, #tpu.memory_space<semaphore_mem>>) src(%dma_wait3A_307 : memref<64xi32, #tpu.memory_space<hbm>>) dst(%arg7 : memref<64xi32, #tpu.memory_space<vmem>>)
        tpu.yield
      }) : () -> ()
      "tpu.region"() ({
        %run_scoped3A = tpu.sem_alloc : memref<!tpu.dma_semaphore, #tpu.memory_space<semaphore_mem>>
        %dma_start3A_304 = tpu.memref_slice %arg4[%add3A_241] : memref<802944xi32, #tpu.memory_space<hbm>> -> memref<64xi32, #tpu.memory_space<hbm>>
        %dma_start3A_305 = tpu.memref_slice %arg4[%add3A_241] : memref<802944xi32, #tpu.memory_space<hbm>> -> memref<64xi32, #tpu.memory_space<hbm>>
        tpu.enqueue_dma source(%dma_start3A_305 : memref<64xi32, #tpu.memory_space<hbm>>) target(%arg9 : memref<64xi32, #tpu.memory_space<vmem>>) target_semaphore(%run_scoped3A : memref<!tpu.dma_semaphore, #tpu.memory_space<semaphore_mem>>)
        %dma_wait3A_306 = tpu.memref_slice %arg4[%add3A_241] : memref<802944xi32, #tpu.memory_space<hbm>> -> memref<64xi32, #tpu.memory_space<hbm>>
        %dma_wait3A_307 = tpu.memref_slice %arg4[%add3A_241] : memref<802944xi32, #tpu.memory_space<hbm>> -> memref<64xi32, #tpu.memory_space<hbm>>
        tpu.wait_dma2 semaphore(%run_scoped3A : memref<!tpu.dma_semaphore, #tpu.memory_space<semaphore_mem>>) src(%dma_wait3A_307 : memref<64xi32, #tpu.memory_space<hbm>>) dst(%arg9 : memref<64xi32, #tpu.memory_space<vmem>>)
        tpu.yield
      }) : () -> ()
      %get3A_242 = arith.constant 0 : index
      %get3A_243 = tpu.vector_load %arg9[%get3A_242] {strides = array<i32>} : memref<64xi32, #tpu.memory_space<vmem>>, vector<16xi32>,
      %sub3A_244 = vector.broadcast %mul3A_83 : i32 to vector<16xi32>
      %sub3A_245 = arith.subi %get3A_243, %sub3A_244 : vector<16xi32>
      %ge3A_246 = arith.constant 0 : i32
      %ge3A_247 = vector.broadcast %ge3A_246 : i32 to vector<16xi32>
      %ge3A_248 = arith.cmpi sge, %sub3A_245, %ge3A_247 : vector<16xi32>
      %lt3A_249 = arith.constant 12800 : i32
      %lt3A_250 = vector.broadcast %lt3A_249 : i32 to vector<16xi32>
      %lt3A_251 = arith.cmpi slt, %sub3A_245, %lt3A_250 : vector<16xi32>
      %and3A_252 = arith.andi %ge3A_248, %lt3A_251 : vector<16xi1>
      %select_n3A_253 = arith.select %and3A_252, %sub3A_245, %add3A : vector<16xi1>, vector<16xi32>
      %swap3A_254 = arith.constant 0 : index
      %swap3A_255 = tpu.vector_load %arg9[%swap3A_254] {strides = array<i32>} : memref<64xi32, #tpu.memory_space<vmem>>, vector<16xi32>,
      tpu.vector_store %arg9[%swap3A_254], %select_n3A_253 {strides = array<i32>} : memref<64xi32, #tpu.memory_space<vmem>>, vector<16xi32>,
      %get3A_256 = arith.constant 16 : index
      %get3A_257 = tpu.vector_load %arg9[%get3A_256] {strides = array<i32>} : memref<64xi32, #tpu.memory_space<vmem>>, vector<16xi32>,
      %sub3A_258 = vector.broadcast %mul3A_83 : i32 to vector<16xi32>
      %sub3A_259 = arith.subi %get3A_257, %sub3A_258 : vector<16xi32>
      %ge3A_260 = arith.constant 0 : i32
      %ge3A_261 = vector.broadcast %ge3A_260 : i32 to vector<16xi32>
      %ge3A_262 = arith.cmpi sge, %sub3A_259, %ge3A_261 : vector<16xi32>
      %lt3A_263 = arith.constant 12800 : i32
      %lt3A_264 = vector.broadcast %lt3A_263 : i32 to vector<16xi32>
      %lt3A_265 = arith.cmpi slt, %sub3A_259, %lt3A_264 : vector<16xi32>
      %and3A_266 = arith.andi %ge3A_262, %lt3A_265 : vector<16xi1>
      %select_n3A_267 = arith.select %and3A_266, %sub3A_259, %add3A : vector<16xi1>, vector<16xi32>
      %swap3A_268 = arith.constant 16 : index
      %swap3A_269 = tpu.vector_load %arg9[%swap3A_268] {strides = array<i32>} : memref<64xi32, #tpu.memory_space<vmem>>, vector<16xi32>,
      tpu.vector_store %arg9[%swap3A_268], %select_n3A_267 {strides = array<i32>} : memref<64xi32, #tpu.memory_space<vmem>>, vector<16xi32>,
      %get3A_270 = arith.constant 32 : index
      %get3A_271 = tpu.vector_load %arg9[%get3A_270] {strides = array<i32>} : memref<64xi32, #tpu.memory_space<vmem>>, vector<16xi32>,
      %sub3A_272 = vector.broadcast %mul3A_83 : i32 to vector<16xi32>
      %sub3A_273 = arith.subi %get3A_271, %sub3A_272 : vector<16xi32>
      %ge3A_274 = arith.constant 0 : i32
      %ge3A_275 = vector.broadcast %ge3A_274 : i32 to vector<16xi32>
      %ge3A_276 = arith.cmpi sge, %sub3A_273, %ge3A_275 : vector<16xi32>
      %lt3A_277 = arith.constant 12800 : i32
      %lt3A_278 = vector.broadcast %lt3A_277 : i32 to vector<16xi32>
      %lt3A_279 = arith.cmpi slt, %sub3A_273, %lt3A_278 : vector<16xi32>
      %and3A_280 = arith.andi %ge3A_276, %lt3A_279 : vector<16xi1>
      %select_n3A_281 = arith.select %and3A_280, %sub3A_273, %add3A : vector<16xi1>, vector<16xi32>
      %swap3A_282 = arith.constant 32 : index
      %swap3A_283 = tpu.vector_load %arg9[%swap3A_282] {strides = array<i32>} : memref<64xi32, #tpu.memory_space<vmem>>, vector<16xi32>,
      tpu.vector_store %arg9[%swap3A_282], %select_n3A_281 {strides = array<i32>} : memref<64xi32, #tpu.memory_space<vmem>>, vector<16xi32>,
      %get3A_284 = arith.constant 48 : index
      %get3A_285 = tpu.vector_load %arg9[%get3A_284] {strides = array<i32>} : memref<64xi32, #tpu.memory_space<vmem>>, vector<16xi32>,
      %sub3A_286 = vector.broadcast %mul3A_83 : i32 to vector<16xi32>
      %sub3A_287 = arith.subi %get3A_285, %sub3A_286 : vector<16xi32>
      %ge3A_288 = arith.constant 0 : i32
      %ge3A_289 = vector.broadcast %ge3A_288 : i32 to vector<16xi32>
      %ge3A_290 = arith.cmpi sge, %sub3A_287, %ge3A_289 : vector<16xi32>
      %lt3A_291 = arith.constant 12800 : i32
      %lt3A_292 = vector.broadcast %lt3A_291 : i32 to vector<16xi32>
      %lt3A_293 = arith.cmpi slt, %sub3A_287, %lt3A_292 : vector<16xi32>
      %and3A_294 = arith.andi %ge3A_290, %lt3A_293 : vector<16xi1>
      %select_n3A_295 = arith.select %and3A_294, %sub3A_287, %add3A : vector<16xi1>, vector<16xi32>
      %swap3A_296 = arith.constant 48 : index
      %swap3A_297 = tpu.vector_load %arg9[%swap3A_296] {strides = array<i32>} : memref<64xi32, #tpu.memory_space<vmem>>, vector<16xi32>,
      tpu.vector_store %arg9[%swap3A_296], %select_n3A_295 {strides = array<i32>} : memref<64xi32, #tpu.memory_space<vmem>>, vector<16xi32>,
      %dma_start3A_298 = arith.constant 0 : i32
      %dma_start3A_299 = arith.constant 0 : i32
      %dma_start3A_300 = tpu.memref_slice %arg2[%dma_start3A_298, %dma_start3A_299] : memref<51200x128xf32, #tpu.memory_space<hbm>> -> memref<51200x128xf32, #tpu.memory_space<hbm>>
      tpu.enqueue_indirect_dma source(%dma_start3A_300 : memref<51200x128xf32, #tpu.memory_space<hbm>>) target(%arg11 : memref<64x128xf32, #tpu.memory_space<vmem>>) offsets(%arg7 : memref<64xi32, #tpu.memory_space<vmem>>) semaphore(%arg13 : memref<!tpu.dma_semaphore, #tpu.memory_space<semaphore_mem>>)
      %dma_wait3A_301 = arith.constant 0 : i32
      %dma_wait3A_302 = arith.constant 0 : i32
      %dma_wait3A_303 = tpu.memref_slice %arg2[%dma_wait3A_301, %dma_wait3A_302] : memref<51200x128xf32, #tpu.memory_space<hbm>> -> memref<51200x128xf32, #tpu.memory_space<hbm>>
      tpu.wait_indirect_dma semaphore(%arg14 : memref<!tpu.dma_semaphore, #tpu.memory_space<semaphore_mem>>) src(%dma_wait3A_303 : memref<51200x128xf32, #tpu.memory_space<hbm>>) dst(%arg12 : memref<64x128xf32, #tpu.memory_space<vmem>>)
      "tpu.region"() ({
        %run_scoped3A = tpu.sem_alloc : memref<!tpu.dma_semaphore, #tpu.memory_space<semaphore_mem>>
        %dma_start3A_304 = arith.constant 0 : i32
        %dma_start3A_305 = arith.constant 0 : i32
        %dma_start3A_306 = tpu.memref_slice %arg6[%dma_start3A_304, %dma_start3A_305] : memref<12816x128xf32, #tpu.memory_space<vmem_shared>> -> memref<12816x128xf32, #tpu.memory_space<vmem_shared>>
        tpu.enqueue_indirect_dma source(%arg12 : memref<64x128xf32, #tpu.memory_space<vmem>>) target(%dma_start3A_306 : memref<12816x128xf32, #tpu.memory_space<vmem_shared>>) offsets(%arg10 : memref<64xi32, #tpu.memory_space<vmem>>) semaphore(%run_scoped3A : memref<!tpu.dma_semaphore, #tpu.memory_space<semaphore_mem>>) {add = true}
        %dma_wait3A_307 = arith.constant 0 : i32
        %dma_wait3A_308 = arith.constant 0 : i32
        %dma_wait3A_309 = tpu.memref_slice %arg6[%dma_wait3A_307, %dma_wait3A_308] : memref<12816x128xf32, #tpu.memory_space<vmem_shared>> -> memref<12816x128xf32, #tpu.memory_space<vmem_shared>>
        tpu.wait_indirect_dma semaphore(%run_scoped3A : memref<!tpu.dma_semaphore, #tpu.memory_space<semaphore_mem>>) src(%arg12 : memref<64x128xf32, #tpu.memory_space<vmem>>) dst(%dma_wait3A_309 : memref<12816x128xf32, #tpu.memory_space<vmem_shared>>)
        tpu.yield
      }) : () -> ()
    }
    %scan3A_154 = arith.constant 392 : i32
    %dma_wait3A_155 = arith.constant 0 : i32
    %dma_wait3A_156 = arith.constant 0 : i32
    %dma_wait3A_157 = tpu.memref_slice %arg2[%dma_wait3A_155, %dma_wait3A_156] : memref<51200x128xf32, #tpu.memory_space<hbm>> -> memref<51200x128xf32, #tpu.memory_space<hbm>>
    tpu.wait_indirect_dma semaphore(%arg13 : memref<!tpu.dma_semaphore, #tpu.memory_space<semaphore_mem>>) src(%dma_wait3A_157 : memref<51200x128xf32, #tpu.memory_space<hbm>>) dst(%arg11 : memref<64x128xf32, #tpu.memory_space<vmem>>)
    %barrier3A_158 = arith.constant 0 : index
    tpu.barrier barrier_id(%barrier3A_158)
    %mul3A_159 = arith.constant 800 : i32
    %mul3A_160 = arith.muli %arg1, %mul3A_159 : i32
    %mul3A_161 = arith.constant 800 : i32
    %mul3A_162 = arith.muli %arg1, %mul3A_161 : i32
    %add3A_163 = arith.addi %mul3A_83, %mul3A_162 : i32
    "tpu.region"() ({
      %run_scoped3A = tpu.sem_alloc : memref<!tpu.dma_semaphore, #tpu.memory_space<semaphore_mem>>
      %dma_start3A_165 = arith.constant 0 : i32
      %dma_start3A_166 = tpu.memref_slice %arg5[%add3A_163, %dma_start3A_165] : memref<51200x128xf32, #tpu.memory_space<hbm>> -> memref<800x128xf32, #tpu.memory_space<hbm>>
      %dma_start3A_167 = arith.constant 0 : i32
      %dma_start3A_168 = tpu.memref_slice %arg6[%mul3A_160, %dma_start3A_167] : memref<12816x128xf32, #tpu.memory_space<vmem_shared>> -> memref<800x128xf32, #tpu.memory_space<vmem_shared>>
      tpu.enqueue_dma source(%dma_start3A_168 : memref<800x128xf32, #tpu.memory_space<vmem_shared>>) target(%dma_start3A_166 : memref<800x128xf32, #tpu.memory_space<hbm>>) target_semaphore(%run_scoped3A : memref<!tpu.dma_semaphore, #tpu.memory_space<semaphore_mem>>)
      %dma_wait3A_169 = arith.constant 0 : i32
      %dma_wait3A_170 = tpu.memref_slice %arg5[%add3A_163, %dma_wait3A_169] : memref<51200x128xf32, #tpu.memory_space<hbm>> -> memref<800x128xf32, #tpu.memory_space<hbm>>
      %dma_wait3A_171 = arith.constant 0 : i32
      %dma_wait3A_172 = tpu.memref_slice %arg6[%mul3A_160, %dma_wait3A_171] : memref<12816x128xf32, #tpu.memory_space<vmem_shared>> -> memref<800x128xf32, #tpu.memory_space<vmem_shared>>
      tpu.wait_dma2 semaphore(%run_scoped3A : memref<!tpu.dma_semaphore, #tpu.memory_space<semaphore_mem>>) src(%dma_wait3A_172 : memref<800x128xf32, #tpu.memory_space<vmem_shared>>) dst(%dma_wait3A_170 : memref<800x128xf32, #tpu.memory_space<hbm>>)
      tpu.yield
    }) : () -> ()
    %barrier3A_164 = arith.constant 0 : index
    tpu.barrier barrier_id(%barrier3A_164)
    return
  }
}

#map = affine_map<(d0, d1) -> (0, 0)>
#map1 = affine_map<(d0, d1) -> (0)>
module attributes {stable_mosaic.version = 14 : i64} {
  func.func @_agg_body(%arg0: i32, %arg1: i32, %arg2: memref<51200x128xf32, #tpu.memory_space<hbm>>, %arg3: memref<802944xi32, #tpu.memory_space<hbm>>, %arg4: memref<802944xi32, #tpu.memory_space<hbm>>, %arg5: memref<51200x128xf32, #tpu.memory_space<hbm>>, %arg6: memref<12816x128xf32, #tpu.memory_space<vmem_shared>>, %arg7: memref<64xi32, #tpu.memory_space<vmem>>, %arg8: memref<64xi32, #tpu.memory_space<vmem>>, %arg9: memref<64xi32, #tpu.memory_space<vmem>>, %arg10: memref<64xi32, #tpu.memory_space<vmem>>, %arg11: memref<64x128xf32, #tpu.memory_space<vmem>>, %arg12: memref<64x128xf32, #tpu.memory_space<vmem>>, %arg13: memref<!tpu.dma_semaphore, #tpu.memory_space<semaphore_mem>>, %arg14: memref<!tpu.dma_semaphore, #tpu.memory_space<semaphore_mem>>) attributes {dimension_semantics = [#tpu.dimension_semantics<core_parallel>, #tpu.dimension_semantics<subcore_parallel>], iteration_bounds = array<i64: 2, 16>, scalar_prefetch = 0 : i64, scratch_operands = 9 : i64, tpu.core_type = #tpu.core_type<sc_vector_subcore>, window_params = [{transform_indices = #map}, {transform_indices = #map1}, {transform_indices = #map1}, {transform_indices = #map}]} {
    %mul3A = arith.constant 50176 : i32
    %mul3A_0 = arith.muli %arg1, %mul3A : i32
    %broadcast_in_dim3A = arith.constant 12800 : i32
    %broadcast_in_dim3A_1 = vector.broadcast %broadcast_in_dim3A : i32 to vector<16xi32>
    %iota3A = tpu.iota {dimensions = array<i32: 0>} : vector<16xi32>
    %add3A = arith.addi %broadcast_in_dim3A_1, %iota3A : vector<16xi32>
    %mul3A_2 = arith.constant 2 : i32
    %mul3A_3 = arith.muli %arg0, %mul3A_2 : i32
    %add3A_4 = arith.constant 0 : i32
    %add3A_5 = arith.addi %mul3A_3, %add3A_4 : i32
    %mul3A_6 = arith.constant 12800 : i32
    %mul3A_7 = arith.muli %add3A_5, %mul3A_6 : i32
    %mul3A_8 = arith.constant 800 : i32
    %mul3A_9 = arith.muli %arg1, %mul3A_8 : i32
    %add3A_10 = arith.addi %mul3A_7, %mul3A_9 : i32
    %mul3A_11 = arith.constant 800 : i32
    %mul3A_12 = arith.muli %arg1, %mul3A_11 : i32
    "tpu.region"() ({
      %run_scoped3A = tpu.sem_alloc : memref<!tpu.dma_semaphore, #tpu.memory_space<semaphore_mem>>
      %dma_start3A_165 = arith.constant 0 : i32
      %dma_start3A_166 = tpu.memref_slice %arg6[%mul3A_12, %dma_start3A_165] : memref<12816x128xf32, #tpu.memory_space<vmem_shared>> -> memref<800x128xf32, #tpu.memory_space<vmem_shared>>
      %dma_start3A_167 = arith.constant 0 : i32
      %dma_start3A_168 = tpu.memref_slice %arg2[%add3A_10, %dma_start3A_167] : memref<51200x128xf32, #tpu.memory_space<hbm>> -> memref<800x128xf32, #tpu.memory_space<hbm>>
      tpu.enqueue_dma source(%dma_start3A_168 : memref<800x128xf32, #tpu.memory_space<hbm>>) target(%dma_start3A_166 : memref<800x128xf32, #tpu.memory_space<vmem_shared>>) target_semaphore(%run_scoped3A : memref<!tpu.dma_semaphore, #tpu.memory_space<semaphore_mem>>)
      %dma_wait3A_169 = arith.constant 0 : i32
      %dma_wait3A_170 = tpu.memref_slice %arg6[%mul3A_12, %dma_wait3A_169] : memref<12816x128xf32, #tpu.memory_space<vmem_shared>> -> memref<800x128xf32, #tpu.memory_space<vmem_shared>>
      %dma_wait3A_171 = arith.constant 0 : i32
      %dma_wait3A_172 = tpu.memref_slice %arg2[%add3A_10, %dma_wait3A_171] : memref<51200x128xf32, #tpu.memory_space<hbm>> -> memref<800x128xf32, #tpu.memory_space<hbm>>
      tpu.wait_dma2 semaphore(%run_scoped3A : memref<!tpu.dma_semaphore, #tpu.memory_space<semaphore_mem>>) src(%dma_wait3A_172 : memref<800x128xf32, #tpu.memory_space<hbm>>) dst(%dma_wait3A_170 : memref<800x128xf32, #tpu.memory_space<vmem_shared>>)
      tpu.yield
    }) : () -> ()
    %barrier3A = arith.constant 0 : index
    tpu.barrier barrier_id(%barrier3A)
    "tpu.region"() ({
      %run_scoped3A = tpu.sem_alloc : memref<!tpu.dma_semaphore, #tpu.memory_space<semaphore_mem>>
      %dma_start3A_165 = tpu.memref_slice %arg3[%mul3A_0] : memref<802944xi32, #tpu.memory_space<hbm>> -> memref<64xi32, #tpu.memory_space<hbm>>
      %dma_start3A_166 = tpu.memref_slice %arg3[%mul3A_0] : memref<802944xi32, #tpu.memory_space<hbm>> -> memref<64xi32, #tpu.memory_space<hbm>>
      tpu.enqueue_dma source(%dma_start3A_166 : memref<64xi32, #tpu.memory_space<hbm>>) target(%arg7 : memref<64xi32, #tpu.memory_space<vmem>>) target_semaphore(%run_scoped3A : memref<!tpu.dma_semaphore, #tpu.memory_space<semaphore_mem>>)
      %dma_wait3A_167 = tpu.memref_slice %arg3[%mul3A_0] : memref<802944xi32, #tpu.memory_space<hbm>> -> memref<64xi32, #tpu.memory_space<hbm>>
      %dma_wait3A_168 = tpu.memref_slice %arg3[%mul3A_0] : memref<802944xi32, #tpu.memory_space<hbm>> -> memref<64xi32, #tpu.memory_space<hbm>>
      tpu.wait_dma2 semaphore(%run_scoped3A : memref<!tpu.dma_semaphore, #tpu.memory_space<semaphore_mem>>) src(%dma_wait3A_168 : memref<64xi32, #tpu.memory_space<hbm>>) dst(%arg7 : memref<64xi32, #tpu.memory_space<vmem>>)
      tpu.yield
    }) : () -> ()
    "tpu.region"() ({
      %run_scoped3A = tpu.sem_alloc : memref<!tpu.dma_semaphore, #tpu.memory_space<semaphore_mem>>
      %dma_start3A_165 = tpu.memref_slice %arg4[%mul3A_0] : memref<802944xi32, #tpu.memory_space<hbm>> -> memref<64xi32, #tpu.memory_space<hbm>>
      %dma_start3A_166 = tpu.memref_slice %arg4[%mul3A_0] : memref<802944xi32, #tpu.memory_space<hbm>> -> memref<64xi32, #tpu.memory_space<hbm>>
      tpu.enqueue_dma source(%dma_start3A_166 : memref<64xi32, #tpu.memory_space<hbm>>) target(%arg9 : memref<64xi32, #tpu.memory_space<vmem>>) target_semaphore(%run_scoped3A : memref<!tpu.dma_semaphore, #tpu.memory_space<semaphore_mem>>)
      %dma_wait3A_167 = tpu.memref_slice %arg4[%mul3A_0] : memref<802944xi32, #tpu.memory_space<hbm>> -> memref<64xi32, #tpu.memory_space<hbm>>
      %dma_wait3A_168 = tpu.memref_slice %arg4[%mul3A_0] : memref<802944xi32, #tpu.memory_space<hbm>> -> memref<64xi32, #tpu.memory_space<hbm>>
      tpu.wait_dma2 semaphore(%run_scoped3A : memref<!tpu.dma_semaphore, #tpu.memory_space<semaphore_mem>>) src(%dma_wait3A_168 : memref<64xi32, #tpu.memory_space<hbm>>) dst(%arg9 : memref<64xi32, #tpu.memory_space<vmem>>)
      tpu.yield
    }) : () -> ()
    %get3A = arith.constant 0 : index
    %get3A_13 = tpu.vector_load %arg9[%get3A] {strides = array<i32>} : memref<64xi32, #tpu.memory_space<vmem>>, vector<16xi32>,
    %sub3A = vector.broadcast %mul3A_7 : i32 to vector<16xi32>
    %sub3A_14 = arith.subi %get3A_13, %sub3A : vector<16xi32>
    %ge3A = arith.constant 0 : i32
    %ge3A_15 = vector.broadcast %ge3A : i32 to vector<16xi32>
    %ge3A_16 = arith.cmpi sge, %sub3A_14, %ge3A_15 : vector<16xi32>
    %lt3A = arith.constant 12800 : i32
    %lt3A_17 = vector.broadcast %lt3A : i32 to vector<16xi32>
    %lt3A_18 = arith.cmpi slt, %sub3A_14, %lt3A_17 : vector<16xi32>
    %and3A = arith.andi %ge3A_16, %lt3A_18 : vector<16xi1>
    %select_n3A = arith.select %and3A, %sub3A_14, %add3A : vector<16xi1>, vector<16xi32>
    %swap3A = arith.constant 0 : index
    %swap3A_19 = tpu.vector_load %arg9[%swap3A] {strides = array<i32>} : memref<64xi32, #tpu.memory_space<vmem>>, vector<16xi32>,
    tpu.vector_store %arg9[%swap3A], %select_n3A {strides = array<i32>} : memref<64xi32, #tpu.memory_space<vmem>>, vector<16xi32>,
    %get3A_20 = arith.constant 16 : index
    %get3A_21 = tpu.vector_load %arg9[%get3A_20] {strides = array<i32>} : memref<64xi32, #tpu.memory_space<vmem>>, vector<16xi32>,
    %sub3A_22 = vector.broadcast %mul3A_7 : i32 to vector<16xi32>
    %sub3A_23 = arith.subi %get3A_21, %sub3A_22 : vector<16xi32>
    %ge3A_24 = arith.constant 0 : i32
    %ge3A_25 = vector.broadcast %ge3A_24 : i32 to vector<16xi32>
    %ge3A_26 = arith.cmpi sge, %sub3A_23, %ge3A_25 : vector<16xi32>
    %lt3A_27 = arith.constant 12800 : i32
    %lt3A_28 = vector.broadcast %lt3A_27 : i32 to vector<16xi32>
    %lt3A_29 = arith.cmpi slt, %sub3A_23, %lt3A_28 : vector<16xi32>
    %and3A_30 = arith.andi %ge3A_26, %lt3A_29 : vector<16xi1>
    %select_n3A_31 = arith.select %and3A_30, %sub3A_23, %add3A : vector<16xi1>, vector<16xi32>
    %swap3A_32 = arith.constant 16 : index
    %swap3A_33 = tpu.vector_load %arg9[%swap3A_32] {strides = array<i32>} : memref<64xi32, #tpu.memory_space<vmem>>, vector<16xi32>,
    tpu.vector_store %arg9[%swap3A_32], %select_n3A_31 {strides = array<i32>} : memref<64xi32, #tpu.memory_space<vmem>>, vector<16xi32>,
    %get3A_34 = arith.constant 32 : index
    %get3A_35 = tpu.vector_load %arg9[%get3A_34] {strides = array<i32>} : memref<64xi32, #tpu.memory_space<vmem>>, vector<16xi32>,
    %sub3A_36 = vector.broadcast %mul3A_7 : i32 to vector<16xi32>
    %sub3A_37 = arith.subi %get3A_35, %sub3A_36 : vector<16xi32>
    %ge3A_38 = arith.constant 0 : i32
    %ge3A_39 = vector.broadcast %ge3A_38 : i32 to vector<16xi32>
    %ge3A_40 = arith.cmpi sge, %sub3A_37, %ge3A_39 : vector<16xi32>
    %lt3A_41 = arith.constant 12800 : i32
    %lt3A_42 = vector.broadcast %lt3A_41 : i32 to vector<16xi32>
    %lt3A_43 = arith.cmpi slt, %sub3A_37, %lt3A_42 : vector<16xi32>
    %and3A_44 = arith.andi %ge3A_40, %lt3A_43 : vector<16xi1>
    %select_n3A_45 = arith.select %and3A_44, %sub3A_37, %add3A : vector<16xi1>, vector<16xi32>
    %swap3A_46 = arith.constant 32 : index
    %swap3A_47 = tpu.vector_load %arg9[%swap3A_46] {strides = array<i32>} : memref<64xi32, #tpu.memory_space<vmem>>, vector<16xi32>,
    tpu.vector_store %arg9[%swap3A_46], %select_n3A_45 {strides = array<i32>} : memref<64xi32, #tpu.memory_space<vmem>>, vector<16xi32>,
    %get3A_48 = arith.constant 48 : index
    %get3A_49 = tpu.vector_load %arg9[%get3A_48] {strides = array<i32>} : memref<64xi32, #tpu.memory_space<vmem>>, vector<16xi32>,
    %sub3A_50 = vector.broadcast %mul3A_7 : i32 to vector<16xi32>
    %sub3A_51 = arith.subi %get3A_49, %sub3A_50 : vector<16xi32>
    %ge3A_52 = arith.constant 0 : i32
    %ge3A_53 = vector.broadcast %ge3A_52 : i32 to vector<16xi32>
    %ge3A_54 = arith.cmpi sge, %sub3A_51, %ge3A_53 : vector<16xi32>
    %lt3A_55 = arith.constant 12800 : i32
    %lt3A_56 = vector.broadcast %lt3A_55 : i32 to vector<16xi32>
    %lt3A_57 = arith.cmpi slt, %sub3A_51, %lt3A_56 : vector<16xi32>
    %and3A_58 = arith.andi %ge3A_54, %lt3A_57 : vector<16xi1>
    %select_n3A_59 = arith.select %and3A_58, %sub3A_51, %add3A : vector<16xi1>, vector<16xi32>
    %swap3A_60 = arith.constant 48 : index
    %swap3A_61 = tpu.vector_load %arg9[%swap3A_60] {strides = array<i32>} : memref<64xi32, #tpu.memory_space<vmem>>, vector<16xi32>,
    tpu.vector_store %arg9[%swap3A_60], %select_n3A_59 {strides = array<i32>} : memref<64xi32, #tpu.memory_space<vmem>>, vector<16xi32>,
    %dma_start3A = arith.constant 0 : i32
    %dma_start3A_62 = arith.constant 0 : i32
    %dma_start3A_63 = tpu.memref_slice %arg2[%dma_start3A, %dma_start3A_62] : memref<51200x128xf32, #tpu.memory_space<hbm>> -> memref<51200x128xf32, #tpu.memory_space<hbm>>
    tpu.enqueue_indirect_dma source(%dma_start3A_63 : memref<51200x128xf32, #tpu.memory_space<hbm>>) target(%arg11 : memref<64x128xf32, #tpu.memory_space<vmem>>) offsets(%arg7 : memref<64xi32, #tpu.memory_space<vmem>>) semaphore(%arg13 : memref<!tpu.dma_semaphore, #tpu.memory_space<semaphore_mem>>)
    %scan3A = arith.constant 0 : i32
    %scan3A_64 = arith.constant 0 : i32
    %scan3A_65 = arith.constant 392 : i32
    %scan3A_66 = arith.addi %scan3A_64, %scan3A_65 : i32
    %scan3A_67 = arith.constant 1 : i32
    scf.for %scan3A_165 = %scan3A_64 to %scan3A_66 step %scan3A_67  : i32 {
      %mul3A_166 = arith.constant 2 : i32
      %mul3A_167 = arith.muli %mul3A_166, %scan3A_165 : i32
      %add3A_168 = arith.constant 1 : i32
      %add3A_169 = arith.addi %mul3A_167, %add3A_168 : i32
      %mul3A_170 = arith.constant 64 : i32
      %mul3A_171 = arith.muli %add3A_169, %mul3A_170 : i32
      %add3A_172 = arith.addi %mul3A_0, %mul3A_171 : i32
      "tpu.region"() ({
        %run_scoped3A = tpu.sem_alloc : memref<!tpu.dma_semaphore, #tpu.memory_space<semaphore_mem>>
        %dma_start3A_304 = tpu.memref_slice %arg3[%add3A_172] : memref<802944xi32, #tpu.memory_space<hbm>> -> memref<64xi32, #tpu.memory_space<hbm>>
        %dma_start3A_305 = tpu.memref_slice %arg3[%add3A_172] : memref<802944xi32, #tpu.memory_space<hbm>> -> memref<64xi32, #tpu.memory_space<hbm>>
        tpu.enqueue_dma source(%dma_start3A_305 : memref<64xi32, #tpu.memory_space<hbm>>) target(%arg8 : memref<64xi32, #tpu.memory_space<vmem>>) target_semaphore(%run_scoped3A : memref<!tpu.dma_semaphore, #tpu.memory_space<semaphore_mem>>)
        %dma_wait3A_306 = tpu.memref_slice %arg3[%add3A_172] : memref<802944xi32, #tpu.memory_space<hbm>> -> memref<64xi32, #tpu.memory_space<hbm>>
        %dma_wait3A_307 = tpu.memref_slice %arg3[%add3A_172] : memref<802944xi32, #tpu.memory_space<hbm>> -> memref<64xi32, #tpu.memory_space<hbm>>
        tpu.wait_dma2 semaphore(%run_scoped3A : memref<!tpu.dma_semaphore, #tpu.memory_space<semaphore_mem>>) src(%dma_wait3A_307 : memref<64xi32, #tpu.memory_space<hbm>>) dst(%arg8 : memref<64xi32, #tpu.memory_space<vmem>>)
        tpu.yield
      }) : () -> ()
      "tpu.region"() ({
        %run_scoped3A = tpu.sem_alloc : memref<!tpu.dma_semaphore, #tpu.memory_space<semaphore_mem>>
        %dma_start3A_304 = tpu.memref_slice %arg4[%add3A_172] : memref<802944xi32, #tpu.memory_space<hbm>> -> memref<64xi32, #tpu.memory_space<hbm>>
        %dma_start3A_305 = tpu.memref_slice %arg4[%add3A_172] : memref<802944xi32, #tpu.memory_space<hbm>> -> memref<64xi32, #tpu.memory_space<hbm>>
        tpu.enqueue_dma source(%dma_start3A_305 : memref<64xi32, #tpu.memory_space<hbm>>) target(%arg10 : memref<64xi32, #tpu.memory_space<vmem>>) target_semaphore(%run_scoped3A : memref<!tpu.dma_semaphore, #tpu.memory_space<semaphore_mem>>)
        %dma_wait3A_306 = tpu.memref_slice %arg4[%add3A_172] : memref<802944xi32, #tpu.memory_space<hbm>> -> memref<64xi32, #tpu.memory_space<hbm>>
        %dma_wait3A_307 = tpu.memref_slice %arg4[%add3A_172] : memref<802944xi32, #tpu.memory_space<hbm>> -> memref<64xi32, #tpu.memory_space<hbm>>
        tpu.wait_dma2 semaphore(%run_scoped3A : memref<!tpu.dma_semaphore, #tpu.memory_space<semaphore_mem>>) src(%dma_wait3A_307 : memref<64xi32, #tpu.memory_space<hbm>>) dst(%arg10 : memref<64xi32, #tpu.memory_space<vmem>>)
        tpu.yield
      }) : () -> ()
      %get3A_173 = arith.constant 0 : index
      %get3A_174 = tpu.vector_load %arg10[%get3A_173] {strides = array<i32>} : memref<64xi32, #tpu.memory_space<vmem>>, vector<16xi32>,
      %sub3A_175 = vector.broadcast %mul3A_7 : i32 to vector<16xi32>
      %sub3A_176 = arith.subi %get3A_174, %sub3A_175 : vector<16xi32>
      %ge3A_177 = arith.constant 0 : i32
      %ge3A_178 = vector.broadcast %ge3A_177 : i32 to vector<16xi32>
      %ge3A_179 = arith.cmpi sge, %sub3A_176, %ge3A_178 : vector<16xi32>
      %lt3A_180 = arith.constant 12800 : i32
      %lt3A_181 = vector.broadcast %lt3A_180 : i32 to vector<16xi32>
      %lt3A_182 = arith.cmpi slt, %sub3A_176, %lt3A_181 : vector<16xi32>
      %and3A_183 = arith.andi %ge3A_179, %lt3A_182 : vector<16xi1>
      %select_n3A_184 = arith.select %and3A_183, %sub3A_176, %add3A : vector<16xi1>, vector<16xi32>
      %swap3A_185 = arith.constant 0 : index
      %swap3A_186 = tpu.vector_load %arg10[%swap3A_185] {strides = array<i32>} : memref<64xi32, #tpu.memory_space<vmem>>, vector<16xi32>,
      tpu.vector_store %arg10[%swap3A_185], %select_n3A_184 {strides = array<i32>} : memref<64xi32, #tpu.memory_space<vmem>>, vector<16xi32>,
      %get3A_187 = arith.constant 16 : index
      %get3A_188 = tpu.vector_load %arg10[%get3A_187] {strides = array<i32>} : memref<64xi32, #tpu.memory_space<vmem>>, vector<16xi32>,
      %sub3A_189 = vector.broadcast %mul3A_7 : i32 to vector<16xi32>
      %sub3A_190 = arith.subi %get3A_188, %sub3A_189 : vector<16xi32>
      %ge3A_191 = arith.constant 0 : i32
      %ge3A_192 = vector.broadcast %ge3A_191 : i32 to vector<16xi32>
      %ge3A_193 = arith.cmpi sge, %sub3A_190, %ge3A_192 : vector<16xi32>
      %lt3A_194 = arith.constant 12800 : i32
      %lt3A_195 = vector.broadcast %lt3A_194 : i32 to vector<16xi32>
      %lt3A_196 = arith.cmpi slt, %sub3A_190, %lt3A_195 : vector<16xi32>
      %and3A_197 = arith.andi %ge3A_193, %lt3A_196 : vector<16xi1>
      %select_n3A_198 = arith.select %and3A_197, %sub3A_190, %add3A : vector<16xi1>, vector<16xi32>
      %swap3A_199 = arith.constant 16 : index
      %swap3A_200 = tpu.vector_load %arg10[%swap3A_199] {strides = array<i32>} : memref<64xi32, #tpu.memory_space<vmem>>, vector<16xi32>,
      tpu.vector_store %arg10[%swap3A_199], %select_n3A_198 {strides = array<i32>} : memref<64xi32, #tpu.memory_space<vmem>>, vector<16xi32>,
      %get3A_201 = arith.constant 32 : index
      %get3A_202 = tpu.vector_load %arg10[%get3A_201] {strides = array<i32>} : memref<64xi32, #tpu.memory_space<vmem>>, vector<16xi32>,
      %sub3A_203 = vector.broadcast %mul3A_7 : i32 to vector<16xi32>
      %sub3A_204 = arith.subi %get3A_202, %sub3A_203 : vector<16xi32>
      %ge3A_205 = arith.constant 0 : i32
      %ge3A_206 = vector.broadcast %ge3A_205 : i32 to vector<16xi32>
      %ge3A_207 = arith.cmpi sge, %sub3A_204, %ge3A_206 : vector<16xi32>
      %lt3A_208 = arith.constant 12800 : i32
      %lt3A_209 = vector.broadcast %lt3A_208 : i32 to vector<16xi32>
      %lt3A_210 = arith.cmpi slt, %sub3A_204, %lt3A_209 : vector<16xi32>
      %and3A_211 = arith.andi %ge3A_207, %lt3A_210 : vector<16xi1>
      %select_n3A_212 = arith.select %and3A_211, %sub3A_204, %add3A : vector<16xi1>, vector<16xi32>
      %swap3A_213 = arith.constant 32 : index
      %swap3A_214 = tpu.vector_load %arg10[%swap3A_213] {strides = array<i32>} : memref<64xi32, #tpu.memory_space<vmem>>, vector<16xi32>,
      tpu.vector_store %arg10[%swap3A_213], %select_n3A_212 {strides = array<i32>} : memref<64xi32, #tpu.memory_space<vmem>>, vector<16xi32>,
      %get3A_215 = arith.constant 48 : index
      %get3A_216 = tpu.vector_load %arg10[%get3A_215] {strides = array<i32>} : memref<64xi32, #tpu.memory_space<vmem>>, vector<16xi32>,
      %sub3A_217 = vector.broadcast %mul3A_7 : i32 to vector<16xi32>
      %sub3A_218 = arith.subi %get3A_216, %sub3A_217 : vector<16xi32>
      %ge3A_219 = arith.constant 0 : i32
      %ge3A_220 = vector.broadcast %ge3A_219 : i32 to vector<16xi32>
      %ge3A_221 = arith.cmpi sge, %sub3A_218, %ge3A_220 : vector<16xi32>
      %lt3A_222 = arith.constant 12800 : i32
      %lt3A_223 = vector.broadcast %lt3A_222 : i32 to vector<16xi32>
      %lt3A_224 = arith.cmpi slt, %sub3A_218, %lt3A_223 : vector<16xi32>
      %and3A_225 = arith.andi %ge3A_221, %lt3A_224 : vector<16xi1>
      %select_n3A_226 = arith.select %and3A_225, %sub3A_218, %add3A : vector<16xi1>, vector<16xi32>
      %swap3A_227 = arith.constant 48 : index
      %swap3A_228 = tpu.vector_load %arg10[%swap3A_227] {strides = array<i32>} : memref<64xi32, #tpu.memory_space<vmem>>, vector<16xi32>,
      tpu.vector_store %arg10[%swap3A_227], %select_n3A_226 {strides = array<i32>} : memref<64xi32, #tpu.memory_space<vmem>>, vector<16xi32>,
      %dma_start3A_229 = arith.constant 0 : i32
      %dma_start3A_230 = arith.constant 0 : i32
      %dma_start3A_231 = tpu.memref_slice %arg2[%dma_start3A_229, %dma_start3A_230] : memref<51200x128xf32, #tpu.memory_space<hbm>> -> memref<51200x128xf32, #tpu.memory_space<hbm>>
      tpu.enqueue_indirect_dma source(%dma_start3A_231 : memref<51200x128xf32, #tpu.memory_space<hbm>>) target(%arg12 : memref<64x128xf32, #tpu.memory_space<vmem>>) offsets(%arg8 : memref<64xi32, #tpu.memory_space<vmem>>) semaphore(%arg14 : memref<!tpu.dma_semaphore, #tpu.memory_space<semaphore_mem>>)
      %dma_wait3A_232 = arith.constant 0 : i32
      %dma_wait3A_233 = arith.constant 0 : i32
      %dma_wait3A_234 = tpu.memref_slice %arg2[%dma_wait3A_232, %dma_wait3A_233] : memref<51200x128xf32, #tpu.memory_space<hbm>> -> memref<51200x128xf32, #tpu.memory_space<hbm>>
      tpu.wait_indirect_dma semaphore(%arg13 : memref<!tpu.dma_semaphore, #tpu.memory_space<semaphore_mem>>) src(%dma_wait3A_234 : memref<51200x128xf32, #tpu.memory_space<hbm>>) dst(%arg11 : memref<64x128xf32, #tpu.memory_space<vmem>>)
      "tpu.region"() ({
        %run_scoped3A = tpu.sem_alloc : memref<!tpu.dma_semaphore, #tpu.memory_space<semaphore_mem>>
        %dma_start3A_304 = arith.constant 0 : i32
        %dma_start3A_305 = arith.constant 0 : i32
        %dma_start3A_306 = tpu.memref_slice %arg6[%dma_start3A_304, %dma_start3A_305] : memref<12816x128xf32, #tpu.memory_space<vmem_shared>> -> memref<12816x128xf32, #tpu.memory_space<vmem_shared>>
        tpu.enqueue_indirect_dma source(%arg11 : memref<64x128xf32, #tpu.memory_space<vmem>>) target(%dma_start3A_306 : memref<12816x128xf32, #tpu.memory_space<vmem_shared>>) offsets(%arg9 : memref<64xi32, #tpu.memory_space<vmem>>) semaphore(%run_scoped3A : memref<!tpu.dma_semaphore, #tpu.memory_space<semaphore_mem>>) {add = true}
        %dma_wait3A_307 = arith.constant 0 : i32
        %dma_wait3A_308 = arith.constant 0 : i32
        %dma_wait3A_309 = tpu.memref_slice %arg6[%dma_wait3A_307, %dma_wait3A_308] : memref<12816x128xf32, #tpu.memory_space<vmem_shared>> -> memref<12816x128xf32, #tpu.memory_space<vmem_shared>>
        tpu.wait_indirect_dma semaphore(%run_scoped3A : memref<!tpu.dma_semaphore, #tpu.memory_space<semaphore_mem>>) src(%arg11 : memref<64x128xf32, #tpu.memory_space<vmem>>) dst(%dma_wait3A_309 : memref<12816x128xf32, #tpu.memory_space<vmem_shared>>)
        tpu.yield
      }) : () -> ()
      %mul3A_235 = arith.constant 2 : i32
      %mul3A_236 = arith.muli %mul3A_235, %scan3A_165 : i32
      %add3A_237 = arith.constant 2 : i32
      %add3A_238 = arith.addi %mul3A_236, %add3A_237 : i32
      %mul3A_239 = arith.constant 64 : i32
      %mul3A_240 = arith.muli %add3A_238, %mul3A_239 : i32
      %add3A_241 = arith.addi %mul3A_0, %mul3A_240 : i32
      "tpu.region"() ({
        %run_scoped3A = tpu.sem_alloc : memref<!tpu.dma_semaphore, #tpu.memory_space<semaphore_mem>>
        %dma_start3A_304 = tpu.memref_slice %arg3[%add3A_241] : memref<802944xi32, #tpu.memory_space<hbm>> -> memref<64xi32, #tpu.memory_space<hbm>>
        %dma_start3A_305 = tpu.memref_slice %arg3[%add3A_241] : memref<802944xi32, #tpu.memory_space<hbm>> -> memref<64xi32, #tpu.memory_space<hbm>>
        tpu.enqueue_dma source(%dma_start3A_305 : memref<64xi32, #tpu.memory_space<hbm>>) target(%arg7 : memref<64xi32, #tpu.memory_space<vmem>>) target_semaphore(%run_scoped3A : memref<!tpu.dma_semaphore, #tpu.memory_space<semaphore_mem>>)
        %dma_wait3A_306 = tpu.memref_slice %arg3[%add3A_241] : memref<802944xi32, #tpu.memory_space<hbm>> -> memref<64xi32, #tpu.memory_space<hbm>>
        %dma_wait3A_307 = tpu.memref_slice %arg3[%add3A_241] : memref<802944xi32, #tpu.memory_space<hbm>> -> memref<64xi32, #tpu.memory_space<hbm>>
        tpu.wait_dma2 semaphore(%run_scoped3A : memref<!tpu.dma_semaphore, #tpu.memory_space<semaphore_mem>>) src(%dma_wait3A_307 : memref<64xi32, #tpu.memory_space<hbm>>) dst(%arg7 : memref<64xi32, #tpu.memory_space<vmem>>)
        tpu.yield
      }) : () -> ()
      "tpu.region"() ({
        %run_scoped3A = tpu.sem_alloc : memref<!tpu.dma_semaphore, #tpu.memory_space<semaphore_mem>>
        %dma_start3A_304 = tpu.memref_slice %arg4[%add3A_241] : memref<802944xi32, #tpu.memory_space<hbm>> -> memref<64xi32, #tpu.memory_space<hbm>>
        %dma_start3A_305 = tpu.memref_slice %arg4[%add3A_241] : memref<802944xi32, #tpu.memory_space<hbm>> -> memref<64xi32, #tpu.memory_space<hbm>>
        tpu.enqueue_dma source(%dma_start3A_305 : memref<64xi32, #tpu.memory_space<hbm>>) target(%arg9 : memref<64xi32, #tpu.memory_space<vmem>>) target_semaphore(%run_scoped3A : memref<!tpu.dma_semaphore, #tpu.memory_space<semaphore_mem>>)
        %dma_wait3A_306 = tpu.memref_slice %arg4[%add3A_241] : memref<802944xi32, #tpu.memory_space<hbm>> -> memref<64xi32, #tpu.memory_space<hbm>>
        %dma_wait3A_307 = tpu.memref_slice %arg4[%add3A_241] : memref<802944xi32, #tpu.memory_space<hbm>> -> memref<64xi32, #tpu.memory_space<hbm>>
        tpu.wait_dma2 semaphore(%run_scoped3A : memref<!tpu.dma_semaphore, #tpu.memory_space<semaphore_mem>>) src(%dma_wait3A_307 : memref<64xi32, #tpu.memory_space<hbm>>) dst(%arg9 : memref<64xi32, #tpu.memory_space<vmem>>)
        tpu.yield
      }) : () -> ()
      %get3A_242 = arith.constant 0 : index
      %get3A_243 = tpu.vector_load %arg9[%get3A_242] {strides = array<i32>} : memref<64xi32, #tpu.memory_space<vmem>>, vector<16xi32>,
      %sub3A_244 = vector.broadcast %mul3A_7 : i32 to vector<16xi32>
      %sub3A_245 = arith.subi %get3A_243, %sub3A_244 : vector<16xi32>
      %ge3A_246 = arith.constant 0 : i32
      %ge3A_247 = vector.broadcast %ge3A_246 : i32 to vector<16xi32>
      %ge3A_248 = arith.cmpi sge, %sub3A_245, %ge3A_247 : vector<16xi32>
      %lt3A_249 = arith.constant 12800 : i32
      %lt3A_250 = vector.broadcast %lt3A_249 : i32 to vector<16xi32>
      %lt3A_251 = arith.cmpi slt, %sub3A_245, %lt3A_250 : vector<16xi32>
      %and3A_252 = arith.andi %ge3A_248, %lt3A_251 : vector<16xi1>
      %select_n3A_253 = arith.select %and3A_252, %sub3A_245, %add3A : vector<16xi1>, vector<16xi32>
      %swap3A_254 = arith.constant 0 : index
      %swap3A_255 = tpu.vector_load %arg9[%swap3A_254] {strides = array<i32>} : memref<64xi32, #tpu.memory_space<vmem>>, vector<16xi32>,
      tpu.vector_store %arg9[%swap3A_254], %select_n3A_253 {strides = array<i32>} : memref<64xi32, #tpu.memory_space<vmem>>, vector<16xi32>,
      %get3A_256 = arith.constant 16 : index
      %get3A_257 = tpu.vector_load %arg9[%get3A_256] {strides = array<i32>} : memref<64xi32, #tpu.memory_space<vmem>>, vector<16xi32>,
      %sub3A_258 = vector.broadcast %mul3A_7 : i32 to vector<16xi32>
      %sub3A_259 = arith.subi %get3A_257, %sub3A_258 : vector<16xi32>
      %ge3A_260 = arith.constant 0 : i32
      %ge3A_261 = vector.broadcast %ge3A_260 : i32 to vector<16xi32>
      %ge3A_262 = arith.cmpi sge, %sub3A_259, %ge3A_261 : vector<16xi32>
      %lt3A_263 = arith.constant 12800 : i32
      %lt3A_264 = vector.broadcast %lt3A_263 : i32 to vector<16xi32>
      %lt3A_265 = arith.cmpi slt, %sub3A_259, %lt3A_264 : vector<16xi32>
      %and3A_266 = arith.andi %ge3A_262, %lt3A_265 : vector<16xi1>
      %select_n3A_267 = arith.select %and3A_266, %sub3A_259, %add3A : vector<16xi1>, vector<16xi32>
      %swap3A_268 = arith.constant 16 : index
      %swap3A_269 = tpu.vector_load %arg9[%swap3A_268] {strides = array<i32>} : memref<64xi32, #tpu.memory_space<vmem>>, vector<16xi32>,
      tpu.vector_store %arg9[%swap3A_268], %select_n3A_267 {strides = array<i32>} : memref<64xi32, #tpu.memory_space<vmem>>, vector<16xi32>,
      %get3A_270 = arith.constant 32 : index
      %get3A_271 = tpu.vector_load %arg9[%get3A_270] {strides = array<i32>} : memref<64xi32, #tpu.memory_space<vmem>>, vector<16xi32>,
      %sub3A_272 = vector.broadcast %mul3A_7 : i32 to vector<16xi32>
      %sub3A_273 = arith.subi %get3A_271, %sub3A_272 : vector<16xi32>
      %ge3A_274 = arith.constant 0 : i32
      %ge3A_275 = vector.broadcast %ge3A_274 : i32 to vector<16xi32>
      %ge3A_276 = arith.cmpi sge, %sub3A_273, %ge3A_275 : vector<16xi32>
      %lt3A_277 = arith.constant 12800 : i32
      %lt3A_278 = vector.broadcast %lt3A_277 : i32 to vector<16xi32>
      %lt3A_279 = arith.cmpi slt, %sub3A_273, %lt3A_278 : vector<16xi32>
      %and3A_280 = arith.andi %ge3A_276, %lt3A_279 : vector<16xi1>
      %select_n3A_281 = arith.select %and3A_280, %sub3A_273, %add3A : vector<16xi1>, vector<16xi32>
      %swap3A_282 = arith.constant 32 : index
      %swap3A_283 = tpu.vector_load %arg9[%swap3A_282] {strides = array<i32>} : memref<64xi32, #tpu.memory_space<vmem>>, vector<16xi32>,
      tpu.vector_store %arg9[%swap3A_282], %select_n3A_281 {strides = array<i32>} : memref<64xi32, #tpu.memory_space<vmem>>, vector<16xi32>,
      %get3A_284 = arith.constant 48 : index
      %get3A_285 = tpu.vector_load %arg9[%get3A_284] {strides = array<i32>} : memref<64xi32, #tpu.memory_space<vmem>>, vector<16xi32>,
      %sub3A_286 = vector.broadcast %mul3A_7 : i32 to vector<16xi32>
      %sub3A_287 = arith.subi %get3A_285, %sub3A_286 : vector<16xi32>
      %ge3A_288 = arith.constant 0 : i32
      %ge3A_289 = vector.broadcast %ge3A_288 : i32 to vector<16xi32>
      %ge3A_290 = arith.cmpi sge, %sub3A_287, %ge3A_289 : vector<16xi32>
      %lt3A_291 = arith.constant 12800 : i32
      %lt3A_292 = vector.broadcast %lt3A_291 : i32 to vector<16xi32>
      %lt3A_293 = arith.cmpi slt, %sub3A_287, %lt3A_292 : vector<16xi32>
      %and3A_294 = arith.andi %ge3A_290, %lt3A_293 : vector<16xi1>
      %select_n3A_295 = arith.select %and3A_294, %sub3A_287, %add3A : vector<16xi1>, vector<16xi32>
      %swap3A_296 = arith.constant 48 : index
      %swap3A_297 = tpu.vector_load %arg9[%swap3A_296] {strides = array<i32>} : memref<64xi32, #tpu.memory_space<vmem>>, vector<16xi32>,
      tpu.vector_store %arg9[%swap3A_296], %select_n3A_295 {strides = array<i32>} : memref<64xi32, #tpu.memory_space<vmem>>, vector<16xi32>,
      %dma_start3A_298 = arith.constant 0 : i32
      %dma_start3A_299 = arith.constant 0 : i32
      %dma_start3A_300 = tpu.memref_slice %arg2[%dma_start3A_298, %dma_start3A_299] : memref<51200x128xf32, #tpu.memory_space<hbm>> -> memref<51200x128xf32, #tpu.memory_space<hbm>>
      tpu.enqueue_indirect_dma source(%dma_start3A_300 : memref<51200x128xf32, #tpu.memory_space<hbm>>) target(%arg11 : memref<64x128xf32, #tpu.memory_space<vmem>>) offsets(%arg7 : memref<64xi32, #tpu.memory_space<vmem>>) semaphore(%arg13 : memref<!tpu.dma_semaphore, #tpu.memory_space<semaphore_mem>>)
      %dma_wait3A_301 = arith.constant 0 : i32
      %dma_wait3A_302 = arith.constant 0 : i32
      %dma_wait3A_303 = tpu.memref_slice %arg2[%dma_wait3A_301, %dma_wait3A_302] : memref<51200x128xf32, #tpu.memory_space<hbm>> -> memref<51200x128xf32, #tpu.memory_space<hbm>>
      tpu.wait_indirect_dma semaphore(%arg14 : memref<!tpu.dma_semaphore, #tpu.memory_space<semaphore_mem>>) src(%dma_wait3A_303 : memref<51200x128xf32, #tpu.memory_space<hbm>>) dst(%arg12 : memref<64x128xf32, #tpu.memory_space<vmem>>)
      "tpu.region"() ({
        %run_scoped3A = tpu.sem_alloc : memref<!tpu.dma_semaphore, #tpu.memory_space<semaphore_mem>>
        %dma_start3A_304 = arith.constant 0 : i32
        %dma_start3A_305 = arith.constant 0 : i32
        %dma_start3A_306 = tpu.memref_slice %arg6[%dma_start3A_304, %dma_start3A_305] : memref<12816x128xf32, #tpu.memory_space<vmem_shared>> -> memref<12816x128xf32, #tpu.memory_space<vmem_shared>>
        tpu.enqueue_indirect_dma source(%arg12 : memref<64x128xf32, #tpu.memory_space<vmem>>) target(%dma_start3A_306 : memref<12816x128xf32, #tpu.memory_space<vmem_shared>>) offsets(%arg10 : memref<64xi32, #tpu.memory_space<vmem>>) semaphore(%run_scoped3A : memref<!tpu.dma_semaphore, #tpu.memory_space<semaphore_mem>>) {add = true}
        %dma_wait3A_307 = arith.constant 0 : i32
        %dma_wait3A_308 = arith.constant 0 : i32
        %dma_wait3A_309 = tpu.memref_slice %arg6[%dma_wait3A_307, %dma_wait3A_308] : memref<12816x128xf32, #tpu.memory_space<vmem_shared>> -> memref<12816x128xf32, #tpu.memory_space<vmem_shared>>
        tpu.wait_indirect_dma semaphore(%run_scoped3A : memref<!tpu.dma_semaphore, #tpu.memory_space<semaphore_mem>>) src(%arg12 : memref<64x128xf32, #tpu.memory_space<vmem>>) dst(%dma_wait3A_309 : memref<12816x128xf32, #tpu.memory_space<vmem_shared>>)
        tpu.yield
      }) : () -> ()
    }
    %scan3A_68 = arith.constant 392 : i32
    %dma_wait3A = arith.constant 0 : i32
    %dma_wait3A_69 = arith.constant 0 : i32
    %dma_wait3A_70 = tpu.memref_slice %arg2[%dma_wait3A, %dma_wait3A_69] : memref<51200x128xf32, #tpu.memory_space<hbm>> -> memref<51200x128xf32, #tpu.memory_space<hbm>>
    tpu.wait_indirect_dma semaphore(%arg13 : memref<!tpu.dma_semaphore, #tpu.memory_space<semaphore_mem>>) src(%dma_wait3A_70 : memref<51200x128xf32, #tpu.memory_space<hbm>>) dst(%arg11 : memref<64x128xf32, #tpu.memory_space<vmem>>)
    %barrier3A_71 = arith.constant 0 : index
    tpu.barrier barrier_id(%barrier3A_71)
    %mul3A_72 = arith.constant 800 : i32
    %mul3A_73 = arith.muli %arg1, %mul3A_72 : i32
    %mul3A_74 = arith.constant 800 : i32
    %mul3A_75 = arith.muli %arg1, %mul3A_74 : i32
    %add3A_76 = arith.addi %mul3A_7, %mul3A_75 : i32
    "tpu.region"() ({
      %run_scoped3A = tpu.sem_alloc : memref<!tpu.dma_semaphore, #tpu.memory_space<semaphore_mem>>
      %dma_start3A_165 = arith.constant 0 : i32
      %dma_start3A_166 = tpu.memref_slice %arg5[%add3A_76, %dma_start3A_165] : memref<51200x128xf32, #tpu.memory_space<hbm>> -> memref<800x128xf32, #tpu.memory_space<hbm>>
      %dma_start3A_167 = arith.constant 0 : i32
      %dma_start3A_168 = tpu.memref_slice %arg6[%mul3A_73, %dma_start3A_167] : memref<12816x128xf32, #tpu.memory_space<vmem_shared>> -> memref<800x128xf32, #tpu.memory_space<vmem_shared>>
      tpu.enqueue_dma source(%dma_start3A_168 : memref<800x128xf32, #tpu.memory_space<vmem_shared>>) target(%dma_start3A_166 : memref<800x128xf32, #tpu.memory_space<hbm>>) target_semaphore(%run_scoped3A : memref<!tpu.dma_semaphore, #tpu.memory_space<semaphore_mem>>)
      %dma_wait3A_169 = arith.constant 0 : i32
      %dma_wait3A_170 = tpu.memref_slice %arg5[%add3A_76, %dma_wait3A_169] : memref<51200x128xf32, #tpu.memory_space<hbm>> -> memref<800x128xf32, #tpu.memory_space<hbm>>
      %dma_wait3A_171 = arith.constant 0 : i32
      %dma_wait3A_172 = tpu.memref_slice %arg6[%mul3A_73, %dma_wait3A_171] : memref<12816x128xf32, #tpu.memory_space<vmem_shared>> -> memref<800x128xf32, #tpu.memory_space<vmem_shared>>
      tpu.wait_dma2 semaphore(%run_scoped3A : memref<!tpu.dma_semaphore, #tpu.memory_space<semaphore_mem>>) src(%dma_wait3A_172 : memref<800x128xf32, #tpu.memory_space<vmem_shared>>) dst(%dma_wait3A_170 : memref<800x128xf32, #tpu.memory_space<hbm>>)
      tpu.yield
    }) : () -> ()
    %barrier3A_77 = arith.constant 0 : index
    tpu.barrier barrier_id(%barrier3A_77)
    %mul3A_78 = arith.constant 2 : i32
    %mul3A_79 = arith.muli %arg0, %mul3A_78 : i32
    %add3A_80 = arith.constant 1 : i32
    %add3A_81 = arith.addi %mul3A_79, %add3A_80 : i32
    %mul3A_82 = arith.constant 12800 : i32
    %mul3A_83 = arith.muli %add3A_81, %mul3A_82 : i32
    %mul3A_84 = arith.constant 800 : i32
    %mul3A_85 = arith.muli %arg1, %mul3A_84 : i32
    %add3A_86 = arith.addi %mul3A_83, %mul3A_85 : i32
    %mul3A_87 = arith.constant 800 : i32
    %mul3A_88 = arith.muli %arg1, %mul3A_87 : i32
    "tpu.region"() ({
      %run_scoped3A = tpu.sem_alloc : memref<!tpu.dma_semaphore, #tpu.memory_space<semaphore_mem>>
      %dma_start3A_165 = arith.constant 0 : i32
      %dma_start3A_166 = tpu.memref_slice %arg6[%mul3A_88, %dma_start3A_165] : memref<12816x128xf32, #tpu.memory_space<vmem_shared>> -> memref<800x128xf32, #tpu.memory_space<vmem_shared>>
      %dma_start3A_167 = arith.constant 0 : i32
      %dma_start3A_168 = tpu.memref_slice %arg2[%add3A_86, %dma_start3A_167] : memref<51200x128xf32, #tpu.memory_space<hbm>> -> memref<800x128xf32, #tpu.memory_space<hbm>>
      tpu.enqueue_dma source(%dma_start3A_168 : memref<800x128xf32, #tpu.memory_space<hbm>>) target(%dma_start3A_166 : memref<800x128xf32, #tpu.memory_space<vmem_shared>>) target_semaphore(%run_scoped3A : memref<!tpu.dma_semaphore, #tpu.memory_space<semaphore_mem>>)
      %dma_wait3A_169 = arith.constant 0 : i32
      %dma_wait3A_170 = tpu.memref_slice %arg6[%mul3A_88, %dma_wait3A_169] : memref<12816x128xf32, #tpu.memory_space<vmem_shared>> -> memref<800x128xf32, #tpu.memory_space<vmem_shared>>
      %dma_wait3A_171 = arith.constant 0 : i32
      %dma_wait3A_172 = tpu.memref_slice %arg2[%add3A_86, %dma_wait3A_171] : memref<51200x128xf32, #tpu.memory_space<hbm>> -> memref<800x128xf32, #tpu.memory_space<hbm>>
      tpu.wait_dma2 semaphore(%run_scoped3A : memref<!tpu.dma_semaphore, #tpu.memory_space<semaphore_mem>>) src(%dma_wait3A_172 : memref<800x128xf32, #tpu.memory_space<hbm>>) dst(%dma_wait3A_170 : memref<800x128xf32, #tpu.memory_space<vmem_shared>>)
      tpu.yield
    }) : () -> ()
    %barrier3A_89 = arith.constant 0 : index
    tpu.barrier barrier_id(%barrier3A_89)
    "tpu.region"() ({
      %run_scoped3A = tpu.sem_alloc : memref<!tpu.dma_semaphore, #tpu.memory_space<semaphore_mem>>
      %dma_start3A_165 = tpu.memref_slice %arg3[%mul3A_0] : memref<802944xi32, #tpu.memory_space<hbm>> -> memref<64xi32, #tpu.memory_space<hbm>>
      %dma_start3A_166 = tpu.memref_slice %arg3[%mul3A_0] : memref<802944xi32, #tpu.memory_space<hbm>> -> memref<64xi32, #tpu.memory_space<hbm>>
      tpu.enqueue_dma source(%dma_start3A_166 : memref<64xi32, #tpu.memory_space<hbm>>) target(%arg7 : memref<64xi32, #tpu.memory_space<vmem>>) target_semaphore(%run_scoped3A : memref<!tpu.dma_semaphore, #tpu.memory_space<semaphore_mem>>)
      %dma_wait3A_167 = tpu.memref_slice %arg3[%mul3A_0] : memref<802944xi32, #tpu.memory_space<hbm>> -> memref<64xi32, #tpu.memory_space<hbm>>
      %dma_wait3A_168 = tpu.memref_slice %arg3[%mul3A_0] : memref<802944xi32, #tpu.memory_space<hbm>> -> memref<64xi32, #tpu.memory_space<hbm>>
      tpu.wait_dma2 semaphore(%run_scoped3A : memref<!tpu.dma_semaphore, #tpu.memory_space<semaphore_mem>>) src(%dma_wait3A_168 : memref<64xi32, #tpu.memory_space<hbm>>) dst(%arg7 : memref<64xi32, #tpu.memory_space<vmem>>)
      tpu.yield
    }) : () -> ()
    "tpu.region"() ({
      %run_scoped3A = tpu.sem_alloc : memref<!tpu.dma_semaphore, #tpu.memory_space<semaphore_mem>>
      %dma_start3A_165 = tpu.memref_slice %arg4[%mul3A_0] : memref<802944xi32, #tpu.memory_space<hbm>> -> memref<64xi32, #tpu.memory_space<hbm>>
      %dma_start3A_166 = tpu.memref_slice %arg4[%mul3A_0] : memref<802944xi32, #tpu.memory_space<hbm>> -> memref<64xi32, #tpu.memory_space<hbm>>
      tpu.enqueue_dma source(%dma_start3A_166 : memref<64xi32, #tpu.memory_space<hbm>>) target(%arg9 : memref<64xi32, #tpu.memory_space<vmem>>) target_semaphore(%run_scoped3A : memref<!tpu.dma_semaphore, #tpu.memory_space<semaphore_mem>>)
      %dma_wait3A_167 = tpu.memref_slice %arg4[%mul3A_0] : memref<802944xi32, #tpu.memory_space<hbm>> -> memref<64xi32, #tpu.memory_space<hbm>>
      %dma_wait3A_168 = tpu.memref_slice %arg4[%mul3A_0] : memref<802944xi32, #tpu.memory_space<hbm>> -> memref<64xi32, #tpu.memory_space<hbm>>
      tpu.wait_dma2 semaphore(%run_scoped3A : memref<!tpu.dma_semaphore, #tpu.memory_space<semaphore_mem>>) src(%dma_wait3A_168 : memref<64xi32, #tpu.memory_space<hbm>>) dst(%arg9 : memref<64xi32, #tpu.memory_space<vmem>>)
      tpu.yield
    }) : () -> ()
    %get3A_90 = arith.constant 0 : index
    %get3A_91 = tpu.vector_load %arg9[%get3A_90] {strides = array<i32>} : memref<64xi32, #tpu.memory_space<vmem>>, vector<16xi32>,
    %sub3A_92 = vector.broadcast %mul3A_83 : i32 to vector<16xi32>
    %sub3A_93 = arith.subi %get3A_91, %sub3A_92 : vector<16xi32>
    %ge3A_94 = arith.constant 0 : i32
    %ge3A_95 = vector.broadcast %ge3A_94 : i32 to vector<16xi32>
    %ge3A_96 = arith.cmpi sge, %sub3A_93, %ge3A_95 : vector<16xi32>
    %lt3A_97 = arith.constant 12800 : i32
    %lt3A_98 = vector.broadcast %lt3A_97 : i32 to vector<16xi32>
    %lt3A_99 = arith.cmpi slt, %sub3A_93, %lt3A_98 : vector<16xi32>
    %and3A_100 = arith.andi %ge3A_96, %lt3A_99 : vector<16xi1>
    %select_n3A_101 = arith.select %and3A_100, %sub3A_93, %add3A : vector<16xi1>, vector<16xi32>
    %swap3A_102 = arith.constant 0 : index
    %swap3A_103 = tpu.vector_load %arg9[%swap3A_102] {strides = array<i32>} : memref<64xi32, #tpu.memory_space<vmem>>, vector<16xi32>,
    tpu.vector_store %arg9[%swap3A_102], %select_n3A_101 {strides = array<i32>} : memref<64xi32, #tpu.memory_space<vmem>>, vector<16xi32>,
    %get3A_104 = arith.constant 16 : index
    %get3A_105 = tpu.vector_load %arg9[%get3A_104] {strides = array<i32>} : memref<64xi32, #tpu.memory_space<vmem>>, vector<16xi32>,
    %sub3A_106 = vector.broadcast %mul3A_83 : i32 to vector<16xi32>
    %sub3A_107 = arith.subi %get3A_105, %sub3A_106 : vector<16xi32>
    %ge3A_108 = arith.constant 0 : i32
    %ge3A_109 = vector.broadcast %ge3A_108 : i32 to vector<16xi32>
    %ge3A_110 = arith.cmpi sge, %sub3A_107, %ge3A_109 : vector<16xi32>
    %lt3A_111 = arith.constant 12800 : i32
    %lt3A_112 = vector.broadcast %lt3A_111 : i32 to vector<16xi32>
    %lt3A_113 = arith.cmpi slt, %sub3A_107, %lt3A_112 : vector<16xi32>
    %and3A_114 = arith.andi %ge3A_110, %lt3A_113 : vector<16xi1>
    %select_n3A_115 = arith.select %and3A_114, %sub3A_107, %add3A : vector<16xi1>, vector<16xi32>
    %swap3A_116 = arith.constant 16 : index
    %swap3A_117 = tpu.vector_load %arg9[%swap3A_116] {strides = array<i32>} : memref<64xi32, #tpu.memory_space<vmem>>, vector<16xi32>,
    tpu.vector_store %arg9[%swap3A_116], %select_n3A_115 {strides = array<i32>} : memref<64xi32, #tpu.memory_space<vmem>>, vector<16xi32>,
    %get3A_118 = arith.constant 32 : index
    %get3A_119 = tpu.vector_load %arg9[%get3A_118] {strides = array<i32>} : memref<64xi32, #tpu.memory_space<vmem>>, vector<16xi32>,
    %sub3A_120 = vector.broadcast %mul3A_83 : i32 to vector<16xi32>
    %sub3A_121 = arith.subi %get3A_119, %sub3A_120 : vector<16xi32>
    %ge3A_122 = arith.constant 0 : i32
    %ge3A_123 = vector.broadcast %ge3A_122 : i32 to vector<16xi32>
    %ge3A_124 = arith.cmpi sge, %sub3A_121, %ge3A_123 : vector<16xi32>
    %lt3A_125 = arith.constant 12800 : i32
    %lt3A_126 = vector.broadcast %lt3A_125 : i32 to vector<16xi32>
    %lt3A_127 = arith.cmpi slt, %sub3A_121, %lt3A_126 : vector<16xi32>
    %and3A_128 = arith.andi %ge3A_124, %lt3A_127 : vector<16xi1>
    %select_n3A_129 = arith.select %and3A_128, %sub3A_121, %add3A : vector<16xi1>, vector<16xi32>
    %swap3A_130 = arith.constant 32 : index
    %swap3A_131 = tpu.vector_load %arg9[%swap3A_130] {strides = array<i32>} : memref<64xi32, #tpu.memory_space<vmem>>, vector<16xi32>,
    tpu.vector_store %arg9[%swap3A_130], %select_n3A_129 {strides = array<i32>} : memref<64xi32, #tpu.memory_space<vmem>>, vector<16xi32>,
    %get3A_132 = arith.constant 48 : index
    %get3A_133 = tpu.vector_load %arg9[%get3A_132] {strides = array<i32>} : memref<64xi32, #tpu.memory_space<vmem>>, vector<16xi32>,
    %sub3A_134 = vector.broadcast %mul3A_83 : i32 to vector<16xi32>
    %sub3A_135 = arith.subi %get3A_133, %sub3A_134 : vector<16xi32>
    %ge3A_136 = arith.constant 0 : i32
    %ge3A_137 = vector.broadcast %ge3A_136 : i32 to vector<16xi32>
    %ge3A_138 = arith.cmpi sge, %sub3A_135, %ge3A_137 : vector<16xi32>
    %lt3A_139 = arith.constant 12800 : i32
    %lt3A_140 = vector.broadcast %lt3A_139 : i32 to vector<16xi32>
    %lt3A_141 = arith.cmpi slt, %sub3A_135, %lt3A_140 : vector<16xi32>
    %and3A_142 = arith.andi %ge3A_138, %lt3A_141 : vector<16xi1>
    %select_n3A_143 = arith.select %and3A_142, %sub3A_135, %add3A : vector<16xi1>, vector<16xi32>
    %swap3A_144 = arith.constant 48 : index
    %swap3A_145 = tpu.vector_load %arg9[%swap3A_144] {strides = array<i32>} : memref<64xi32, #tpu.memory_space<vmem>>, vector<16xi32>,
    tpu.vector_store %arg9[%swap3A_144], %select_n3A_143 {strides = array<i32>} : memref<64xi32, #tpu.memory_space<vmem>>, vector<16xi32>,
    %dma_start3A_146 = arith.constant 0 : i32
    %dma_start3A_147 = arith.constant 0 : i32
    %dma_start3A_148 = tpu.memref_slice %arg2[%dma_start3A_146, %dma_start3A_147] : memref<51200x128xf32, #tpu.memory_space<hbm>> -> memref<51200x128xf32, #tpu.memory_space<hbm>>
    tpu.enqueue_indirect_dma source(%dma_start3A_148 : memref<51200x128xf32, #tpu.memory_space<hbm>>) target(%arg11 : memref<64x128xf32, #tpu.memory_space<vmem>>) offsets(%arg7 : memref<64xi32, #tpu.memory_space<vmem>>) semaphore(%arg13 : memref<!tpu.dma_semaphore, #tpu.memory_space<semaphore_mem>>)
    %scan3A_149 = arith.constant 0 : i32
    %scan3A_150 = arith.constant 0 : i32
    %scan3A_151 = arith.constant 392 : i32
    %scan3A_152 = arith.addi %scan3A_150, %scan3A_151 : i32
    %scan3A_153 = arith.constant 1 : i32
    scf.for %scan3A_165 = %scan3A_150 to %scan3A_152 step %scan3A_153  : i32 {
      %mul3A_166 = arith.constant 2 : i32
      %mul3A_167 = arith.muli %mul3A_166, %scan3A_165 : i32
      %add3A_168 = arith.constant 1 : i32
      %add3A_169 = arith.addi %mul3A_167, %add3A_168 : i32
      %mul3A_170 = arith.constant 64 : i32
      %mul3A_171 = arith.muli %add3A_169, %mul3A_170 : i32
      %add3A_172 = arith.addi %mul3A_0, %mul3A_171 : i32
      "tpu.region"() ({
        %run_scoped3A = tpu.sem_alloc : memref<!tpu.dma_semaphore, #tpu.memory_space<semaphore_mem>>
        %dma_start3A_304 = tpu.memref_slice %arg3[%add3A_172] : memref<802944xi32, #tpu.memory_space<hbm>> -> memref<64xi32, #tpu.memory_space<hbm>>
        %dma_start3A_305 = tpu.memref_slice %arg3[%add3A_172] : memref<802944xi32, #tpu.memory_space<hbm>> -> memref<64xi32, #tpu.memory_space<hbm>>
        tpu.enqueue_dma source(%dma_start3A_305 : memref<64xi32, #tpu.memory_space<hbm>>) target(%arg8 : memref<64xi32, #tpu.memory_space<vmem>>) target_semaphore(%run_scoped3A : memref<!tpu.dma_semaphore, #tpu.memory_space<semaphore_mem>>)
        %dma_wait3A_306 = tpu.memref_slice %arg3[%add3A_172] : memref<802944xi32, #tpu.memory_space<hbm>> -> memref<64xi32, #tpu.memory_space<hbm>>
        %dma_wait3A_307 = tpu.memref_slice %arg3[%add3A_172] : memref<802944xi32, #tpu.memory_space<hbm>> -> memref<64xi32, #tpu.memory_space<hbm>>
        tpu.wait_dma2 semaphore(%run_scoped3A : memref<!tpu.dma_semaphore, #tpu.memory_space<semaphore_mem>>) src(%dma_wait3A_307 : memref<64xi32, #tpu.memory_space<hbm>>) dst(%arg8 : memref<64xi32, #tpu.memory_space<vmem>>)
        tpu.yield
      }) : () -> ()
      "tpu.region"() ({
        %run_scoped3A = tpu.sem_alloc : memref<!tpu.dma_semaphore, #tpu.memory_space<semaphore_mem>>
        %dma_start3A_304 = tpu.memref_slice %arg4[%add3A_172] : memref<802944xi32, #tpu.memory_space<hbm>> -> memref<64xi32, #tpu.memory_space<hbm>>
        %dma_start3A_305 = tpu.memref_slice %arg4[%add3A_172] : memref<802944xi32, #tpu.memory_space<hbm>> -> memref<64xi32, #tpu.memory_space<hbm>>
        tpu.enqueue_dma source(%dma_start3A_305 : memref<64xi32, #tpu.memory_space<hbm>>) target(%arg10 : memref<64xi32, #tpu.memory_space<vmem>>) target_semaphore(%run_scoped3A : memref<!tpu.dma_semaphore, #tpu.memory_space<semaphore_mem>>)
        %dma_wait3A_306 = tpu.memref_slice %arg4[%add3A_172] : memref<802944xi32, #tpu.memory_space<hbm>> -> memref<64xi32, #tpu.memory_space<hbm>>
        %dma_wait3A_307 = tpu.memref_slice %arg4[%add3A_172] : memref<802944xi32, #tpu.memory_space<hbm>> -> memref<64xi32, #tpu.memory_space<hbm>>
        tpu.wait_dma2 semaphore(%run_scoped3A : memref<!tpu.dma_semaphore, #tpu.memory_space<semaphore_mem>>) src(%dma_wait3A_307 : memref<64xi32, #tpu.memory_space<hbm>>) dst(%arg10 : memref<64xi32, #tpu.memory_space<vmem>>)
        tpu.yield
      }) : () -> ()
      %get3A_173 = arith.constant 0 : index
      %get3A_174 = tpu.vector_load %arg10[%get3A_173] {strides = array<i32>} : memref<64xi32, #tpu.memory_space<vmem>>, vector<16xi32>,
      %sub3A_175 = vector.broadcast %mul3A_83 : i32 to vector<16xi32>
      %sub3A_176 = arith.subi %get3A_174, %sub3A_175 : vector<16xi32>
      %ge3A_177 = arith.constant 0 : i32
      %ge3A_178 = vector.broadcast %ge3A_177 : i32 to vector<16xi32>
      %ge3A_179 = arith.cmpi sge, %sub3A_176, %ge3A_178 : vector<16xi32>
      %lt3A_180 = arith.constant 12800 : i32
      %lt3A_181 = vector.broadcast %lt3A_180 : i32 to vector<16xi32>
      %lt3A_182 = arith.cmpi slt, %sub3A_176, %lt3A_181 : vector<16xi32>
      %and3A_183 = arith.andi %ge3A_179, %lt3A_182 : vector<16xi1>
      %select_n3A_184 = arith.select %and3A_183, %sub3A_176, %add3A : vector<16xi1>, vector<16xi32>
      %swap3A_185 = arith.constant 0 : index
      %swap3A_186 = tpu.vector_load %arg10[%swap3A_185] {strides = array<i32>} : memref<64xi32, #tpu.memory_space<vmem>>, vector<16xi32>,
      tpu.vector_store %arg10[%swap3A_185], %select_n3A_184 {strides = array<i32>} : memref<64xi32, #tpu.memory_space<vmem>>, vector<16xi32>,
      %get3A_187 = arith.constant 16 : index
      %get3A_188 = tpu.vector_load %arg10[%get3A_187] {strides = array<i32>} : memref<64xi32, #tpu.memory_space<vmem>>, vector<16xi32>,
      %sub3A_189 = vector.broadcast %mul3A_83 : i32 to vector<16xi32>
      %sub3A_190 = arith.subi %get3A_188, %sub3A_189 : vector<16xi32>
      %ge3A_191 = arith.constant 0 : i32
      %ge3A_192 = vector.broadcast %ge3A_191 : i32 to vector<16xi32>
      %ge3A_193 = arith.cmpi sge, %sub3A_190, %ge3A_192 : vector<16xi32>
      %lt3A_194 = arith.constant 12800 : i32
      %lt3A_195 = vector.broadcast %lt3A_194 : i32 to vector<16xi32>
      %lt3A_196 = arith.cmpi slt, %sub3A_190, %lt3A_195 : vector<16xi32>
      %and3A_197 = arith.andi %ge3A_193, %lt3A_196 : vector<16xi1>
      %select_n3A_198 = arith.select %and3A_197, %sub3A_190, %add3A : vector<16xi1>, vector<16xi32>
      %swap3A_199 = arith.constant 16 : index
      %swap3A_200 = tpu.vector_load %arg10[%swap3A_199] {strides = array<i32>} : memref<64xi32, #tpu.memory_space<vmem>>, vector<16xi32>,
      tpu.vector_store %arg10[%swap3A_199], %select_n3A_198 {strides = array<i32>} : memref<64xi32, #tpu.memory_space<vmem>>, vector<16xi32>,
      %get3A_201 = arith.constant 32 : index
      %get3A_202 = tpu.vector_load %arg10[%get3A_201] {strides = array<i32>} : memref<64xi32, #tpu.memory_space<vmem>>, vector<16xi32>,
      %sub3A_203 = vector.broadcast %mul3A_83 : i32 to vector<16xi32>
      %sub3A_204 = arith.subi %get3A_202, %sub3A_203 : vector<16xi32>
      %ge3A_205 = arith.constant 0 : i32
      %ge3A_206 = vector.broadcast %ge3A_205 : i32 to vector<16xi32>
      %ge3A_207 = arith.cmpi sge, %sub3A_204, %ge3A_206 : vector<16xi32>
      %lt3A_208 = arith.constant 12800 : i32
      %lt3A_209 = vector.broadcast %lt3A_208 : i32 to vector<16xi32>
      %lt3A_210 = arith.cmpi slt, %sub3A_204, %lt3A_209 : vector<16xi32>
      %and3A_211 = arith.andi %ge3A_207, %lt3A_210 : vector<16xi1>
      %select_n3A_212 = arith.select %and3A_211, %sub3A_204, %add3A : vector<16xi1>, vector<16xi32>
      %swap3A_213 = arith.constant 32 : index
      %swap3A_214 = tpu.vector_load %arg10[%swap3A_213] {strides = array<i32>} : memref<64xi32, #tpu.memory_space<vmem>>, vector<16xi32>,
      tpu.vector_store %arg10[%swap3A_213], %select_n3A_212 {strides = array<i32>} : memref<64xi32, #tpu.memory_space<vmem>>, vector<16xi32>,
      %get3A_215 = arith.constant 48 : index
      %get3A_216 = tpu.vector_load %arg10[%get3A_215] {strides = array<i32>} : memref<64xi32, #tpu.memory_space<vmem>>, vector<16xi32>,
      %sub3A_217 = vector.broadcast %mul3A_83 : i32 to vector<16xi32>
      %sub3A_218 = arith.subi %get3A_216, %sub3A_217 : vector<16xi32>
      %ge3A_219 = arith.constant 0 : i32
      %ge3A_220 = vector.broadcast %ge3A_219 : i32 to vector<16xi32>
      %ge3A_221 = arith.cmpi sge, %sub3A_218, %ge3A_220 : vector<16xi32>
      %lt3A_222 = arith.constant 12800 : i32
      %lt3A_223 = vector.broadcast %lt3A_222 : i32 to vector<16xi32>
      %lt3A_224 = arith.cmpi slt, %sub3A_218, %lt3A_223 : vector<16xi32>
      %and3A_225 = arith.andi %ge3A_221, %lt3A_224 : vector<16xi1>
      %select_n3A_226 = arith.select %and3A_225, %sub3A_218, %add3A : vector<16xi1>, vector<16xi32>
      %swap3A_227 = arith.constant 48 : index
      %swap3A_228 = tpu.vector_load %arg10[%swap3A_227] {strides = array<i32>} : memref<64xi32, #tpu.memory_space<vmem>>, vector<16xi32>,
      tpu.vector_store %arg10[%swap3A_227], %select_n3A_226 {strides = array<i32>} : memref<64xi32, #tpu.memory_space<vmem>>, vector<16xi32>,
      %dma_start3A_229 = arith.constant 0 : i32
      %dma_start3A_230 = arith.constant 0 : i32
      %dma_start3A_231 = tpu.memref_slice %arg2[%dma_start3A_229, %dma_start3A_230] : memref<51200x128xf32, #tpu.memory_space<hbm>> -> memref<51200x128xf32, #tpu.memory_space<hbm>>
      tpu.enqueue_indirect_dma source(%dma_start3A_231 : memref<51200x128xf32, #tpu.memory_space<hbm>>) target(%arg12 : memref<64x128xf32, #tpu.memory_space<vmem>>) offsets(%arg8 : memref<64xi32, #tpu.memory_space<vmem>>) semaphore(%arg14 : memref<!tpu.dma_semaphore, #tpu.memory_space<semaphore_mem>>)
      %dma_wait3A_232 = arith.constant 0 : i32
      %dma_wait3A_233 = arith.constant 0 : i32
      %dma_wait3A_234 = tpu.memref_slice %arg2[%dma_wait3A_232, %dma_wait3A_233] : memref<51200x128xf32, #tpu.memory_space<hbm>> -> memref<51200x128xf32, #tpu.memory_space<hbm>>
      tpu.wait_indirect_dma semaphore(%arg13 : memref<!tpu.dma_semaphore, #tpu.memory_space<semaphore_mem>>) src(%dma_wait3A_234 : memref<51200x128xf32, #tpu.memory_space<hbm>>) dst(%arg11 : memref<64x128xf32, #tpu.memory_space<vmem>>)
      "tpu.region"() ({
        %run_scoped3A = tpu.sem_alloc : memref<!tpu.dma_semaphore, #tpu.memory_space<semaphore_mem>>
        %dma_start3A_304 = arith.constant 0 : i32
        %dma_start3A_305 = arith.constant 0 : i32
        %dma_start3A_306 = tpu.memref_slice %arg6[%dma_start3A_304, %dma_start3A_305] : memref<12816x128xf32, #tpu.memory_space<vmem_shared>> -> memref<12816x128xf32, #tpu.memory_space<vmem_shared>>
        tpu.enqueue_indirect_dma source(%arg11 : memref<64x128xf32, #tpu.memory_space<vmem>>) target(%dma_start3A_306 : memref<12816x128xf32, #tpu.memory_space<vmem_shared>>) offsets(%arg9 : memref<64xi32, #tpu.memory_space<vmem>>) semaphore(%run_scoped3A : memref<!tpu.dma_semaphore, #tpu.memory_space<semaphore_mem>>) {add = true}
        %dma_wait3A_307 = arith.constant 0 : i32
        %dma_wait3A_308 = arith.constant 0 : i32
        %dma_wait3A_309 = tpu.memref_slice %arg6[%dma_wait3A_307, %dma_wait3A_308] : memref<12816x128xf32, #tpu.memory_space<vmem_shared>> -> memref<12816x128xf32, #tpu.memory_space<vmem_shared>>
        tpu.wait_indirect_dma semaphore(%run_scoped3A : memref<!tpu.dma_semaphore, #tpu.memory_space<semaphore_mem>>) src(%arg11 : memref<64x128xf32, #tpu.memory_space<vmem>>) dst(%dma_wait3A_309 : memref<12816x128xf32, #tpu.memory_space<vmem_shared>>)
        tpu.yield
      }) : () -> ()
      %mul3A_235 = arith.constant 2 : i32
      %mul3A_236 = arith.muli %mul3A_235, %scan3A_165 : i32
      %add3A_237 = arith.constant 2 : i32
      %add3A_238 = arith.addi %mul3A_236, %add3A_237 : i32
      %mul3A_239 = arith.constant 64 : i32
      %mul3A_240 = arith.muli %add3A_238, %mul3A_239 : i32
      %add3A_241 = arith.addi %mul3A_0, %mul3A_240 : i32
      "tpu.region"() ({
        %run_scoped3A = tpu.sem_alloc : memref<!tpu.dma_semaphore, #tpu.memory_space<semaphore_mem>>
        %dma_start3A_304 = tpu.memref_slice %arg3[%add3A_241] : memref<802944xi32, #tpu.memory_space<hbm>> -> memref<64xi32, #tpu.memory_space<hbm>>
        %dma_start3A_305 = tpu.memref_slice %arg3[%add3A_241] : memref<802944xi32, #tpu.memory_space<hbm>> -> memref<64xi32, #tpu.memory_space<hbm>>
        tpu.enqueue_dma source(%dma_start3A_305 : memref<64xi32, #tpu.memory_space<hbm>>) target(%arg7 : memref<64xi32, #tpu.memory_space<vmem>>) target_semaphore(%run_scoped3A : memref<!tpu.dma_semaphore, #tpu.memory_space<semaphore_mem>>)
        %dma_wait3A_306 = tpu.memref_slice %arg3[%add3A_241] : memref<802944xi32, #tpu.memory_space<hbm>> -> memref<64xi32, #tpu.memory_space<hbm>>
        %dma_wait3A_307 = tpu.memref_slice %arg3[%add3A_241] : memref<802944xi32, #tpu.memory_space<hbm>> -> memref<64xi32, #tpu.memory_space<hbm>>
        tpu.wait_dma2 semaphore(%run_scoped3A : memref<!tpu.dma_semaphore, #tpu.memory_space<semaphore_mem>>) src(%dma_wait3A_307 : memref<64xi32, #tpu.memory_space<hbm>>) dst(%arg7 : memref<64xi32, #tpu.memory_space<vmem>>)
        tpu.yield
      }) : () -> ()
      "tpu.region"() ({
        %run_scoped3A = tpu.sem_alloc : memref<!tpu.dma_semaphore, #tpu.memory_space<semaphore_mem>>
        %dma_start3A_304 = tpu.memref_slice %arg4[%add3A_241] : memref<802944xi32, #tpu.memory_space<hbm>> -> memref<64xi32, #tpu.memory_space<hbm>>
        %dma_start3A_305 = tpu.memref_slice %arg4[%add3A_241] : memref<802944xi32, #tpu.memory_space<hbm>> -> memref<64xi32, #tpu.memory_space<hbm>>
        tpu.enqueue_dma source(%dma_start3A_305 : memref<64xi32, #tpu.memory_space<hbm>>) target(%arg9 : memref<64xi32, #tpu.memory_space<vmem>>) target_semaphore(%run_scoped3A : memref<!tpu.dma_semaphore, #tpu.memory_space<semaphore_mem>>)
        %dma_wait3A_306 = tpu.memref_slice %arg4[%add3A_241] : memref<802944xi32, #tpu.memory_space<hbm>> -> memref<64xi32, #tpu.memory_space<hbm>>
        %dma_wait3A_307 = tpu.memref_slice %arg4[%add3A_241] : memref<802944xi32, #tpu.memory_space<hbm>> -> memref<64xi32, #tpu.memory_space<hbm>>
        tpu.wait_dma2 semaphore(%run_scoped3A : memref<!tpu.dma_semaphore, #tpu.memory_space<semaphore_mem>>) src(%dma_wait3A_307 : memref<64xi32, #tpu.memory_space<hbm>>) dst(%arg9 : memref<64xi32, #tpu.memory_space<vmem>>)
        tpu.yield
      }) : () -> ()
      %get3A_242 = arith.constant 0 : index
      %get3A_243 = tpu.vector_load %arg9[%get3A_242] {strides = array<i32>} : memref<64xi32, #tpu.memory_space<vmem>>, vector<16xi32>,
      %sub3A_244 = vector.broadcast %mul3A_83 : i32 to vector<16xi32>
      %sub3A_245 = arith.subi %get3A_243, %sub3A_244 : vector<16xi32>
      %ge3A_246 = arith.constant 0 : i32
      %ge3A_247 = vector.broadcast %ge3A_246 : i32 to vector<16xi32>
      %ge3A_248 = arith.cmpi sge, %sub3A_245, %ge3A_247 : vector<16xi32>
      %lt3A_249 = arith.constant 12800 : i32
      %lt3A_250 = vector.broadcast %lt3A_249 : i32 to vector<16xi32>
      %lt3A_251 = arith.cmpi slt, %sub3A_245, %lt3A_250 : vector<16xi32>
      %and3A_252 = arith.andi %ge3A_248, %lt3A_251 : vector<16xi1>
      %select_n3A_253 = arith.select %and3A_252, %sub3A_245, %add3A : vector<16xi1>, vector<16xi32>
      %swap3A_254 = arith.constant 0 : index
      %swap3A_255 = tpu.vector_load %arg9[%swap3A_254] {strides = array<i32>} : memref<64xi32, #tpu.memory_space<vmem>>, vector<16xi32>,
      tpu.vector_store %arg9[%swap3A_254], %select_n3A_253 {strides = array<i32>} : memref<64xi32, #tpu.memory_space<vmem>>, vector<16xi32>,
      %get3A_256 = arith.constant 16 : index
      %get3A_257 = tpu.vector_load %arg9[%get3A_256] {strides = array<i32>} : memref<64xi32, #tpu.memory_space<vmem>>, vector<16xi32>,
      %sub3A_258 = vector.broadcast %mul3A_83 : i32 to vector<16xi32>
      %sub3A_259 = arith.subi %get3A_257, %sub3A_258 : vector<16xi32>
      %ge3A_260 = arith.constant 0 : i32
      %ge3A_261 = vector.broadcast %ge3A_260 : i32 to vector<16xi32>
      %ge3A_262 = arith.cmpi sge, %sub3A_259, %ge3A_261 : vector<16xi32>
      %lt3A_263 = arith.constant 12800 : i32
      %lt3A_264 = vector.broadcast %lt3A_263 : i32 to vector<16xi32>
      %lt3A_265 = arith.cmpi slt, %sub3A_259, %lt3A_264 : vector<16xi32>
      %and3A_266 = arith.andi %ge3A_262, %lt3A_265 : vector<16xi1>
      %select_n3A_267 = arith.select %and3A_266, %sub3A_259, %add3A : vector<16xi1>, vector<16xi32>
      %swap3A_268 = arith.constant 16 : index
      %swap3A_269 = tpu.vector_load %arg9[%swap3A_268] {strides = array<i32>} : memref<64xi32, #tpu.memory_space<vmem>>, vector<16xi32>,
      tpu.vector_store %arg9[%swap3A_268], %select_n3A_267 {strides = array<i32>} : memref<64xi32, #tpu.memory_space<vmem>>, vector<16xi32>,
      %get3A_270 = arith.constant 32 : index
      %get3A_271 = tpu.vector_load %arg9[%get3A_270] {strides = array<i32>} : memref<64xi32, #tpu.memory_space<vmem>>, vector<16xi32>,
      %sub3A_272 = vector.broadcast %mul3A_83 : i32 to vector<16xi32>
      %sub3A_273 = arith.subi %get3A_271, %sub3A_272 : vector<16xi32>
      %ge3A_274 = arith.constant 0 : i32
      %ge3A_275 = vector.broadcast %ge3A_274 : i32 to vector<16xi32>
      %ge3A_276 = arith.cmpi sge, %sub3A_273, %ge3A_275 : vector<16xi32>
      %lt3A_277 = arith.constant 12800 : i32
      %lt3A_278 = vector.broadcast %lt3A_277 : i32 to vector<16xi32>
      %lt3A_279 = arith.cmpi slt, %sub3A_273, %lt3A_278 : vector<16xi32>
      %and3A_280 = arith.andi %ge3A_276, %lt3A_279 : vector<16xi1>
      %select_n3A_281 = arith.select %and3A_280, %sub3A_273, %add3A : vector<16xi1>, vector<16xi32>
      %swap3A_282 = arith.constant 32 : index
      %swap3A_283 = tpu.vector_load %arg9[%swap3A_282] {strides = array<i32>} : memref<64xi32, #tpu.memory_space<vmem>>, vector<16xi32>,
      tpu.vector_store %arg9[%swap3A_282], %select_n3A_281 {strides = array<i32>} : memref<64xi32, #tpu.memory_space<vmem>>, vector<16xi32>,
      %get3A_284 = arith.constant 48 : index
      %get3A_285 = tpu.vector_load %arg9[%get3A_284] {strides = array<i32>} : memref<64xi32, #tpu.memory_space<vmem>>, vector<16xi32>,
      %sub3A_286 = vector.broadcast %mul3A_83 : i32 to vector<16xi32>
      %sub3A_287 = arith.subi %get3A_285, %sub3A_286 : vector<16xi32>
      %ge3A_288 = arith.constant 0 : i32
      %ge3A_289 = vector.broadcast %ge3A_288 : i32 to vector<16xi32>
      %ge3A_290 = arith.cmpi sge, %sub3A_287, %ge3A_289 : vector<16xi32>
      %lt3A_291 = arith.constant 12800 : i32
      %lt3A_292 = vector.broadcast %lt3A_291 : i32 to vector<16xi32>
      %lt3A_293 = arith.cmpi slt, %sub3A_287, %lt3A_292 : vector<16xi32>
      %and3A_294 = arith.andi %ge3A_290, %lt3A_293 : vector<16xi1>
      %select_n3A_295 = arith.select %and3A_294, %sub3A_287, %add3A : vector<16xi1>, vector<16xi32>
      %swap3A_296 = arith.constant 48 : index
      %swap3A_297 = tpu.vector_load %arg9[%swap3A_296] {strides = array<i32>} : memref<64xi32, #tpu.memory_space<vmem>>, vector<16xi32>,
      tpu.vector_store %arg9[%swap3A_296], %select_n3A_295 {strides = array<i32>} : memref<64xi32, #tpu.memory_space<vmem>>, vector<16xi32>,
      %dma_start3A_298 = arith.constant 0 : i32
      %dma_start3A_299 = arith.constant 0 : i32
      %dma_start3A_300 = tpu.memref_slice %arg2[%dma_start3A_298, %dma_start3A_299] : memref<51200x128xf32, #tpu.memory_space<hbm>> -> memref<51200x128xf32, #tpu.memory_space<hbm>>
      tpu.enqueue_indirect_dma source(%dma_start3A_300 : memref<51200x128xf32, #tpu.memory_space<hbm>>) target(%arg11 : memref<64x128xf32, #tpu.memory_space<vmem>>) offsets(%arg7 : memref<64xi32, #tpu.memory_space<vmem>>) semaphore(%arg13 : memref<!tpu.dma_semaphore, #tpu.memory_space<semaphore_mem>>)
      %dma_wait3A_301 = arith.constant 0 : i32
      %dma_wait3A_302 = arith.constant 0 : i32
      %dma_wait3A_303 = tpu.memref_slice %arg2[%dma_wait3A_301, %dma_wait3A_302] : memref<51200x128xf32, #tpu.memory_space<hbm>> -> memref<51200x128xf32, #tpu.memory_space<hbm>>
      tpu.wait_indirect_dma semaphore(%arg14 : memref<!tpu.dma_semaphore, #tpu.memory_space<semaphore_mem>>) src(%dma_wait3A_303 : memref<51200x128xf32, #tpu.memory_space<hbm>>) dst(%arg12 : memref<64x128xf32, #tpu.memory_space<vmem>>)
      "tpu.region"() ({
        %run_scoped3A = tpu.sem_alloc : memref<!tpu.dma_semaphore, #tpu.memory_space<semaphore_mem>>
        %dma_start3A_304 = arith.constant 0 : i32
        %dma_start3A_305 = arith.constant 0 : i32
        %dma_start3A_306 = tpu.memref_slice %arg6[%dma_start3A_304, %dma_start3A_305] : memref<12816x128xf32, #tpu.memory_space<vmem_shared>> -> memref<12816x128xf32, #tpu.memory_space<vmem_shared>>
        tpu.enqueue_indirect_dma source(%arg12 : memref<64x128xf32, #tpu.memory_space<vmem>>) target(%dma_start3A_306 : memref<12816x128xf32, #tpu.memory_space<vmem_shared>>) offsets(%arg10 : memref<64xi32, #tpu.memory_space<vmem>>) semaphore(%run_scoped3A : memref<!tpu.dma_semaphore, #tpu.memory_space<semaphore_mem>>) {add = true}
        %dma_wait3A_307 = arith.constant 0 : i32
        %dma_wait3A_308 = arith.constant 0 : i32
        %dma_wait3A_309 = tpu.memref_slice %arg6[%dma_wait3A_307, %dma_wait3A_308] : memref<12816x128xf32, #tpu.memory_space<vmem_shared>> -> memref<12816x128xf32, #tpu.memory_space<vmem_shared>>
        tpu.wait_indirect_dma semaphore(%run_scoped3A : memref<!tpu.dma_semaphore, #tpu.memory_space<semaphore_mem>>) src(%arg12 : memref<64x128xf32, #tpu.memory_space<vmem>>) dst(%dma_wait3A_309 : memref<12816x128xf32, #tpu.memory_space<vmem_shared>>)
        tpu.yield
      }) : () -> ()
    }
    %scan3A_154 = arith.constant 392 : i32
    %dma_wait3A_155 = arith.constant 0 : i32
    %dma_wait3A_156 = arith.constant 0 : i32
    %dma_wait3A_157 = tpu.memref_slice %arg2[%dma_wait3A_155, %dma_wait3A_156] : memref<51200x128xf32, #tpu.memory_space<hbm>> -> memref<51200x128xf32, #tpu.memory_space<hbm>>
    tpu.wait_indirect_dma semaphore(%arg13 : memref<!tpu.dma_semaphore, #tpu.memory_space<semaphore_mem>>) src(%dma_wait3A_157 : memref<51200x128xf32, #tpu.memory_space<hbm>>) dst(%arg11 : memref<64x128xf32, #tpu.memory_space<vmem>>)
    %barrier3A_158 = arith.constant 0 : index
    tpu.barrier barrier_id(%barrier3A_158)
    %mul3A_159 = arith.constant 800 : i32
    %mul3A_160 = arith.muli %arg1, %mul3A_159 : i32
    %mul3A_161 = arith.constant 800 : i32
    %mul3A_162 = arith.muli %arg1, %mul3A_161 : i32
    %add3A_163 = arith.addi %mul3A_83, %mul3A_162 : i32
    "tpu.region"() ({
      %run_scoped3A = tpu.sem_alloc : memref<!tpu.dma_semaphore, #tpu.memory_space<semaphore_mem>>
      %dma_start3A_165 = arith.constant 0 : i32
      %dma_start3A_166 = tpu.memref_slice %arg5[%add3A_163, %dma_start3A_165] : memref<51200x128xf32, #tpu.memory_space<hbm>> -> memref<800x128xf32, #tpu.memory_space<hbm>>
      %dma_start3A_167 = arith.constant 0 : i32
      %dma_start3A_168 = tpu.memref_slice %arg6[%mul3A_160, %dma_start3A_167] : memref<12816x128xf32, #tpu.memory_space<vmem_shared>> -> memref<800x128xf32, #tpu.memory_space<vmem_shared>>
      tpu.enqueue_dma source(%dma_start3A_168 : memref<800x128xf32, #tpu.memory_space<vmem_shared>>) target(%dma_start3A_166 : memref<800x128xf32, #tpu.memory_space<hbm>>) target_semaphore(%run_scoped3A : memref<!tpu.dma_semaphore, #tpu.memory_space<semaphore_mem>>)
      %dma_wait3A_169 = arith.constant 0 : i32
      %dma_wait3A_170 = tpu.memref_slice %arg5[%add3A_163, %dma_wait3A_169] : memref<51200x128xf32, #tpu.memory_space<hbm>> -> memref<800x128xf32, #tpu.memory_space<hbm>>
      %dma_wait3A_171 = arith.constant 0 : i32
      %dma_wait3A_172 = tpu.memref_slice %arg6[%mul3A_160, %dma_wait3A_171] : memref<12816x128xf32, #tpu.memory_space<vmem_shared>> -> memref<800x128xf32, #tpu.memory_space<vmem_shared>>
      tpu.wait_dma2 semaphore(%run_scoped3A : memref<!tpu.dma_semaphore, #tpu.memory_space<semaphore_mem>>) src(%dma_wait3A_172 : memref<800x128xf32, #tpu.memory_space<vmem_shared>>) dst(%dma_wait3A_170 : memref<800x128xf32, #tpu.memory_space<hbm>>)
      tpu.yield
    }) : () -> ()
    %barrier3A_164 = arith.constant 0 : index
    tpu.barrier barrier_id(%barrier3A_164)
    return
  }
}

module attributes {stable_mosaic.version = 14 : i64} {
  func.func @_degsum_body(%arg0: i32, %arg1: memref<32x512xf32, #tpu.memory_space<vmem>>, %arg2: memref<1x512xf32, #tpu.memory_space<vmem>>) attributes {dimension_semantics = [#tpu.dimension_semantics<arbitrary>], iteration_bounds = array<i64: 101>, scalar_prefetch = 0 : i64, scratch_operands = 0 : i64, tpu.core_type = #tpu.core_type<tc>, window_params = [{transform_indices = @transform_0, window_bounds = array<i64: 32, 512>}, {transform_indices = @transform_1, window_bounds = array<i64: 1, 512>}]} {
    %get3A = arith.constant 0 : index
    %get3A_0 = arith.constant 0 : index
    %get3A_1 = vector.load %arg1[%get3A, %get3A_0] : memref<32x512xf32, #tpu.memory_space<vmem>>, vector<32x512xf32>
    %reduce_sum3A = arith.constant dense<0.000000e+00> : vector<512xf32>
    %reduce_sum3A_2 = vector.multi_reduction <add>, %get3A_1, %reduce_sum3A [0] : vector<32x512xf32> to vector<512xf32>
    %broadcast_in_dim3A = vector.shape_cast %reduce_sum3A_2 : vector<512xf32> to vector<1x512xf32>
    %swap3A = arith.constant 0 : index
    %swap3A_3 = arith.constant 0 : index
    %swap3A_4 = vector.load %arg2[%swap3A, %swap3A_3] : memref<1x512xf32, #tpu.memory_space<vmem>>, vector<1x512xf32>
    tpu.vector_store %arg2[%swap3A, %swap3A_3], %broadcast_in_dim3A {strides = array<i32>} : memref<1x512xf32, #tpu.memory_space<vmem>>, vector<1x512xf32>,
    return
  }
  func.func @transform_0(%arg0: i32) -> (i32, i32) {
    %c0_i32 = arith.constant 0 : i32
    %c0_i32_0 = arith.constant 0 : i32
    return %c0_i32, %arg0 : i32, i32
  }
  func.func @transform_1(%arg0: i32) -> (i32, i32) {
    %c0_i32 = arith.constant 0 : i32
    %c0_i32_0 = arith.constant 0 : i32
    return %c0_i32, %arg0 : i32, i32
  }
}

module attributes {stable_mosaic.version = 14 : i64} {
  func.func @_pre_body(%arg0: i32, %arg1: memref<512x8xf32, #tpu.memory_space<vmem>>, %arg2: memref<8x64xf32, #tpu.memory_space<vmem>>, %arg3: memref<512x1xf32, #tpu.memory_space<vmem>>, %arg4: memref<512x128xf32, #tpu.memory_space<vmem>>, %arg5: memref<512x1xf32, #tpu.memory_space<vmem>>) attributes {dimension_semantics = [#tpu.dimension_semantics<arbitrary>], iteration_bounds = array<i64: 100>, scalar_prefetch = 0 : i64, scratch_operands = 0 : i64, tpu.core_type = #tpu.core_type<tc>, window_params = [{transform_indices = @transform_0, window_bounds = array<i64: 512, 8>}, {pipeline_mode = #tpu.pipeline_mode<synchronous>, transform_indices = @transform_1, window_bounds = array<i64: 8, 64>}, {transform_indices = @transform_2, window_bounds = array<i64: 512, 1>}, {transform_indices = @transform_3, window_bounds = array<i64: 512, 128>}, {transform_indices = @transform_4, window_bounds = array<i64: 512, 1>}]} {
    %get3A = arith.constant 0 : index
    %get3A_0 = arith.constant 0 : index
    %get3A_1 = vector.load %arg3[%get3A, %get3A_0] : memref<512x1xf32, #tpu.memory_space<vmem>>, vector<512x1xf32>
    %add3A = arith.constant 1.000000e+00 : f32
    %add3A_2 = vector.broadcast %add3A : f32 to vector<512x1xf32>
    %add3A_3 = arith.addf %get3A_1, %add3A_2 : vector<512x1xf32>
    %rsqrt3A = math.rsqrt %add3A_3 : vector<512x1xf32>
    %get3A_4 = arith.constant 0 : index
    %get3A_5 = arith.constant 0 : index
    %get3A_6 = vector.load %arg1[%get3A_4, %get3A_5] : memref<512x8xf32, #tpu.memory_space<vmem>>, vector<512x8xf32>
    %get3A_7 = arith.constant 0 : index
    %get3A_8 = arith.constant 0 : index
    %get3A_9 = vector.load %arg2[%get3A_7, %get3A_8] : memref<8x64xf32, #tpu.memory_space<vmem>>, vector<8x64xf32>
    %dot_general3A = arith.constant dense<0.000000e+00> : vector<512x64xf32>
    %dot_general3A_10 = tpu.matmul %get3A_6, %get3A_9, %dot_general3A {dimension_numbers = #tpu.dot_dimension_numbers<[1], [0], [0], [1], [0, 0, 1, 1], [], []>, transpose_lhs_hint = false} : vector<512x8xf32>, vector<8x64xf32>, vector<512x64xf32> -> vector<512x64xf32>
    %mul3A = vector.broadcast %rsqrt3A : vector<512x1xf32> to vector<512x64xf32>
    %mul3A_11 = arith.mulf %dot_general3A_10, %mul3A : vector<512x64xf32>
    %swap3A = arith.constant 0 : index
    %swap3A_12 = arith.constant 0 : index
    %swap3A_13 = vector.load %arg4[%swap3A, %swap3A_12] : memref<512x128xf32, #tpu.memory_space<vmem>>, vector<512x64xf32>
    tpu.vector_store %arg4[%swap3A, %swap3A_12], %mul3A_11 {strides = array<i32>} : memref<512x128xf32, #tpu.memory_space<vmem>>, vector<512x64xf32>,
    %broadcast_in_dim3A = arith.constant 0.000000e+00 : f32
    %broadcast_in_dim3A_14 = vector.broadcast %broadcast_in_dim3A : f32 to vector<512x64xf32>
    %swap3A_15 = arith.constant 0 : index
    %swap3A_16 = arith.constant 64 : index
    %swap3A_17 = vector.load %arg4[%swap3A_15, %swap3A_16] : memref<512x128xf32, #tpu.memory_space<vmem>>, vector<512x64xf32>
    tpu.vector_store %arg4[%swap3A_15, %swap3A_16], %broadcast_in_dim3A_14 {strides = array<i32>} : memref<512x128xf32, #tpu.memory_space<vmem>>, vector<512x64xf32>,
    %swap3A_18 = arith.constant 0 : index
    %swap3A_19 = arith.constant 0 : index
    %swap3A_20 = vector.load %arg5[%swap3A_18, %swap3A_19] : memref<512x1xf32, #tpu.memory_space<vmem>>, vector<512x1xf32>
    tpu.vector_store %arg5[%swap3A_18, %swap3A_19], %rsqrt3A {strides = array<i32>} : memref<512x1xf32, #tpu.memory_space<vmem>>, vector<512x1xf32>,
    return
  }
  func.func @transform_0(%arg0: i32) -> (i32, i32) {
    %c0_i32 = arith.constant 0 : i32
    %c0_i32_0 = arith.constant 0 : i32
    return %arg0, %c0_i32 : i32, i32
  }
  func.func @transform_1(%arg0: i32) -> (i32, i32) {
    %c0_i32 = arith.constant 0 : i32
    %c0_i32_0 = arith.constant 0 : i32
    %c0_i32_1 = arith.constant 0 : i32
    return %c0_i32, %c0_i32_0 : i32, i32
  }
  func.func @transform_2(%arg0: i32) -> (i32, i32) {
    %c0_i32 = arith.constant 0 : i32
    %c0_i32_0 = arith.constant 0 : i32
    return %arg0, %c0_i32 : i32, i32
  }
  func.func @transform_3(%arg0: i32) -> (i32, i32) {
    %c0_i32 = arith.constant 0 : i32
    %c0_i32_0 = arith.constant 0 : i32
    return %arg0, %c0_i32 : i32, i32
  }
  func.func @transform_4(%arg0: i32) -> (i32, i32) {
    %c0_i32 = arith.constant 0 : i32
    %c0_i32_0 = arith.constant 0 : i32
    return %arg0, %c0_i32 : i32, i32
  }
}

module attributes {stable_mosaic.version = 14 : i64} {
  func.func @_mid_body(%arg0: i32, %arg1: memref<512x128xf32, #tpu.memory_space<vmem>>, %arg2: memref<512x1xf32, #tpu.memory_space<vmem>>, %arg3: memref<1x64xf32, #tpu.memory_space<vmem>>, %arg4: memref<1x64xf32, #tpu.memory_space<vmem>>, %arg5: memref<1x64xf32, #tpu.memory_space<vmem>>, %arg6: memref<64x64xf32, #tpu.memory_space<vmem>>, %arg7: memref<512x128xf32, #tpu.memory_space<vmem>>) attributes {dimension_semantics = [#tpu.dimension_semantics<arbitrary>], iteration_bounds = array<i64: 100>, scalar_prefetch = 0 : i64, scratch_operands = 0 : i64, tpu.core_type = #tpu.core_type<tc>, window_params = [{transform_indices = @transform_0, window_bounds = array<i64: 512, 128>}, {transform_indices = @transform_1, window_bounds = array<i64: 512, 1>}, {pipeline_mode = #tpu.pipeline_mode<synchronous>, transform_indices = @transform_2, window_bounds = array<i64: 1, 64>}, {pipeline_mode = #tpu.pipeline_mode<synchronous>, transform_indices = @transform_3, window_bounds = array<i64: 1, 64>}, {pipeline_mode = #tpu.pipeline_mode<synchronous>, transform_indices = @transform_4, window_bounds = array<i64: 1, 64>}, {pipeline_mode = #tpu.pipeline_mode<synchronous>, transform_indices = @transform_5, window_bounds = array<i64: 64, 64>}, {transform_indices = @transform_6, window_bounds = array<i64: 512, 128>}]} {
    %get3A = arith.constant 0 : index
    %get3A_0 = arith.constant 0 : index
    %get3A_1 = vector.load %arg2[%get3A, %get3A_0] : memref<512x1xf32, #tpu.memory_space<vmem>>, vector<512x1xf32>
    %get3A_2 = arith.constant 0 : index
    %get3A_3 = arith.constant 0 : index
    %get3A_4 = vector.load %arg1[%get3A_2, %get3A_3] : memref<512x128xf32, #tpu.memory_space<vmem>>, vector<512x64xf32>
    %mul3A = vector.broadcast %get3A_1 : vector<512x1xf32> to vector<512x64xf32>
    %mul3A_5 = arith.mulf %get3A_4, %mul3A : vector<512x64xf32>
    %get3A_6 = arith.constant 0 : index
    %get3A_7 = arith.constant 0 : index
    %get3A_8 = vector.load %arg3[%get3A_6, %get3A_7] : memref<1x64xf32, #tpu.memory_space<vmem>>, vector<1x64xf32>
    %add3A = vector.broadcast %get3A_8 : vector<1x64xf32> to vector<512x64xf32>
    %add3A_9 = arith.addf %mul3A_5, %add3A : vector<512x64xf32>
    %get3A_10 = arith.constant 0 : index
    %get3A_11 = arith.constant 0 : index
    %get3A_12 = vector.load %arg4[%get3A_10, %get3A_11] : memref<1x64xf32, #tpu.memory_space<vmem>>, vector<1x64xf32>
    %get3A_13 = arith.constant 0 : index
    %get3A_14 = arith.constant 0 : index
    %get3A_15 = vector.load %arg5[%get3A_13, %get3A_14] : memref<1x64xf32, #tpu.memory_space<vmem>>, vector<1x64xf32>
    %reduce_sum3A = arith.constant dense<0.000000e+00> : vector<512xf32>
    %reduce_sum3A_16 = vector.multi_reduction <add>, %add3A_9, %reduce_sum3A [1] : vector<512x64xf32> to vector<512xf32>
    %broadcast_in_dim3A = vector.shape_cast %reduce_sum3A_16 : vector<512xf32> to vector<512x1xf32>
    %div3A = arith.constant 6.400000e+01 : f32
    %div3A_17 = vector.broadcast %div3A : f32 to vector<512x1xf32>
    %div3A_18 = arith.divf %broadcast_in_dim3A, %div3A_17 : vector<512x1xf32>
    %sub3A = vector.broadcast %div3A_18 : vector<512x1xf32> to vector<512x64xf32>
    %sub3A_19 = arith.subf %add3A_9, %sub3A : vector<512x64xf32>
    %integer_pow3A = arith.mulf %sub3A_19, %sub3A_19 : vector<512x64xf32>
    %reduce_sum3A_20 = arith.constant dense<0.000000e+00> : vector<512xf32>
    %reduce_sum3A_21 = vector.multi_reduction <add>, %integer_pow3A, %reduce_sum3A_20 [1] : vector<512x64xf32> to vector<512xf32>
    %broadcast_in_dim3A_22 = vector.shape_cast %reduce_sum3A_21 : vector<512xf32> to vector<512x1xf32>
    %div3A_23 = arith.constant 6.400000e+01 : f32
    %div3A_24 = vector.broadcast %div3A_23 : f32 to vector<512x1xf32>
    %div3A_25 = arith.divf %broadcast_in_dim3A_22, %div3A_24 : vector<512x1xf32>
    %sub3A_26 = vector.broadcast %div3A_18 : vector<512x1xf32> to vector<512x64xf32>
    %sub3A_27 = arith.subf %add3A_9, %sub3A_26 : vector<512x64xf32>
    %add3A_28 = arith.constant 9.99999974E-6 : f32
    %add3A_29 = vector.broadcast %add3A_28 : f32 to vector<512x1xf32>
    %add3A_30 = arith.addf %div3A_25, %add3A_29 : vector<512x1xf32>
    %rsqrt3A = math.rsqrt %add3A_30 : vector<512x1xf32>
    %mul3A_31 = vector.broadcast %rsqrt3A : vector<512x1xf32> to vector<512x64xf32>
    %mul3A_32 = arith.mulf %sub3A_27, %mul3A_31 : vector<512x64xf32>
    %mul3A_33 = vector.broadcast %get3A_12 : vector<1x64xf32> to vector<512x64xf32>
    %mul3A_34 = arith.mulf %mul3A_32, %mul3A_33 : vector<512x64xf32>
    %add3A_35 = vector.broadcast %get3A_15 : vector<1x64xf32> to vector<512x64xf32>
    %add3A_36 = arith.addf %mul3A_34, %add3A_35 : vector<512x64xf32>
    %max3A = arith.constant 0.000000e+00 : f32
    %max3A_37 = vector.broadcast %max3A : f32 to vector<512x64xf32>
    %max3A_38 = arith.maximumf %add3A_36, %max3A_37 : vector<512x64xf32>
    %get3A_39 = arith.constant 0 : index
    %get3A_40 = arith.constant 0 : index
    %get3A_41 = vector.load %arg6[%get3A_39, %get3A_40] : memref<64x64xf32, #tpu.memory_space<vmem>>, vector<64x64xf32>
    %dot_general3A = arith.constant dense<0.000000e+00> : vector<512x64xf32>
    %dot_general3A_42 = tpu.matmul %max3A_38, %get3A_41, %dot_general3A {dimension_numbers = #tpu.dot_dimension_numbers<[1], [0], [0], [1], [0, 0, 1, 1], [], []>, transpose_lhs_hint = false} : vector<512x64xf32>, vector<64x64xf32>, vector<512x64xf32> -> vector<512x64xf32>
    %mul3A_43 = vector.broadcast %get3A_1 : vector<512x1xf32> to vector<512x64xf32>
    %mul3A_44 = arith.mulf %dot_general3A_42, %mul3A_43 : vector<512x64xf32>
    %swap3A = arith.constant 0 : index
    %swap3A_45 = arith.constant 0 : index
    %swap3A_46 = vector.load %arg7[%swap3A, %swap3A_45] : memref<512x128xf32, #tpu.memory_space<vmem>>, vector<512x64xf32>
    tpu.vector_store %arg7[%swap3A, %swap3A_45], %mul3A_44 {strides = array<i32>} : memref<512x128xf32, #tpu.memory_space<vmem>>, vector<512x64xf32>,
    %broadcast_in_dim3A_47 = arith.constant 0.000000e+00 : f32
    %broadcast_in_dim3A_48 = vector.broadcast %broadcast_in_dim3A_47 : f32 to vector<512x64xf32>
    %swap3A_49 = arith.constant 0 : index
    %swap3A_50 = arith.constant 64 : index
    %swap3A_51 = vector.load %arg7[%swap3A_49, %swap3A_50] : memref<512x128xf32, #tpu.memory_space<vmem>>, vector<512x64xf32>
    tpu.vector_store %arg7[%swap3A_49, %swap3A_50], %broadcast_in_dim3A_48 {strides = array<i32>} : memref<512x128xf32, #tpu.memory_space<vmem>>, vector<512x64xf32>,
    return
  }
  func.func @transform_0(%arg0: i32) -> (i32, i32) {
    %c0_i32 = arith.constant 0 : i32
    %c0_i32_0 = arith.constant 0 : i32
    return %arg0, %c0_i32 : i32, i32
  }
  func.func @transform_1(%arg0: i32) -> (i32, i32) {
    %c0_i32 = arith.constant 0 : i32
    %c0_i32_0 = arith.constant 0 : i32
    return %arg0, %c0_i32 : i32, i32
  }
  func.func @transform_2(%arg0: i32) -> (i32, i32) {
    %c0_i32 = arith.constant 0 : i32
    %c0_i32_0 = arith.constant 0 : i32
    %c0_i32_1 = arith.constant 0 : i32
    return %c0_i32, %c0_i32_0 : i32, i32
  }
  func.func @transform_3(%arg0: i32) -> (i32, i32) {
    %c0_i32 = arith.constant 0 : i32
    %c0_i32_0 = arith.constant 0 : i32
    %c0_i32_1 = arith.constant 0 : i32
    return %c0_i32, %c0_i32_0 : i32, i32
  }
  func.func @transform_4(%arg0: i32) -> (i32, i32) {
    %c0_i32 = arith.constant 0 : i32
    %c0_i32_0 = arith.constant 0 : i32
    %c0_i32_1 = arith.constant 0 : i32
    return %c0_i32, %c0_i32_0 : i32, i32
  }
  func.func @transform_5(%arg0: i32) -> (i32, i32) {
    %c0_i32 = arith.constant 0 : i32
    %c0_i32_0 = arith.constant 0 : i32
    %c0_i32_1 = arith.constant 0 : i32
    return %c0_i32, %c0_i32_0 : i32, i32
  }
  func.func @transform_6(%arg0: i32) -> (i32, i32) {
    %c0_i32 = arith.constant 0 : i32
    %c0_i32_0 = arith.constant 0 : i32
    return %arg0, %c0_i32 : i32, i32
  }
}

module attributes {stable_mosaic.version = 14 : i64} {
  func.func @_head_body(%arg0: i32, %arg1: memref<512x128xf32, #tpu.memory_space<vmem>>, %arg2: memref<512x1xf32, #tpu.memory_space<vmem>>, %arg3: memref<1x64xf32, #tpu.memory_space<vmem>>, %arg4: memref<1x64xf32, #tpu.memory_space<vmem>>, %arg5: memref<1x64xf32, #tpu.memory_space<vmem>>, %arg6: memref<64x32xf32, #tpu.memory_space<vmem>>, %arg7: memref<1x32xf32, #tpu.memory_space<vmem>>, %arg8: memref<32x1xf32, #tpu.memory_space<vmem>>, %arg9: memref<1x1xf32, #tpu.memory_space<vmem>>, %arg10: memref<512x1xf32, #tpu.memory_space<vmem>>) attributes {dimension_semantics = [#tpu.dimension_semantics<arbitrary>], iteration_bounds = array<i64: 100>, scalar_prefetch = 0 : i64, scratch_operands = 0 : i64, tpu.core_type = #tpu.core_type<tc>, window_params = [{transform_indices = @transform_0, window_bounds = array<i64: 512, 128>}, {transform_indices = @transform_1, window_bounds = array<i64: 512, 1>}, {pipeline_mode = #tpu.pipeline_mode<synchronous>, transform_indices = @transform_2, window_bounds = array<i64: 1, 64>}, {pipeline_mode = #tpu.pipeline_mode<synchronous>, transform_indices = @transform_3, window_bounds = array<i64: 1, 64>}, {pipeline_mode = #tpu.pipeline_mode<synchronous>, transform_indices = @transform_4, window_bounds = array<i64: 1, 64>}, {pipeline_mode = #tpu.pipeline_mode<synchronous>, transform_indices = @transform_5, window_bounds = array<i64: 64, 32>}, {pipeline_mode = #tpu.pipeline_mode<synchronous>, transform_indices = @transform_6, window_bounds = array<i64: 1, 32>}, {pipeline_mode = #tpu.pipeline_mode<synchronous>, transform_indices = @transform_7, window_bounds = array<i64: 32, 1>}, {pipeline_mode = #tpu.pipeline_mode<synchronous>, transform_indices = @transform_8, window_bounds = array<i64: 1, 1>}, {transform_indices = @transform_9, window_bounds = array<i64: 512, 1>}]} {
    %get3A = arith.constant 0 : index
    %get3A_0 = arith.constant 0 : index
    %get3A_1 = vector.load %arg1[%get3A, %get3A_0] : memref<512x128xf32, #tpu.memory_space<vmem>>, vector<512x64xf32>
    %get3A_2 = arith.constant 0 : index
    %get3A_3 = arith.constant 0 : index
    %get3A_4 = vector.load %arg2[%get3A_2, %get3A_3] : memref<512x1xf32, #tpu.memory_space<vmem>>, vector<512x1xf32>
    %mul3A = vector.broadcast %get3A_4 : vector<512x1xf32> to vector<512x64xf32>
    %mul3A_5 = arith.mulf %get3A_1, %mul3A : vector<512x64xf32>
    %get3A_6 = arith.constant 0 : index
    %get3A_7 = arith.constant 0 : index
    %get3A_8 = vector.load %arg3[%get3A_6, %get3A_7] : memref<1x64xf32, #tpu.memory_space<vmem>>, vector<1x64xf32>
    %add3A = vector.broadcast %get3A_8 : vector<1x64xf32> to vector<512x64xf32>
    %add3A_9 = arith.addf %mul3A_5, %add3A : vector<512x64xf32>
    %get3A_10 = arith.constant 0 : index
    %get3A_11 = arith.constant 0 : index
    %get3A_12 = vector.load %arg4[%get3A_10, %get3A_11] : memref<1x64xf32, #tpu.memory_space<vmem>>, vector<1x64xf32>
    %get3A_13 = arith.constant 0 : index
    %get3A_14 = arith.constant 0 : index
    %get3A_15 = vector.load %arg5[%get3A_13, %get3A_14] : memref<1x64xf32, #tpu.memory_space<vmem>>, vector<1x64xf32>
    %reduce_sum3A = arith.constant dense<0.000000e+00> : vector<512xf32>
    %reduce_sum3A_16 = vector.multi_reduction <add>, %add3A_9, %reduce_sum3A [1] : vector<512x64xf32> to vector<512xf32>
    %broadcast_in_dim3A = vector.shape_cast %reduce_sum3A_16 : vector<512xf32> to vector<512x1xf32>
    %div3A = arith.constant 6.400000e+01 : f32
    %div3A_17 = vector.broadcast %div3A : f32 to vector<512x1xf32>
    %div3A_18 = arith.divf %broadcast_in_dim3A, %div3A_17 : vector<512x1xf32>
    %sub3A = vector.broadcast %div3A_18 : vector<512x1xf32> to vector<512x64xf32>
    %sub3A_19 = arith.subf %add3A_9, %sub3A : vector<512x64xf32>
    %integer_pow3A = arith.mulf %sub3A_19, %sub3A_19 : vector<512x64xf32>
    %reduce_sum3A_20 = arith.constant dense<0.000000e+00> : vector<512xf32>
    %reduce_sum3A_21 = vector.multi_reduction <add>, %integer_pow3A, %reduce_sum3A_20 [1] : vector<512x64xf32> to vector<512xf32>
    %broadcast_in_dim3A_22 = vector.shape_cast %reduce_sum3A_21 : vector<512xf32> to vector<512x1xf32>
    %div3A_23 = arith.constant 6.400000e+01 : f32
    %div3A_24 = vector.broadcast %div3A_23 : f32 to vector<512x1xf32>
    %div3A_25 = arith.divf %broadcast_in_dim3A_22, %div3A_24 : vector<512x1xf32>
    %sub3A_26 = vector.broadcast %div3A_18 : vector<512x1xf32> to vector<512x64xf32>
    %sub3A_27 = arith.subf %add3A_9, %sub3A_26 : vector<512x64xf32>
    %add3A_28 = arith.constant 9.99999974E-6 : f32
    %add3A_29 = vector.broadcast %add3A_28 : f32 to vector<512x1xf32>
    %add3A_30 = arith.addf %div3A_25, %add3A_29 : vector<512x1xf32>
    %rsqrt3A = math.rsqrt %add3A_30 : vector<512x1xf32>
    %mul3A_31 = vector.broadcast %rsqrt3A : vector<512x1xf32> to vector<512x64xf32>
    %mul3A_32 = arith.mulf %sub3A_27, %mul3A_31 : vector<512x64xf32>
    %mul3A_33 = vector.broadcast %get3A_12 : vector<1x64xf32> to vector<512x64xf32>
    %mul3A_34 = arith.mulf %mul3A_32, %mul3A_33 : vector<512x64xf32>
    %add3A_35 = vector.broadcast %get3A_15 : vector<1x64xf32> to vector<512x64xf32>
    %add3A_36 = arith.addf %mul3A_34, %add3A_35 : vector<512x64xf32>
    %get3A_37 = arith.constant 0 : index
    %get3A_38 = arith.constant 0 : index
    %get3A_39 = vector.load %arg6[%get3A_37, %get3A_38] : memref<64x32xf32, #tpu.memory_space<vmem>>, vector<64x32xf32>
    %dot_general3A = arith.constant dense<0.000000e+00> : vector<512x32xf32>
    %dot_general3A_40 = tpu.matmul %add3A_36, %get3A_39, %dot_general3A {dimension_numbers = #tpu.dot_dimension_numbers<[1], [0], [0], [1], [0, 0, 1, 1], [], []>, transpose_lhs_hint = false} : vector<512x64xf32>, vector<64x32xf32>, vector<512x32xf32> -> vector<512x32xf32>
    %get3A_41 = arith.constant 0 : index
    %get3A_42 = arith.constant 0 : index
    %get3A_43 = vector.load %arg7[%get3A_41, %get3A_42] : memref<1x32xf32, #tpu.memory_space<vmem>>, vector<1x32xf32>
    %add3A_44 = vector.broadcast %get3A_43 : vector<1x32xf32> to vector<512x32xf32>
    %add3A_45 = arith.addf %dot_general3A_40, %add3A_44 : vector<512x32xf32>
    %max3A = arith.constant 0.000000e+00 : f32
    %max3A_46 = vector.broadcast %max3A : f32 to vector<512x32xf32>
    %max3A_47 = arith.maximumf %add3A_45, %max3A_46 : vector<512x32xf32>
    %get3A_48 = arith.constant 0 : index
    %get3A_49 = arith.constant 0 : index
    %get3A_50 = vector.load %arg8[%get3A_48, %get3A_49] : memref<32x1xf32, #tpu.memory_space<vmem>>, vector<32x1xf32>
    %dot_general3A_51 = arith.constant dense<0.000000e+00> : vector<512x1xf32>
    %dot_general3A_52 = tpu.matmul %max3A_47, %get3A_50, %dot_general3A_51 {dimension_numbers = #tpu.dot_dimension_numbers<[1], [0], [0], [1], [0, 0, 1, 1], [], []>, transpose_lhs_hint = false} : vector<512x32xf32>, vector<32x1xf32>, vector<512x1xf32> -> vector<512x1xf32>
    %get3A_53 = arith.constant 0 : index
    %get3A_54 = arith.constant 0 : index
    %get3A_55 = vector.load %arg9[%get3A_53, %get3A_54] : memref<1x1xf32, #tpu.memory_space<vmem>>, vector<1x1xf32>
    %add3A_56 = vector.broadcast %get3A_55 : vector<1x1xf32> to vector<512x1xf32>
    %add3A_57 = arith.addf %dot_general3A_52, %add3A_56 : vector<512x1xf32>
    %logistic3A = arith.negf %add3A_57 : vector<512x1xf32>
    %logistic3A_58 = math.exp %logistic3A : vector<512x1xf32>
    %logistic3A_59 = arith.constant 1.000000e+00 : f32
    %logistic3A_60 = vector.broadcast %logistic3A_59 : f32 to vector<512x1xf32>
    %logistic3A_61 = arith.addf %logistic3A_60, %logistic3A_58 : vector<512x1xf32>
    %logistic3A_62 = arith.divf %logistic3A_60, %logistic3A_61 : vector<512x1xf32>
    %swap3A = arith.constant 0 : index
    %swap3A_63 = arith.constant 0 : index
    %swap3A_64 = vector.load %arg10[%swap3A, %swap3A_63] : memref<512x1xf32, #tpu.memory_space<vmem>>, vector<512x1xf32>
    tpu.vector_store %arg10[%swap3A, %swap3A_63], %logistic3A_62 {strides = array<i32>} : memref<512x1xf32, #tpu.memory_space<vmem>>, vector<512x1xf32>,
    return
  }
  func.func @transform_0(%arg0: i32) -> (i32, i32) {
    %c0_i32 = arith.constant 0 : i32
    %c0_i32_0 = arith.constant 0 : i32
    return %arg0, %c0_i32 : i32, i32
  }
  func.func @transform_1(%arg0: i32) -> (i32, i32) {
    %c0_i32 = arith.constant 0 : i32
    %c0_i32_0 = arith.constant 0 : i32
    return %arg0, %c0_i32 : i32, i32
  }
  func.func @transform_2(%arg0: i32) -> (i32, i32) {
    %c0_i32 = arith.constant 0 : i32
    %c0_i32_0 = arith.constant 0 : i32
    %c0_i32_1 = arith.constant 0 : i32
    return %c0_i32, %c0_i32_0 : i32, i32
  }
  func.func @transform_3(%arg0: i32) -> (i32, i32) {
    %c0_i32 = arith.constant 0 : i32
    %c0_i32_0 = arith.constant 0 : i32
    %c0_i32_1 = arith.constant 0 : i32
    return %c0_i32, %c0_i32_0 : i32, i32
  }
  func.func @transform_4(%arg0: i32) -> (i32, i32) {
    %c0_i32 = arith.constant 0 : i32
    %c0_i32_0 = arith.constant 0 : i32
    %c0_i32_1 = arith.constant 0 : i32
    return %c0_i32, %c0_i32_0 : i32, i32
  }
  func.func @transform_5(%arg0: i32) -> (i32, i32) {
    %c0_i32 = arith.constant 0 : i32
    %c0_i32_0 = arith.constant 0 : i32
    %c0_i32_1 = arith.constant 0 : i32
    return %c0_i32, %c0_i32_0 : i32, i32
  }
  func.func @transform_6(%arg0: i32) -> (i32, i32) {
    %c0_i32 = arith.constant 0 : i32
    %c0_i32_0 = arith.constant 0 : i32
    %c0_i32_1 = arith.constant 0 : i32
    return %c0_i32, %c0_i32_0 : i32, i32
  }
  func.func @transform_7(%arg0: i32) -> (i32, i32) {
    %c0_i32 = arith.constant 0 : i32
    %c0_i32_0 = arith.constant 0 : i32
    %c0_i32_1 = arith.constant 0 : i32
    return %c0_i32, %c0_i32_0 : i32, i32
  }
  func.func @transform_8(%arg0: i32) -> (i32, i32) {
    %c0_i32 = arith.constant 0 : i32
    %c0_i32_0 = arith.constant 0 : i32
    %c0_i32_1 = arith.constant 0 : i32
    return %c0_i32, %c0_i32_0 : i32, i32
  }
  func.func @transform_9(%arg0: i32) -> (i32, i32) {
    %c0_i32 = arith.constant 0 : i32
    %c0_i32_0 = arith.constant 0 : i32
    return %arg0, %c0_i32 : i32, i32
  }
}

</mosaic_0001>

<sc_bundles>
// kernel: kernel.11.cloned.1.call-start
scs
__scs_entry_jumppad:
0x0: {  	(pc) =	sbr.rel $0x88, $3  }
0x1: {  	(tag) =	ssettag $0x0;
	lr =	simm.s32 $0x1  }
0x2: {  	[smem:$0x3F8F] =	sst lr;
	_ =	strace $0xD0000000  }
0x3: {  	_ = 	snop  }
0x4: {  	_ = 	snop  }
0x5: {  	_ = 	snop  }
0x6: {  	_ = 	snop  }
0x7: {  	_ = 	snop  }
__scs_overlays_trampoline_lowered:
0x8: {  	[smem:$0x3F9E] =	sst s0  }
0x9: {  	[smem:$0x3F9F] =	sst s1  }
0xa: {  	[smem:$0x3FA0] =	sst s2  }
0xb: {  	[smem:$0x3FA1] =	sst s3  }
0xc: {  	[smem:$0x3FA2] =	sst s4  }
0xd: {  	[smem:$0x3FA3] =	sst s5  }
0xe: {  	[smem:$0x3FA4] =	sst s6  }
0xf: {  	[smem:$0x3FA5] =	sst s7  }
0x10: {  	[smem:$0x3FA6] =	sst s8  }
0x11: {  	[smem:$0x3FA7] =	sst s9;
	s0 =	simm.s32 @!p0 $0x0  }
0x12: {  	s1 =	sld [smem:$0x3F8D];
	s0 =	simm.s32 @p0 $0x1  }
0x13: {  	[smem:$0x3FA8] =	sst s0;
	s0 =	simm.s32 @!p1 $0x0  }
0x14: {  	s2 =	sld [smem:$0x3F8C];
	s0 =	simm.s32 @p1 $0x1  }
0x15: {  	[smem:$0x3FA9] =	sst s0;
	s0 =	simm.s32 @!p2 $0x0  }
0x16: {  	s3 =	sld [smem:$0x3FDB];
	s0 =	simm.s32 @p2 $0x1  }
0x17: {  	s4 =	simm.s32 $0x1BF5;
	[smem:$0x3FAB] =	sst s0  }
0x18: {  	s0 =	sld [smem:$0x3F8E];
	_ =	swait.ge [sflag:s4], $0x0  }
0x19: {  	s7 =	sld [smem:$0x3F8F]  }
0x1a: {  	s8 =	sadd.s32 $0xFFFFE003, lr  }
0x1b: {  	s9 =	sadd.s32 $0xFFFFFEF7, lr;
	s5 =	simm.s32 $0xFFFFFFFF;
	p2 =	slt.u32 s8, $0xFFFFF086  }
0x1c: {  	p1 =	slt.u32 s9, $0xF7A;
	s5 =	simm.s32 @!p2 $0x0  }
0x1d: {  	s5 =	simm.s32 @p1 $0x1;
	p0 =	seq.s32 s7, s2  }
0x1e: {  	s7 =	smul.u32 @!p0 $0xF7A, s2;
	p2 =	seq.s32 @!p0 s5, $0x0  }
0x1f: {  	s9 =	smul.u32 $0xF7A, s1;
	s8 =	simm.s32 @!p0 $0x1BF5;
	p2 =	por !p2, p0  }
0x20: {  	[sflag:s8] =	ssyncset.s32 @!p0 $0xFFFFF086;
	s6 =	sadd.s32 @!p0 s3, s7;
	s7 =	simm.s32 @!p0 $0x108  }
0x21: {  	s3 =	sadd.s32 s3, s9;
	s6 =	sadd.s32 @!p0 $0x88, s6;
	s7 =	simm.s32 @p2 $0x1082  }
0x22: {  	[simem:s7], [sflag:s8] =	dma.local @!p0 [hbm:s6], $0xF7A  }
0x23: {  	s9 =	sor.u32 $0xD0000000, s2;
	s6 =	simm.s32 $0x108;
	_ =	swait.ge @!p0 [sflag:s8], $0x0  }
0x24: {  	s3 =	sadd.s32 $0x88, s3;
	s6 =	simm.s32 @!p1 $0x1082;
	[sflag:s4] =	ssyncset.s32 $0xFFFFF086  }
0x25: {  	[simem:s6], [sflag:s4] =	dma.local [hbm:s3], $0xF7A  }
0x26: {  	[smem:$0x3F8F] =	sst s1;
	(tag) =	ssettag s2;
	_ =	strace s9  }
0x27: {  	s1 =	sld [smem:$0x3F9F]  }
0x28: {  	s2 =	sld [smem:$0x3FA0]  }
0x29: {  	s4 =	sld [smem:$0x3FA2]  }
0x2a: {  	p0 =	seq.s32 s5, $0x0;
	s5 =	sld [smem:$0x3FA3]  }
0x2b: {  	s6 =	sld [smem:$0x3FA4]  }
0x2c: {  	s7 =	sld [smem:$0x3FA5]  }
0x2d: {  	s3 =	simm.s32 $0x108;
	s8 =	sld [smem:$0x3FA6]  }
0x2e: {  	s3 =	simm.s32 @!p0 $0x1082;
	s9 =	sld [smem:$0x3FA7]  }
0x2f: {  	lr =	sadd.s32 s0, s3;
	s0 =	sld [smem:$0x3F9E]  }
0x30: {  	s3 =	sld [smem:$0x3FA1]  }
0x31: {  	[smem:$0x3FAA] =	sst s10  }
0x32: {  	s10 =	sld [smem:$0x3FA8];
	_ =	sdelay $0x3  }
0x33: {  	p0 =	seq.s32 s10, $0x1;
	s10 =	sld [smem:$0x3FAA];
	_ =	sdelay $0x3  }
0x34: {  	[smem:$0x3FAA] =	sst s10  }
0x35: {  	s10 =	sld [smem:$0x3FA9];
	_ =	sdelay $0x3  }
0x36: {  	p1 =	seq.s32 s10, $0x1;
	s10 =	sld [smem:$0x3FAA];
	_ =	sdelay $0x3  }
0x37: {  	[smem:$0x3FAA] =	sst s10  }
0x38: {  	s10 =	sld [smem:$0x3FAB]  }
0x39: {  	_ = 	snop;
	(pc) =	sbr.ind lr, $3  }
0x3a: {  	_ = 	snop  }
0x3b: {  	_ = 	snop  }
0x3c: {  	p2 =	seq.s32 s10, $0x1;
	s10 =	sld [smem:$0x3FAA]  }
0x3d: {  	_ =	shalt  }
0x3e: {  	_ =	shalt  }
0x3f: {  	_ =	shalt  }
0x40: {  	_ =	shalt  }
0x41: {  	_ =	shalt  }
0x42: {  	_ =	shalt  }
0x43: {  	_ =	shalt  }
0x44: {  	_ =	shalt  }
0x45: {  	_ =	shalt  }
0x46: {  	_ =	shalt  }
0x47: {  	_ =	shalt  }
0x48: {  	_ =	shalt  }
0x49: {  	_ =	shalt  }
0x4a: {  	_ =	shalt  }
0x4b: {  	_ =	shalt  }
0x4c: {  	_ =	shalt  }
0x4d: {  	_ =	shalt  }
0x4e: {  	_ =	shalt  }
0x4f: {  	_ =	shalt  }
0x50: {  	_ =	shalt  }
0x51: {  	_ =	shalt  }
0x52: {  	_ =	shalt  }
0x53: {  	_ =	shalt  }
0x54: {  	_ =	shalt  }
0x55: {  	_ =	shalt  }
0x56: {  	_ =	shalt  }
0x57: {  	_ =	shalt  }
0x58: {  	_ =	shalt  }
0x59: {  	_ =	shalt  }
0x5a: {  	_ =	shalt  }
0x5b: {  	_ =	shalt  }
0x5c: {  	_ =	shalt  }
0x5d: {  	_ =	shalt  }
0x5e: {  	_ =	shalt  }
0x5f: {  	_ =	shalt  }
0x60: {  	_ =	shalt  }
0x61: {  	_ =	shalt  }
0x62: {  	_ =	shalt  }
0x63: {  	_ =	shalt  }
0x64: {  	_ =	shalt  }
0x65: {  	_ =	shalt  }
0x66: {  	_ =	shalt  }
0x67: {  	_ =	shalt  }
0x68: {  	_ =	shalt  }
0x69: {  	_ =	shalt  }
0x6a: {  	_ =	shalt  }
0x6b: {  	_ =	shalt  }
0x6c: {  	_ =	shalt  }
0x6d: {  	_ =	shalt  }
0x6e: {  	_ =	shalt  }
0x6f: {  	_ =	shalt  }
0x70: {  	_ =	shalt  }
0x71: {  	_ =	shalt  }
0x72: {  	_ =	shalt  }
0x73: {  	_ =	shalt  }
0x74: {  	_ =	shalt  }
0x75: {  	_ =	shalt  }
0x76: {  	_ =	shalt  }
0x77: {  	_ =	shalt  }
0x78: {  	_ =	shalt  }
0x79: {  	_ =	shalt  }
0x7a: {  	_ =	shalt  }
0x7b: {  	_ =	shalt  }
0x7c: {  	_ =	shalt  }
0x7d: {  	_ =	shalt  }
0x7e: {  	_ =	shalt  }
0x7f: {  	_ =	shalt  }
0x80: {  	_ =	shalt  }
0x81: {  	_ =	shalt  }
0x82: {  	_ =	shalt  }
0x83: {  	_ =	shalt  }
0x84: {  	_ =	shalt  }
0x85: {  	_ =	shalt  }
0x86: {  	_ =	shalt  }
0x87: {  	_ =	shalt  }
.Lfunc_end0:
.L_simem_size_0:
called_computation_lowered:
.L_overlay_start_0:
0x88: {  	s2 =	sld [smem:$0x3FD9]  }
0x89: {  	s3 =	sld [smem:$0x3FFE];
	_ =	sdelay $0x1  }
0x8a: {  	s1 =	srdreg.scid  }
0x8b: {  	s0 =	sand.u32 $0x1, s1  }
0x8c: {  	s16 =	sshll.u32 s0, $0xA;
	s2 =	sadd.s32 s3, s2  }
0x8d: {  	s2 =	sadd.s32 s2, s16  }
0x8e: {  	[smem:$0x3FB6] =	sst s2  }
0x8f: {  	_ = 	snop  }
0x90: {  	(tm) =	ssettm $0x1  }
0x91: {  	s17 =	sld [smem:$0x3FFB];
	_ =	sdelay $0x3  }
0x92: {  	_ =	strace s17  }
0x93: {  	s2 =	sld [smem:$0x3FFC];
	_ =	sdelay $0x3  }
0x94: {  	_ =	strace s2  }
0x95: {  	s2 =	sld [smem:$0x3FFD];
	_ =	sdelay $0x3  }
0x96: {  	_ =	strace s2  }
0x97: {  	_ =	strace $0x8FFFFFFF  }
0x98: {  	s18 =	sld [smem:$0x3FDB];
	_ =	sdelay $0x1  }
0x99: {  	s19 =	simm.s32 $_scs_section_size  }
0x9a: {  	s4 =	simm.s32 $_size__tile_overlayer_lowered;
	s5 =	simm.s32 $_tile_overlayer_lowered  }
0x9b: {  	s22 =	simm.s32 $0x1BFF;
	s21 =	sshll.u32 s5, $0x1;
	s2 =	sadd.s32 s19, s18  }
0x9c: {  	s6 =	simm.s32 $0x0;
	s20 =	sshll.u32 s4, $0x1;
	s4 =	sadd.s32 s21, s2  }
0x9d: {  	[timem:s6], [sflag:s22] =	dma.local [hbm:s4], s20  }
0x9e: {  	_ =	swait.ge [sflag:s22], s20  }
0x9f: {  	s3 =	ssub.s32 $0x0, s20;
	[sflag:s22] =	ssyncset.done $0x0  }
0xa0: {  	[sflag:s22] =	ssyncadd.s32 s3;
	_ =	sdelay $0x1  }
0xa1: {  	s23 =	simm.s32 $0x1B8B  }
0xa2: {  	_ =	swait.ge [sflag:s23], $0x1  }
0xa3: {  	[sflag:s23] =	ssyncset.done $0x0  }
0xa4: {  	s25 =	simm.s32 $0x1B8E;
	s24 =	sld [smem:$0x3FFE];
	[sflag:s23] =	ssyncadd.s32 $0xFFFFFFFF  }
0xa5: {  	s26 =	simm.s32 $execute0_lowered;
	[smem:$0x3FD2] =	sst s25  }
0xa6: {  	s4 =	sshll.u32 s26, $0x1;
	_ =	strace $0x80000046;
	[dreg:$0x1] =	wrdreg $0xFFFFFFFF  }
0xa7: {  	s28 =	simm.s32 $_size_execute0_lowered;
	s2 =	sadd.s32 s2, s4;
	[dreg:$0x0] =	wrdreg $0x0  }
0xa8: {  	s4 =	sshll.u32 s28, $0x1;
	[dreg:$0x2] =	wrdreg s2  }
0xa9: {  	[dreg:$0x3] =	wrdreg s4  }
0xaa: {  	[dreg:$0x4] =	wrdreg $0xC0  }
0xab: {  	_ =	task [dreg:s6], $0x5FFFF  }
0xac: {  	[dreg:$0x1] =	wrdreg $0xFFFFFFFF  }
0xad: {  	[dreg:$0x0] =	wrdreg $0x60  }
0xae: {  	[dreg:$0x2] =	wrdreg s24  }
0xaf: {  	[dreg:$0x3] =	wrdreg $0x9  }
0xb0: {  	_ =	task.clear_ibuf [dreg:s6], $0x4FFFF;
	_ =	strace $0x90000046  }
0xb1: {  	s29 =	simm.s32 $0x9;
	_ =	strace $0x80000048  }
0xb2: {  	_ =	swait.ge [sflag:s29], $0x1  }
0xb3: {  	[sflag:s29] =	ssyncadd.s32 $0xFFFFFFFF  }
0xb4: {  	_ =	strace $0x90000048  }
0xb5: {  	_ =	sfence  }
0xb6: {  	s30 =	sld [smem:$0x0];
	_ =	sdelay $0x2  }
0xb7: {  	s31 =	sshll.u32 s1, $0xD;
	s1 =	sshrl.u32 s1, $0x2  }
0xb8: {  	s3 =	sand.u32 $0x4000, s31;
	s1 =	sadd.s32 s1, s30  }
0xb9: {  	s0 =	sor.u32 s3, s0;
	s1 =	sshll.u32 s1, $0x11  }
0xba: {  	s0 =	sor.u32 s1, s0  }
0xbb: {  	s0 =	sadd.s32 $0x8F2B, s0  }
0xbc: {  	[sflag:s0] =	ssyncadd.remote.s32 $0x1  }
0xbd: {  	_ =	sfence.sel $0xFFFF  }
0xbe: {  	[dreg:$0x0] =	wrdreg $0xFFFFFFFF;
	(pc) =	sbr.abs _section_cstart, $3  }
0xbf: {  	[dreg:$0x1] =	wrdreg $0xFFFFFFFF  }
0xc0: {  	_ =	task.clear_ibuf [dreg:s6], $0x2FFFF;
	_ =	strace $0x9FFFFFFF  }
0xc1: {  	(tm) =	ssettm $0x7FFFFFFF  }
tec
execute0_lowered:
.L_overlay_start_1:
0x0: {  	(tag) =	ssettag $0x1  }
0x1: {  	s0 =	srdreg.scid  }
0x2: {  	s4 =	rddreg [dreg:$0x0];
	s1 =	stileid.u32  }
0x3: {  	s10 =	simm.s32 $0x400;
	s11 =	simm.s32 $0x0;
	s3 =	sand.u32 $0x1, s0  }
0x4: {  	s0 =	rddreg [dreg:$0x1];
	s9 =	smul.u32 $0xC40, s1;
	s2 =	sshll.u32 s3, $0x4  }
0x5: {  	s7 =	sshll.u32 s1, $0x7;
	s6 =	smul.u32 $0xC400, s3;
	s5 =	sor.u32 s1, s2  }
0x6: {  	s7 =	sand.u32 $0x380, s7;
	s30 =	ssub.s32 $0x2, s3;
	s5 =	sshrl.u32 s5, $0x3  }
0x7: {  	s3 =	sadd.s32 $0x1BA00, s4;
	s2 =	simm.s32 $0x0;
	s5 =	smul.u32 $0x65000, s5  }
0x8: {  	s8 =	sshrl.u32 s30, $0x1;
	[smem:$0x7FF] =	sst s2;
	s6 =	sadd.s32 s6, s4  }
0x9: {  	s31 =	ssub.s32 s30, s8;
	s8 =	simm.s32 $0xCA00;
	s5 =	sor.u32 s7, s5  }
0xa: {  	_ =	strace $0x80000047;
	s6 =	sadd.s32 s9, s6;
	s5 =	sshrl.u32 s5, $0x3  }
0xb: {  	s9 =	simm.s32 $0x80;
	s6 =	sadd.s32 $0x3000, s6;
	s4 =	sadd.s32 s5, s4  }
0xc: {  	v0 =	vimm.f32 $1.000000000e+00;
	s7 =	simm.s32 $0x1;
	s5 =	smax.u32 s31, $0x1;
	s4 =	sadd.s32 $0x1D400, s4  }
.LBB2_1:
0xd: {  	[tilespmem:s2], [sflag:$0x1] =	stream.linear.gather [hbm4b:s3+s2], $0xCA00, $0x38;
	[tilespmem:$0xCA80] =	vst v63  }
0xe: {  	_ =	swait.ge [sflag:s7], $0xCA00  }
0xf: {  	[sflag:s7] =	ssyncset.done $0x0  }
0x10: {  	s12 =	simm.s32 $0x0;
	[sflag:s7] =	ssyncadd.s32 $0xFFFF3600  }
.LBB2_2:
0x11: {  	s13 =	sadd.s32 s12, s6  }
0x12: {  	[tilespmem:s8], [sflag:$0x1] =	stream.linear.gather [hbm4b:s13+s2], $0x80, $0x38;
	[tilespmem:$0xCA80] =	vst v63  }
0x13: {  	_ =	swait.ge [sflag:s7], $0x80  }
0x14: {  	[sflag:s7] =	ssyncset.done $0x0  }
0x15: {  	[sflag:s7] =	ssyncadd.s32 $0xFFFFFF80  }
0x16: {  	v1 =	vld [tilespmem:$0xCA00];
	_ =	sdelay $0x7  }
0x17: {  	[tilespmem:v1+s2+$0x0] =	vst.idx.add.f32.msk $0xffff, v0  }
0x18: {  	v1 =	vld [tilespmem:$0xCA10];
	_ =	sdelay $0x7  }
0x19: {  	[tilespmem:v1+s2+$0x0] =	vst.idx.add.f32.msk $0xffff, v0  }
0x1a: {  	v1 =	vld [tilespmem:$0xCA20];
	_ =	sdelay $0x7  }
0x1b: {  	[tilespmem:v1+s2+$0x0] =	vst.idx.add.f32.msk $0xffff, v0  }
0x1c: {  	v1 =	vld [tilespmem:$0xCA30];
	_ =	sdelay $0x7  }
0x1d: {  	[tilespmem:v1+s2+$0x0] =	vst.idx.add.f32.msk $0xffff, v0  }
0x1e: {  	v1 =	vld [tilespmem:$0xCA40];
	_ =	sdelay $0x7  }
0x1f: {  	[tilespmem:v1+s2+$0x0] =	vst.idx.add.f32.msk $0xffff, v0  }
0x20: {  	v1 =	vld [tilespmem:$0xCA50];
	_ =	sdelay $0x7  }
0x21: {  	[tilespmem:v1+s2+$0x0] =	vst.idx.add.f32.msk $0xffff, v0  }
0x22: {  	v1 =	vld [tilespmem:$0xCA60];
	_ =	sdelay $0x7  }
0x23: {  	[tilespmem:v1+s2+$0x0] =	vst.idx.add.f32.msk $0xffff, v0  }
0x24: {  	v1 =	vld [tilespmem:$0xCA70];
	_ =	sdelay $0x2  }
0x25: {  	p0 =	sne.s32 s12, $0xC30  }
.Ltmp0:
0x26: {  	_ = 	snop;
	(pc) =	sbr.rel @p0 .LBB2_2-.Ltmp0, $2  }
0x27: {  	_ =	sdelay $0x2  }
0x28: {  	s12 =	sadd.s32 $0x10, s12;
	[tilespmem:v1+s2+$0x0] =	vst.idx.add.f32.msk $0xffff, v0  }
0x29: {  	s11 =	sadd.s32 $0x1, s11  }
0x2a: {  	p0 =	sne.s32 s11, s5  }
.Ltmp1:
0x2b: {  	_ = 	snop;
	(pc) =	sbr.rel @p0 .LBB2_1-.Ltmp1, $4  }
0x2c: {  	[hbm4b:s4+s9] =	stream.strided.scatter [tilespmem:s2], [sflag:$0x1], $0xCA00, s10, s9, $0x38;
	[tilespmem:$0xCA80] =	vst v63  }
0x2d: {  	_ =	swait.ge [sflag:s7], $0xCA00  }
0x2e: {  	[sflag:s7] =	ssyncset.done $0x0  }
0x2f: {  	[sflag:s7] =	ssyncadd.s32 $0xFFFF3600  }
0x30: {  	_ =	sfence.sel $0x180000  }
0x31: {  	[bflag:$0x0] =	sbarrier.arrive $0xFFFF  }
0x32: {  	p0 =	sne.s32 s1, $0x0;
	_ =	strace $0x90000047  }
0x33: {  	s0 =	sadd.s32 @!p0 $0x100000, s0;
	[bflag:$0x2] =	sbarrier.arrive $0xFFFF  }
0x34: {  	[sflag:s0] =	ssyncadd.tile.s32 @!p0 $0x1;
	_ =	shalt  }
.Lfunc_end2:
_tile_overlayer_lowered:
.L_overlay_start_2:
0x35: {  	(tag) =	ssettag $0x2  }
0x36: {  	s0 =	rddreg [dreg:$0x0];
	s2 =	stileid.u32  }
0x37: {  	s1 =	rddreg [dreg:$0x1];
	p0 =	sne.s32 s2, $0x0  }
0x38: {  	s3 =	rddreg [dreg:$0x2];
	[bflag:$0x3] =	sbarrier.arrive $0xFFFF;
	s2 =	simm.s32 @!p0 $0x1C01  }
0x39: {  	[timem:s3], [sflag:s2] =	dma.local @!p0 [hbm:s0], s1  }
0x3a: {  	s0 =	simm.s32 @!p0 $0x1  }
0x3b: {  	_ =	swait.ge @!p0 [sflag:s0], s1  }
0x3c: {  	s1 =	ssub.s32 @!p0 $0x0, s1;
	[sflag:s0] =	ssyncset.done @!p0 $0x0  }
0x3d: {  	[sflag:s0] =	ssyncadd.s32 @!p0 s1  }
0x3e: {  	[bflag:$0x3] =	sbarrier.arrive $0xFFFF  }
0x3f: {  	_ =	shalt  }

// kernel: kernel.14.cloned.1.call-start
scs
__scs_entry_jumppad:
0x0: {  	(pc) =	sbr.rel $0x88, $3  }
0x1: {  	(tag) =	ssettag $0x0;
	lr =	simm.s32 $0x1  }
0x2: {  	[smem:$0x3F8F] =	sst lr;
	_ =	strace $0xD0000000  }
0x3: {  	_ = 	snop  }
0x4: {  	_ = 	snop  }
0x5: {  	_ = 	snop  }
0x6: {  	_ = 	snop  }
0x7: {  	_ = 	snop  }
__scs_overlays_trampoline_lowered:
0x8: {  	[smem:$0x3F9E] =	sst s0  }
0x9: {  	[smem:$0x3F9F] =	sst s1  }
0xa: {  	[smem:$0x3FA0] =	sst s2  }
0xb: {  	[smem:$0x3FA1] =	sst s3  }
0xc: {  	[smem:$0x3FA2] =	sst s4  }
0xd: {  	[smem:$0x3FA3] =	sst s5  }
0xe: {  	[smem:$0x3FA4] =	sst s6  }
0xf: {  	[smem:$0x3FA5] =	sst s7  }
0x10: {  	[smem:$0x3FA6] =	sst s8  }
0x11: {  	[smem:$0x3FA7] =	sst s9;
	s0 =	simm.s32 @!p0 $0x0  }
0x12: {  	s1 =	sld [smem:$0x3F8D];
	s0 =	simm.s32 @p0 $0x1  }
0x13: {  	[smem:$0x3FA8] =	sst s0;
	s0 =	simm.s32 @!p1 $0x0  }
0x14: {  	s2 =	sld [smem:$0x3F8C];
	s0 =	simm.s32 @p1 $0x1  }
0x15: {  	[smem:$0x3FA9] =	sst s0;
	s0 =	simm.s32 @!p2 $0x0  }
0x16: {  	s3 =	sld [smem:$0x3FDB];
	s0 =	simm.s32 @p2 $0x1  }
0x17: {  	s4 =	simm.s32 $0x1BF5;
	[smem:$0x3FAB] =	sst s0  }
0x18: {  	s0 =	sld [smem:$0x3F8E];
	_ =	swait.ge [sflag:s4], $0x0  }
0x19: {  	s7 =	sld [smem:$0x3F8F]  }
0x1a: {  	s8 =	sadd.s32 $0xFFFFE003, lr  }
0x1b: {  	s9 =	sadd.s32 $0xFFFFFEF7, lr;
	s5 =	simm.s32 $0xFFFFFFFF;
	p2 =	slt.u32 s8, $0xFFFFF086  }
0x1c: {  	p1 =	slt.u32 s9, $0xF7A;
	s5 =	simm.s32 @!p2 $0x0  }
0x1d: {  	s5 =	simm.s32 @p1 $0x1;
	p0 =	seq.s32 s7, s2  }
0x1e: {  	s7 =	smul.u32 @!p0 $0xF7A, s2;
	p2 =	seq.s32 @!p0 s5, $0x0  }
0x1f: {  	s9 =	smul.u32 $0xF7A, s1;
	s8 =	simm.s32 @!p0 $0x1BF5;
	p2 =	por !p2, p0  }
0x20: {  	[sflag:s8] =	ssyncset.s32 @!p0 $0xFFFFF086;
	s6 =	sadd.s32 @!p0 s3, s7;
	s7 =	simm.s32 @!p0 $0x108  }
0x21: {  	s3 =	sadd.s32 s3, s9;
	s6 =	sadd.s32 @!p0 $0x88, s6;
	s7 =	simm.s32 @p2 $0x1082  }
0x22: {  	[simem:s7], [sflag:s8] =	dma.local @!p0 [hbm:s6], $0xF7A  }
0x23: {  	s9 =	sor.u32 $0xD0000000, s2;
	s6 =	simm.s32 $0x108;
	_ =	swait.ge @!p0 [sflag:s8], $0x0  }
0x24: {  	s3 =	sadd.s32 $0x88, s3;
	s6 =	simm.s32 @!p1 $0x1082;
	[sflag:s4] =	ssyncset.s32 $0xFFFFF086  }
0x25: {  	[simem:s6], [sflag:s4] =	dma.local [hbm:s3], $0xF7A  }
0x26: {  	[smem:$0x3F8F] =	sst s1;
	(tag) =	ssettag s2;
	_ =	strace s9  }
0x27: {  	s1 =	sld [smem:$0x3F9F]  }
0x28: {  	s2 =	sld [smem:$0x3FA0]  }
0x29: {  	s4 =	sld [smem:$0x3FA2]  }
0x2a: {  	p0 =	seq.s32 s5, $0x0;
	s5 =	sld [smem:$0x3FA3]  }
0x2b: {  	s6 =	sld [smem:$0x3FA4]  }
0x2c: {  	s7 =	sld [smem:$0x3FA5]  }
0x2d: {  	s3 =	simm.s32 $0x108;
	s8 =	sld [smem:$0x3FA6]  }
0x2e: {  	s3 =	simm.s32 @!p0 $0x1082;
	s9 =	sld [smem:$0x3FA7]  }
0x2f: {  	lr =	sadd.s32 s0, s3;
	s0 =	sld [smem:$0x3F9E]  }
0x30: {  	s3 =	sld [smem:$0x3FA1]  }
0x31: {  	[smem:$0x3FAA] =	sst s10  }
0x32: {  	s10 =	sld [smem:$0x3FA8];
	_ =	sdelay $0x3  }
0x33: {  	p0 =	seq.s32 s10, $0x1;
	s10 =	sld [smem:$0x3FAA];
	_ =	sdelay $0x3  }
0x34: {  	[smem:$0x3FAA] =	sst s10  }
0x35: {  	s10 =	sld [smem:$0x3FA9];
	_ =	sdelay $0x3  }
0x36: {  	p1 =	seq.s32 s10, $0x1;
	s10 =	sld [smem:$0x3FAA];
	_ =	sdelay $0x3  }
0x37: {  	[smem:$0x3FAA] =	sst s10  }
0x38: {  	s10 =	sld [smem:$0x3FAB]  }
0x39: {  	_ = 	snop;
	(pc) =	sbr.ind lr, $3  }
0x3a: {  	_ = 	snop  }
0x3b: {  	_ = 	snop  }
0x3c: {  	p2 =	seq.s32 s10, $0x1;
	s10 =	sld [smem:$0x3FAA]  }
0x3d: {  	_ =	shalt  }
0x3e: {  	_ =	shalt  }
0x3f: {  	_ =	shalt  }
0x40: {  	_ =	shalt  }
0x41: {  	_ =	shalt  }
0x42: {  	_ =	shalt  }
0x43: {  	_ =	shalt  }
0x44: {  	_ =	shalt  }
0x45: {  	_ =	shalt  }
0x46: {  	_ =	shalt  }
0x47: {  	_ =	shalt  }
0x48: {  	_ =	shalt  }
0x49: {  	_ =	shalt  }
0x4a: {  	_ =	shalt  }
0x4b: {  	_ =	shalt  }
0x4c: {  	_ =	shalt  }
0x4d: {  	_ =	shalt  }
0x4e: {  	_ =	shalt  }
0x4f: {  	_ =	shalt  }
0x50: {  	_ =	shalt  }
0x51: {  	_ =	shalt  }
0x52: {  	_ =	shalt  }
0x53: {  	_ =	shalt  }
0x54: {  	_ =	shalt  }
0x55: {  	_ =	shalt  }
0x56: {  	_ =	shalt  }
0x57: {  	_ =	shalt  }
0x58: {  	_ =	shalt  }
0x59: {  	_ =	shalt  }
0x5a: {  	_ =	shalt  }
0x5b: {  	_ =	shalt  }
0x5c: {  	_ =	shalt  }
0x5d: {  	_ =	shalt  }
0x5e: {  	_ =	shalt  }
0x5f: {  	_ =	shalt  }
0x60: {  	_ =	shalt  }
0x61: {  	_ =	shalt  }
0x62: {  	_ =	shalt  }
0x63: {  	_ =	shalt  }
0x64: {  	_ =	shalt  }
0x65: {  	_ =	shalt  }
0x66: {  	_ =	shalt  }
0x67: {  	_ =	shalt  }
0x68: {  	_ =	shalt  }
0x69: {  	_ =	shalt  }
0x6a: {  	_ =	shalt  }
0x6b: {  	_ =	shalt  }
0x6c: {  	_ =	shalt  }
0x6d: {  	_ =	shalt  }
0x6e: {  	_ =	shalt  }
0x6f: {  	_ =	shalt  }
0x70: {  	_ =	shalt  }
0x71: {  	_ =	shalt  }
0x72: {  	_ =	shalt  }
0x73: {  	_ =	shalt  }
0x74: {  	_ =	shalt  }
0x75: {  	_ =	shalt  }
0x76: {  	_ =	shalt  }
0x77: {  	_ =	shalt  }
0x78: {  	_ =	shalt  }
0x79: {  	_ =	shalt  }
0x7a: {  	_ =	shalt  }
0x7b: {  	_ =	shalt  }
0x7c: {  	_ =	shalt  }
0x7d: {  	_ =	shalt  }
0x7e: {  	_ =	shalt  }
0x7f: {  	_ =	shalt  }
0x80: {  	_ =	shalt  }
0x81: {  	_ =	shalt  }
0x82: {  	_ =	shalt  }
0x83: {  	_ =	shalt  }
0x84: {  	_ =	shalt  }
0x85: {  	_ =	shalt  }
0x86: {  	_ =	shalt  }
0x87: {  	_ =	shalt  }
.Lfunc_end0:
.L_simem_size_0:
called_computation.1_lowered:
.L_overlay_start_0:
0x88: {  	s2 =	sld [smem:$0x3FD9]  }
0x89: {  	s3 =	sld [smem:$0x3FFE];
	_ =	sdelay $0x1  }
0x8a: {  	s1 =	srdreg.scid  }
0x8b: {  	s0 =	sand.u32 $0x1, s1  }
0x8c: {  	s16 =	sshll.u32 s0, $0xA;
	s2 =	sadd.s32 s3, s2  }
0x8d: {  	s2 =	sadd.s32 s2, s16  }
0x8e: {  	[smem:$0x3FB6] =	sst s2  }
0x8f: {  	_ = 	snop  }
0x90: {  	(tm) =	ssettm $0x1  }
0x91: {  	s17 =	sld [smem:$0x3FFB];
	_ =	sdelay $0x3  }
0x92: {  	_ =	strace s17  }
0x93: {  	s2 =	sld [smem:$0x3FFC];
	_ =	sdelay $0x3  }
0x94: {  	_ =	strace s2  }
0x95: {  	s2 =	sld [smem:$0x3FFD];
	_ =	sdelay $0x3  }
0x96: {  	_ =	strace s2  }
0x97: {  	_ =	strace $0x8FFFFFFF  }
0x98: {  	s18 =	sld [smem:$0x3FDB];
	_ =	sdelay $0x1  }
0x99: {  	s19 =	simm.s32 $_scs_section_size  }
0x9a: {  	s4 =	simm.s32 $_size__tile_overlayer_lowered;
	s5 =	simm.s32 $_tile_overlayer_lowered  }
0x9b: {  	s22 =	simm.s32 $0x1BFF;
	s21 =	sshll.u32 s5, $0x1;
	s2 =	sadd.s32 s19, s18  }
0x9c: {  	s6 =	simm.s32 $0x0;
	s20 =	sshll.u32 s4, $0x1;
	s4 =	sadd.s32 s21, s2  }
0x9d: {  	[timem:s6], [sflag:s22] =	dma.local [hbm:s4], s20  }
0x9e: {  	_ =	swait.ge [sflag:s22], s20  }
0x9f: {  	s3 =	ssub.s32 $0x0, s20;
	[sflag:s22] =	ssyncset.done $0x0  }
0xa0: {  	[sflag:s22] =	ssyncadd.s32 s3;
	_ =	sdelay $0x1  }
0xa1: {  	s23 =	simm.s32 $0x1B8B  }
0xa2: {  	_ =	swait.ge [sflag:s23], $0x1  }
0xa3: {  	[sflag:s23] =	ssyncset.done $0x0  }
0xa4: {  	s25 =	simm.s32 $0x1B8E;
	s24 =	sld [smem:$0x3FFE];
	[sflag:s23] =	ssyncadd.s32 $0xFFFFFFFF  }
0xa5: {  	s26 =	simm.s32 $execute0_lowered;
	[smem:$0x3FD2] =	sst s25  }
0xa6: {  	s4 =	sshll.u32 s26, $0x1;
	_ =	strace $0x80000049;
	[dreg:$0x1] =	wrdreg $0xFFFFFFFF  }
0xa7: {  	s28 =	simm.s32 $_size_execute0_lowered;
	s2 =	sadd.s32 s2, s4;
	[dreg:$0x0] =	wrdreg $0x0  }
0xa8: {  	s4 =	sshll.u32 s28, $0x1;
	[dreg:$0x2] =	wrdreg s2  }
0xa9: {  	[dreg:$0x3] =	wrdreg s4  }
0xaa: {  	[dreg:$0x4] =	wrdreg $0xC0  }
0xab: {  	_ =	task [dreg:s6], $0x5FFFF  }
0xac: {  	[dreg:$0x1] =	wrdreg $0xFFFFFFFF  }
0xad: {  	[dreg:$0x0] =	wrdreg $0x60  }
0xae: {  	[dreg:$0x2] =	wrdreg s24  }
0xaf: {  	[dreg:$0x3] =	wrdreg $0x0  }
0xb0: {  	[dreg:$0x4] =	wrdreg $0x9  }
0xb1: {  	_ =	task.clear_ibuf [dreg:s6], $0x5FFFF;
	_ =	strace $0x90000049  }
0xb2: {  	s29 =	simm.s32 $0x9;
	_ =	strace $0x8000004B  }
0xb3: {  	_ =	swait.ge [sflag:s29], $0x1  }
0xb4: {  	[sflag:s29] =	ssyncadd.s32 $0xFFFFFFFF  }
0xb5: {  	_ =	strace $0x9000004B  }
0xb6: {  	_ =	sfence  }
0xb7: {  	s30 =	sld [smem:$0x0];
	_ =	sdelay $0x2  }
0xb8: {  	s31 =	sshll.u32 s1, $0xD;
	s1 =	sshrl.u32 s1, $0x2  }
0xb9: {  	s3 =	sand.u32 $0x4000, s31;
	s1 =	sadd.s32 s1, s30  }
0xba: {  	s0 =	sor.u32 s3, s0;
	s1 =	sshll.u32 s1, $0x11  }
0xbb: {  	s0 =	sor.u32 s1, s0  }
0xbc: {  	s0 =	sadd.s32 $0x8F2B, s0  }
0xbd: {  	[sflag:s0] =	ssyncadd.remote.s32 $0x1  }
0xbe: {  	_ =	sfence.sel $0xFFFF  }
0xbf: {  	[dreg:$0x0] =	wrdreg $0xFFFFFFFF;
	(pc) =	sbr.abs _section_cstart, $3  }
0xc0: {  	[dreg:$0x1] =	wrdreg $0xFFFFFFFF  }
0xc1: {  	_ =	task.clear_ibuf [dreg:s6], $0x2FFFF;
	_ =	strace $0x9FFFFFFF  }
0xc2: {  	(tm) =	ssettm $0x7FFFFFFF  }
0xc3: {  	_ =	shalt  }
tec
execute0_lowered:
.L_overlay_start_1:
0x0: {  	(tag) =	ssettag $0x1  }
0x1: {  	s5 =	rddreg [dreg:$0x0]  }
0x2: {  	s1 =	rddreg [dreg:$0x1]  }
0x3: {  	s0 =	rddreg [dreg:$0x2];
	s2 =	simm.s32 $0x0  }
0x4: {  	s3 =	srdreg.scid;
	s18 =	simm.s32 $0x19180;
	s19 =	simm.s32 $0x40  }
0x5: {  	s20 =	simm.s32 $0x19280;
	s21 =	simm.s32 $0x19100;
	s22 =	simm.s32 $0x19200  }
0x6: {  	s23 =	simm.s32 $0x1B280;
	s26 =	simm.s32 $0x0;
	s6 =	sand.u32 $0x1, s3  }
0x7: {  	s4 =	sadd.s32 $0x1F8600, s5;
	s3 =	stileid.u32;
	s24 =	smul.u32 $0x6400, s6  }
0x8: {  	[smem:$0x7FF] =	sst s2;
	s14 =	sadd.s32 $0x117C00, s5;
	s8 =	smul.u32 $0x320, s3  }
0x9: {  	s13 =	sadd.s32 $0x3000, s5;
	s11 =	sadd.s32 $0x130600, s5;
	s7 =	smul.u32 $0x64000, s3  }
0xa: {  	_ =	strace $0x8000004A;
	s6 =	ssub.s32 $0x2, s6;
	s10 =	smul.u32 $0xC400, s3  }
0xb: {  	s31 =	sshll.u32 s3, $0x6;
	s17 =	smul.u32 $0x1880, s3;
	s30 =	sshrl.u32 s6, $0x1  }
0xc: {  	s9 =	sadd.s32 s8, s24;
	s7 =	sshrl.u32 s7, $0x2;
	s12 =	ssub.s32 s6, s30  }
0xd: {  	s10 =	sshrl.u32 s10, $0x3;
	s25 =	sadd.s32 $0x3200, s24;
	s6 =	sor.u32 $0x1C03, s31  }
0xe: {  	v0 =	vmov s24;
	s24 =	simm.s32 $0x1;
	s9 =	sshll.u32 s9, $0x4;
	s15 =	sadd.s32 s7, s1  }
0xf: {  	s7 =	sadd.s32 s14, s10;
	s16 =	sadd.s32 s8, s25;
	s8 =	sadd.s32 s13, s10  }
0x10: {  	s12 =	smax.u32 s12, $0x1;
	s13 =	sadd.s32 s17, s13;
	s14 =	sadd.s32 s17, s14  }
0x11: {  	s17 =	simm.s32 $0x19080;
	v1 =	vmov s25;
	s25 =	simm.s32 $0x2;
	s5 =	sadd.s32 s4, s9  }
0x12: {  	v2 =	vlaneseq.u32;
	s16 =	sshll.u32 s16, $0x4;
	s9 =	sadd.s32 s11, s9;
	s15 =	sshrl.u32 s15, $0x3  }
0x13: {  	v2 =	vor.u32 $0x3200, v2;
	s10 =	sadd.s32 s4, s16;
	s11 =	sadd.s32 s11, s16;
	s16 =	simm.s32 $0x3  }
.LBB2_1:
0x14: {  	[spmem:s15], [sflag:s6] =	dma.local [hbm:s5], $0x3200  }
0x15: {  	_ =	swait.ge [sflag:s16], $0x3200  }
0x16: {  	[sflag:s16] =	ssyncset.done $0x0  }
0x17: {  	[sflag:s16] =	ssyncadd.s32 $0xFFFFCE00  }
0x18: {  	[bflag:$0x0] =	sbarrier.arrive $0xFFFF  }
0x19: {  	[tilespmem:s17], [sflag:$0x3] =	stream.linear.gather [hbm4b:s7+s2], $0x40, $0x38;
	[tilespmem:$0x1D280] =	vst v63  }
0x1a: {  	_ =	swait.ge [sflag:s16], $0x40  }
0x1b: {  	[sflag:s16] =	ssyncset.done $0x0  }
0x1c: {  	[sflag:s16] =	ssyncadd.s32 $0xFFFFFFC0  }
0x1d: {  	[tilespmem:s18], [sflag:$0x3] =	stream.linear.gather [hbm4b:s8+s2], $0x40, $0x38;
	[tilespmem:$0x1D280] =	vst v63  }
0x1e: {  	_ =	swait.ge [sflag:s16], $0x40  }
0x1f: {  	[sflag:s16] =	ssyncset.done $0x0  }
0x20: {  	[sflag:s16] =	ssyncadd.s32 $0xFFFFFFC0  }
0x21: {  	v3 =	vld [tilespmem:$0x19180]  }
0x22: {  	v4 =	vld [tilespmem:$0x19190]  }
0x23: {  	v5 =	vld [tilespmem:$0x191A0]  }
0x24: {  	v6 =	vld [tilespmem:$0x191B0];
	_ =	sdelay $0x1  }
0x25: {  	v3 =	vsub.s32 v3, v0  }
0x26: {  	v4 =	vsub.s32 v4, v0;
	vm0 =	vlt.u32 v3, $0x3200  }
0x27: {  	v5 =	vsub.s32 v5, v0;
	vm6 =	vlt.u32 v4, $0x3200;
	v3 =	vsel vm0, v3, v2  }
0x28: {  	v56 =	vsub.s32 v6, v0;
	vm7 =	vlt.u32 v5, $0x3200;
	[tilespmem:$0x19180] =	vst v3;
	v3 =	vsel vm6, v4, v2  }
0x29: {  	vm8 =	vlt.u32 v56, $0x3200;
	[tilespmem:$0x19190] =	vst v3;
	v3 =	vsel vm7, v5, v2  }
0x2a: {  	[tilespmem:$0x191A0] =	vst v3;
	v3 =	vsel vm8, v56, v2  }
0x2b: {  	s28 =	sadd.s32 $0xFFFFE780, s14;
	[tilespmem:$0x191B0] =	vst v3  }
0x2c: {  	[tilespmem:s20], [sflag:$0x1] =	stream.indirect.gather [hbm4b:s4+s19], $0x80, s17, s19, $0xb8;
	[tilespmem:$0x1D280] =	vst v63  }
0x2d: {  	s29 =	sadd.s32 $0x1888, s28  }
0x2e: {  	[tilespmem:s21], [sflag:$0x3] =	stream.linear.gather [hbm4b:s29+s2], $0x40, $0x38;
	[tilespmem:$0x1D280] =	vst v63  }
0x2f: {  	_ =	swait.ge [sflag:s16], $0x40  }
0x30: {  	s31 =	sadd.s32 $0xFFFFE780, s13;
	[sflag:s16] =	ssyncset.done $0x0  }
0x31: {  	s30 =	sadd.s32 $0x1888, s31;
	[sflag:s16] =	ssyncadd.s32 $0xFFFFFFC0  }
0x32: {  	[tilespmem:s22], [sflag:$0x3] =	stream.linear.gather [hbm4b:s30+s2], $0x40, $0x38;
	[tilespmem:$0x1D280] =	vst v63  }
0x33: {  	_ =	swait.ge [sflag:s16], $0x40  }
0x34: {  	[sflag:s16] =	ssyncset.done $0x0  }
0x35: {  	[sflag:s16] =	ssyncadd.s32 $0xFFFFFFC0  }
0x36: {  	v3 =	vld [tilespmem:$0x19230]  }
0x37: {  	v57 =	vld [tilespmem:$0x19220]  }
0x38: {  	v59 =	vld [tilespmem:$0x19200]  }
0x39: {  	v58 =	vld [tilespmem:$0x19210];
	_ =	sdelay $0x1  }
0x3a: {  	v3 =	vsub.s32 v3, v0  }
0x3b: {  	v4 =	vsub.s32 v57, v0;
	vm9 =	vlt.u32 v3, $0x3200  }
0x3c: {  	v6 =	vsub.s32 v59, v0;
	vm1 =	vlt.u32 v4, $0x3200;
	v3 =	vsel vm9, v3, v2  }
0x3d: {  	v5 =	vsub.s32 v58, v0;
	vm11 =	vlt.u32 v6, $0x3200;
	v4 =	vsel vm1, v4, v2;
	[tilespmem:$0x19230] =	vst v3  }
0x3e: {  	vm10 =	vlt.u32 v5, $0x3200;
	v60 =	vsel vm11, v6, v2;
	[tilespmem:$0x19220] =	vst v4  }
0x3f: {  	v3 =	vsel vm10, v5, v2;
	[tilespmem:$0x19200] =	vst v60  }
0x40: {  	[tilespmem:$0x19210] =	vst v3  }
0x41: {  	[tilespmem:s23], [sflag:$0x2] =	stream.indirect.gather [hbm4b:s4+s19], $0x80, s21, s19, $0xb8;
	[tilespmem:$0x1D280] =	vst v63  }
0x42: {  	_ =	swait.ge [sflag:s24], $0x2000  }
0x43: {  	[sflag:s24] =	ssyncset.done $0x0  }
0x44: {  	[sflag:s24] =	ssyncadd.s32 $0xFFFFE000  }
0x45: {  	[spmem:s1] =	stream.indirect.scatter.add.f32 [tilespmem:s20], [sflag:$0x3], $0x80, s18, s19, $0xb8;
	[tilespmem:$0x1D280] =	vst v63  }
0x46: {  	_ =	swait.ge [sflag:s16], $0x2000  }
0x47: {  	[sflag:s16] =	ssyncset.done $0x0  }
0x48: {  	s28 =	sadd.s32 $0x1890, s28;
	[sflag:s16] =	ssyncadd.s32 $0xFFFFE000  }
0x49: {  	[tilespmem:s17], [sflag:$0x3] =	stream.linear.gather [hbm4b:s28+s2], $0x40, $0x38;
	[tilespmem:$0x1D280] =	vst v63  }
0x4a: {  	_ =	swait.ge [sflag:s16], $0x40  }
0x4b: {  	[sflag:s16] =	ssyncset.done $0x0  }
0x4c: {  	s28 =	sadd.s32 $0x1890, s31;
	[sflag:s16] =	ssyncadd.s32 $0xFFFFFFC0  }
0x4d: {  	[tilespmem:s18], [sflag:$0x3] =	stream.linear.gather [hbm4b:s28+s2], $0x40, $0x38;
	[tilespmem:$0x1D280] =	vst v63  }
0x4e: {  	_ =	swait.ge [sflag:s16], $0x40  }
0x4f: {  	[sflag:s16] =	ssyncset.done $0x0  }
0x50: {  	[sflag:s16] =	ssyncadd.s32 $0xFFFFFFC0  }
0x51: {  	v3 =	vld [tilespmem:$0x191B0]  }
0x52: {  	v61 =	vld [tilespmem:$0x19180]  }
0x53: {  	v62 =	vld [tilespmem:$0x19190]  }
0x54: {  	v63 =	vld [tilespmem:$0x191A0];
	_ =	sdelay $0x1  }
0x55: {  	v3 =	vsub.s32 v3, v0  }
0x56: {  	v4 =	vsub.s32 v61, v0;
	vm12 =	vlt.u32 v3, $0x3200  }
0x57: {  	v5 =	vsub.s32 v62, v0;
	vm13 =	vlt.u32 v4, $0x3200;
	v3 =	vsel vm12, v3, v2  }
0x58: {  	v6 =	vsub.s32 v63, v0;
	vm14 =	vlt.u32 v5, $0x3200;
	v4 =	vsel vm13, v4, v2;
	[tilespmem:$0x191B0] =	vst v3  }
0x59: {  	vm15 =	vlt.u32 v6, $0x3200;
	[tilespmem:$0x19180] =	vst v4;
	v3 =	vsel vm14, v5, v2  }
0x5a: {  	[tilespmem:$0x19190] =	vst v3;
	v3 =	vsel vm15, v6, v2  }
0x5b: {  	s28 =	simm.s32 $0xFFFFE790;
	[tilespmem:$0x191A0] =	vst v3  }
0x5c: {  	[tilespmem:s20], [sflag:$0x1] =	stream.indirect.gather [hbm4b:s4+s19], $0x80, s17, s19, $0xb8;
	[tilespmem:$0x1D280] =	vst v63  }
.LBB2_2:
0x5d: {  	p0 =	sne.s32 s28, $0xFFFFFFF0  }
0x5e: {  	_ =	swait.ge [sflag:s25], $0x2000;
	s30 =	smov.u32 s28;
	s28 =	sadd.s32 $0x10, s28  }
0x5f: {  	[sflag:s25] =	ssyncset.done $0x0  }
0x60: {  	[sflag:s25] =	ssyncadd.s32 $0xFFFFE000  }
0x61: {  	[spmem:s1] =	stream.indirect.scatter.add.f32 [tilespmem:s23], [sflag:$0x3], $0x80, s22, s19, $0xb8;
	[tilespmem:$0x1D280] =	vst v63  }
0x62: {  	_ =	swait.ge [sflag:s16], $0x2000  }
0x63: {  	s29 =	sadd.s32 s30, s14;
	[sflag:s16] =	ssyncset.done $0x0  }
0x64: {  	s31 =	sadd.s32 $0x1888, s29;
	[sflag:s16] =	ssyncadd.s32 $0xFFFFE000  }
0x65: {  	[tilespmem:s21], [sflag:$0x3] =	stream.linear.gather [hbm4b:s31+s2], $0x40, $0x38;
	[tilespmem:$0x1D280] =	vst v63  }
0x66: {  	_ =	swait.ge [sflag:s16], $0x40  }
0x67: {  	s30 =	sadd.s32 s30, s13;
	[sflag:s16] =	ssyncset.done $0x0  }
0x68: {  	s31 =	sadd.s32 $0x1888, s30;
	[sflag:s16] =	ssyncadd.s32 $0xFFFFFFC0  }
0x69: {  	[tilespmem:s22], [sflag:$0x3] =	stream.linear.gather [hbm4b:s31+s2], $0x40, $0x38;
	[tilespmem:$0x1D280] =	vst v63  }
0x6a: {  	_ =	swait.ge [sflag:s16], $0x40  }
0x6b: {  	[sflag:s16] =	ssyncset.done $0x0  }
0x6c: {  	[sflag:s16] =	ssyncadd.s32 $0xFFFFFFC0  }
0x6d: {  	v3 =	vld [tilespmem:$0x19230]  }
0x6e: {  	v4 =	vld [tilespmem:$0x19220]  }
0x6f: {  	v5 =	vld [tilespmem:$0x19210]  }
0x70: {  	v6 =	vld [tilespmem:$0x19200];
	_ =	sdelay $0x1  }
0x71: {  	v3 =	vsub.s32 v3, v0  }
0x72: {  	v4 =	vsub.s32 v4, v0;
	vm0 =	vlt.u32 v3, $0x3200  }
0x73: {  	v5 =	vsub.s32 v5, v0;
	vm1 =	vlt.u32 v4, $0x3200;
	v3 =	vsel vm0, v3, v2  }
0x74: {  	v6 =	vsub.s32 v6, v0;
	vm0 =	vlt.u32 v5, $0x3200;
	v4 =	vsel vm1, v4, v2;
	[tilespmem:$0x19230] =	vst v3  }
0x75: {  	vm1 =	vlt.u32 v6, $0x3200;
	v3 =	vsel vm0, v5, v2;
	[tilespmem:$0x19220] =	vst v4  }
0x76: {  	v4 =	vsel vm1, v6, v2;
	[tilespmem:$0x19210] =	vst v3  }
0x77: {  	[tilespmem:$0x19200] =	vst v4  }
0x78: {  	[tilespmem:s23], [sflag:$0x2] =	stream.indirect.gather [hbm4b:s4+s19], $0x80, s21, s19, $0xb8;
	[tilespmem:$0x1D280] =	vst v63  }
0x79: {  	_ =	swait.ge [sflag:s24], $0x2000  }
0x7a: {  	[sflag:s24] =	ssyncset.done $0x0  }
0x7b: {  	[sflag:s24] =	ssyncadd.s32 $0xFFFFE000  }
0x7c: {  	[spmem:s1] =	stream.indirect.scatter.add.f32 [tilespmem:s20], [sflag:$0x3], $0x80, s18, s19, $0xb8;
	[tilespmem:$0x1D280] =	vst v63  }
0x7d: {  	_ =	swait.ge [sflag:s16], $0x2000  }
0x7e: {  	[sflag:s16] =	ssyncset.done $0x0  }
0x7f: {  	s29 =	sadd.s32 $0x1890, s29;
	[sflag:s16] =	ssyncadd.s32 $0xFFFFE000  }
0x80: {  	[tilespmem:s17], [sflag:$0x3] =	stream.linear.gather [hbm4b:s29+s2], $0x40, $0x38;
	[tilespmem:$0x1D280] =	vst v63  }
0x81: {  	_ =	swait.ge [sflag:s16], $0x40  }
0x82: {  	[sflag:s16] =	ssyncset.done $0x0  }
0x83: {  	s29 =	sadd.s32 $0x1890, s30;
	[sflag:s16] =	ssyncadd.s32 $0xFFFFFFC0  }
0x84: {  	[tilespmem:s18], [sflag:$0x3] =	stream.linear.gather [hbm4b:s29+s2], $0x40, $0x38;
	[tilespmem:$0x1D280] =	vst v63  }
0x85: {  	_ =	swait.ge [sflag:s16], $0x40  }
0x86: {  	[sflag:s16] =	ssyncset.done $0x0  }
0x87: {  	[sflag:s16] =	ssyncadd.s32 $0xFFFFFFC0  }
0x88: {  	v3 =	vld [tilespmem:$0x191B0]  }
0x89: {  	v4 =	vld [tilespmem:$0x19180]  }
0x8a: {  	v5 =	vld [tilespmem:$0x19190]  }
0x8b: {  	v6 =	vld [tilespmem:$0x191A0];
	_ =	sdelay $0x1  }
0x8c: {  	v3 =	vsub.s32 v3, v0  }
0x8d: {  	v4 =	vsub.s32 v4, v0;
	vm0 =	vlt.u32 v3, $0x3200  }
0x8e: {  	vm1 =	vlt.u32 v4, $0x3200;
	v5 =	vsub.s32 v5, v0;
	v3 =	vsel vm0, v3, v2  }
.Ltmp0:
0x8f: {  	v4 =	vsel vm1, v4, v2;
	vm0 =	vlt.u32 v5, $0x3200;
	v6 =	vsub.s32 v6, v0;
	[tilespmem:$0x191B0] =	vst v3;
	(pc) =	sbr.rel @p0 .LBB2_2-.Ltmp0, $4  }
0x90: {  	[tilespmem:$0x19180] =	vst v4;
	v3 =	vsel vm0, v5, v2;
	vm0 =	vlt.u32 v6, $0x3200  }
0x91: {  	[tilespmem:$0x19190] =	vst v3;
	v3 =	vsel vm0, v6, v2  }
0x92: {  	[tilespmem:$0x191A0] =	vst v3  }
0x93: {  	[tilespmem:s20], [sflag:$0x1] =	stream.indirect.gather [hbm4b:s4+s19], $0x80, s17, s19, $0xb8;
	[tilespmem:$0x1D280] =	vst v63  }
0x94: {  	_ =	swait.ge [sflag:s25], $0x2000  }
0x95: {  	[sflag:s25] =	ssyncset.done $0x0  }
0x96: {  	[sflag:s25] =	ssyncadd.s32 $0xFFFFE000  }
0x97: {  	[spmem:s1] =	stream.indirect.scatter.add.f32 [tilespmem:s23], [sflag:$0x3], $0x80, s22, s19, $0xb8;
	[tilespmem:$0x1D280] =	vst v63  }
0x98: {  	_ =	swait.ge [sflag:s16], $0x2000  }
0x99: {  	[sflag:s16] =	ssyncset.done $0x0  }
0x9a: {  	[sflag:s16] =	ssyncadd.s32 $0xFFFFE000  }
0x9b: {  	_ =	swait.ge [sflag:s24], $0x2000  }
0x9c: {  	[sflag:s24] =	ssyncset.done $0x0  }
0x9d: {  	[sflag:s24] =	ssyncadd.s32 $0xFFFFE000  }
0x9e: {  	[bflag:$0x0] =	sbarrier.arrive $0xFFFF  }
0x9f: {  	[hbm:s9], [sflag:s6] =	dma.local [spmem:s15], $0x3200  }
0xa0: {  	_ =	swait.ge [sflag:s16], $0x3200  }
0xa1: {  	[sflag:s16] =	ssyncset.done $0x0  }
0xa2: {  	[sflag:s16] =	ssyncadd.s32 $0xFFFFCE00  }
0xa3: {  	[bflag:$0x0] =	sbarrier.arrive $0xFFFF  }
0xa4: {  	[spmem:s15], [sflag:s6] =	dma.local [hbm:s10], $0x3200  }
0xa5: {  	_ =	swait.ge [sflag:s16], $0x3200  }
0xa6: {  	[sflag:s16] =	ssyncset.done $0x0  }
0xa7: {  	[sflag:s16] =	ssyncadd.s32 $0xFFFFCE00  }
0xa8: {  	[bflag:$0x0] =	sbarrier.arrive $0xFFFF  }
0xa9: {  	[tilespmem:s17], [sflag:$0x3] =	stream.linear.gather [hbm4b:s7+s2], $0x40, $0x38;
	[tilespmem:$0x1D280] =	vst v63  }
0xaa: {  	_ =	swait.ge [sflag:s16], $0x40  }
0xab: {  	[sflag:s16] =	ssyncset.done $0x0  }
0xac: {  	[sflag:s16] =	ssyncadd.s32 $0xFFFFFFC0  }
0xad: {  	[tilespmem:s18], [sflag:$0x3] =	stream.linear.gather [hbm4b:s8+s2], $0x40, $0x38;
	[tilespmem:$0x1D280] =	vst v63  }
0xae: {  	_ =	swait.ge [sflag:s16], $0x40  }
0xaf: {  	[sflag:s16] =	ssyncset.done $0x0  }
0xb0: {  	[sflag:s16] =	ssyncadd.s32 $0xFFFFFFC0  }
0xb1: {  	v3 =	vld [tilespmem:$0x19180]  }
0xb2: {  	v4 =	vld [tilespmem:$0x19190]  }
0xb3: {  	v5 =	vld [tilespmem:$0x191A0]  }
0xb4: {  	v6 =	vld [tilespmem:$0x191B0];
	_ =	sdelay $0x1  }
0xb5: {  	v3 =	vsub.s32 v3, v1  }
0xb6: {  	v4 =	vsub.s32 v4, v1;
	vm0 =	vlt.u32 v3, $0x3200  }
0xb7: {  	v5 =	vsub.s32 v5, v1;
	vm6 =	vlt.u32 v4, $0x3200;
	v3 =	vsel vm0, v3, v2  }
0xb8: {  	v56 =	vsub.s32 v6, v1;
	vm7 =	vlt.u32 v5, $0x3200;
	[tilespmem:$0x19180] =	vst v3;
	v3 =	vsel vm6, v4, v2  }
0xb9: {  	vm8 =	vlt.u32 v56, $0x3200;
	[tilespmem:$0x19190] =	vst v3;
	v3 =	vsel vm7, v5, v2  }
0xba: {  	[tilespmem:$0x191A0] =	vst v3;
	v3 =	vsel vm8, v56, v2  }
0xbb: {  	s28 =	sadd.s32 $0xFFFFE780, s14;
	[tilespmem:$0x191B0] =	vst v3  }
0xbc: {  	[tilespmem:s20], [sflag:$0x1] =	stream.indirect.gather [hbm4b:s4+s19], $0x80, s17, s19, $0xb8;
	[tilespmem:$0x1D280] =	vst v63  }
0xbd: {  	s29 =	sadd.s32 $0x1888, s28  }
0xbe: {  	[tilespmem:s21], [sflag:$0x3] =	stream.linear.gather [hbm4b:s29+s2], $0x40, $0x38;
	[tilespmem:$0x1D280] =	vst v63  }
0xbf: {  	_ =	swait.ge [sflag:s16], $0x40  }
0xc0: {  	s31 =	sadd.s32 $0xFFFFE780, s13;
	[sflag:s16] =	ssyncset.done $0x0  }
0xc1: {  	s30 =	sadd.s32 $0x1888, s31;
	[sflag:s16] =	ssyncadd.s32 $0xFFFFFFC0  }
0xc2: {  	[tilespmem:s22], [sflag:$0x3] =	stream.linear.gather [hbm4b:s30+s2], $0x40, $0x38;
	[tilespmem:$0x1D280] =	vst v63  }
0xc3: {  	_ =	swait.ge [sflag:s16], $0x40  }
0xc4: {  	[sflag:s16] =	ssyncset.done $0x0  }
0xc5: {  	[sflag:s16] =	ssyncadd.s32 $0xFFFFFFC0  }
0xc6: {  	v3 =	vld [tilespmem:$0x19230]  }
0xc7: {  	v57 =	vld [tilespmem:$0x19220]  }
0xc8: {  	v59 =	vld [tilespmem:$0x19200]  }
0xc9: {  	v58 =	vld [tilespmem:$0x19210];
	_ =	sdelay $0x1  }
0xca: {  	v3 =	vsub.s32 v3, v1  }
0xcb: {  	v4 =	vsub.s32 v57, v1;
	vm9 =	vlt.u32 v3, $0x3200  }
0xcc: {  	v6 =	vsub.s32 v59, v1;
	vm1 =	vlt.u32 v4, $0x3200;
	v3 =	vsel vm9, v3, v2  }
0xcd: {  	v5 =	vsub.s32 v58, v1;
	vm11 =	vlt.u32 v6, $0x3200;
	v4 =	vsel vm1, v4, v2;
	[tilespmem:$0x19230] =	vst v3  }
0xce: {  	vm10 =	vlt.u32 v5, $0x3200;
	v60 =	vsel vm11, v6, v2;
	[tilespmem:$0x19220] =	vst v4  }
0xcf: {  	v3 =	vsel vm10, v5, v2;
	[tilespmem:$0x19200] =	vst v60  }
0xd0: {  	[tilespmem:$0x19210] =	vst v3  }
0xd1: {  	[tilespmem:s23], [sflag:$0x2] =	stream.indirect.gather [hbm4b:s4+s19], $0x80, s21, s19, $0xb8;
	[tilespmem:$0x1D280] =	vst v63  }
0xd2: {  	_ =	swait.ge [sflag:s24], $0x2000  }
0xd3: {  	[sflag:s24] =	ssyncset.done $0x0  }
0xd4: {  	[sflag:s24] =	ssyncadd.s32 $0xFFFFE000  }
0xd5: {  	[spmem:s1] =	stream.indirect.scatter.add.f32 [tilespmem:s20], [sflag:$0x3], $0x80, s18, s19, $0xb8;
	[tilespmem:$0x1D280] =	vst v63  }
0xd6: {  	_ =	swait.ge [sflag:s16], $0x2000  }
0xd7: {  	[sflag:s16] =	ssyncset.done $0x0  }
0xd8: {  	s28 =	sadd.s32 $0x1890, s28;
	[sflag:s16] =	ssyncadd.s32 $0xFFFFE000  }
0xd9: {  	[tilespmem:s17], [sflag:$0x3] =	stream.linear.gather [hbm4b:s28+s2], $0x40, $0x38;
	[tilespmem:$0x1D280] =	vst v63  }
0xda: {  	_ =	swait.ge [sflag:s16], $0x40  }
0xdb: {  	[sflag:s16] =	ssyncset.done $0x0  }
0xdc: {  	s28 =	sadd.s32 $0x1890, s31;
	[sflag:s16] =	ssyncadd.s32 $0xFFFFFFC0  }
0xdd: {  	[tilespmem:s18], [sflag:$0x3] =	stream.linear.gather [hbm4b:s28+s2], $0x40, $0x38;
	[tilespmem:$0x1D280] =	vst v63  }
0xde: {  	_ =	swait.ge [sflag:s16], $0x40  }
0xdf: {  	[sflag:s16] =	ssyncset.done $0x0  }
0xe0: {  	[sflag:s16] =	ssyncadd.s32 $0xFFFFFFC0  }
0xe1: {  	v3 =	vld [tilespmem:$0x191B0]  }
0xe2: {  	v61 =	vld [tilespmem:$0x19180]  }
0xe3: {  	v62 =	vld [tilespmem:$0x19190]  }
0xe4: {  	v63 =	vld [tilespmem:$0x191A0];
	_ =	sdelay $0x1  }
0xe5: {  	v3 =	vsub.s32 v3, v1  }
0xe6: {  	v4 =	vsub.s32 v61, v1;
	vm12 =	vlt.u32 v3, $0x3200  }
0xe7: {  	v5 =	vsub.s32 v62, v1;
	vm13 =	vlt.u32 v4, $0x3200;
	v3 =	vsel vm12, v3, v2  }
0xe8: {  	v6 =	vsub.s32 v63, v1;
	vm14 =	vlt.u32 v5, $0x3200;
	v4 =	vsel vm13, v4, v2;
	[tilespmem:$0x191B0] =	vst v3  }
0xe9: {  	vm15 =	vlt.u32 v6, $0x3200;
	[tilespmem:$0x19180] =	vst v4;
	v3 =	vsel vm14, v5, v2  }
0xea: {  	[tilespmem:$0x19190] =	vst v3;
	v3 =	vsel vm15, v6, v2  }
0xeb: {  	s28 =	simm.s32 $0xFFFFE790;
	[tilespmem:$0x191A0] =	vst v3  }
0xec: {  	[tilespmem:s20], [sflag:$0x1] =	stream.indirect.gather [hbm4b:s4+s19], $0x80, s17, s19, $0xb8;
	[tilespmem:$0x1D280] =	vst v63  }
.LBB2_4:
0xed: {  	p0 =	sne.s32 s28, $0xFFFFFFF0  }
0xee: {  	_ =	swait.ge [sflag:s25], $0x2000;
	s30 =	smov.u32 s28;
	s28 =	sadd.s32 $0x10, s28  }
0xef: {  	[sflag:s25] =	ssyncset.done $0x0  }
0xf0: {  	[sflag:s25] =	ssyncadd.s32 $0xFFFFE000  }
0xf1: {  	[spmem:s1] =	stream.indirect.scatter.add.f32 [tilespmem:s23], [sflag:$0x3], $0x80, s22, s19, $0xb8;
	[tilespmem:$0x1D280] =	vst v63  }
0xf2: {  	_ =	swait.ge [sflag:s16], $0x2000  }
0xf3: {  	s29 =	sadd.s32 s30, s14;
	[sflag:s16] =	ssyncset.done $0x0  }
0xf4: {  	s31 =	sadd.s32 $0x1888, s29;
	[sflag:s16] =	ssyncadd.s32 $0xFFFFE000  }
0xf5: {  	[tilespmem:s21], [sflag:$0x3] =	stream.linear.gather [hbm4b:s31+s2], $0x40, $0x38;
	[tilespmem:$0x1D280] =	vst v63  }
0xf6: {  	_ =	swait.ge [sflag:s16], $0x40  }
0xf7: {  	s30 =	sadd.s32 s30, s13;
	[sflag:s16] =	ssyncset.done $0x0  }
0xf8: {  	s31 =	sadd.s32 $0x1888, s30;
	[sflag:s16] =	ssyncadd.s32 $0xFFFFFFC0  }
0xf9: {  	[tilespmem:s22], [sflag:$0x3] =	stream.linear.gather [hbm4b:s31+s2], $0x40, $0x38;
	[tilespmem:$0x1D280] =	vst v63  }
0xfa: {  	_ =	swait.ge [sflag:s16], $0x40  }
0xfb: {  	[sflag:s16] =	ssyncset.done $0x0  }
0xfc: {  	[sflag:s16] =	ssyncadd.s32 $0xFFFFFFC0  }
0xfd: {  	v3 =	vld [tilespmem:$0x19230]  }
0xfe: {  	v4 =	vld [tilespmem:$0x19220]  }
0xff: {  	v5 =	vld [tilespmem:$0x19210]  }
0x100: {  	v6 =	vld [tilespmem:$0x19200];
	_ =	sdelay $0x1  }
0x101: {  	v3 =	vsub.s32 v3, v1  }
0x102: {  	v4 =	vsub.s32 v4, v1;
	vm0 =	vlt.u32 v3, $0x3200  }
0x103: {  	v5 =	vsub.s32 v5, v1;
	vm1 =	vlt.u32 v4, $0x3200;
	v3 =	vsel vm0, v3, v2  }
0x104: {  	v6 =	vsub.s32 v6, v1;
	vm0 =	vlt.u32 v5, $0x3200;
	v4 =	vsel vm1, v4, v2;
	[tilespmem:$0x19230] =	vst v3  }
0x105: {  	vm1 =	vlt.u32 v6, $0x3200;
	v3 =	vsel vm0, v5, v2;
	[tilespmem:$0x19220] =	vst v4  }
0x106: {  	v4 =	vsel vm1, v6, v2;
	[tilespmem:$0x19210] =	vst v3  }
0x107: {  	[tilespmem:$0x19200] =	vst v4  }
0x108: {  	[tilespmem:s23], [sflag:$0x2] =	stream.indirect.gather [hbm4b:s4+s19], $0x80, s21, s19, $0xb8;
	[tilespmem:$0x1D280] =	vst v63  }
0x109: {  	_ =	swait.ge [sflag:s24], $0x2000  }
0x10a: {  	[sflag:s24] =	ssyncset.done $0x0  }
0x10b: {  	[sflag:s24] =	ssyncadd.s32 $0xFFFFE000  }
0x10c: {  	[spmem:s1] =	stream.indirect.scatter.add.f32 [tilespmem:s20], [sflag:$0x3], $0x80, s18, s19, $0xb8;
	[tilespmem:$0x1D280] =	vst v63  }
0x10d: {  	_ =	swait.ge [sflag:s16], $0x2000  }
0x10e: {  	[sflag:s16] =	ssyncset.done $0x0  }
0x10f: {  	s29 =	sadd.s32 $0x1890, s29;
	[sflag:s16] =	ssyncadd.s32 $0xFFFFE000  }
0x110: {  	[tilespmem:s17], [sflag:$0x3] =	stream.linear.gather [hbm4b:s29+s2], $0x40, $0x38;
	[tilespmem:$0x1D280] =	vst v63  }
0x111: {  	_ =	swait.ge [sflag:s16], $0x40  }
0x112: {  	[sflag:s16] =	ssyncset.done $0x0  }
0x113: {  	s29 =	sadd.s32 $0x1890, s30;
	[sflag:s16] =	ssyncadd.s32 $0xFFFFFFC0  }
0x114: {  	[tilespmem:s18], [sflag:$0x3] =	stream.linear.gather [hbm4b:s29+s2], $0x40, $0x38;
	[tilespmem:$0x1D280] =	vst v63  }
0x115: {  	_ =	swait.ge [sflag:s16], $0x40  }
0x116: {  	[sflag:s16] =	ssyncset.done $0x0  }
0x117: {  	[sflag:s16] =	ssyncadd.s32 $0xFFFFFFC0  }
0x118: {  	v3 =	vld [tilespmem:$0x191B0]  }
0x119: {  	v4 =	vld [tilespmem:$0x19180]  }
0x11a: {  	v5 =	vld [tilespmem:$0x19190]  }
0x11b: {  	v6 =	vld [tilespmem:$0x191A0];
	_ =	sdelay $0x1  }
0x11c: {  	v3 =	vsub.s32 v3, v1  }
0x11d: {  	v4 =	vsub.s32 v4, v1;
	vm0 =	vlt.u32 v3, $0x3200  }
0x11e: {  	vm1 =	vlt.u32 v4, $0x3200;
	v5 =	vsub.s32 v5, v1;
	v3 =	vsel vm0, v3, v2  }
.Ltmp1:
0x11f: {  	v4 =	vsel vm1, v4, v2;
	vm0 =	vlt.u32 v5, $0x3200;
	v6 =	vsub.s32 v6, v1;
	[tilespmem:$0x191B0] =	vst v3;
	(pc) =	sbr.rel @p0 .LBB2_4-.Ltmp1, $4  }
0x120: {  	[tilespmem:$0x19180] =	vst v4;
	v3 =	vsel vm0, v5, v2;
	vm0 =	vlt.u32 v6, $0x3200  }
0x121: {  	[tilespmem:$0x19190] =	vst v3;
	v3 =	vsel vm0, v6, v2  }
0x122: {  	[tilespmem:$0x191A0] =	vst v3  }
0x123: {  	[tilespmem:s20], [sflag:$0x1] =	stream.indirect.gather [hbm4b:s4+s19], $0x80, s17, s19, $0xb8;
	[tilespmem:$0x1D280] =	vst v63  }
0x124: {  	_ =	swait.ge [sflag:s25], $0x2000  }
0x125: {  	[sflag:s25] =	ssyncset.done $0x0  }
0x126: {  	[sflag:s25] =	ssyncadd.s32 $0xFFFFE000  }
0x127: {  	[spmem:s1] =	stream.indirect.scatter.add.f32 [tilespmem:s23], [sflag:$0x3], $0x80, s22, s19, $0xb8;
	[tilespmem:$0x1D280] =	vst v63  }
0x128: {  	_ =	swait.ge [sflag:s16], $0x2000  }
0x129: {  	[sflag:s16] =	ssyncset.done $0x0  }
0x12a: {  	[sflag:s16] =	ssyncadd.s32 $0xFFFFE000  }
0x12b: {  	_ =	swait.ge [sflag:s24], $0x2000  }
0x12c: {  	[sflag:s24] =	ssyncset.done $0x0  }
0x12d: {  	s26 =	sadd.s32 $0x1, s26;
	[sflag:s24] =	ssyncadd.s32 $0xFFFFE000  }
0x12e: {  	p0 =	sne.s32 s26, s12;
	[bflag:$0x0] =	sbarrier.arrive $0xFFFF  }
0x12f: {  	[hbm:s11], [sflag:s6] =	dma.local [spmem:s15], $0x3200  }
.Ltmp2:
0x130: {  	_ =	swait.ge [sflag:s16], $0x3200;
	(pc) =	sbr.rel @p0 .LBB2_1-.Ltmp2, $3  }
0x131: {  	[sflag:s16] =	ssyncset.done $0x0  }
0x132: {  	[sflag:s16] =	ssyncadd.s32 $0xFFFFCE00  }
0x133: {  	[bflag:$0x0] =	sbarrier.arrive $0xFFFF;
	_ =	sdelay $0x1  }
0x134: {  	_ =	sfence.sel $0x180000  }
0x135: {  	[bflag:$0x0] =	sbarrier.arrive $0xFFFF  }
0x136: {  	p0 =	sne.s32 s3, $0x0;
	_ =	strace $0x9000004A  }
0x137: {  	s0 =	sadd.s32 @!p0 $0x100000, s0;
	[bflag:$0x2] =	sbarrier.arrive $0xFFFF  }
0x138: {  	[sflag:s0] =	ssyncadd.tile.s32 @!p0 $0x1;
	_ =	shalt  }
.Lfunc_end2:
_tile_overlayer_lowered:
.L_overlay_start_2:
0x139: {  	(tag) =	ssettag $0x2  }
0x13a: {  	s0 =	rddreg [dreg:$0x0];
	s2 =	stileid.u32  }
0x13b: {  	s1 =	rddreg [dreg:$0x1];
	p0 =	sne.s32 s2, $0x0  }
0x13c: {  	s3 =	rddreg [dreg:$0x2];
	[bflag:$0x3] =	sbarrier.arrive $0xFFFF;
	s2 =	simm.s32 @!p0 $0x1C03  }
0x13d: {  	[timem:s3], [sflag:s2] =	dma.local @!p0 [hbm:s0], s1  }
0x13e: {  	s0 =	simm.s32 @!p0 $0x3  }
0x13f: {  	_ =	swait.ge @!p0 [sflag:s0], s1  }
0x140: {  	s1 =	ssub.s32 @!p0 $0x0, s1;
	[sflag:s0] =	ssyncset.done @!p0 $0x0  }
0x141: {  	[sflag:s0] =	ssyncadd.s32 @!p0 s1  }
0x142: {  	[bflag:$0x3] =	sbarrier.arrive $0xFFFF  }
0x143: {  	_ =	shalt  }

// kernel: kernel.17.cloned.1.call-start
scs
__scs_entry_jumppad:
0x0: {  	(pc) =	sbr.rel $0x88, $3  }
0x1: {  	(tag) =	ssettag $0x0;
	lr =	simm.s32 $0x1  }
0x2: {  	[smem:$0x3F8F] =	sst lr;
	_ =	strace $0xD0000000  }
0x3: {  	_ = 	snop  }
0x4: {  	_ = 	snop  }
0x5: {  	_ = 	snop  }
0x6: {  	_ = 	snop  }
0x7: {  	_ = 	snop  }
__scs_overlays_trampoline_lowered:
0x8: {  	[smem:$0x3F9E] =	sst s0  }
0x9: {  	[smem:$0x3F9F] =	sst s1  }
0xa: {  	[smem:$0x3FA0] =	sst s2  }
0xb: {  	[smem:$0x3FA1] =	sst s3  }
0xc: {  	[smem:$0x3FA2] =	sst s4  }
0xd: {  	[smem:$0x3FA3] =	sst s5  }
0xe: {  	[smem:$0x3FA4] =	sst s6  }
0xf: {  	[smem:$0x3FA5] =	sst s7  }
0x10: {  	[smem:$0x3FA6] =	sst s8  }
0x11: {  	[smem:$0x3FA7] =	sst s9;
	s0 =	simm.s32 @!p0 $0x0  }
0x12: {  	s1 =	sld [smem:$0x3F8D];
	s0 =	simm.s32 @p0 $0x1  }
0x13: {  	[smem:$0x3FA8] =	sst s0;
	s0 =	simm.s32 @!p1 $0x0  }
0x14: {  	s2 =	sld [smem:$0x3F8C];
	s0 =	simm.s32 @p1 $0x1  }
0x15: {  	[smem:$0x3FA9] =	sst s0;
	s0 =	simm.s32 @!p2 $0x0  }
0x16: {  	s3 =	sld [smem:$0x3FDB];
	s0 =	simm.s32 @p2 $0x1  }
0x17: {  	s4 =	simm.s32 $0x1BF5;
	[smem:$0x3FAB] =	sst s0  }
0x18: {  	s0 =	sld [smem:$0x3F8E];
	_ =	swait.ge [sflag:s4], $0x0  }
0x19: {  	s7 =	sld [smem:$0x3F8F]  }
0x1a: {  	s8 =	sadd.s32 $0xFFFFE003, lr  }
0x1b: {  	s9 =	sadd.s32 $0xFFFFFEF7, lr;
	s5 =	simm.s32 $0xFFFFFFFF;
	p2 =	slt.u32 s8, $0xFFFFF086  }
0x1c: {  	p1 =	slt.u32 s9, $0xF7A;
	s5 =	simm.s32 @!p2 $0x0  }
0x1d: {  	s5 =	simm.s32 @p1 $0x1;
	p0 =	seq.s32 s7, s2  }
0x1e: {  	s7 =	smul.u32 @!p0 $0xF7A, s2;
	p2 =	seq.s32 @!p0 s5, $0x0  }
0x1f: {  	s9 =	smul.u32 $0xF7A, s1;
	s8 =	simm.s32 @!p0 $0x1BF5;
	p2 =	por !p2, p0  }
0x20: {  	[sflag:s8] =	ssyncset.s32 @!p0 $0xFFFFF086;
	s6 =	sadd.s32 @!p0 s3, s7;
	s7 =	simm.s32 @!p0 $0x108  }
0x21: {  	s3 =	sadd.s32 s3, s9;
	s6 =	sadd.s32 @!p0 $0x88, s6;
	s7 =	simm.s32 @p2 $0x1082  }
0x22: {  	[simem:s7], [sflag:s8] =	dma.local @!p0 [hbm:s6], $0xF7A  }
0x23: {  	s9 =	sor.u32 $0xD0000000, s2;
	s6 =	simm.s32 $0x108;
	_ =	swait.ge @!p0 [sflag:s8], $0x0  }
0x24: {  	s3 =	sadd.s32 $0x88, s3;
	s6 =	simm.s32 @!p1 $0x1082;
	[sflag:s4] =	ssyncset.s32 $0xFFFFF086  }
0x25: {  	[simem:s6], [sflag:s4] =	dma.local [hbm:s3], $0xF7A  }
0x26: {  	[smem:$0x3F8F] =	sst s1;
	(tag) =	ssettag s2;
	_ =	strace s9  }
0x27: {  	s1 =	sld [smem:$0x3F9F]  }
0x28: {  	s2 =	sld [smem:$0x3FA0]  }
0x29: {  	s4 =	sld [smem:$0x3FA2]  }
0x2a: {  	p0 =	seq.s32 s5, $0x0;
	s5 =	sld [smem:$0x3FA3]  }
0x2b: {  	s6 =	sld [smem:$0x3FA4]  }
0x2c: {  	s7 =	sld [smem:$0x3FA5]  }
0x2d: {  	s3 =	simm.s32 $0x108;
	s8 =	sld [smem:$0x3FA6]  }
0x2e: {  	s3 =	simm.s32 @!p0 $0x1082;
	s9 =	sld [smem:$0x3FA7]  }
0x2f: {  	lr =	sadd.s32 s0, s3;
	s0 =	sld [smem:$0x3F9E]  }
0x30: {  	s3 =	sld [smem:$0x3FA1]  }
0x31: {  	[smem:$0x3FAA] =	sst s10  }
0x32: {  	s10 =	sld [smem:$0x3FA8];
	_ =	sdelay $0x3  }
0x33: {  	p0 =	seq.s32 s10, $0x1;
	s10 =	sld [smem:$0x3FAA];
	_ =	sdelay $0x3  }
0x34: {  	[smem:$0x3FAA] =	sst s10  }
0x35: {  	s10 =	sld [smem:$0x3FA9];
	_ =	sdelay $0x3  }
0x36: {  	p1 =	seq.s32 s10, $0x1;
	s10 =	sld [smem:$0x3FAA];
	_ =	sdelay $0x3  }
0x37: {  	[smem:$0x3FAA] =	sst s10  }
0x38: {  	s10 =	sld [smem:$0x3FAB]  }
0x39: {  	_ = 	snop;
	(pc) =	sbr.ind lr, $3  }
0x3a: {  	_ = 	snop  }
0x3b: {  	_ = 	snop  }
0x3c: {  	p2 =	seq.s32 s10, $0x1;
	s10 =	sld [smem:$0x3FAA]  }
0x3d: {  	_ =	shalt  }
0x3e: {  	_ =	shalt  }
0x3f: {  	_ =	shalt  }
0x40: {  	_ =	shalt  }
0x41: {  	_ =	shalt  }
0x42: {  	_ =	shalt  }
0x43: {  	_ =	shalt  }
0x44: {  	_ =	shalt  }
0x45: {  	_ =	shalt  }
0x46: {  	_ =	shalt  }
0x47: {  	_ =	shalt  }
0x48: {  	_ =	shalt  }
0x49: {  	_ =	shalt  }
0x4a: {  	_ =	shalt  }
0x4b: {  	_ =	shalt  }
0x4c: {  	_ =	shalt  }
0x4d: {  	_ =	shalt  }
0x4e: {  	_ =	shalt  }
0x4f: {  	_ =	shalt  }
0x50: {  	_ =	shalt  }
0x51: {  	_ =	shalt  }
0x52: {  	_ =	shalt  }
0x53: {  	_ =	shalt  }
0x54: {  	_ =	shalt  }
0x55: {  	_ =	shalt  }
0x56: {  	_ =	shalt  }
0x57: {  	_ =	shalt  }
0x58: {  	_ =	shalt  }
0x59: {  	_ =	shalt  }
0x5a: {  	_ =	shalt  }
0x5b: {  	_ =	shalt  }
0x5c: {  	_ =	shalt  }
0x5d: {  	_ =	shalt  }
0x5e: {  	_ =	shalt  }
0x5f: {  	_ =	shalt  }
0x60: {  	_ =	shalt  }
0x61: {  	_ =	shalt  }
0x62: {  	_ =	shalt  }
0x63: {  	_ =	shalt  }
0x64: {  	_ =	shalt  }
0x65: {  	_ =	shalt  }
0x66: {  	_ =	shalt  }
0x67: {  	_ =	shalt  }
0x68: {  	_ =	shalt  }
0x69: {  	_ =	shalt  }
0x6a: {  	_ =	shalt  }
0x6b: {  	_ =	shalt  }
0x6c: {  	_ =	shalt  }
0x6d: {  	_ =	shalt  }
0x6e: {  	_ =	shalt  }
0x6f: {  	_ =	shalt  }
0x70: {  	_ =	shalt  }
0x71: {  	_ =	shalt  }
0x72: {  	_ =	shalt  }
0x73: {  	_ =	shalt  }
0x74: {  	_ =	shalt  }
0x75: {  	_ =	shalt  }
0x76: {  	_ =	shalt  }
0x77: {  	_ =	shalt  }
0x78: {  	_ =	shalt  }
0x79: {  	_ =	shalt  }
0x7a: {  	_ =	shalt  }
0x7b: {  	_ =	shalt  }
0x7c: {  	_ =	shalt  }
0x7d: {  	_ =	shalt  }
0x7e: {  	_ =	shalt  }
0x7f: {  	_ =	shalt  }
0x80: {  	_ =	shalt  }
0x81: {  	_ =	shalt  }
0x82: {  	_ =	shalt  }
0x83: {  	_ =	shalt  }
0x84: {  	_ =	shalt  }
0x85: {  	_ =	shalt  }
0x86: {  	_ =	shalt  }
0x87: {  	_ =	shalt  }
.Lfunc_end0:
.L_simem_size_0:
called_computation.2_lowered:
.L_overlay_start_0:
0x88: {  	s2 =	sld [smem:$0x3FD9]  }
0x89: {  	s3 =	sld [smem:$0x3FFE];
	_ =	sdelay $0x1  }
0x8a: {  	s1 =	srdreg.scid  }
0x8b: {  	s0 =	sand.u32 $0x1, s1  }
0x8c: {  	s16 =	sshll.u32 s0, $0xA;
	s2 =	sadd.s32 s3, s2  }
0x8d: {  	s2 =	sadd.s32 s2, s16  }
0x8e: {  	[smem:$0x3FB6] =	sst s2  }
0x8f: {  	_ = 	snop  }
0x90: {  	(tm) =	ssettm $0x1  }
0x91: {  	s17 =	sld [smem:$0x3FFB];
	_ =	sdelay $0x3  }
0x92: {  	_ =	strace s17  }
0x93: {  	s2 =	sld [smem:$0x3FFC];
	_ =	sdelay $0x3  }
0x94: {  	_ =	strace s2  }
0x95: {  	s2 =	sld [smem:$0x3FFD];
	_ =	sdelay $0x3  }
0x96: {  	_ =	strace s2  }
0x97: {  	_ =	strace $0x8FFFFFFF  }
0x98: {  	s18 =	sld [smem:$0x3FDB];
	_ =	sdelay $0x1  }
0x99: {  	s19 =	simm.s32 $_scs_section_size  }
0x9a: {  	s4 =	simm.s32 $_size__tile_overlayer_lowered;
	s5 =	simm.s32 $_tile_overlayer_lowered  }
0x9b: {  	s22 =	simm.s32 $0x1BFF;
	s21 =	sshll.u32 s5, $0x1;
	s2 =	sadd.s32 s19, s18  }
0x9c: {  	s6 =	simm.s32 $0x0;
	s20 =	sshll.u32 s4, $0x1;
	s4 =	sadd.s32 s21, s2  }
0x9d: {  	[timem:s6], [sflag:s22] =	dma.local [hbm:s4], s20  }
0x9e: {  	_ =	swait.ge [sflag:s22], s20  }
0x9f: {  	s3 =	ssub.s32 $0x0, s20;
	[sflag:s22] =	ssyncset.done $0x0  }
0xa0: {  	[sflag:s22] =	ssyncadd.s32 s3;
	_ =	sdelay $0x1  }
0xa1: {  	s23 =	simm.s32 $0x1B8B  }
0xa2: {  	_ =	swait.ge [sflag:s23], $0x1  }
0xa3: {  	[sflag:s23] =	ssyncset.done $0x0  }
0xa4: {  	s25 =	simm.s32 $0x1B8E;
	s24 =	sld [smem:$0x3FFE];
	[sflag:s23] =	ssyncadd.s32 $0xFFFFFFFF  }
0xa5: {  	s26 =	simm.s32 $execute0_lowered;
	[smem:$0x3FD2] =	sst s25  }
0xa6: {  	s4 =	sshll.u32 s26, $0x1;
	_ =	strace $0x8000004C;
	[dreg:$0x1] =	wrdreg $0xFFFFFFFF  }
0xa7: {  	s28 =	simm.s32 $_size_execute0_lowered;
	s2 =	sadd.s32 s2, s4;
	[dreg:$0x0] =	wrdreg $0x0  }
0xa8: {  	s4 =	sshll.u32 s28, $0x1;
	[dreg:$0x2] =	wrdreg s2  }
0xa9: {  	[dreg:$0x3] =	wrdreg s4  }
0xaa: {  	[dreg:$0x4] =	wrdreg $0xC0  }
0xab: {  	_ =	task [dreg:s6], $0x5FFFF  }
0xac: {  	[dreg:$0x1] =	wrdreg $0xFFFFFFFF  }
0xad: {  	[dreg:$0x0] =	wrdreg $0x60  }
0xae: {  	[dreg:$0x2] =	wrdreg s24  }
0xaf: {  	[dreg:$0x3] =	wrdreg $0x0  }
0xb0: {  	[dreg:$0x4] =	wrdreg $0x9  }
0xb1: {  	_ =	task.clear_ibuf [dreg:s6], $0x5FFFF;
	_ =	strace $0x9000004C  }
0xb2: {  	s29 =	simm.s32 $0x9;
	_ =	strace $0x8000004E  }
0xb3: {  	_ =	swait.ge [sflag:s29], $0x1  }
0xb4: {  	[sflag:s29] =	ssyncadd.s32 $0xFFFFFFFF  }
0xb5: {  	_ =	strace $0x9000004E  }
0xb6: {  	_ =	sfence  }
0xb7: {  	s30 =	sld [smem:$0x0];
	_ =	sdelay $0x2  }
0xb8: {  	s31 =	sshll.u32 s1, $0xD;
	s1 =	sshrl.u32 s1, $0x2  }
0xb9: {  	s3 =	sand.u32 $0x4000, s31;
	s1 =	sadd.s32 s1, s30  }
0xba: {  	s0 =	sor.u32 s3, s0;
	s1 =	sshll.u32 s1, $0x11  }
0xbb: {  	s0 =	sor.u32 s1, s0  }
0xbc: {  	s0 =	sadd.s32 $0x8F2B, s0  }
0xbd: {  	[sflag:s0] =	ssyncadd.remote.s32 $0x1  }
0xbe: {  	_ =	sfence.sel $0xFFFF  }
0xbf: {  	[dreg:$0x0] =	wrdreg $0xFFFFFFFF;
	(pc) =	sbr.abs _section_cstart, $3  }
0xc0: {  	[dreg:$0x1] =	wrdreg $0xFFFFFFFF  }
0xc1: {  	_ =	task.clear_ibuf [dreg:s6], $0x2FFFF;
	_ =	strace $0x9FFFFFFF  }
0xc2: {  	(tm) =	ssettm $0x7FFFFFFF  }
0xc3: {  	_ =	shalt  }
tec
execute0_lowered:
.L_overlay_start_1:
0x0: {  	(tag) =	ssettag $0x1  }
0x1: {  	s5 =	rddreg [dreg:$0x0]  }
0x2: {  	s1 =	rddreg [dreg:$0x1]  }
0x3: {  	s0 =	rddreg [dreg:$0x2];
	s2 =	simm.s32 $0x0  }
0x4: {  	s3 =	srdreg.scid;
	s18 =	simm.s32 $0x19180;
	s19 =	simm.s32 $0x40  }
0x5: {  	s20 =	simm.s32 $0x19280;
	s21 =	simm.s32 $0x19100;
	s22 =	simm.s32 $0x19200  }
0x6: {  	s23 =	simm.s32 $0x1B280;
	s26 =	simm.s32 $0x0;
	s6 =	sand.u32 $0x1, s3  }
0x7: {  	s4 =	sadd.s32 $0x1F8600, s5;
	s3 =	stileid.u32;
	s24 =	smul.u32 $0x6400, s6  }
0x8: {  	[smem:$0x7FF] =	sst s2;
	s14 =	sadd.s32 $0x117C00, s5;
	s8 =	smul.u32 $0x320, s3  }
0x9: {  	s13 =	sadd.s32 $0x3000, s5;
	s11 =	sadd.s32 $0x130600, s5;
	s7 =	smul.u32 $0x64000, s3  }
0xa: {  	_ =	strace $0x8000004D;
	s6 =	ssub.s32 $0x2, s6;
	s10 =	smul.u32 $0xC400, s3  }
0xb: {  	s31 =	sshll.u32 s3, $0x6;
	s17 =	smul.u32 $0x1880, s3;
	s30 =	sshrl.u32 s6, $0x1  }
0xc: {  	s9 =	sadd.s32 s8, s24;
	s7 =	sshrl.u32 s7, $0x2;
	s12 =	ssub.s32 s6, s30  }
0xd: {  	s10 =	sshrl.u32 s10, $0x3;
	s25 =	sadd.s32 $0x3200, s24;
	s6 =	sor.u32 $0x1C03, s31  }
0xe: {  	v0 =	vmov s24;
	s24 =	simm.s32 $0x1;
	s9 =	sshll.u32 s9, $0x4;
	s15 =	sadd.s32 s7, s1  }
0xf: {  	s7 =	sadd.s32 s14, s10;
	s16 =	sadd.s32 s8, s25;
	s8 =	sadd.s32 s13, s10  }
0x10: {  	s12 =	smax.u32 s12, $0x1;
	s13 =	sadd.s32 s17, s13;
	s14 =	sadd.s32 s17, s14  }
0x11: {  	s17 =	simm.s32 $0x19080;
	v1 =	vmov s25;
	s25 =	simm.s32 $0x2;
	s5 =	sadd.s32 s4, s9  }
0x12: {  	v2 =	vlaneseq.u32;
	s16 =	sshll.u32 s16, $0x4;
	s9 =	sadd.s32 s11, s9;
	s15 =	sshrl.u32 s15, $0x3  }
0x13: {  	v2 =	vor.u32 $0x3200, v2;
	s10 =	sadd.s32 s4, s16;
	s11 =	sadd.s32 s11, s16;
	s16 =	simm.s32 $0x3  }
.LBB2_1:
0x14: {  	[spmem:s15], [sflag:s6] =	dma.local [hbm:s5], $0x3200  }
0x15: {  	_ =	swait.ge [sflag:s16], $0x3200  }
0x16: {  	[sflag:s16] =	ssyncset.done $0x0  }
0x17: {  	[sflag:s16] =	ssyncadd.s32 $0xFFFFCE00  }
0x18: {  	[bflag:$0x0] =	sbarrier.arrive $0xFFFF  }
0x19: {  	[tilespmem:s17], [sflag:$0x3] =	stream.linear.gather [hbm4b:s7+s2], $0x40, $0x38;
	[tilespmem:$0x1D280] =	vst v63  }
0x1a: {  	_ =	swait.ge [sflag:s16], $0x40  }
0x1b: {  	[sflag:s16] =	ssyncset.done $0x0  }
0x1c: {  	[sflag:s16] =	ssyncadd.s32 $0xFFFFFFC0  }
0x1d: {  	[tilespmem:s18], [sflag:$0x3] =	stream.linear.gather [hbm4b:s8+s2], $0x40, $0x38;
	[tilespmem:$0x1D280] =	vst v63  }
0x1e: {  	_ =	swait.ge [sflag:s16], $0x40  }
0x1f: {  	[sflag:s16] =	ssyncset.done $0x0  }
0x20: {  	[sflag:s16] =	ssyncadd.s32 $0xFFFFFFC0  }
0x21: {  	v3 =	vld [tilespmem:$0x19180]  }
0x22: {  	v4 =	vld [tilespmem:$0x19190]  }
0x23: {  	v5 =	vld [tilespmem:$0x191A0]  }
0x24: {  	v6 =	vld [tilespmem:$0x191B0];
	_ =	sdelay $0x1  }
0x25: {  	v3 =	vsub.s32 v3, v0  }
0x26: {  	v4 =	vsub.s32 v4, v0;
	vm0 =	vlt.u32 v3, $0x3200  }
0x27: {  	v5 =	vsub.s32 v5, v0;
	vm6 =	vlt.u32 v4, $0x3200;
	v3 =	vsel vm0, v3, v2  }
0x28: {  	v56 =	vsub.s32 v6, v0;
	vm7 =	vlt.u32 v5, $0x3200;
	[tilespmem:$0x19180] =	vst v3;
	v3 =	vsel vm6, v4, v2  }
0x29: {  	vm8 =	vlt.u32 v56, $0x3200;
	[tilespmem:$0x19190] =	vst v3;
	v3 =	vsel vm7, v5, v2  }
0x2a: {  	[tilespmem:$0x191A0] =	vst v3;
	v3 =	vsel vm8, v56, v2  }
0x2b: {  	s28 =	sadd.s32 $0xFFFFE780, s14;
	[tilespmem:$0x191B0] =	vst v3  }
0x2c: {  	[tilespmem:s20], [sflag:$0x1] =	stream.indirect.gather [hbm4b:s4+s19], $0x80, s17, s19, $0xb8;
	[tilespmem:$0x1D280] =	vst v63  }
0x2d: {  	s29 =	sadd.s32 $0x1888, s28  }
0x2e: {  	[tilespmem:s21], [sflag:$0x3] =	stream.linear.gather [hbm4b:s29+s2], $0x40, $0x38;
	[tilespmem:$0x1D280] =	vst v63  }
0x2f: {  	_ =	swait.ge [sflag:s16], $0x40  }
0x30: {  	s31 =	sadd.s32 $0xFFFFE780, s13;
	[sflag:s16] =	ssyncset.done $0x0  }
0x31: {  	s30 =	sadd.s32 $0x1888, s31;
	[sflag:s16] =	ssyncadd.s32 $0xFFFFFFC0  }
0x32: {  	[tilespmem:s22], [sflag:$0x3] =	stream.linear.gather [hbm4b:s30+s2], $0x40, $0x38;
	[tilespmem:$0x1D280] =	vst v63  }
0x33: {  	_ =	swait.ge [sflag:s16], $0x40  }
0x34: {  	[sflag:s16] =	ssyncset.done $0x0  }
0x35: {  	[sflag:s16] =	ssyncadd.s32 $0xFFFFFFC0  }
0x36: {  	v3 =	vld [tilespmem:$0x19230]  }
0x37: {  	v57 =	vld [tilespmem:$0x19220]  }
0x38: {  	v59 =	vld [tilespmem:$0x19200]  }
0x39: {  	v58 =	vld [tilespmem:$0x19210];
	_ =	sdelay $0x1  }
0x3a: {  	v3 =	vsub.s32 v3, v0  }
0x3b: {  	v4 =	vsub.s32 v57, v0;
	vm9 =	vlt.u32 v3, $0x3200  }
0x3c: {  	v6 =	vsub.s32 v59, v0;
	vm1 =	vlt.u32 v4, $0x3200;
	v3 =	vsel vm9, v3, v2  }
0x3d: {  	v5 =	vsub.s32 v58, v0;
	vm11 =	vlt.u32 v6, $0x3200;
	v4 =	vsel vm1, v4, v2;
	[tilespmem:$0x19230] =	vst v3  }
0x3e: {  	vm10 =	vlt.u32 v5, $0x3200;
	v60 =	vsel vm11, v6, v2;
	[tilespmem:$0x19220] =	vst v4  }
0x3f: {  	v3 =	vsel vm10, v5, v2;
	[tilespmem:$0x19200] =	vst v60  }
0x40: {  	[tilespmem:$0x19210] =	vst v3  }
0x41: {  	[tilespmem:s23], [sflag:$0x2] =	stream.indirect.gather [hbm4b:s4+s19], $0x80, s21, s19, $0xb8;
	[tilespmem:$0x1D280] =	vst v63  }
0x42: {  	_ =	swait.ge [sflag:s24], $0x2000  }
0x43: {  	[sflag:s24] =	ssyncset.done $0x0  }
0x44: {  	[sflag:s24] =	ssyncadd.s32 $0xFFFFE000  }
0x45: {  	[spmem:s1] =	stream.indirect.scatter.add.f32 [tilespmem:s20], [sflag:$0x3], $0x80, s18, s19, $0xb8;
	[tilespmem:$0x1D280] =	vst v63  }
0x46: {  	_ =	swait.ge [sflag:s16], $0x2000  }
0x47: {  	[sflag:s16] =	ssyncset.done $0x0  }
0x48: {  	s28 =	sadd.s32 $0x1890, s28;
	[sflag:s16] =	ssyncadd.s32 $0xFFFFE000  }
0x49: {  	[tilespmem:s17], [sflag:$0x3] =	stream.linear.gather [hbm4b:s28+s2], $0x40, $0x38;
	[tilespmem:$0x1D280] =	vst v63  }
0x4a: {  	_ =	swait.ge [sflag:s16], $0x40  }
0x4b: {  	[sflag:s16] =	ssyncset.done $0x0  }
0x4c: {  	s28 =	sadd.s32 $0x1890, s31;
	[sflag:s16] =	ssyncadd.s32 $0xFFFFFFC0  }
0x4d: {  	[tilespmem:s18], [sflag:$0x3] =	stream.linear.gather [hbm4b:s28+s2], $0x40, $0x38;
	[tilespmem:$0x1D280] =	vst v63  }
0x4e: {  	_ =	swait.ge [sflag:s16], $0x40  }
0x4f: {  	[sflag:s16] =	ssyncset.done $0x0  }
0x50: {  	[sflag:s16] =	ssyncadd.s32 $0xFFFFFFC0  }
0x51: {  	v3 =	vld [tilespmem:$0x191B0]  }
0x52: {  	v61 =	vld [tilespmem:$0x19180]  }
0x53: {  	v62 =	vld [tilespmem:$0x19190]  }
0x54: {  	v63 =	vld [tilespmem:$0x191A0];
	_ =	sdelay $0x1  }
0x55: {  	v3 =	vsub.s32 v3, v0  }
0x56: {  	v4 =	vsub.s32 v61, v0;
	vm12 =	vlt.u32 v3, $0x3200  }
0x57: {  	v5 =	vsub.s32 v62, v0;
	vm13 =	vlt.u32 v4, $0x3200;
	v3 =	vsel vm12, v3, v2  }
0x58: {  	v6 =	vsub.s32 v63, v0;
	vm14 =	vlt.u32 v5, $0x3200;
	v4 =	vsel vm13, v4, v2;
	[tilespmem:$0x191B0] =	vst v3  }
0x59: {  	vm15 =	vlt.u32 v6, $0x3200;
	[tilespmem:$0x19180] =	vst v4;
	v3 =	vsel vm14, v5, v2  }
0x5a: {  	[tilespmem:$0x19190] =	vst v3;
	v3 =	vsel vm15, v6, v2  }
0x5b: {  	s28 =	simm.s32 $0xFFFFE790;
	[tilespmem:$0x191A0] =	vst v3  }
0x5c: {  	[tilespmem:s20], [sflag:$0x1] =	stream.indirect.gather [hbm4b:s4+s19], $0x80, s17, s19, $0xb8;
	[tilespmem:$0x1D280] =	vst v63  }
.LBB2_2:
0x5d: {  	p0 =	sne.s32 s28, $0xFFFFFFF0  }
0x5e: {  	_ =	swait.ge [sflag:s25], $0x2000;
	s30 =	smov.u32 s28;
	s28 =	sadd.s32 $0x10, s28  }
0x5f: {  	[sflag:s25] =	ssyncset.done $0x0  }
0x60: {  	[sflag:s25] =	ssyncadd.s32 $0xFFFFE000  }
0x61: {  	[spmem:s1] =	stream.indirect.scatter.add.f32 [tilespmem:s23], [sflag:$0x3], $0x80, s22, s19, $0xb8;
	[tilespmem:$0x1D280] =	vst v63  }
0x62: {  	_ =	swait.ge [sflag:s16], $0x2000  }
0x63: {  	s29 =	sadd.s32 s30, s14;
	[sflag:s16] =	ssyncset.done $0x0  }
0x64: {  	s31 =	sadd.s32 $0x1888, s29;
	[sflag:s16] =	ssyncadd.s32 $0xFFFFE000  }
0x65: {  	[tilespmem:s21], [sflag:$0x3] =	stream.linear.gather [hbm4b:s31+s2], $0x40, $0x38;
	[tilespmem:$0x1D280] =	vst v63  }
0x66: {  	_ =	swait.ge [sflag:s16], $0x40  }
0x67: {  	s30 =	sadd.s32 s30, s13;
	[sflag:s16] =	ssyncset.done $0x0  }
0x68: {  	s31 =	sadd.s32 $0x1888, s30;
	[sflag:s16] =	ssyncadd.s32 $0xFFFFFFC0  }
0x69: {  	[tilespmem:s22], [sflag:$0x3] =	stream.linear.gather [hbm4b:s31+s2], $0x40, $0x38;
	[tilespmem:$0x1D280] =	vst v63  }
0x6a: {  	_ =	swait.ge [sflag:s16], $0x40  }
0x6b: {  	[sflag:s16] =	ssyncset.done $0x0  }
0x6c: {  	[sflag:s16] =	ssyncadd.s32 $0xFFFFFFC0  }
0x6d: {  	v3 =	vld [tilespmem:$0x19230]  }
0x6e: {  	v4 =	vld [tilespmem:$0x19220]  }
0x6f: {  	v5 =	vld [tilespmem:$0x19210]  }
0x70: {  	v6 =	vld [tilespmem:$0x19200];
	_ =	sdelay $0x1  }
0x71: {  	v3 =	vsub.s32 v3, v0  }
0x72: {  	v4 =	vsub.s32 v4, v0;
	vm0 =	vlt.u32 v3, $0x3200  }
0x73: {  	v5 =	vsub.s32 v5, v0;
	vm1 =	vlt.u32 v4, $0x3200;
	v3 =	vsel vm0, v3, v2  }
0x74: {  	v6 =	vsub.s32 v6, v0;
	vm0 =	vlt.u32 v5, $0x3200;
	v4 =	vsel vm1, v4, v2;
	[tilespmem:$0x19230] =	vst v3  }
0x75: {  	vm1 =	vlt.u32 v6, $0x3200;
	v3 =	vsel vm0, v5, v2;
	[tilespmem:$0x19220] =	vst v4  }
0x76: {  	v4 =	vsel vm1, v6, v2;
	[tilespmem:$0x19210] =	vst v3  }
0x77: {  	[tilespmem:$0x19200] =	vst v4  }
0x78: {  	[tilespmem:s23], [sflag:$0x2] =	stream.indirect.gather [hbm4b:s4+s19], $0x80, s21, s19, $0xb8;
	[tilespmem:$0x1D280] =	vst v63  }
0x79: {  	_ =	swait.ge [sflag:s24], $0x2000  }
0x7a: {  	[sflag:s24] =	ssyncset.done $0x0  }
0x7b: {  	[sflag:s24] =	ssyncadd.s32 $0xFFFFE000  }
0x7c: {  	[spmem:s1] =	stream.indirect.scatter.add.f32 [tilespmem:s20], [sflag:$0x3], $0x80, s18, s19, $0xb8;
	[tilespmem:$0x1D280] =	vst v63  }
0x7d: {  	_ =	swait.ge [sflag:s16], $0x2000  }
0x7e: {  	[sflag:s16] =	ssyncset.done $0x0  }
0x7f: {  	s29 =	sadd.s32 $0x1890, s29;
	[sflag:s16] =	ssyncadd.s32 $0xFFFFE000  }
0x80: {  	[tilespmem:s17], [sflag:$0x3] =	stream.linear.gather [hbm4b:s29+s2], $0x40, $0x38;
	[tilespmem:$0x1D280] =	vst v63  }
0x81: {  	_ =	swait.ge [sflag:s16], $0x40  }
0x82: {  	[sflag:s16] =	ssyncset.done $0x0  }
0x83: {  	s29 =	sadd.s32 $0x1890, s30;
	[sflag:s16] =	ssyncadd.s32 $0xFFFFFFC0  }
0x84: {  	[tilespmem:s18], [sflag:$0x3] =	stream.linear.gather [hbm4b:s29+s2], $0x40, $0x38;
	[tilespmem:$0x1D280] =	vst v63  }
0x85: {  	_ =	swait.ge [sflag:s16], $0x40  }
0x86: {  	[sflag:s16] =	ssyncset.done $0x0  }
0x87: {  	[sflag:s16] =	ssyncadd.s32 $0xFFFFFFC0  }
0x88: {  	v3 =	vld [tilespmem:$0x191B0]  }
0x89: {  	v4 =	vld [tilespmem:$0x19180]  }
0x8a: {  	v5 =	vld [tilespmem:$0x19190]  }
0x8b: {  	v6 =	vld [tilespmem:$0x191A0];
	_ =	sdelay $0x1  }
0x8c: {  	v3 =	vsub.s32 v3, v0  }
0x8d: {  	v4 =	vsub.s32 v4, v0;
	vm0 =	vlt.u32 v3, $0x3200  }
0x8e: {  	vm1 =	vlt.u32 v4, $0x3200;
	v5 =	vsub.s32 v5, v0;
	v3 =	vsel vm0, v3, v2  }
.Ltmp0:
0x8f: {  	v4 =	vsel vm1, v4, v2;
	vm0 =	vlt.u32 v5, $0x3200;
	v6 =	vsub.s32 v6, v0;
	[tilespmem:$0x191B0] =	vst v3;
	(pc) =	sbr.rel @p0 .LBB2_2-.Ltmp0, $4  }
0x90: {  	[tilespmem:$0x19180] =	vst v4;
	v3 =	vsel vm0, v5, v2;
	vm0 =	vlt.u32 v6, $0x3200  }
0x91: {  	[tilespmem:$0x19190] =	vst v3;
	v3 =	vsel vm0, v6, v2  }
0x92: {  	[tilespmem:$0x191A0] =	vst v3  }
0x93: {  	[tilespmem:s20], [sflag:$0x1] =	stream.indirect.gather [hbm4b:s4+s19], $0x80, s17, s19, $0xb8;
	[tilespmem:$0x1D280] =	vst v63  }
0x94: {  	_ =	swait.ge [sflag:s25], $0x2000  }
0x95: {  	[sflag:s25] =	ssyncset.done $0x0  }
0x96: {  	[sflag:s25] =	ssyncadd.s32 $0xFFFFE000  }
0x97: {  	[spmem:s1] =	stream.indirect.scatter.add.f32 [tilespmem:s23], [sflag:$0x3], $0x80, s22, s19, $0xb8;
	[tilespmem:$0x1D280] =	vst v63  }
0x98: {  	_ =	swait.ge [sflag:s16], $0x2000  }
0x99: {  	[sflag:s16] =	ssyncset.done $0x0  }
0x9a: {  	[sflag:s16] =	ssyncadd.s32 $0xFFFFE000  }
0x9b: {  	_ =	swait.ge [sflag:s24], $0x2000  }
0x9c: {  	[sflag:s24] =	ssyncset.done $0x0  }
0x9d: {  	[sflag:s24] =	ssyncadd.s32 $0xFFFFE000  }
0x9e: {  	[bflag:$0x0] =	sbarrier.arrive $0xFFFF  }
0x9f: {  	[hbm:s9], [sflag:s6] =	dma.local [spmem:s15], $0x3200  }
0xa0: {  	_ =	swait.ge [sflag:s16], $0x3200  }
0xa1: {  	[sflag:s16] =	ssyncset.done $0x0  }
0xa2: {  	[sflag:s16] =	ssyncadd.s32 $0xFFFFCE00  }
0xa3: {  	[bflag:$0x0] =	sbarrier.arrive $0xFFFF  }
0xa4: {  	[spmem:s15], [sflag:s6] =	dma.local [hbm:s10], $0x3200  }
0xa5: {  	_ =	swait.ge [sflag:s16], $0x3200  }
0xa6: {  	[sflag:s16] =	ssyncset.done $0x0  }
0xa7: {  	[sflag:s16] =	ssyncadd.s32 $0xFFFFCE00  }
0xa8: {  	[bflag:$0x0] =	sbarrier.arrive $0xFFFF  }
0xa9: {  	[tilespmem:s17], [sflag:$0x3] =	stream.linear.gather [hbm4b:s7+s2], $0x40, $0x38;
	[tilespmem:$0x1D280] =	vst v63  }
0xaa: {  	_ =	swait.ge [sflag:s16], $0x40  }
0xab: {  	[sflag:s16] =	ssyncset.done $0x0  }
0xac: {  	[sflag:s16] =	ssyncadd.s32 $0xFFFFFFC0  }
0xad: {  	[tilespmem:s18], [sflag:$0x3] =	stream.linear.gather [hbm4b:s8+s2], $0x40, $0x38;
	[tilespmem:$0x1D280] =	vst v63  }
0xae: {  	_ =	swait.ge [sflag:s16], $0x40  }
0xaf: {  	[sflag:s16] =	ssyncset.done $0x0  }
0xb0: {  	[sflag:s16] =	ssyncadd.s32 $0xFFFFFFC0  }
0xb1: {  	v3 =	vld [tilespmem:$0x19180]  }
0xb2: {  	v4 =	vld [tilespmem:$0x19190]  }
0xb3: {  	v5 =	vld [tilespmem:$0x191A0]  }
0xb4: {  	v6 =	vld [tilespmem:$0x191B0];
	_ =	sdelay $0x1  }
0xb5: {  	v3 =	vsub.s32 v3, v1  }
0xb6: {  	v4 =	vsub.s32 v4, v1;
	vm0 =	vlt.u32 v3, $0x3200  }
0xb7: {  	v5 =	vsub.s32 v5, v1;
	vm6 =	vlt.u32 v4, $0x3200;
	v3 =	vsel vm0, v3, v2  }
0xb8: {  	v56 =	vsub.s32 v6, v1;
	vm7 =	vlt.u32 v5, $0x3200;
	[tilespmem:$0x19180] =	vst v3;
	v3 =	vsel vm6, v4, v2  }
0xb9: {  	vm8 =	vlt.u32 v56, $0x3200;
	[tilespmem:$0x19190] =	vst v3;
	v3 =	vsel vm7, v5, v2  }
0xba: {  	[tilespmem:$0x191A0] =	vst v3;
	v3 =	vsel vm8, v56, v2  }
0xbb: {  	s28 =	sadd.s32 $0xFFFFE780, s14;
	[tilespmem:$0x191B0] =	vst v3  }
0xbc: {  	[tilespmem:s20], [sflag:$0x1] =	stream.indirect.gather [hbm4b:s4+s19], $0x80, s17, s19, $0xb8;
	[tilespmem:$0x1D280] =	vst v63  }
0xbd: {  	s29 =	sadd.s32 $0x1888, s28  }
0xbe: {  	[tilespmem:s21], [sflag:$0x3] =	stream.linear.gather [hbm4b:s29+s2], $0x40, $0x38;
	[tilespmem:$0x1D280] =	vst v63  }
0xbf: {  	_ =	swait.ge [sflag:s16], $0x40  }
0xc0: {  	s31 =	sadd.s32 $0xFFFFE780, s13;
	[sflag:s16] =	ssyncset.done $0x0  }
0xc1: {  	s30 =	sadd.s32 $0x1888, s31;
	[sflag:s16] =	ssyncadd.s32 $0xFFFFFFC0  }
0xc2: {  	[tilespmem:s22], [sflag:$0x3] =	stream.linear.gather [hbm4b:s30+s2], $0x40, $0x38;
	[tilespmem:$0x1D280] =	vst v63  }
0xc3: {  	_ =	swait.ge [sflag:s16], $0x40  }
0xc4: {  	[sflag:s16] =	ssyncset.done $0x0  }
0xc5: {  	[sflag:s16] =	ssyncadd.s32 $0xFFFFFFC0  }
0xc6: {  	v3 =	vld [tilespmem:$0x19230]  }
0xc7: {  	v57 =	vld [tilespmem:$0x19220]  }
0xc8: {  	v59 =	vld [tilespmem:$0x19200]  }
0xc9: {  	v58 =	vld [tilespmem:$0x19210];
	_ =	sdelay $0x1  }
0xca: {  	v3 =	vsub.s32 v3, v1  }
0xcb: {  	v4 =	vsub.s32 v57, v1;
	vm9 =	vlt.u32 v3, $0x3200  }
0xcc: {  	v6 =	vsub.s32 v59, v1;
	vm1 =	vlt.u32 v4, $0x3200;
	v3 =	vsel vm9, v3, v2  }
0xcd: {  	v5 =	vsub.s32 v58, v1;
	vm11 =	vlt.u32 v6, $0x3200;
	v4 =	vsel vm1, v4, v2;
	[tilespmem:$0x19230] =	vst v3  }
0xce: {  	vm10 =	vlt.u32 v5, $0x3200;
	v60 =	vsel vm11, v6, v2;
	[tilespmem:$0x19220] =	vst v4  }
0xcf: {  	v3 =	vsel vm10, v5, v2;
	[tilespmem:$0x19200] =	vst v60  }
0xd0: {  	[tilespmem:$0x19210] =	vst v3  }
0xd1: {  	[tilespmem:s23], [sflag:$0x2] =	stream.indirect.gather [hbm4b:s4+s19], $0x80, s21, s19, $0xb8;
	[tilespmem:$0x1D280] =	vst v63  }
0xd2: {  	_ =	swait.ge [sflag:s24], $0x2000  }
0xd3: {  	[sflag:s24] =	ssyncset.done $0x0  }
0xd4: {  	[sflag:s24] =	ssyncadd.s32 $0xFFFFE000  }
0xd5: {  	[spmem:s1] =	stream.indirect.scatter.add.f32 [tilespmem:s20], [sflag:$0x3], $0x80, s18, s19, $0xb8;
	[tilespmem:$0x1D280] =	vst v63  }
0xd6: {  	_ =	swait.ge [sflag:s16], $0x2000  }
0xd7: {  	[sflag:s16] =	ssyncset.done $0x0  }
0xd8: {  	s28 =	sadd.s32 $0x1890, s28;
	[sflag:s16] =	ssyncadd.s32 $0xFFFFE000  }
0xd9: {  	[tilespmem:s17], [sflag:$0x3] =	stream.linear.gather [hbm4b:s28+s2], $0x40, $0x38;
	[tilespmem:$0x1D280] =	vst v63  }
0xda: {  	_ =	swait.ge [sflag:s16], $0x40  }
0xdb: {  	[sflag:s16] =	ssyncset.done $0x0  }
0xdc: {  	s28 =	sadd.s32 $0x1890, s31;
	[sflag:s16] =	ssyncadd.s32 $0xFFFFFFC0  }
0xdd: {  	[tilespmem:s18], [sflag:$0x3] =	stream.linear.gather [hbm4b:s28+s2], $0x40, $0x38;
	[tilespmem:$0x1D280] =	vst v63  }
0xde: {  	_ =	swait.ge [sflag:s16], $0x40  }
0xdf: {  	[sflag:s16] =	ssyncset.done $0x0  }
0xe0: {  	[sflag:s16] =	ssyncadd.s32 $0xFFFFFFC0  }
0xe1: {  	v3 =	vld [tilespmem:$0x191B0]  }
0xe2: {  	v61 =	vld [tilespmem:$0x19180]  }
0xe3: {  	v62 =	vld [tilespmem:$0x19190]  }
0xe4: {  	v63 =	vld [tilespmem:$0x191A0];
	_ =	sdelay $0x1  }
0xe5: {  	v3 =	vsub.s32 v3, v1  }
0xe6: {  	v4 =	vsub.s32 v61, v1;
	vm12 =	vlt.u32 v3, $0x3200  }
0xe7: {  	v5 =	vsub.s32 v62, v1;
	vm13 =	vlt.u32 v4, $0x3200;
	v3 =	vsel vm12, v3, v2  }
0xe8: {  	v6 =	vsub.s32 v63, v1;
	vm14 =	vlt.u32 v5, $0x3200;
	v4 =	vsel vm13, v4, v2;
	[tilespmem:$0x191B0] =	vst v3  }
0xe9: {  	vm15 =	vlt.u32 v6, $0x3200;
	[tilespmem:$0x19180] =	vst v4;
	v3 =	vsel vm14, v5, v2  }
0xea: {  	[tilespmem:$0x19190] =	vst v3;
	v3 =	vsel vm15, v6, v2  }
0xeb: {  	s28 =	simm.s32 $0xFFFFE790;
	[tilespmem:$0x191A0] =	vst v3  }
0xec: {  	[tilespmem:s20], [sflag:$0x1] =	stream.indirect.gather [hbm4b:s4+s19], $0x80, s17, s19, $0xb8;
	[tilespmem:$0x1D280] =	vst v63  }
.LBB2_4:
0xed: {  	p0 =	sne.s32 s28, $0xFFFFFFF0  }
0xee: {  	_ =	swait.ge [sflag:s25], $0x2000;
	s30 =	smov.u32 s28;
	s28 =	sadd.s32 $0x10, s28  }
0xef: {  	[sflag:s25] =	ssyncset.done $0x0  }
0xf0: {  	[sflag:s25] =	ssyncadd.s32 $0xFFFFE000  }
0xf1: {  	[spmem:s1] =	stream.indirect.scatter.add.f32 [tilespmem:s23], [sflag:$0x3], $0x80, s22, s19, $0xb8;
	[tilespmem:$0x1D280] =	vst v63  }
0xf2: {  	_ =	swait.ge [sflag:s16], $0x2000  }
0xf3: {  	s29 =	sadd.s32 s30, s14;
	[sflag:s16] =	ssyncset.done $0x0  }
0xf4: {  	s31 =	sadd.s32 $0x1888, s29;
	[sflag:s16] =	ssyncadd.s32 $0xFFFFE000  }
0xf5: {  	[tilespmem:s21], [sflag:$0x3] =	stream.linear.gather [hbm4b:s31+s2], $0x40, $0x38;
	[tilespmem:$0x1D280] =	vst v63  }
0xf6: {  	_ =	swait.ge [sflag:s16], $0x40  }
0xf7: {  	s30 =	sadd.s32 s30, s13;
	[sflag:s16] =	ssyncset.done $0x0  }
0xf8: {  	s31 =	sadd.s32 $0x1888, s30;
	[sflag:s16] =	ssyncadd.s32 $0xFFFFFFC0  }
0xf9: {  	[tilespmem:s22], [sflag:$0x3] =	stream.linear.gather [hbm4b:s31+s2], $0x40, $0x38;
	[tilespmem:$0x1D280] =	vst v63  }
0xfa: {  	_ =	swait.ge [sflag:s16], $0x40  }
0xfb: {  	[sflag:s16] =	ssyncset.done $0x0  }
0xfc: {  	[sflag:s16] =	ssyncadd.s32 $0xFFFFFFC0  }
0xfd: {  	v3 =	vld [tilespmem:$0x19230]  }
0xfe: {  	v4 =	vld [tilespmem:$0x19220]  }
0xff: {  	v5 =	vld [tilespmem:$0x19210]  }
0x100: {  	v6 =	vld [tilespmem:$0x19200];
	_ =	sdelay $0x1  }
0x101: {  	v3 =	vsub.s32 v3, v1  }
0x102: {  	v4 =	vsub.s32 v4, v1;
	vm0 =	vlt.u32 v3, $0x3200  }
0x103: {  	v5 =	vsub.s32 v5, v1;
	vm1 =	vlt.u32 v4, $0x3200;
	v3 =	vsel vm0, v3, v2  }
0x104: {  	v6 =	vsub.s32 v6, v1;
	vm0 =	vlt.u32 v5, $0x3200;
	v4 =	vsel vm1, v4, v2;
	[tilespmem:$0x19230] =	vst v3  }
0x105: {  	vm1 =	vlt.u32 v6, $0x3200;
	v3 =	vsel vm0, v5, v2;
	[tilespmem:$0x19220] =	vst v4  }
0x106: {  	v4 =	vsel vm1, v6, v2;
	[tilespmem:$0x19210] =	vst v3  }
0x107: {  	[tilespmem:$0x19200] =	vst v4  }
0x108: {  	[tilespmem:s23], [sflag:$0x2] =	stream.indirect.gather [hbm4b:s4+s19], $0x80, s21, s19, $0xb8;
	[tilespmem:$0x1D280] =	vst v63  }
0x109: {  	_ =	swait.ge [sflag:s24], $0x2000  }
0x10a: {  	[sflag:s24] =	ssyncset.done $0x0  }
0x10b: {  	[sflag:s24] =	ssyncadd.s32 $0xFFFFE000  }
0x10c: {  	[spmem:s1] =	stream.indirect.scatter.add.f32 [tilespmem:s20], [sflag:$0x3], $0x80, s18, s19, $0xb8;
	[tilespmem:$0x1D280] =	vst v63  }
0x10d: {  	_ =	swait.ge [sflag:s16], $0x2000  }
0x10e: {  	[sflag:s16] =	ssyncset.done $0x0  }
0x10f: {  	s29 =	sadd.s32 $0x1890, s29;
	[sflag:s16] =	ssyncadd.s32 $0xFFFFE000  }
0x110: {  	[tilespmem:s17], [sflag:$0x3] =	stream.linear.gather [hbm4b:s29+s2], $0x40, $0x38;
	[tilespmem:$0x1D280] =	vst v63  }
0x111: {  	_ =	swait.ge [sflag:s16], $0x40  }
0x112: {  	[sflag:s16] =	ssyncset.done $0x0  }
0x113: {  	s29 =	sadd.s32 $0x1890, s30;
	[sflag:s16] =	ssyncadd.s32 $0xFFFFFFC0  }
0x114: {  	[tilespmem:s18], [sflag:$0x3] =	stream.linear.gather [hbm4b:s29+s2], $0x40, $0x38;
	[tilespmem:$0x1D280] =	vst v63  }
0x115: {  	_ =	swait.ge [sflag:s16], $0x40  }
0x116: {  	[sflag:s16] =	ssyncset.done $0x0  }
0x117: {  	[sflag:s16] =	ssyncadd.s32 $0xFFFFFFC0  }
0x118: {  	v3 =	vld [tilespmem:$0x191B0]  }
0x119: {  	v4 =	vld [tilespmem:$0x19180]  }
0x11a: {  	v5 =	vld [tilespmem:$0x19190]  }
0x11b: {  	v6 =	vld [tilespmem:$0x191A0];
	_ =	sdelay $0x1  }
0x11c: {  	v3 =	vsub.s32 v3, v1  }
0x11d: {  	v4 =	vsub.s32 v4, v1;
	vm0 =	vlt.u32 v3, $0x3200  }
0x11e: {  	vm1 =	vlt.u32 v4, $0x3200;
	v5 =	vsub.s32 v5, v1;
	v3 =	vsel vm0, v3, v2  }
.Ltmp1:
0x11f: {  	v4 =	vsel vm1, v4, v2;
	vm0 =	vlt.u32 v5, $0x3200;
	v6 =	vsub.s32 v6, v1;
	[tilespmem:$0x191B0] =	vst v3;
	(pc) =	sbr.rel @p0 .LBB2_4-.Ltmp1, $4  }
0x120: {  	[tilespmem:$0x19180] =	vst v4;
	v3 =	vsel vm0, v5, v2;
	vm0 =	vlt.u32 v6, $0x3200  }
0x121: {  	[tilespmem:$0x19190] =	vst v3;
	v3 =	vsel vm0, v6, v2  }
0x122: {  	[tilespmem:$0x191A0] =	vst v3  }
0x123: {  	[tilespmem:s20], [sflag:$0x1] =	stream.indirect.gather [hbm4b:s4+s19], $0x80, s17, s19, $0xb8;
	[tilespmem:$0x1D280] =	vst v63  }
0x124: {  	_ =	swait.ge [sflag:s25], $0x2000  }
0x125: {  	[sflag:s25] =	ssyncset.done $0x0  }
0x126: {  	[sflag:s25] =	ssyncadd.s32 $0xFFFFE000  }
0x127: {  	[spmem:s1] =	stream.indirect.scatter.add.f32 [tilespmem:s23], [sflag:$0x3], $0x80, s22, s19, $0xb8;
	[tilespmem:$0x1D280] =	vst v63  }
0x128: {  	_ =	swait.ge [sflag:s16], $0x2000  }
0x129: {  	[sflag:s16] =	ssyncset.done $0x0  }
0x12a: {  	[sflag:s16] =	ssyncadd.s32 $0xFFFFE000  }
0x12b: {  	_ =	swait.ge [sflag:s24], $0x2000  }
0x12c: {  	[sflag:s24] =	ssyncset.done $0x0  }
0x12d: {  	s26 =	sadd.s32 $0x1, s26;
	[sflag:s24] =	ssyncadd.s32 $0xFFFFE000  }
0x12e: {  	p0 =	sne.s32 s26, s12;
	[bflag:$0x0] =	sbarrier.arrive $0xFFFF  }
0x12f: {  	[hbm:s11], [sflag:s6] =	dma.local [spmem:s15], $0x3200  }
.Ltmp2:
0x130: {  	_ =	swait.ge [sflag:s16], $0x3200;
	(pc) =	sbr.rel @p0 .LBB2_1-.Ltmp2, $3  }
0x131: {  	[sflag:s16] =	ssyncset.done $0x0  }
0x132: {  	[sflag:s16] =	ssyncadd.s32 $0xFFFFCE00  }
0x133: {  	[bflag:$0x0] =	sbarrier.arrive $0xFFFF;
	_ =	sdelay $0x1  }
0x134: {  	_ =	sfence.sel $0x180000  }
0x135: {  	[bflag:$0x0] =	sbarrier.arrive $0xFFFF  }
0x136: {  	p0 =	sne.s32 s3, $0x0;
	_ =	strace $0x9000004D  }
0x137: {  	s0 =	sadd.s32 @!p0 $0x100000, s0;
	[bflag:$0x2] =	sbarrier.arrive $0xFFFF  }
0x138: {  	[sflag:s0] =	ssyncadd.tile.s32 @!p0 $0x1;
	_ =	shalt  }
.Lfunc_end2:
_tile_overlayer_lowered:
.L_overlay_start_2:
0x139: {  	(tag) =	ssettag $0x2  }
0x13a: {  	s0 =	rddreg [dreg:$0x0];
	s2 =	stileid.u32  }
0x13b: {  	s1 =	rddreg [dreg:$0x1];
	p0 =	sne.s32 s2, $0x0  }
0x13c: {  	s3 =	rddreg [dreg:$0x2];
	[bflag:$0x3] =	sbarrier.arrive $0xFFFF;
	s2 =	simm.s32 @!p0 $0x1C03  }
0x13d: {  	[timem:s3], [sflag:s2] =	dma.local @!p0 [hbm:s0], s1  }
0x13e: {  	s0 =	simm.s32 @!p0 $0x3  }
0x13f: {  	_ =	swait.ge @!p0 [sflag:s0], s1  }
0x140: {  	s1 =	ssub.s32 @!p0 $0x0, s1;
	[sflag:s0] =	ssyncset.done @!p0 $0x0  }
0x141: {  	[sflag:s0] =	ssyncadd.s32 @!p0 s1  }
0x142: {  	[bflag:$0x3] =	sbarrier.arrive $0xFFFF  }
0x143: {  	_ =	shalt  }

// kernel: kernel.20.cloned.1.call-start
scs
__scs_entry_jumppad:
0x0: {  	(pc) =	sbr.rel $0x88, $3  }
0x1: {  	(tag) =	ssettag $0x0;
	lr =	simm.s32 $0x1  }
0x2: {  	[smem:$0x3F8F] =	sst lr;
	_ =	strace $0xD0000000  }
0x3: {  	_ = 	snop  }
0x4: {  	_ = 	snop  }
0x5: {  	_ = 	snop  }
0x6: {  	_ = 	snop  }
0x7: {  	_ = 	snop  }
__scs_overlays_trampoline_lowered:
0x8: {  	[smem:$0x3F9E] =	sst s0  }
0x9: {  	[smem:$0x3F9F] =	sst s1  }
0xa: {  	[smem:$0x3FA0] =	sst s2  }
0xb: {  	[smem:$0x3FA1] =	sst s3  }
0xc: {  	[smem:$0x3FA2] =	sst s4  }
0xd: {  	[smem:$0x3FA3] =	sst s5  }
0xe: {  	[smem:$0x3FA4] =	sst s6  }
0xf: {  	[smem:$0x3FA5] =	sst s7  }
0x10: {  	[smem:$0x3FA6] =	sst s8  }
0x11: {  	[smem:$0x3FA7] =	sst s9;
	s0 =	simm.s32 @!p0 $0x0  }
0x12: {  	s1 =	sld [smem:$0x3F8D];
	s0 =	simm.s32 @p0 $0x1  }
0x13: {  	[smem:$0x3FA8] =	sst s0;
	s0 =	simm.s32 @!p1 $0x0  }
0x14: {  	s2 =	sld [smem:$0x3F8C];
	s0 =	simm.s32 @p1 $0x1  }
0x15: {  	[smem:$0x3FA9] =	sst s0;
	s0 =	simm.s32 @!p2 $0x0  }
0x16: {  	s3 =	sld [smem:$0x3FDB];
	s0 =	simm.s32 @p2 $0x1  }
0x17: {  	s4 =	simm.s32 $0x1BF5;
	[smem:$0x3FAB] =	sst s0  }
0x18: {  	s0 =	sld [smem:$0x3F8E];
	_ =	swait.ge [sflag:s4], $0x0  }
0x19: {  	s7 =	sld [smem:$0x3F8F]  }
0x1a: {  	s8 =	sadd.s32 $0xFFFFE003, lr  }
0x1b: {  	s9 =	sadd.s32 $0xFFFFFEF7, lr;
	s5 =	simm.s32 $0xFFFFFFFF;
	p2 =	slt.u32 s8, $0xFFFFF086  }
0x1c: {  	p1 =	slt.u32 s9, $0xF7A;
	s5 =	simm.s32 @!p2 $0x0  }
0x1d: {  	s5 =	simm.s32 @p1 $0x1;
	p0 =	seq.s32 s7, s2  }
0x1e: {  	s7 =	smul.u32 @!p0 $0xF7A, s2;
	p2 =	seq.s32 @!p0 s5, $0x0  }
0x1f: {  	s9 =	smul.u32 $0xF7A, s1;
	s8 =	simm.s32 @!p0 $0x1BF5;
	p2 =	por !p2, p0  }
0x20: {  	[sflag:s8] =	ssyncset.s32 @!p0 $0xFFFFF086;
	s6 =	sadd.s32 @!p0 s3, s7;
	s7 =	simm.s32 @!p0 $0x108  }
0x21: {  	s3 =	sadd.s32 s3, s9;
	s6 =	sadd.s32 @!p0 $0x88, s6;
	s7 =	simm.s32 @p2 $0x1082  }
0x22: {  	[simem:s7], [sflag:s8] =	dma.local @!p0 [hbm:s6], $0xF7A  }
0x23: {  	s9 =	sor.u32 $0xD0000000, s2;
	s6 =	simm.s32 $0x108;
	_ =	swait.ge @!p0 [sflag:s8], $0x0  }
0x24: {  	s3 =	sadd.s32 $0x88, s3;
	s6 =	simm.s32 @!p1 $0x1082;
	[sflag:s4] =	ssyncset.s32 $0xFFFFF086  }
0x25: {  	[simem:s6], [sflag:s4] =	dma.local [hbm:s3], $0xF7A  }
0x26: {  	[smem:$0x3F8F] =	sst s1;
	(tag) =	ssettag s2;
	_ =	strace s9  }
0x27: {  	s1 =	sld [smem:$0x3F9F]  }
0x28: {  	s2 =	sld [smem:$0x3FA0]  }
0x29: {  	s4 =	sld [smem:$0x3FA2]  }
0x2a: {  	p0 =	seq.s32 s5, $0x0;
	s5 =	sld [smem:$0x3FA3]  }
0x2b: {  	s6 =	sld [smem:$0x3FA4]  }
0x2c: {  	s7 =	sld [smem:$0x3FA5]  }
0x2d: {  	s3 =	simm.s32 $0x108;
	s8 =	sld [smem:$0x3FA6]  }
0x2e: {  	s3 =	simm.s32 @!p0 $0x1082;
	s9 =	sld [smem:$0x3FA7]  }
0x2f: {  	lr =	sadd.s32 s0, s3;
	s0 =	sld [smem:$0x3F9E]  }
0x30: {  	s3 =	sld [smem:$0x3FA1]  }
0x31: {  	[smem:$0x3FAA] =	sst s10  }
0x32: {  	s10 =	sld [smem:$0x3FA8];
	_ =	sdelay $0x3  }
0x33: {  	p0 =	seq.s32 s10, $0x1;
	s10 =	sld [smem:$0x3FAA];
	_ =	sdelay $0x3  }
0x34: {  	[smem:$0x3FAA] =	sst s10  }
0x35: {  	s10 =	sld [smem:$0x3FA9];
	_ =	sdelay $0x3  }
0x36: {  	p1 =	seq.s32 s10, $0x1;
	s10 =	sld [smem:$0x3FAA];
	_ =	sdelay $0x3  }
0x37: {  	[smem:$0x3FAA] =	sst s10  }
0x38: {  	s10 =	sld [smem:$0x3FAB]  }
0x39: {  	_ = 	snop;
	(pc) =	sbr.ind lr, $3  }
0x3a: {  	_ = 	snop  }
0x3b: {  	_ = 	snop  }
0x3c: {  	p2 =	seq.s32 s10, $0x1;
	s10 =	sld [smem:$0x3FAA]  }
0x3d: {  	_ =	shalt  }
0x3e: {  	_ =	shalt  }
0x3f: {  	_ =	shalt  }
0x40: {  	_ =	shalt  }
0x41: {  	_ =	shalt  }
0x42: {  	_ =	shalt  }
0x43: {  	_ =	shalt  }
0x44: {  	_ =	shalt  }
0x45: {  	_ =	shalt  }
0x46: {  	_ =	shalt  }
0x47: {  	_ =	shalt  }
0x48: {  	_ =	shalt  }
0x49: {  	_ =	shalt  }
0x4a: {  	_ =	shalt  }
0x4b: {  	_ =	shalt  }
0x4c: {  	_ =	shalt  }
0x4d: {  	_ =	shalt  }
0x4e: {  	_ =	shalt  }
0x4f: {  	_ =	shalt  }
0x50: {  	_ =	shalt  }
0x51: {  	_ =	shalt  }
0x52: {  	_ =	shalt  }
0x53: {  	_ =	shalt  }
0x54: {  	_ =	shalt  }
0x55: {  	_ =	shalt  }
0x56: {  	_ =	shalt  }
0x57: {  	_ =	shalt  }
0x58: {  	_ =	shalt  }
0x59: {  	_ =	shalt  }
0x5a: {  	_ =	shalt  }
0x5b: {  	_ =	shalt  }
0x5c: {  	_ =	shalt  }
0x5d: {  	_ =	shalt  }
0x5e: {  	_ =	shalt  }
0x5f: {  	_ =	shalt  }
0x60: {  	_ =	shalt  }
0x61: {  	_ =	shalt  }
0x62: {  	_ =	shalt  }
0x63: {  	_ =	shalt  }
0x64: {  	_ =	shalt  }
0x65: {  	_ =	shalt  }
0x66: {  	_ =	shalt  }
0x67: {  	_ =	shalt  }
0x68: {  	_ =	shalt  }
0x69: {  	_ =	shalt  }
0x6a: {  	_ =	shalt  }
0x6b: {  	_ =	shalt  }
0x6c: {  	_ =	shalt  }
0x6d: {  	_ =	shalt  }
0x6e: {  	_ =	shalt  }
0x6f: {  	_ =	shalt  }
0x70: {  	_ =	shalt  }
0x71: {  	_ =	shalt  }
0x72: {  	_ =	shalt  }
0x73: {  	_ =	shalt  }
0x74: {  	_ =	shalt  }
0x75: {  	_ =	shalt  }
0x76: {  	_ =	shalt  }
0x77: {  	_ =	shalt  }
0x78: {  	_ =	shalt  }
0x79: {  	_ =	shalt  }
0x7a: {  	_ =	shalt  }
0x7b: {  	_ =	shalt  }
0x7c: {  	_ =	shalt  }
0x7d: {  	_ =	shalt  }
0x7e: {  	_ =	shalt  }
0x7f: {  	_ =	shalt  }
0x80: {  	_ =	shalt  }
0x81: {  	_ =	shalt  }
0x82: {  	_ =	shalt  }
0x83: {  	_ =	shalt  }
0x84: {  	_ =	shalt  }
0x85: {  	_ =	shalt  }
0x86: {  	_ =	shalt  }
0x87: {  	_ =	shalt  }
.Lfunc_end0:
.L_simem_size_0:
called_computation.3_lowered:
.L_overlay_start_0:
0x88: {  	s2 =	sld [smem:$0x3FD9]  }
0x89: {  	s3 =	sld [smem:$0x3FFE];
	_ =	sdelay $0x1  }
0x8a: {  	s1 =	srdreg.scid  }
0x8b: {  	s0 =	sand.u32 $0x1, s1  }
0x8c: {  	s16 =	sshll.u32 s0, $0xA;
	s2 =	sadd.s32 s3, s2  }
0x8d: {  	s2 =	sadd.s32 s2, s16  }
0x8e: {  	[smem:$0x3FB6] =	sst s2  }
0x8f: {  	_ = 	snop  }
0x90: {  	(tm) =	ssettm $0x1  }
0x91: {  	s17 =	sld [smem:$0x3FFB];
	_ =	sdelay $0x3  }
0x92: {  	_ =	strace s17  }
0x93: {  	s2 =	sld [smem:$0x3FFC];
	_ =	sdelay $0x3  }
0x94: {  	_ =	strace s2  }
0x95: {  	s2 =	sld [smem:$0x3FFD];
	_ =	sdelay $0x3  }
0x96: {  	_ =	strace s2  }
0x97: {  	_ =	strace $0x8FFFFFFF  }
0x98: {  	s18 =	sld [smem:$0x3FDB];
	_ =	sdelay $0x1  }
0x99: {  	s19 =	simm.s32 $_scs_section_size  }
0x9a: {  	s4 =	simm.s32 $_size__tile_overlayer_lowered;
	s5 =	simm.s32 $_tile_overlayer_lowered  }
0x9b: {  	s22 =	simm.s32 $0x1BFF;
	s21 =	sshll.u32 s5, $0x1;
	s2 =	sadd.s32 s19, s18  }
0x9c: {  	s6 =	simm.s32 $0x0;
	s20 =	sshll.u32 s4, $0x1;
	s4 =	sadd.s32 s21, s2  }
0x9d: {  	[timem:s6], [sflag:s22] =	dma.local [hbm:s4], s20  }
0x9e: {  	_ =	swait.ge [sflag:s22], s20  }
0x9f: {  	s3 =	ssub.s32 $0x0, s20;
	[sflag:s22] =	ssyncset.done $0x0  }
0xa0: {  	[sflag:s22] =	ssyncadd.s32 s3;
	_ =	sdelay $0x1  }
0xa1: {  	s23 =	simm.s32 $0x1B8B  }
0xa2: {  	_ =	swait.ge [sflag:s23], $0x1  }
0xa3: {  	[sflag:s23] =	ssyncset.done $0x0  }
0xa4: {  	s25 =	simm.s32 $0x1B8E;
	s24 =	sld [smem:$0x3FFE];
	[sflag:s23] =	ssyncadd.s32 $0xFFFFFFFF  }
0xa5: {  	s26 =	simm.s32 $execute0_lowered;
	[smem:$0x3FD2] =	sst s25  }
0xa6: {  	s4 =	sshll.u32 s26, $0x1;
	_ =	strace $0x8000004F;
	[dreg:$0x1] =	wrdreg $0xFFFFFFFF  }
0xa7: {  	s28 =	simm.s32 $_size_execute0_lowered;
	s2 =	sadd.s32 s2, s4;
	[dreg:$0x0] =	wrdreg $0x0  }
0xa8: {  	s4 =	sshll.u32 s28, $0x1;
	[dreg:$0x2] =	wrdreg s2  }
0xa9: {  	[dreg:$0x3] =	wrdreg s4  }
0xaa: {  	[dreg:$0x4] =	wrdreg $0xC0  }
0xab: {  	_ =	task [dreg:s6], $0x5FFFF  }
0xac: {  	[dreg:$0x1] =	wrdreg $0xFFFFFFFF  }
0xad: {  	[dreg:$0x0] =	wrdreg $0x60  }
0xae: {  	[dreg:$0x2] =	wrdreg s24  }
0xaf: {  	[dreg:$0x3] =	wrdreg $0x0  }
0xb0: {  	[dreg:$0x4] =	wrdreg $0x9  }
0xb1: {  	_ =	task.clear_ibuf [dreg:s6], $0x5FFFF;
	_ =	strace $0x9000004F  }
0xb2: {  	s29 =	simm.s32 $0x9;
	_ =	strace $0x80000051  }
0xb3: {  	_ =	swait.ge [sflag:s29], $0x1  }
0xb4: {  	[sflag:s29] =	ssyncadd.s32 $0xFFFFFFFF  }
0xb5: {  	_ =	strace $0x90000051  }
0xb6: {  	_ =	sfence  }
0xb7: {  	s30 =	sld [smem:$0x0];
	_ =	sdelay $0x2  }
0xb8: {  	s31 =	sshll.u32 s1, $0xD;
	s1 =	sshrl.u32 s1, $0x2  }
0xb9: {  	s3 =	sand.u32 $0x4000, s31;
	s1 =	sadd.s32 s1, s30  }
0xba: {  	s0 =	sor.u32 s3, s0;
	s1 =	sshll.u32 s1, $0x11  }
0xbb: {  	s0 =	sor.u32 s1, s0  }
0xbc: {  	s0 =	sadd.s32 $0x8F2B, s0  }
0xbd: {  	[sflag:s0] =	ssyncadd.remote.s32 $0x1  }
0xbe: {  	_ =	sfence.sel $0xFFFF  }
0xbf: {  	[dreg:$0x0] =	wrdreg $0xFFFFFFFF;
	(pc) =	sbr.abs _section_cstart, $3  }
0xc0: {  	[dreg:$0x1] =	wrdreg $0xFFFFFFFF  }
0xc1: {  	_ =	task.clear_ibuf [dreg:s6], $0x2FFFF;
	_ =	strace $0x9FFFFFFF  }
0xc2: {  	(tm) =	ssettm $0x7FFFFFFF  }
0xc3: {  	_ =	shalt  }
tec
execute0_lowered:
.L_overlay_start_1:
0x0: {  	(tag) =	ssettag $0x1  }
0x1: {  	s5 =	rddreg [dreg:$0x0]  }
0x2: {  	s1 =	rddreg [dreg:$0x1]  }
0x3: {  	s0 =	rddreg [dreg:$0x2];
	s2 =	simm.s32 $0x0  }
0x4: {  	s3 =	srdreg.scid;
	s18 =	simm.s32 $0x19180;
	s19 =	simm.s32 $0x40  }
0x5: {  	s20 =	simm.s32 $0x19280;
	s21 =	simm.s32 $0x19100;
	s22 =	simm.s32 $0x19200  }
0x6: {  	s23 =	simm.s32 $0x1B280;
	s26 =	simm.s32 $0x0;
	s6 =	sand.u32 $0x1, s3  }
0x7: {  	s4 =	sadd.s32 $0x1F8600, s5;
	s3 =	stileid.u32;
	s24 =	smul.u32 $0x6400, s6  }
0x8: {  	[smem:$0x7FF] =	sst s2;
	s14 =	sadd.s32 $0x117C00, s5;
	s8 =	smul.u32 $0x320, s3  }
0x9: {  	s13 =	sadd.s32 $0x3000, s5;
	s11 =	sadd.s32 $0x130600, s5;
	s7 =	smul.u32 $0x64000, s3  }
0xa: {  	_ =	strace $0x80000050;
	s6 =	ssub.s32 $0x2, s6;
	s10 =	smul.u32 $0xC400, s3  }
0xb: {  	s31 =	sshll.u32 s3, $0x6;
	s17 =	smul.u32 $0x1880, s3;
	s30 =	sshrl.u32 s6, $0x1  }
0xc: {  	s9 =	sadd.s32 s8, s24;
	s7 =	sshrl.u32 s7, $0x2;
	s12 =	ssub.s32 s6, s30  }
0xd: {  	s10 =	sshrl.u32 s10, $0x3;
	s25 =	sadd.s32 $0x3200, s24;
	s6 =	sor.u32 $0x1C03, s31  }
0xe: {  	v0 =	vmov s24;
	s24 =	simm.s32 $0x1;
	s9 =	sshll.u32 s9, $0x4;
	s15 =	sadd.s32 s7, s1  }
0xf: {  	s7 =	sadd.s32 s14, s10;
	s16 =	sadd.s32 s8, s25;
	s8 =	sadd.s32 s13, s10  }
0x10: {  	s12 =	smax.u32 s12, $0x1;
	s13 =	sadd.s32 s17, s13;
	s14 =	sadd.s32 s17, s14  }
0x11: {  	s17 =	simm.s32 $0x19080;
	v1 =	vmov s25;
	s25 =	simm.s32 $0x2;
	s5 =	sadd.s32 s4, s9  }
0x12: {  	v2 =	vlaneseq.u32;
	s16 =	sshll.u32 s16, $0x4;
	s9 =	sadd.s32 s11, s9;
	s15 =	sshrl.u32 s15, $0x3  }
0x13: {  	v2 =	vor.u32 $0x3200, v2;
	s10 =	sadd.s32 s4, s16;
	s11 =	sadd.s32 s11, s16;
	s16 =	simm.s32 $0x3  }
.LBB2_1:
0x14: {  	[spmem:s15], [sflag:s6] =	dma.local [hbm:s5], $0x3200  }
0x15: {  	_ =	swait.ge [sflag:s16], $0x3200  }
0x16: {  	[sflag:s16] =	ssyncset.done $0x0  }
0x17: {  	[sflag:s16] =	ssyncadd.s32 $0xFFFFCE00  }
0x18: {  	[bflag:$0x0] =	sbarrier.arrive $0xFFFF  }
0x19: {  	[tilespmem:s17], [sflag:$0x3] =	stream.linear.gather [hbm4b:s7+s2], $0x40, $0x38;
	[tilespmem:$0x1D280] =	vst v63  }
0x1a: {  	_ =	swait.ge [sflag:s16], $0x40  }
0x1b: {  	[sflag:s16] =	ssyncset.done $0x0  }
0x1c: {  	[sflag:s16] =	ssyncadd.s32 $0xFFFFFFC0  }
0x1d: {  	[tilespmem:s18], [sflag:$0x3] =	stream.linear.gather [hbm4b:s8+s2], $0x40, $0x38;
	[tilespmem:$0x1D280] =	vst v63  }
0x1e: {  	_ =	swait.ge [sflag:s16], $0x40  }
0x1f: {  	[sflag:s16] =	ssyncset.done $0x0  }
0x20: {  	[sflag:s16] =	ssyncadd.s32 $0xFFFFFFC0  }
0x21: {  	v3 =	vld [tilespmem:$0x19180]  }
0x22: {  	v4 =	vld [tilespmem:$0x19190]  }
0x23: {  	v5 =	vld [tilespmem:$0x191A0]  }
0x24: {  	v6 =	vld [tilespmem:$0x191B0];
	_ =	sdelay $0x1  }
0x25: {  	v3 =	vsub.s32 v3, v0  }
0x26: {  	v4 =	vsub.s32 v4, v0;
	vm0 =	vlt.u32 v3, $0x3200  }
0x27: {  	v5 =	vsub.s32 v5, v0;
	vm6 =	vlt.u32 v4, $0x3200;
	v3 =	vsel vm0, v3, v2  }
0x28: {  	v56 =	vsub.s32 v6, v0;
	vm7 =	vlt.u32 v5, $0x3200;
	[tilespmem:$0x19180] =	vst v3;
	v3 =	vsel vm6, v4, v2  }
0x29: {  	vm8 =	vlt.u32 v56, $0x3200;
	[tilespmem:$0x19190] =	vst v3;
	v3 =	vsel vm7, v5, v2  }
0x2a: {  	[tilespmem:$0x191A0] =	vst v3;
	v3 =	vsel vm8, v56, v2  }
0x2b: {  	s28 =	sadd.s32 $0xFFFFE780, s14;
	[tilespmem:$0x191B0] =	vst v3  }
0x2c: {  	[tilespmem:s20], [sflag:$0x1] =	stream.indirect.gather [hbm4b:s4+s19], $0x80, s17, s19, $0xb8;
	[tilespmem:$0x1D280] =	vst v63  }
0x2d: {  	s29 =	sadd.s32 $0x1888, s28  }
0x2e: {  	[tilespmem:s21], [sflag:$0x3] =	stream.linear.gather [hbm4b:s29+s2], $0x40, $0x38;
	[tilespmem:$0x1D280] =	vst v63  }
0x2f: {  	_ =	swait.ge [sflag:s16], $0x40  }
0x30: {  	s31 =	sadd.s32 $0xFFFFE780, s13;
	[sflag:s16] =	ssyncset.done $0x0  }
0x31: {  	s30 =	sadd.s32 $0x1888, s31;
	[sflag:s16] =	ssyncadd.s32 $0xFFFFFFC0  }
0x32: {  	[tilespmem:s22], [sflag:$0x3] =	stream.linear.gather [hbm4b:s30+s2], $0x40, $0x38;
	[tilespmem:$0x1D280] =	vst v63  }
0x33: {  	_ =	swait.ge [sflag:s16], $0x40  }
0x34: {  	[sflag:s16] =	ssyncset.done $0x0  }
0x35: {  	[sflag:s16] =	ssyncadd.s32 $0xFFFFFFC0  }
0x36: {  	v3 =	vld [tilespmem:$0x19230]  }
0x37: {  	v57 =	vld [tilespmem:$0x19220]  }
0x38: {  	v59 =	vld [tilespmem:$0x19200]  }
0x39: {  	v58 =	vld [tilespmem:$0x19210];
	_ =	sdelay $0x1  }
0x3a: {  	v3 =	vsub.s32 v3, v0  }
0x3b: {  	v4 =	vsub.s32 v57, v0;
	vm9 =	vlt.u32 v3, $0x3200  }
0x3c: {  	v6 =	vsub.s32 v59, v0;
	vm1 =	vlt.u32 v4, $0x3200;
	v3 =	vsel vm9, v3, v2  }
0x3d: {  	v5 =	vsub.s32 v58, v0;
	vm11 =	vlt.u32 v6, $0x3200;
	v4 =	vsel vm1, v4, v2;
	[tilespmem:$0x19230] =	vst v3  }
0x3e: {  	vm10 =	vlt.u32 v5, $0x3200;
	v60 =	vsel vm11, v6, v2;
	[tilespmem:$0x19220] =	vst v4  }
0x3f: {  	v3 =	vsel vm10, v5, v2;
	[tilespmem:$0x19200] =	vst v60  }
0x40: {  	[tilespmem:$0x19210] =	vst v3  }
0x41: {  	[tilespmem:s23], [sflag:$0x2] =	stream.indirect.gather [hbm4b:s4+s19], $0x80, s21, s19, $0xb8;
	[tilespmem:$0x1D280] =	vst v63  }
0x42: {  	_ =	swait.ge [sflag:s24], $0x2000  }
0x43: {  	[sflag:s24] =	ssyncset.done $0x0  }
0x44: {  	[sflag:s24] =	ssyncadd.s32 $0xFFFFE000  }
0x45: {  	[spmem:s1] =	stream.indirect.scatter.add.f32 [tilespmem:s20], [sflag:$0x3], $0x80, s18, s19, $0xb8;
	[tilespmem:$0x1D280] =	vst v63  }
0x46: {  	_ =	swait.ge [sflag:s16], $0x2000  }
0x47: {  	[sflag:s16] =	ssyncset.done $0x0  }
0x48: {  	s28 =	sadd.s32 $0x1890, s28;
	[sflag:s16] =	ssyncadd.s32 $0xFFFFE000  }
0x49: {  	[tilespmem:s17], [sflag:$0x3] =	stream.linear.gather [hbm4b:s28+s2], $0x40, $0x38;
	[tilespmem:$0x1D280] =	vst v63  }
0x4a: {  	_ =	swait.ge [sflag:s16], $0x40  }
0x4b: {  	[sflag:s16] =	ssyncset.done $0x0  }
0x4c: {  	s28 =	sadd.s32 $0x1890, s31;
	[sflag:s16] =	ssyncadd.s32 $0xFFFFFFC0  }
0x4d: {  	[tilespmem:s18], [sflag:$0x3] =	stream.linear.gather [hbm4b:s28+s2], $0x40, $0x38;
	[tilespmem:$0x1D280] =	vst v63  }
0x4e: {  	_ =	swait.ge [sflag:s16], $0x40  }
0x4f: {  	[sflag:s16] =	ssyncset.done $0x0  }
0x50: {  	[sflag:s16] =	ssyncadd.s32 $0xFFFFFFC0  }
0x51: {  	v3 =	vld [tilespmem:$0x191B0]  }
0x52: {  	v61 =	vld [tilespmem:$0x19180]  }
0x53: {  	v62 =	vld [tilespmem:$0x19190]  }
0x54: {  	v63 =	vld [tilespmem:$0x191A0];
	_ =	sdelay $0x1  }
0x55: {  	v3 =	vsub.s32 v3, v0  }
0x56: {  	v4 =	vsub.s32 v61, v0;
	vm12 =	vlt.u32 v3, $0x3200  }
0x57: {  	v5 =	vsub.s32 v62, v0;
	vm13 =	vlt.u32 v4, $0x3200;
	v3 =	vsel vm12, v3, v2  }
0x58: {  	v6 =	vsub.s32 v63, v0;
	vm14 =	vlt.u32 v5, $0x3200;
	v4 =	vsel vm13, v4, v2;
	[tilespmem:$0x191B0] =	vst v3  }
0x59: {  	vm15 =	vlt.u32 v6, $0x3200;
	[tilespmem:$0x19180] =	vst v4;
	v3 =	vsel vm14, v5, v2  }
0x5a: {  	[tilespmem:$0x19190] =	vst v3;
	v3 =	vsel vm15, v6, v2  }
0x5b: {  	s28 =	simm.s32 $0xFFFFE790;
	[tilespmem:$0x191A0] =	vst v3  }
0x5c: {  	[tilespmem:s20], [sflag:$0x1] =	stream.indirect.gather [hbm4b:s4+s19], $0x80, s17, s19, $0xb8;
	[tilespmem:$0x1D280] =	vst v63  }
.LBB2_2:
0x5d: {  	p0 =	sne.s32 s28, $0xFFFFFFF0  }
0x5e: {  	_ =	swait.ge [sflag:s25], $0x2000;
	s30 =	smov.u32 s28;
	s28 =	sadd.s32 $0x10, s28  }
0x5f: {  	[sflag:s25] =	ssyncset.done $0x0  }
0x60: {  	[sflag:s25] =	ssyncadd.s32 $0xFFFFE000  }
0x61: {  	[spmem:s1] =	stream.indirect.scatter.add.f32 [tilespmem:s23], [sflag:$0x3], $0x80, s22, s19, $0xb8;
	[tilespmem:$0x1D280] =	vst v63  }
0x62: {  	_ =	swait.ge [sflag:s16], $0x2000  }
0x63: {  	s29 =	sadd.s32 s30, s14;
	[sflag:s16] =	ssyncset.done $0x0  }
0x64: {  	s31 =	sadd.s32 $0x1888, s29;
	[sflag:s16] =	ssyncadd.s32 $0xFFFFE000  }
0x65: {  	[tilespmem:s21], [sflag:$0x3] =	stream.linear.gather [hbm4b:s31+s2], $0x40, $0x38;
	[tilespmem:$0x1D280] =	vst v63  }
0x66: {  	_ =	swait.ge [sflag:s16], $0x40  }
0x67: {  	s30 =	sadd.s32 s30, s13;
	[sflag:s16] =	ssyncset.done $0x0  }
0x68: {  	s31 =	sadd.s32 $0x1888, s30;
	[sflag:s16] =	ssyncadd.s32 $0xFFFFFFC0  }
0x69: {  	[tilespmem:s22], [sflag:$0x3] =	stream.linear.gather [hbm4b:s31+s2], $0x40, $0x38;
	[tilespmem:$0x1D280] =	vst v63  }
0x6a: {  	_ =	swait.ge [sflag:s16], $0x40  }
0x6b: {  	[sflag:s16] =	ssyncset.done $0x0  }
0x6c: {  	[sflag:s16] =	ssyncadd.s32 $0xFFFFFFC0  }
0x6d: {  	v3 =	vld [tilespmem:$0x19230]  }
0x6e: {  	v4 =	vld [tilespmem:$0x19220]  }
0x6f: {  	v5 =	vld [tilespmem:$0x19210]  }
0x70: {  	v6 =	vld [tilespmem:$0x19200];
	_ =	sdelay $0x1  }
0x71: {  	v3 =	vsub.s32 v3, v0  }
0x72: {  	v4 =	vsub.s32 v4, v0;
	vm0 =	vlt.u32 v3, $0x3200  }
0x73: {  	v5 =	vsub.s32 v5, v0;
	vm1 =	vlt.u32 v4, $0x3200;
	v3 =	vsel vm0, v3, v2  }
0x74: {  	v6 =	vsub.s32 v6, v0;
	vm0 =	vlt.u32 v5, $0x3200;
	v4 =	vsel vm1, v4, v2;
	[tilespmem:$0x19230] =	vst v3  }
0x75: {  	vm1 =	vlt.u32 v6, $0x3200;
	v3 =	vsel vm0, v5, v2;
	[tilespmem:$0x19220] =	vst v4  }
0x76: {  	v4 =	vsel vm1, v6, v2;
	[tilespmem:$0x19210] =	vst v3  }
0x77: {  	[tilespmem:$0x19200] =	vst v4  }
0x78: {  	[tilespmem:s23], [sflag:$0x2] =	stream.indirect.gather [hbm4b:s4+s19], $0x80, s21, s19, $0xb8;
	[tilespmem:$0x1D280] =	vst v63  }
0x79: {  	_ =	swait.ge [sflag:s24], $0x2000  }
0x7a: {  	[sflag:s24] =	ssyncset.done $0x0  }
0x7b: {  	[sflag:s24] =	ssyncadd.s32 $0xFFFFE000  }
0x7c: {  	[spmem:s1] =	stream.indirect.scatter.add.f32 [tilespmem:s20], [sflag:$0x3], $0x80, s18, s19, $0xb8;
	[tilespmem:$0x1D280] =	vst v63  }
0x7d: {  	_ =	swait.ge [sflag:s16], $0x2000  }
0x7e: {  	[sflag:s16] =	ssyncset.done $0x0  }
0x7f: {  	s29 =	sadd.s32 $0x1890, s29;
	[sflag:s16] =	ssyncadd.s32 $0xFFFFE000  }
0x80: {  	[tilespmem:s17], [sflag:$0x3] =	stream.linear.gather [hbm4b:s29+s2], $0x40, $0x38;
	[tilespmem:$0x1D280] =	vst v63  }
0x81: {  	_ =	swait.ge [sflag:s16], $0x40  }
0x82: {  	[sflag:s16] =	ssyncset.done $0x0  }
0x83: {  	s29 =	sadd.s32 $0x1890, s30;
	[sflag:s16] =	ssyncadd.s32 $0xFFFFFFC0  }
0x84: {  	[tilespmem:s18], [sflag:$0x3] =	stream.linear.gather [hbm4b:s29+s2], $0x40, $0x38;
	[tilespmem:$0x1D280] =	vst v63  }
0x85: {  	_ =	swait.ge [sflag:s16], $0x40  }
0x86: {  	[sflag:s16] =	ssyncset.done $0x0  }
0x87: {  	[sflag:s16] =	ssyncadd.s32 $0xFFFFFFC0  }
0x88: {  	v3 =	vld [tilespmem:$0x191B0]  }
0x89: {  	v4 =	vld [tilespmem:$0x19180]  }
0x8a: {  	v5 =	vld [tilespmem:$0x19190]  }
0x8b: {  	v6 =	vld [tilespmem:$0x191A0];
	_ =	sdelay $0x1  }
0x8c: {  	v3 =	vsub.s32 v3, v0  }
0x8d: {  	v4 =	vsub.s32 v4, v0;
	vm0 =	vlt.u32 v3, $0x3200  }
0x8e: {  	vm1 =	vlt.u32 v4, $0x3200;
	v5 =	vsub.s32 v5, v0;
	v3 =	vsel vm0, v3, v2  }
.Ltmp0:
0x8f: {  	v4 =	vsel vm1, v4, v2;
	vm0 =	vlt.u32 v5, $0x3200;
	v6 =	vsub.s32 v6, v0;
	[tilespmem:$0x191B0] =	vst v3;
	(pc) =	sbr.rel @p0 .LBB2_2-.Ltmp0, $4  }
0x90: {  	[tilespmem:$0x19180] =	vst v4;
	v3 =	vsel vm0, v5, v2;
	vm0 =	vlt.u32 v6, $0x3200  }
0x91: {  	[tilespmem:$0x19190] =	vst v3;
	v3 =	vsel vm0, v6, v2  }
0x92: {  	[tilespmem:$0x191A0] =	vst v3  }
0x93: {  	[tilespmem:s20], [sflag:$0x1] =	stream.indirect.gather [hbm4b:s4+s19], $0x80, s17, s19, $0xb8;
	[tilespmem:$0x1D280] =	vst v63  }
0x94: {  	_ =	swait.ge [sflag:s25], $0x2000  }
0x95: {  	[sflag:s25] =	ssyncset.done $0x0  }
0x96: {  	[sflag:s25] =	ssyncadd.s32 $0xFFFFE000  }
0x97: {  	[spmem:s1] =	stream.indirect.scatter.add.f32 [tilespmem:s23], [sflag:$0x3], $0x80, s22, s19, $0xb8;
	[tilespmem:$0x1D280] =	vst v63  }
0x98: {  	_ =	swait.ge [sflag:s16], $0x2000  }
0x99: {  	[sflag:s16] =	ssyncset.done $0x0  }
0x9a: {  	[sflag:s16] =	ssyncadd.s32 $0xFFFFE000  }
0x9b: {  	_ =	swait.ge [sflag:s24], $0x2000  }
0x9c: {  	[sflag:s24] =	ssyncset.done $0x0  }
0x9d: {  	[sflag:s24] =	ssyncadd.s32 $0xFFFFE000  }
0x9e: {  	[bflag:$0x0] =	sbarrier.arrive $0xFFFF  }
0x9f: {  	[hbm:s9], [sflag:s6] =	dma.local [spmem:s15], $0x3200  }
0xa0: {  	_ =	swait.ge [sflag:s16], $0x3200  }
0xa1: {  	[sflag:s16] =	ssyncset.done $0x0  }
0xa2: {  	[sflag:s16] =	ssyncadd.s32 $0xFFFFCE00  }
0xa3: {  	[bflag:$0x0] =	sbarrier.arrive $0xFFFF  }
0xa4: {  	[spmem:s15], [sflag:s6] =	dma.local [hbm:s10], $0x3200  }
0xa5: {  	_ =	swait.ge [sflag:s16], $0x3200  }
0xa6: {  	[sflag:s16] =	ssyncset.done $0x0  }
0xa7: {  	[sflag:s16] =	ssyncadd.s32 $0xFFFFCE00  }
0xa8: {  	[bflag:$0x0] =	sbarrier.arrive $0xFFFF  }
0xa9: {  	[tilespmem:s17], [sflag:$0x3] =	stream.linear.gather [hbm4b:s7+s2], $0x40, $0x38;
	[tilespmem:$0x1D280] =	vst v63  }
0xaa: {  	_ =	swait.ge [sflag:s16], $0x40  }
0xab: {  	[sflag:s16] =	ssyncset.done $0x0  }
0xac: {  	[sflag:s16] =	ssyncadd.s32 $0xFFFFFFC0  }
0xad: {  	[tilespmem:s18], [sflag:$0x3] =	stream.linear.gather [hbm4b:s8+s2], $0x40, $0x38;
	[tilespmem:$0x1D280] =	vst v63  }
0xae: {  	_ =	swait.ge [sflag:s16], $0x40  }
0xaf: {  	[sflag:s16] =	ssyncset.done $0x0  }
0xb0: {  	[sflag:s16] =	ssyncadd.s32 $0xFFFFFFC0  }
0xb1: {  	v3 =	vld [tilespmem:$0x19180]  }
0xb2: {  	v4 =	vld [tilespmem:$0x19190]  }
0xb3: {  	v5 =	vld [tilespmem:$0x191A0]  }
0xb4: {  	v6 =	vld [tilespmem:$0x191B0];
	_ =	sdelay $0x1  }
0xb5: {  	v3 =	vsub.s32 v3, v1  }
0xb6: {  	v4 =	vsub.s32 v4, v1;
	vm0 =	vlt.u32 v3, $0x3200  }
0xb7: {  	v5 =	vsub.s32 v5, v1;
	vm6 =	vlt.u32 v4, $0x3200;
	v3 =	vsel vm0, v3, v2  }
0xb8: {  	v56 =	vsub.s32 v6, v1;
	vm7 =	vlt.u32 v5, $0x3200;
	[tilespmem:$0x19180] =	vst v3;
	v3 =	vsel vm6, v4, v2  }
0xb9: {  	vm8 =	vlt.u32 v56, $0x3200;
	[tilespmem:$0x19190] =	vst v3;
	v3 =	vsel vm7, v5, v2  }
0xba: {  	[tilespmem:$0x191A0] =	vst v3;
	v3 =	vsel vm8, v56, v2  }
0xbb: {  	s28 =	sadd.s32 $0xFFFFE780, s14;
	[tilespmem:$0x191B0] =	vst v3  }
0xbc: {  	[tilespmem:s20], [sflag:$0x1] =	stream.indirect.gather [hbm4b:s4+s19], $0x80, s17, s19, $0xb8;
	[tilespmem:$0x1D280] =	vst v63  }
0xbd: {  	s29 =	sadd.s32 $0x1888, s28  }
0xbe: {  	[tilespmem:s21], [sflag:$0x3] =	stream.linear.gather [hbm4b:s29+s2], $0x40, $0x38;
	[tilespmem:$0x1D280] =	vst v63  }
0xbf: {  	_ =	swait.ge [sflag:s16], $0x40  }
0xc0: {  	s31 =	sadd.s32 $0xFFFFE780, s13;
	[sflag:s16] =	ssyncset.done $0x0  }
0xc1: {  	s30 =	sadd.s32 $0x1888, s31;
	[sflag:s16] =	ssyncadd.s32 $0xFFFFFFC0  }
0xc2: {  	[tilespmem:s22], [sflag:$0x3] =	stream.linear.gather [hbm4b:s30+s2], $0x40, $0x38;
	[tilespmem:$0x1D280] =	vst v63  }
0xc3: {  	_ =	swait.ge [sflag:s16], $0x40  }
0xc4: {  	[sflag:s16] =	ssyncset.done $0x0  }
0xc5: {  	[sflag:s16] =	ssyncadd.s32 $0xFFFFFFC0  }
0xc6: {  	v3 =	vld [tilespmem:$0x19230]  }
0xc7: {  	v57 =	vld [tilespmem:$0x19220]  }
0xc8: {  	v59 =	vld [tilespmem:$0x19200]  }
0xc9: {  	v58 =	vld [tilespmem:$0x19210];
	_ =	sdelay $0x1  }
0xca: {  	v3 =	vsub.s32 v3, v1  }
0xcb: {  	v4 =	vsub.s32 v57, v1;
	vm9 =	vlt.u32 v3, $0x3200  }
0xcc: {  	v6 =	vsub.s32 v59, v1;
	vm1 =	vlt.u32 v4, $0x3200;
	v3 =	vsel vm9, v3, v2  }
0xcd: {  	v5 =	vsub.s32 v58, v1;
	vm11 =	vlt.u32 v6, $0x3200;
	v4 =	vsel vm1, v4, v2;
	[tilespmem:$0x19230] =	vst v3  }
0xce: {  	vm10 =	vlt.u32 v5, $0x3200;
	v60 =	vsel vm11, v6, v2;
	[tilespmem:$0x19220] =	vst v4  }
0xcf: {  	v3 =	vsel vm10, v5, v2;
	[tilespmem:$0x19200] =	vst v60  }
0xd0: {  	[tilespmem:$0x19210] =	vst v3  }
0xd1: {  	[tilespmem:s23], [sflag:$0x2] =	stream.indirect.gather [hbm4b:s4+s19], $0x80, s21, s19, $0xb8;
	[tilespmem:$0x1D280] =	vst v63  }
0xd2: {  	_ =	swait.ge [sflag:s24], $0x2000  }
0xd3: {  	[sflag:s24] =	ssyncset.done $0x0  }
0xd4: {  	[sflag:s24] =	ssyncadd.s32 $0xFFFFE000  }
0xd5: {  	[spmem:s1] =	stream.indirect.scatter.add.f32 [tilespmem:s20], [sflag:$0x3], $0x80, s18, s19, $0xb8;
	[tilespmem:$0x1D280] =	vst v63  }
0xd6: {  	_ =	swait.ge [sflag:s16], $0x2000  }
0xd7: {  	[sflag:s16] =	ssyncset.done $0x0  }
0xd8: {  	s28 =	sadd.s32 $0x1890, s28;
	[sflag:s16] =	ssyncadd.s32 $0xFFFFE000  }
0xd9: {  	[tilespmem:s17], [sflag:$0x3] =	stream.linear.gather [hbm4b:s28+s2], $0x40, $0x38;
	[tilespmem:$0x1D280] =	vst v63  }
0xda: {  	_ =	swait.ge [sflag:s16], $0x40  }
0xdb: {  	[sflag:s16] =	ssyncset.done $0x0  }
0xdc: {  	s28 =	sadd.s32 $0x1890, s31;
	[sflag:s16] =	ssyncadd.s32 $0xFFFFFFC0  }
0xdd: {  	[tilespmem:s18], [sflag:$0x3] =	stream.linear.gather [hbm4b:s28+s2], $0x40, $0x38;
	[tilespmem:$0x1D280] =	vst v63  }
0xde: {  	_ =	swait.ge [sflag:s16], $0x40  }
0xdf: {  	[sflag:s16] =	ssyncset.done $0x0  }
0xe0: {  	[sflag:s16] =	ssyncadd.s32 $0xFFFFFFC0  }
0xe1: {  	v3 =	vld [tilespmem:$0x191B0]  }
0xe2: {  	v61 =	vld [tilespmem:$0x19180]  }
0xe3: {  	v62 =	vld [tilespmem:$0x19190]  }
0xe4: {  	v63 =	vld [tilespmem:$0x191A0];
	_ =	sdelay $0x1  }
0xe5: {  	v3 =	vsub.s32 v3, v1  }
0xe6: {  	v4 =	vsub.s32 v61, v1;
	vm12 =	vlt.u32 v3, $0x3200  }
0xe7: {  	v5 =	vsub.s32 v62, v1;
	vm13 =	vlt.u32 v4, $0x3200;
	v3 =	vsel vm12, v3, v2  }
0xe8: {  	v6 =	vsub.s32 v63, v1;
	vm14 =	vlt.u32 v5, $0x3200;
	v4 =	vsel vm13, v4, v2;
	[tilespmem:$0x191B0] =	vst v3  }
0xe9: {  	vm15 =	vlt.u32 v6, $0x3200;
	[tilespmem:$0x19180] =	vst v4;
	v3 =	vsel vm14, v5, v2  }
0xea: {  	[tilespmem:$0x19190] =	vst v3;
	v3 =	vsel vm15, v6, v2  }
0xeb: {  	s28 =	simm.s32 $0xFFFFE790;
	[tilespmem:$0x191A0] =	vst v3  }
0xec: {  	[tilespmem:s20], [sflag:$0x1] =	stream.indirect.gather [hbm4b:s4+s19], $0x80, s17, s19, $0xb8;
	[tilespmem:$0x1D280] =	vst v63  }
.LBB2_4:
0xed: {  	p0 =	sne.s32 s28, $0xFFFFFFF0  }
0xee: {  	_ =	swait.ge [sflag:s25], $0x2000;
	s30 =	smov.u32 s28;
	s28 =	sadd.s32 $0x10, s28  }
0xef: {  	[sflag:s25] =	ssyncset.done $0x0  }
0xf0: {  	[sflag:s25] =	ssyncadd.s32 $0xFFFFE000  }
0xf1: {  	[spmem:s1] =	stream.indirect.scatter.add.f32 [tilespmem:s23], [sflag:$0x3], $0x80, s22, s19, $0xb8;
	[tilespmem:$0x1D280] =	vst v63  }
0xf2: {  	_ =	swait.ge [sflag:s16], $0x2000  }
0xf3: {  	s29 =	sadd.s32 s30, s14;
	[sflag:s16] =	ssyncset.done $0x0  }
0xf4: {  	s31 =	sadd.s32 $0x1888, s29;
	[sflag:s16] =	ssyncadd.s32 $0xFFFFE000  }
0xf5: {  	[tilespmem:s21], [sflag:$0x3] =	stream.linear.gather [hbm4b:s31+s2], $0x40, $0x38;
	[tilespmem:$0x1D280] =	vst v63  }
0xf6: {  	_ =	swait.ge [sflag:s16], $0x40  }
0xf7: {  	s30 =	sadd.s32 s30, s13;
	[sflag:s16] =	ssyncset.done $0x0  }
0xf8: {  	s31 =	sadd.s32 $0x1888, s30;
	[sflag:s16] =	ssyncadd.s32 $0xFFFFFFC0  }
0xf9: {  	[tilespmem:s22], [sflag:$0x3] =	stream.linear.gather [hbm4b:s31+s2], $0x40, $0x38;
	[tilespmem:$0x1D280] =	vst v63  }
0xfa: {  	_ =	swait.ge [sflag:s16], $0x40  }
0xfb: {  	[sflag:s16] =	ssyncset.done $0x0  }
0xfc: {  	[sflag:s16] =	ssyncadd.s32 $0xFFFFFFC0  }
0xfd: {  	v3 =	vld [tilespmem:$0x19230]  }
0xfe: {  	v4 =	vld [tilespmem:$0x19220]  }
0xff: {  	v5 =	vld [tilespmem:$0x19210]  }
0x100: {  	v6 =	vld [tilespmem:$0x19200];
	_ =	sdelay $0x1  }
0x101: {  	v3 =	vsub.s32 v3, v1  }
0x102: {  	v4 =	vsub.s32 v4, v1;
	vm0 =	vlt.u32 v3, $0x3200  }
0x103: {  	v5 =	vsub.s32 v5, v1;
	vm1 =	vlt.u32 v4, $0x3200;
	v3 =	vsel vm0, v3, v2  }
0x104: {  	v6 =	vsub.s32 v6, v1;
	vm0 =	vlt.u32 v5, $0x3200;
	v4 =	vsel vm1, v4, v2;
	[tilespmem:$0x19230] =	vst v3  }
0x105: {  	vm1 =	vlt.u32 v6, $0x3200;
	v3 =	vsel vm0, v5, v2;
	[tilespmem:$0x19220] =	vst v4  }
0x106: {  	v4 =	vsel vm1, v6, v2;
	[tilespmem:$0x19210] =	vst v3  }
0x107: {  	[tilespmem:$0x19200] =	vst v4  }
0x108: {  	[tilespmem:s23], [sflag:$0x2] =	stream.indirect.gather [hbm4b:s4+s19], $0x80, s21, s19, $0xb8;
	[tilespmem:$0x1D280] =	vst v63  }
0x109: {  	_ =	swait.ge [sflag:s24], $0x2000  }
0x10a: {  	[sflag:s24] =	ssyncset.done $0x0  }
0x10b: {  	[sflag:s24] =	ssyncadd.s32 $0xFFFFE000  }
0x10c: {  	[spmem:s1] =	stream.indirect.scatter.add.f32 [tilespmem:s20], [sflag:$0x3], $0x80, s18, s19, $0xb8;
	[tilespmem:$0x1D280] =	vst v63  }
0x10d: {  	_ =	swait.ge [sflag:s16], $0x2000  }
0x10e: {  	[sflag:s16] =	ssyncset.done $0x0  }
0x10f: {  	s29 =	sadd.s32 $0x1890, s29;
	[sflag:s16] =	ssyncadd.s32 $0xFFFFE000  }
0x110: {  	[tilespmem:s17], [sflag:$0x3] =	stream.linear.gather [hbm4b:s29+s2], $0x40, $0x38;
	[tilespmem:$0x1D280] =	vst v63  }
0x111: {  	_ =	swait.ge [sflag:s16], $0x40  }
0x112: {  	[sflag:s16] =	ssyncset.done $0x0  }
0x113: {  	s29 =	sadd.s32 $0x1890, s30;
	[sflag:s16] =	ssyncadd.s32 $0xFFFFFFC0  }
0x114: {  	[tilespmem:s18], [sflag:$0x3] =	stream.linear.gather [hbm4b:s29+s2], $0x40, $0x38;
	[tilespmem:$0x1D280] =	vst v63  }
0x115: {  	_ =	swait.ge [sflag:s16], $0x40  }
0x116: {  	[sflag:s16] =	ssyncset.done $0x0  }
0x117: {  	[sflag:s16] =	ssyncadd.s32 $0xFFFFFFC0  }
0x118: {  	v3 =	vld [tilespmem:$0x191B0]  }
0x119: {  	v4 =	vld [tilespmem:$0x19180]  }
0x11a: {  	v5 =	vld [tilespmem:$0x19190]  }
0x11b: {  	v6 =	vld [tilespmem:$0x191A0];
	_ =	sdelay $0x1  }
0x11c: {  	v3 =	vsub.s32 v3, v1  }
0x11d: {  	v4 =	vsub.s32 v4, v1;
	vm0 =	vlt.u32 v3, $0x3200  }
0x11e: {  	vm1 =	vlt.u32 v4, $0x3200;
	v5 =	vsub.s32 v5, v1;
	v3 =	vsel vm0, v3, v2  }
.Ltmp1:
0x11f: {  	v4 =	vsel vm1, v4, v2;
	vm0 =	vlt.u32 v5, $0x3200;
	v6 =	vsub.s32 v6, v1;
	[tilespmem:$0x191B0] =	vst v3;
	(pc) =	sbr.rel @p0 .LBB2_4-.Ltmp1, $4  }
0x120: {  	[tilespmem:$0x19180] =	vst v4;
	v3 =	vsel vm0, v5, v2;
	vm0 =	vlt.u32 v6, $0x3200  }
0x121: {  	[tilespmem:$0x19190] =	vst v3;
	v3 =	vsel vm0, v6, v2  }
0x122: {  	[tilespmem:$0x191A0] =	vst v3  }
0x123: {  	[tilespmem:s20], [sflag:$0x1] =	stream.indirect.gather [hbm4b:s4+s19], $0x80, s17, s19, $0xb8;
	[tilespmem:$0x1D280] =	vst v63  }
0x124: {  	_ =	swait.ge [sflag:s25], $0x2000  }
0x125: {  	[sflag:s25] =	ssyncset.done $0x0  }
0x126: {  	[sflag:s25] =	ssyncadd.s32 $0xFFFFE000  }
0x127: {  	[spmem:s1] =	stream.indirect.scatter.add.f32 [tilespmem:s23], [sflag:$0x3], $0x80, s22, s19, $0xb8;
	[tilespmem:$0x1D280] =	vst v63  }
0x128: {  	_ =	swait.ge [sflag:s16], $0x2000  }
0x129: {  	[sflag:s16] =	ssyncset.done $0x0  }
0x12a: {  	[sflag:s16] =	ssyncadd.s32 $0xFFFFE000  }
0x12b: {  	_ =	swait.ge [sflag:s24], $0x2000  }
0x12c: {  	[sflag:s24] =	ssyncset.done $0x0  }
0x12d: {  	s26 =	sadd.s32 $0x1, s26;
	[sflag:s24] =	ssyncadd.s32 $0xFFFFE000  }
0x12e: {  	p0 =	sne.s32 s26, s12;
	[bflag:$0x0] =	sbarrier.arrive $0xFFFF  }
0x12f: {  	[hbm:s11], [sflag:s6] =	dma.local [spmem:s15], $0x3200  }
.Ltmp2:
0x130: {  	_ =	swait.ge [sflag:s16], $0x3200;
	(pc) =	sbr.rel @p0 .LBB2_1-.Ltmp2, $3  }
0x131: {  	[sflag:s16] =	ssyncset.done $0x0  }
0x132: {  	[sflag:s16] =	ssyncadd.s32 $0xFFFFCE00  }
0x133: {  	[bflag:$0x0] =	sbarrier.arrive $0xFFFF;
	_ =	sdelay $0x1  }
0x134: {  	_ =	sfence.sel $0x180000  }
0x135: {  	[bflag:$0x0] =	sbarrier.arrive $0xFFFF  }
0x136: {  	p0 =	sne.s32 s3, $0x0;
	_ =	strace $0x90000050  }
0x137: {  	s0 =	sadd.s32 @!p0 $0x100000, s0;
	[bflag:$0x2] =	sbarrier.arrive $0xFFFF  }
0x138: {  	[sflag:s0] =	ssyncadd.tile.s32 @!p0 $0x1;
	_ =	shalt  }
.Lfunc_end2:
_tile_overlayer_lowered:
.L_overlay_start_2:
0x139: {  	(tag) =	ssettag $0x2  }
0x13a: {  	s0 =	rddreg [dreg:$0x0];
	s2 =	stileid.u32  }
0x13b: {  	s1 =	rddreg [dreg:$0x1];
	p0 =	sne.s32 s2, $0x0  }
0x13c: {  	s3 =	rddreg [dreg:$0x2];
	[bflag:$0x3] =	sbarrier.arrive $0xFFFF;
	s2 =	simm.s32 @!p0 $0x1C03  }
0x13d: {  	[timem:s3], [sflag:s2] =	dma.local @!p0 [hbm:s0], s1  }
0x13e: {  	s0 =	simm.s32 @!p0 $0x3  }
0x13f: {  	_ =	swait.ge @!p0 [sflag:s0], s1  }
0x140: {  	s1 =	ssub.s32 @!p0 $0x0, s1;
	[sflag:s0] =	ssyncset.done @!p0 $0x0  }
0x141: {  	[sflag:s0] =	ssyncadd.s32 @!p0 s1  }
0x142: {  	[bflag:$0x3] =	sbarrier.arrive $0xFFFF  }
0x143: {  	_ =	shalt  }

</sc_bundles>
